<compile_context>
chip_gen: v7x
topology: tpu7x:2x2x1
jax: 0.10.2.dev20260603
libtpu: 0.0.44.dev20260713+nightly
codegen_flags: <defaults>
</compile_context>

<pallas_src>
import jax
import jax.numpy as jnp
import numpy as np
from jax import lax
from jax.experimental import pallas as pl
from jax.experimental.pallas import tpu as pltpu
from jax.experimental.pallas import tpu_sc as plsc

L = 16
FPL = 2
T = 2 ** 19
N_MIN = 16
SCALE = 2.0
B_GROWTH = float(np.exp(np.log(2048.0 * SCALE / N_MIN) / (L - 1)))
P1 = int(np.uint32(2654435761).astype(np.int32))
P2 = int(np.uint32(805459861).astype(np.int32))
N_PTS = 524288
D_HID = 64
D_OUT = 96
D_ENC = L * FPL

_SCALES = np.array([N_MIN * B_GROWTH ** l - 1.0 for l in range(L)], np.float32)
_RES = np.array([int(np.ceil(s)) + 1 for s in _SCALES], np.int32)
_DENSE = np.array([int(int(r) ** 3 <= T) for r in _RES], np.int32)
_RES2 = (_RES.astype(np.int64) ** 2).astype(np.int32)
_LBASE = (np.arange(L, dtype=np.int64) * (T // 4)).astype(np.int32)
N_DENSE = int(_DENSE.sum())

NC, NS = 2, 16
NW = NC * NS
C = 512
PPW = N_PTS // NW
NCHUNK = PPW // C
IDX_PER_DMA = 128
G = 8 * C // IDX_PER_DMA


def _splat(ref, lv):
    return plsc.load_gather(ref, [jnp.full((16,), lv, jnp.int32)])


def _pos_frac(xbuf, s, scale):
    pi, fr, om = [], [], []
    for d in range(3):
        v = xbuf[d, pl.ds(s, 16)]
        xn = jnp.minimum(jnp.maximum(v * 0.5 + 0.5, 0.0), 1.0)
        pos = xn * scale + 0.5
        p0 = pos.astype(jnp.int32)
        f = pos - p0.astype(jnp.float32)
        pi.append(p0)
        fr.append(f)
        om.append(1.0 - f)
    return pi, fr, om


def _weights(fr, om):
    wx = (om[0], fr[0])
    wy = (om[1], fr[1])
    wz = (om[2], fr[2])
    wxy = [wx[cx] * wy[cy] for cy in (0, 1) for cx in (0, 1)]
    return wxy, wz


def _store_corner(idxbuf, obuf, wbuf, c, s, idx, w):
    p = c * C + s
    idxbuf[p // IDX_PER_DMA, pl.ds(p % IDX_PER_DMA, 16)] = (
        lax.shift_right_logical(idx, 2))
    obuf[pl.ds(p, 16)] = lax.shift_left(lax.bitwise_and(idx, 3), 1)
    wbuf[pl.ds(p, 16)] = w


def _fire_drain_gathers(tbl, idxbuf, rowsbuf, sem):
    descs = [
        pltpu.async_copy(tbl.at[idxbuf.at[gg]],
                         rowsbuf.at[pl.ds(gg * IDX_PER_DMA, IDX_PER_DMA), :],
                         sem)
        for gg in range(G)
    ]
    for d in descs:
        d.wait()


def _accumulate(lv, obuf, wbuf, rowsbuf, featbuf, lanes):
    @pl.loop(0, C // 16)
    def _acc(g):
        p0 = g * 16
        acc0 = jnp.zeros((16,), jnp.float32)
        acc1 = jnp.zeros((16,), jnp.float32)
        for c in range(8):
            cbase = c * C + p0
            o16 = obuf[pl.ds(cbase, 16)]
            w16 = wbuf[pl.ds(cbase, 16)]
            i16 = lanes + cbase
            r0 = plsc.load_gather(rowsbuf, [i16, o16])
            r1 = plsc.load_gather(rowsbuf, [i16, o16 + 1])
            acc0 = acc0 + w16 * r0
            acc1 = acc1 + w16 * r1
        featbuf[2 * lv, pl.ds(p0, 16)] = acc0
        featbuf[2 * lv + 1, pl.ds(p0, 16)] = acc1


def _sc_encode_body(xt, tbl, scalef, resi, res2i, lbasei, enc,
                    pscale, pres, pres2, plbase,
                    xbuf, idxbuf, obuf, wbuf, rowsbuf, featbuf, sem):
    wid = lax.axis_index("s") * NC + lax.axis_index("c")

    pltpu.sync_copy(scalef, pscale)
    pltpu.sync_copy(resi, pres)
    pltpu.sync_copy(res2i, pres2)
    pltpu.sync_copy(lbasei, plbase)

    lanes = lax.iota(jnp.int32, 16)

    @pl.loop(0, NCHUNK)
    def _chunk(ci):
        base = wid * PPW + ci * C
        pltpu.sync_copy(xt.at[:, pl.ds(base, C)], xbuf)

        @pl.loop(0, N_DENSE)
        def _dense_level(lv):
            scale = _splat(pscale, lv)
            resv = _splat(pres, lv)
            res2v = _splat(pres2, lv)
            lbase = _splat(plbase, lv)
            resm1 = resv - 1

            @pl.loop(0, C // 16)
            def _idxw(g):
                s = g * 16
                pi, fr, om = _pos_frac(xbuf, s, scale)
                wxy, wz = _weights(fr, om)
                da = (jnp.minimum(pi[0], resm1), jnp.minimum(pi[0] + 1, resm1))
                db0 = jnp.minimum(pi[1], resm1)
                db1 = jnp.minimum(pi[1] + 1, resm1)
                db = (db0 * resv, db1 * resv)
                dc0 = jnp.minimum(pi[2], resm1)
                dc1 = jnp.minimum(pi[2] + 1, resm1)
                dc = (dc0 * res2v, dc1 * res2v)
                for c in range(8):
                    bx, by, bz = c & 1, (c >> 1) & 1, (c >> 2) & 1
                    idx = da[bx] + db[by] + dc[bz]
                    w = wxy[c & 3] * wz[bz]
                    p = c * C + s
                    idxbuf[p // IDX_PER_DMA, pl.ds(p % IDX_PER_DMA, 16)] = (
                        lax.shift_right_logical(idx, 2) + lbase)
                    obuf[pl.ds(p, 16)] = lax.shift_left(
                        lax.bitwise_and(idx, 3), 1)
                    wbuf[pl.ds(p, 16)] = w

            _fire_drain_gathers(tbl, idxbuf, rowsbuf, sem)
            _accumulate(lv, obuf, wbuf, rowsbuf, featbuf, lanes)

        @pl.loop(N_DENSE, L)
        def _hash_level(lv):
            scale = _splat(pscale, lv)
            lbase = _splat(plbase, lv)

            @pl.loop(0, C // 16)
            def _idxw(g):
                s = g * 16
                pi, fr, om = _pos_frac(xbuf, s, scale)
                wxy, wz = _weights(fr, om)
                ha = (pi[0], pi[0] + 1)
                hb0 = pi[1] * P1
                hb = (hb0, hb0 + P1)
                hc0 = pi[2] * P2
                hc = (hc0, hc0 + P2)
                for c in range(8):
                    bx, by, bz = c & 1, (c >> 1) & 1, (c >> 2) & 1
                    idx = lax.bitwise_and(
                        lax.bitwise_xor(lax.bitwise_xor(ha[bx], hb[by]),
                                        hc[bz]),
                        T - 1)
                    w = wxy[c & 3] * wz[bz]
                    p = c * C + s
                    idxbuf[p // IDX_PER_DMA, pl.ds(p % IDX_PER_DMA, 16)] = (
                        lax.shift_right_logical(idx, 2) + lbase)
                    obuf[pl.ds(p, 16)] = lax.shift_left(
                        lax.bitwise_and(idx, 3), 1)
                    wbuf[pl.ds(p, 16)] = w

            _fire_drain_gathers(tbl, idxbuf, rowsbuf, sem)
            _accumulate(lv, obuf, wbuf, rowsbuf, featbuf, lanes)

        pltpu.sync_copy(featbuf, enc.at[:, pl.ds(base, C)])


def _sc_encode(xt, tbl, scalef, resi, res2i, lbasei):
    mesh = plsc.VectorSubcoreMesh(core_axis_name="c", subcore_axis_name="s",
                                  num_cores=NC, num_subcores=NS)
    fn = pl.kernel(
        _sc_encode_body,
        out_type=jax.ShapeDtypeStruct((D_ENC, N_PTS), jnp.float32),
        mesh=mesh,
        compiler_params=pltpu.CompilerParams(needs_layout_passes=False,
                                             use_tc_tiling_on_sc=False),
        scratch_types=[
            pltpu.VMEM((L,), jnp.float32),
            pltpu.VMEM((L,), jnp.int32),
            pltpu.VMEM((L,), jnp.int32),
            pltpu.VMEM((L,), jnp.int32),
            pltpu.VMEM((3, C), jnp.float32),
            pltpu.VMEM((G, IDX_PER_DMA), jnp.int32),
            pltpu.VMEM((8 * C,), jnp.int32),
            pltpu.VMEM((8 * C,), jnp.float32),
            pltpu.VMEM((8 * C, 8), jnp.float32),
            pltpu.VMEM((D_ENC, C), jnp.float32),
            pltpu.SemaphoreType.DMA,
        ],
    )
    return fn(xt, tbl, scalef, resi, res2i, lbasei)


def _mlp_body(enc_ref, w1_ref, w2_ref, out_ref):
    h = jnp.maximum(
        lax.dot_general(enc_ref[...], w1_ref[...], (((0,), (0,)), ((), ())),
                        preferred_element_type=jnp.float32), 0.0)
    out_ref[...] = jnp.maximum(
        jnp.dot(h, w2_ref[...], preferred_element_type=jnp.float32), 0.0)


def _mlp(enc, W1, W2):
    BM = 4096
    return pl.pallas_call(
        _mlp_body,
        grid=(N_PTS // BM,),
        in_specs=[
            pl.BlockSpec((D_ENC, BM), lambda i: (0, i)),
            pl.BlockSpec((D_ENC, D_HID), lambda i: (0, 0)),
            pl.BlockSpec((D_HID, D_OUT), lambda i: (0, 0)),
        ],
        out_specs=pl.BlockSpec((BM, D_OUT), lambda i: (i, 0)),
        out_shape=jax.ShapeDtypeStruct((N_PTS, D_OUT), jnp.float32),
    )(enc, W1, W2)


@jax.jit
def kernel(x, table, W1, W2):
    xt = x.T
    tbl = table.reshape(L * T * FPL // 8, 8)
    enc_t = _sc_encode(xt, tbl,
                       jnp.asarray(_SCALES), jnp.asarray(_RES),
                       jnp.asarray(_RES2), jnp.asarray(_LBASE))
    return _mlp(enc_t, W1, W2)

# --- scband reference (transcript-rebuilt; emitter-appended) ---
"""Pipeline reference for scband-ngp-3040836846406 (READ-ONLY COPY).

The authoritative reference and input builder live on the scoring server;
editing this copy changes nothing except your own understanding.
"""

import jax, jax.numpy as jnp
import numpy as np

L = 16
FPL = 2
T = 2 ** 19
N_MIN = 16
SCALE = 2.0
B_GROWTH = float(np.exp(np.log(2048.0 * SCALE / N_MIN) / (L - 1)))
P1 = np.uint32(2654435761)
P2 = np.uint32(805459861)
N_PTS = 524288
D_HID = 64
D_OUT = 96


def setup_inputs(seed: int = 0) -> dict:
    key = jax.random.key(seed)
    k1, k2, k3, k4 = jax.random.split(key, 4)
    x = jax.random.normal(k1, (N_PTS, 3), dtype=jnp.float32)
    table = (jax.random.uniform(k2, (L, T, FPL), dtype=jnp.float32) * 2.0 - 1.0) * 1e-4
    W1 = jax.random.normal(k3, (L * FPL, D_HID), dtype=jnp.float32) * (1.0 / np.sqrt(L * FPL))
    W2 = jax.random.normal(k4, (D_HID, D_OUT), dtype=jnp.float32) * (1.0 / np.sqrt(D_HID))
    return {"x": x, "table": table, "W1": W1, "W2": W2}


def _hash_encode(x, table):
    # x in [0, 1], shape [N, 3]; table [L, T, FPL]
    feats = []
    for l in range(L):
        scale = N_MIN * (B_GROWTH ** l) - 1.0
        res = int(np.ceil(scale)) + 1
        pos = x * scale + 0.5
        pos0f = jnp.floor(pos)
        frac = pos - pos0f
        pos0 = pos0f.astype(jnp.uint32)
        dense = (res ** 3) <= T
        feat = jnp.zeros((x.shape[0], FPL), dtype=jnp.float32)
        for c in range(8):
            off = np.array([(c >> 0) & 1, (c >> 1) & 1, (c >> 2) & 1])
            corner = pos0 + jnp.asarray(off, dtype=jnp.uint32)
            if dense:
                corner = jnp.minimum(corner, np.uint32(res - 1))
                idx = corner[:, 0] + corner[:, 1] * np.uint32(res) + corner[:, 2] * np.uint32(res * res)
            else:
                idx = corner[:, 0] ^ (corner[:, 1] * P1) ^ (corner[:, 2] * P2)
                idx = idx & np.uint32(T - 1)
            w = jnp.prod(jnp.where(jnp.asarray(off, dtype=bool), frac, 1.0 - frac), axis=-1)
            g = jnp.take(table[l], idx.astype(jnp.int32), axis=0)
            feat = feat + w[:, None] * g
        feats.append(feat)
    return jnp.concatenate(feats, axis=-1)


def reference(x, table, W1, W2):
    # NGP.forward: normalize to [0,1], hash-grid encode, fully-fused MLP (ReLU hidden + ReLU output)
    xn = (x - 0.0) / SCALE + 0.5
    xn = jnp.clip(xn, 0.0, 1.0)
    enc = _hash_encode(xn, table)
    h = jax.nn.relu(enc @ W1)
    out = jax.nn.relu(h @ W2)
    return out.astype(jnp.float32)

if __name__ == "__main__":
    import jax
    _d = setup_inputs()
    print(jax.jit(kernel)(*tuple(_d.values())))

</pallas_src>

<mosaic_0001>
#map = affine_map<(d0, d1) -> (0, 0)>
#map1 = affine_map<(d0, d1) -> (0)>
module attributes {stable_mosaic.version = 14 : i64} {
  func.func @_sc_encode_body(%arg0: i32, %arg1: i32, %arg2: memref<3x524288xf32, #tpu.memory_space<hbm>>, %arg3: memref<2097152x8xf32, #tpu.memory_space<hbm>>, %arg4: memref<16xf32, #tpu.memory_space<hbm>>, %arg5: memref<16xi32, #tpu.memory_space<hbm>>, %arg6: memref<16xi32, #tpu.memory_space<hbm>>, %arg7: memref<16xi32, #tpu.memory_space<hbm>>, %arg8: memref<32x524288xf32, #tpu.memory_space<hbm>>, %arg9: memref<16xf32, #tpu.memory_space<vmem>>, %arg10: memref<16xi32, #tpu.memory_space<vmem>>, %arg11: memref<16xi32, #tpu.memory_space<vmem>>, %arg12: memref<16xi32, #tpu.memory_space<vmem>>, %arg13: memref<3x512xf32, #tpu.memory_space<vmem>>, %arg14: memref<32x128xi32, #tpu.memory_space<vmem>>, %arg15: memref<4096xi32, #tpu.memory_space<vmem>>, %arg16: memref<4096xf32, #tpu.memory_space<vmem>>, %arg17: memref<4096x8xf32, #tpu.memory_space<vmem>>, %arg18: memref<32x512xf32, #tpu.memory_space<vmem>>, %arg19: memref<!tpu.dma_semaphore, #tpu.memory_space<semaphore_mem>>) attributes {dimension_semantics = [#tpu.dimension_semantics<core_parallel>, #tpu.dimension_semantics<subcore_parallel>], iteration_bounds = array<i64: 2, 16>, scalar_prefetch = 0 : i64, scratch_operands = 11 : i64, tpu.core_type = #tpu.core_type<sc_vector_subcore>, window_params = [{transform_indices = #map}, {transform_indices = #map}, {transform_indices = #map1}, {transform_indices = #map1}, {transform_indices = #map1}, {transform_indices = #map1}, {transform_indices = #map}]} {
    %mul3A = arith.constant 2 : i32
    %mul3A_0 = arith.muli %arg1, %mul3A : i32
    %add3A = arith.addi %mul3A_0, %arg0 : i32
    "tpu.region"() ({
      %run_scoped3A = tpu.sem_alloc : memref<!tpu.dma_semaphore, #tpu.memory_space<semaphore_mem>>
      tpu.enqueue_dma source(%arg4 : memref<16xf32, #tpu.memory_space<hbm>>) target(%arg9 : memref<16xf32, #tpu.memory_space<vmem>>) target_semaphore(%run_scoped3A : memref<!tpu.dma_semaphore, #tpu.memory_space<semaphore_mem>>)
      tpu.wait_dma2 semaphore(%run_scoped3A : memref<!tpu.dma_semaphore, #tpu.memory_space<semaphore_mem>>) src(%arg4 : memref<16xf32, #tpu.memory_space<hbm>>) dst(%arg9 : memref<16xf32, #tpu.memory_space<vmem>>)
      tpu.yield
    }) : () -> ()
    "tpu.region"() ({
      %run_scoped3A = tpu.sem_alloc : memref<!tpu.dma_semaphore, #tpu.memory_space<semaphore_mem>>
      tpu.enqueue_dma source(%arg5 : memref<16xi32, #tpu.memory_space<hbm>>) target(%arg10 : memref<16xi32, #tpu.memory_space<vmem>>) target_semaphore(%run_scoped3A : memref<!tpu.dma_semaphore, #tpu.memory_space<semaphore_mem>>)
      tpu.wait_dma2 semaphore(%run_scoped3A : memref<!tpu.dma_semaphore, #tpu.memory_space<semaphore_mem>>) src(%arg5 : memref<16xi32, #tpu.memory_space<hbm>>) dst(%arg10 : memref<16xi32, #tpu.memory_space<vmem>>)
      tpu.yield
    }) : () -> ()
    "tpu.region"() ({
      %run_scoped3A = tpu.sem_alloc : memref<!tpu.dma_semaphore, #tpu.memory_space<semaphore_mem>>
      tpu.enqueue_dma source(%arg6 : memref<16xi32, #tpu.memory_space<hbm>>) target(%arg11 : memref<16xi32, #tpu.memory_space<vmem>>) target_semaphore(%run_scoped3A : memref<!tpu.dma_semaphore, #tpu.memory_space<semaphore_mem>>)
      tpu.wait_dma2 semaphore(%run_scoped3A : memref<!tpu.dma_semaphore, #tpu.memory_space<semaphore_mem>>) src(%arg6 : memref<16xi32, #tpu.memory_space<hbm>>) dst(%arg11 : memref<16xi32, #tpu.memory_space<vmem>>)
      tpu.yield
    }) : () -> ()
    "tpu.region"() ({
      %run_scoped3A = tpu.sem_alloc : memref<!tpu.dma_semaphore, #tpu.memory_space<semaphore_mem>>
      tpu.enqueue_dma source(%arg7 : memref<16xi32, #tpu.memory_space<hbm>>) target(%arg12 : memref<16xi32, #tpu.memory_space<vmem>>) target_semaphore(%run_scoped3A : memref<!tpu.dma_semaphore, #tpu.memory_space<semaphore_mem>>)
      tpu.wait_dma2 semaphore(%run_scoped3A : memref<!tpu.dma_semaphore, #tpu.memory_space<semaphore_mem>>) src(%arg7 : memref<16xi32, #tpu.memory_space<hbm>>) dst(%arg12 : memref<16xi32, #tpu.memory_space<vmem>>)
      tpu.yield
    }) : () -> ()
    %iota3A = tpu.iota {dimensions = array<i32: 0>} : vector<16xi32>
    %scan3A = arith.constant 0 : i32
    %scan3A_1 = arith.constant 32 : i32
    %scan3A_2 = arith.addi %scan3A, %scan3A_1 : i32
    %scan3A_3 = arith.constant 1 : i32
    scf.for %scan3A_5 = %scan3A to %scan3A_2 step %scan3A_3  : i32 {
      %mul3A_6 = arith.constant 1 : i32
      %mul3A_7 = arith.muli %scan3A_5, %mul3A_6 : i32
      %add3A_8 = arith.constant 0 : i32
      %add3A_9 = arith.addi %add3A_8, %mul3A_7 : i32
      %mul3A_10 = arith.constant 16384 : i32
      %mul3A_11 = arith.muli %add3A, %mul3A_10 : i32
      %mul3A_12 = arith.constant 512 : i32
      %mul3A_13 = arith.muli %add3A_9, %mul3A_12 : i32
      %add3A_14 = arith.addi %mul3A_11, %mul3A_13 : i32
      "tpu.region"() ({
        %run_scoped3A = tpu.sem_alloc : memref<!tpu.dma_semaphore, #tpu.memory_space<semaphore_mem>>
        %dma_start3A = arith.constant 0 : i32
        %dma_start3A_25 = tpu.memref_slice %arg2[%dma_start3A, %add3A_14] : memref<3x524288xf32, #tpu.memory_space<hbm>> -> memref<3x512xf32, #tpu.memory_space<hbm>>
        %dma_start3A_26 = arith.constant 0 : i32
        %dma_start3A_27 = tpu.memref_slice %arg2[%dma_start3A_26, %add3A_14] : memref<3x524288xf32, #tpu.memory_space<hbm>> -> memref<3x512xf32, #tpu.memory_space<hbm>>
        tpu.enqueue_dma source(%dma_start3A_27 : memref<3x512xf32, #tpu.memory_space<hbm>>) target(%arg13 : memref<3x512xf32, #tpu.memory_space<vmem>>) target_semaphore(%run_scoped3A : memref<!tpu.dma_semaphore, #tpu.memory_space<semaphore_mem>>)
        %dma_wait3A = arith.constant 0 : i32
        %dma_wait3A_28 = tpu.memref_slice %arg2[%dma_wait3A, %add3A_14] : memref<3x524288xf32, #tpu.memory_space<hbm>> -> memref<3x512xf32, #tpu.memory_space<hbm>>
        %dma_wait3A_29 = arith.constant 0 : i32
        %dma_wait3A_30 = tpu.memref_slice %arg2[%dma_wait3A_29, %add3A_14] : memref<3x524288xf32, #tpu.memory_space<hbm>> -> memref<3x512xf32, #tpu.memory_space<hbm>>
        tpu.wait_dma2 semaphore(%run_scoped3A : memref<!tpu.dma_semaphore, #tpu.memory_space<semaphore_mem>>) src(%dma_wait3A_30 : memref<3x512xf32, #tpu.memory_space<hbm>>) dst(%arg13 : memref<3x512xf32, #tpu.memory_space<vmem>>)
        tpu.yield
      }) : () -> ()
      %scan3A_15 = arith.constant 0 : i32
      %scan3A_16 = arith.constant 5 : i32
      %scan3A_17 = arith.addi %scan3A_15, %scan3A_16 : i32
      %scan3A_18 = arith.constant 1 : i32
      scf.for %scan3A_25 = %scan3A_15 to %scan3A_17 step %scan3A_18  : i32 {
        %mul3A_26 = arith.constant 1 : i32
        %mul3A_27 = arith.muli %scan3A_25, %mul3A_26 : i32
        %add3A_28 = arith.constant 0 : i32
        %add3A_29 = arith.addi %add3A_28, %mul3A_27 : i32
        %broadcast_in_dim3A = vector.broadcast %add3A_29 : i32 to vector<16xi32>
        %gather3A = tpu.vector_load_idx %arg9[%broadcast_in_dim3A] : memref<16xf32, #tpu.memory_space<vmem>>[vector<16xi32>], vector<16xf32>,
        %broadcast_in_dim3A_30 = vector.broadcast %add3A_29 : i32 to vector<16xi32>
        %gather3A_31 = tpu.vector_load_idx %arg10[%broadcast_in_dim3A_30] : memref<16xi32, #tpu.memory_space<vmem>>[vector<16xi32>], vector<16xi32>,
        %broadcast_in_dim3A_32 = vector.broadcast %add3A_29 : i32 to vector<16xi32>
        %gather3A_33 = tpu.vector_load_idx %arg11[%broadcast_in_dim3A_32] : memref<16xi32, #tpu.memory_space<vmem>>[vector<16xi32>], vector<16xi32>,
        %broadcast_in_dim3A_34 = vector.broadcast %add3A_29 : i32 to vector<16xi32>
        %gather3A_35 = tpu.vector_load_idx %arg12[%broadcast_in_dim3A_34] : memref<16xi32, #tpu.memory_space<vmem>>[vector<16xi32>], vector<16xi32>,
        %sub3A = arith.constant 1 : i32
        %sub3A_36 = vector.broadcast %sub3A : i32 to vector<16xi32>
        %sub3A_37 = arith.subi %gather3A_31, %sub3A_36 : vector<16xi32>
        %scan3A_38 = arith.constant 0 : i32
        %scan3A_39 = arith.constant 32 : i32
        %scan3A_40 = arith.addi %scan3A_38, %scan3A_39 : i32
        %scan3A_41 = arith.constant 1 : i32
        scf.for %scan3A_686 = %scan3A_38 to %scan3A_40 step %scan3A_41  : i32 {
          %mul3A_687 = arith.constant 1 : i32
          %mul3A_688 = arith.muli %scan3A_686, %mul3A_687 : i32
          %add3A_689 = arith.constant 0 : i32
          %add3A_690 = arith.addi %add3A_689, %mul3A_688 : i32
          %mul3A_691 = arith.constant 16 : i32
          %mul3A_692 = arith.muli %add3A_690, %mul3A_691 : i32
          %get3A = arith.constant 0 : i32
          %get3A_693 = arith.index_cast %get3A : i32 to index
          %get3A_694 = arith.index_cast %mul3A_692 : i32 to index
          %get3A_695 = tpu.vector_load %arg13[%get3A_693, %get3A_694] {strides = array<i32>} : memref<3x512xf32, #tpu.memory_space<vmem>>, vector<16xf32>,
          %mul3A_696 = arith.constant 5.000000e-01 : f32
          %mul3A_697 = vector.broadcast %mul3A_696 : f32 to vector<16xf32>
          %mul3A_698 = arith.mulf %get3A_695, %mul3A_697 : vector<16xf32>
          %add3A_699 = arith.constant 5.000000e-01 : f32
          %add3A_700 = vector.broadcast %add3A_699 : f32 to vector<16xf32>
          %add3A_701 = arith.addf %mul3A_698, %add3A_700 : vector<16xf32>
          %max3A = arith.constant 0.000000e+00 : f32
          %max3A_702 = vector.broadcast %max3A : f32 to vector<16xf32>
          %max3A_703 = arith.maximumf %add3A_701, %max3A_702 : vector<16xf32>
          %min3A = arith.constant 1.000000e+00 : f32
          %min3A_704 = vector.broadcast %min3A : f32 to vector<16xf32>
          %min3A_705 = arith.minimumf %max3A_703, %min3A_704 : vector<16xf32>
          %mul3A_706 = arith.mulf %min3A_705, %gather3A : vector<16xf32>
          %add3A_707 = arith.constant 5.000000e-01 : f32
          %add3A_708 = vector.broadcast %add3A_707 : f32 to vector<16xf32>
          %add3A_709 = arith.addf %mul3A_706, %add3A_708 : vector<16xf32>
          %convert_element_type3A = arith.fptosi %add3A_709 : vector<16xf32> to vector<16xi32>
          %convert_element_type3A_710 = arith.sitofp %convert_element_type3A : vector<16xi32> to vector<16xf32>
          %sub3A_711 = arith.subf %add3A_709, %convert_element_type3A_710 : vector<16xf32>
          %sub3A_712 = arith.constant 1.000000e+00 : f32
          %sub3A_713 = vector.broadcast %sub3A_712 : f32 to vector<16xf32>
          %sub3A_714 = arith.subf %sub3A_713, %sub3A_711 : vector<16xf32>
          %get3A_715 = arith.constant 1 : i32
          %get3A_716 = arith.index_cast %get3A_715 : i32 to index
          %get3A_717 = arith.index_cast %mul3A_692 : i32 to index
          %get3A_718 = tpu.vector_load %arg13[%get3A_716, %get3A_717] {strides = array<i32>} : memref<3x512xf32, #tpu.memory_space<vmem>>, vector<16xf32>,
          %mul3A_719 = arith.constant 5.000000e-01 : f32
          %mul3A_720 = vector.broadcast %mul3A_719 : f32 to vector<16xf32>
          %mul3A_721 = arith.mulf %get3A_718, %mul3A_720 : vector<16xf32>
          %add3A_722 = arith.constant 5.000000e-01 : f32
          %add3A_723 = vector.broadcast %add3A_722 : f32 to vector<16xf32>
          %add3A_724 = arith.addf %mul3A_721, %add3A_723 : vector<16xf32>
          %max3A_725 = arith.constant 0.000000e+00 : f32
          %max3A_726 = vector.broadcast %max3A_725 : f32 to vector<16xf32>
          %max3A_727 = arith.maximumf %add3A_724, %max3A_726 : vector<16xf32>
          %min3A_728 = arith.constant 1.000000e+00 : f32
          %min3A_729 = vector.broadcast %min3A_728 : f32 to vector<16xf32>
          %min3A_730 = arith.minimumf %max3A_727, %min3A_729 : vector<16xf32>
          %mul3A_731 = arith.mulf %min3A_730, %gather3A : vector<16xf32>
          %add3A_732 = arith.constant 5.000000e-01 : f32
          %add3A_733 = vector.broadcast %add3A_732 : f32 to vector<16xf32>
          %add3A_734 = arith.addf %mul3A_731, %add3A_733 : vector<16xf32>
          %convert_element_type3A_735 = arith.fptosi %add3A_734 : vector<16xf32> to vector<16xi32>
          %convert_element_type3A_736 = arith.sitofp %convert_element_type3A_735 : vector<16xi32> to vector<16xf32>
          %sub3A_737 = arith.subf %add3A_734, %convert_element_type3A_736 : vector<16xf32>
          %sub3A_738 = arith.constant 1.000000e+00 : f32
          %sub3A_739 = vector.broadcast %sub3A_738 : f32 to vector<16xf32>
          %sub3A_740 = arith.subf %sub3A_739, %sub3A_737 : vector<16xf32>
          %get3A_741 = arith.constant 2 : i32
          %get3A_742 = arith.index_cast %get3A_741 : i32 to index
          %get3A_743 = arith.index_cast %mul3A_692 : i32 to index
          %get3A_744 = tpu.vector_load %arg13[%get3A_742, %get3A_743] {strides = array<i32>} : memref<3x512xf32, #tpu.memory_space<vmem>>, vector<16xf32>,
          %mul3A_745 = arith.constant 5.000000e-01 : f32
          %mul3A_746 = vector.broadcast %mul3A_745 : f32 to vector<16xf32>
          %mul3A_747 = arith.mulf %get3A_744, %mul3A_746 : vector<16xf32>
          %add3A_748 = arith.constant 5.000000e-01 : f32
          %add3A_749 = vector.broadcast %add3A_748 : f32 to vector<16xf32>
          %add3A_750 = arith.addf %mul3A_747, %add3A_749 : vector<16xf32>
          %max3A_751 = arith.constant 0.000000e+00 : f32
          %max3A_752 = vector.broadcast %max3A_751 : f32 to vector<16xf32>
          %max3A_753 = arith.maximumf %add3A_750, %max3A_752 : vector<16xf32>
          %min3A_754 = arith.constant 1.000000e+00 : f32
          %min3A_755 = vector.broadcast %min3A_754 : f32 to vector<16xf32>
          %min3A_756 = arith.minimumf %max3A_753, %min3A_755 : vector<16xf32>
          %mul3A_757 = arith.mulf %min3A_756, %gather3A : vector<16xf32>
          %add3A_758 = arith.constant 5.000000e-01 : f32
          %add3A_759 = vector.broadcast %add3A_758 : f32 to vector<16xf32>
          %add3A_760 = arith.addf %mul3A_757, %add3A_759 : vector<16xf32>
          %convert_element_type3A_761 = arith.fptosi %add3A_760 : vector<16xf32> to vector<16xi32>
          %convert_element_type3A_762 = arith.sitofp %convert_element_type3A_761 : vector<16xi32> to vector<16xf32>
          %sub3A_763 = arith.subf %add3A_760, %convert_element_type3A_762 : vector<16xf32>
          %sub3A_764 = arith.constant 1.000000e+00 : f32
          %sub3A_765 = vector.broadcast %sub3A_764 : f32 to vector<16xf32>
          %sub3A_766 = arith.subf %sub3A_765, %sub3A_763 : vector<16xf32>
          %mul3A_767 = arith.mulf %sub3A_714, %sub3A_740 : vector<16xf32>
          %mul3A_768 = arith.mulf %sub3A_711, %sub3A_740 : vector<16xf32>
          %mul3A_769 = arith.mulf %sub3A_714, %sub3A_737 : vector<16xf32>
          %mul3A_770 = arith.mulf %sub3A_711, %sub3A_737 : vector<16xf32>
          %min3A_771 = arith.minsi %convert_element_type3A, %sub3A_37 : vector<16xi32>
          %add3A_772 = arith.constant 1 : i32
          %add3A_773 = vector.broadcast %add3A_772 : i32 to vector<16xi32>
          %add3A_774 = arith.addi %convert_element_type3A, %add3A_773 : vector<16xi32>
          %min3A_775 = arith.minsi %add3A_774, %sub3A_37 : vector<16xi32>
          %min3A_776 = arith.minsi %convert_element_type3A_735, %sub3A_37 : vector<16xi32>
          %add3A_777 = arith.constant 1 : i32
          %add3A_778 = vector.broadcast %add3A_777 : i32 to vector<16xi32>
          %add3A_779 = arith.addi %convert_element_type3A_735, %add3A_778 : vector<16xi32>
          %min3A_780 = arith.minsi %add3A_779, %sub3A_37 : vector<16xi32>
          %mul3A_781 = arith.muli %min3A_776, %gather3A_31 : vector<16xi32>
          %mul3A_782 = arith.muli %min3A_780, %gather3A_31 : vector<16xi32>
          %min3A_783 = arith.minsi %convert_element_type3A_761, %sub3A_37 : vector<16xi32>
          %add3A_784 = arith.constant 1 : i32
          %add3A_785 = vector.broadcast %add3A_784 : i32 to vector<16xi32>
          %add3A_786 = arith.addi %convert_element_type3A_761, %add3A_785 : vector<16xi32>
          %min3A_787 = arith.minsi %add3A_786, %sub3A_37 : vector<16xi32>
          %mul3A_788 = arith.muli %min3A_783, %gather3A_33 : vector<16xi32>
          %mul3A_789 = arith.muli %min3A_787, %gather3A_33 : vector<16xi32>
          %add3A_790 = arith.addi %min3A_771, %mul3A_781 : vector<16xi32>
          %add3A_791 = arith.addi %add3A_790, %mul3A_788 : vector<16xi32>
          %mul3A_792 = arith.mulf %mul3A_767, %sub3A_766 : vector<16xf32>
          %add3A_793 = arith.constant 0 : i32
          %add3A_794 = arith.addi %add3A_793, %mul3A_692 : i32
          %shift_right_logical3A = arith.constant 2 : i32
          %shift_right_logical3A_795 = vector.broadcast %shift_right_logical3A : i32 to vector<16xi32>
          %shift_right_logical3A_796 = arith.shrui %add3A_791, %shift_right_logical3A_795 : vector<16xi32>
          %add3A_797 = arith.addi %shift_right_logical3A_796, %gather3A_35 : vector<16xi32>
          %jit3A = arith.constant 128 : i32
          %div3A = arith.divsi %add3A_794, %jit3A : i32
          %sign3A = arith.constant 0 : i32
          %sign3A_798 = arith.cmpi sgt, %add3A_794, %sign3A : i32
          %sign3A_799 = arith.extui %sign3A_798 : i1 to i32
          %sign3A_800 = arith.constant 0 : i32
          %sign3A_801 = arith.cmpi slt, %add3A_794, %sign3A_800 : i32
          %sign3A_802 = arith.extui %sign3A_801 : i1 to i32
          %sign3A_803 = arith.subi %sign3A_799, %sign3A_802 : i32
          %sign3A_804 = arith.constant 0 : i32
          %sign3A_805 = arith.cmpi sgt, %jit3A, %sign3A_804 : i32
          %sign3A_806 = arith.extui %sign3A_805 : i1 to i32
          %sign3A_807 = arith.constant 0 : i32
          %sign3A_808 = arith.cmpi slt, %jit3A, %sign3A_807 : i32
          %sign3A_809 = arith.extui %sign3A_808 : i1 to i32
          %sign3A_810 = arith.subi %sign3A_806, %sign3A_809 : i32
          %ne3A = arith.cmpi ne, %sign3A_803, %sign3A_810 : i32
          %rem3A = arith.remsi %add3A_794, %jit3A : i32
          %ne3A_811 = arith.constant 0 : i32
          %ne3A_812 = arith.cmpi ne, %rem3A, %ne3A_811 : i32
          %and3A = arith.andi %ne3A, %ne3A_812 : i1
          %sub3A_813 = arith.constant 1 : i32
          %sub3A_814 = arith.subi %div3A, %sub3A_813 : i32
          %select_n3A = arith.select %and3A, %sub3A_814, %div3A : i32
          %jit3A_815 = arith.constant 128 : i32
          %eq3A = arith.constant 0 : i32
          %eq3A_816 = arith.cmpi eq, %jit3A_815, %eq3A : i32
          %jit3A_817 = arith.constant 1 : i32
          %select_n3A_818 = arith.select %eq3A_816, %jit3A_817, %jit3A_815 : i32
          %rem3A_819 = arith.remsi %add3A_794, %select_n3A_818 : i32
          %ne3A_820 = arith.constant 0 : i32
          %ne3A_821 = arith.cmpi ne, %rem3A_819, %ne3A_820 : i32
          %lt3A = arith.constant 0 : i32
          %lt3A_822 = arith.cmpi slt, %rem3A_819, %lt3A : i32
          %lt3A_823 = arith.constant 0 : i32
          %lt3A_824 = arith.cmpi slt, %select_n3A_818, %lt3A_823 : i32
          %ne3A_825 = arith.xori %lt3A_822, %lt3A_824 : i1
          %and3A_826 = arith.andi %ne3A_825, %ne3A_821 : i1
          %add3A_827 = arith.addi %rem3A_819, %select_n3A_818 : i32
          %select_n3A_828 = arith.select %and3A_826, %add3A_827, %rem3A_819 : i32
          %swap3A = arith.index_cast %select_n3A : i32 to index
          %swap3A_829 = arith.index_cast %select_n3A_828 : i32 to index
          %swap3A_830 = tpu.vector_load %arg14[%swap3A, %swap3A_829] {strides = array<i32>} : memref<32x128xi32, #tpu.memory_space<vmem>>, vector<16xi32>,
          tpu.vector_store %arg14[%swap3A, %swap3A_829], %add3A_797 {strides = array<i32>} : memref<32x128xi32, #tpu.memory_space<vmem>>, vector<16xi32>,
          %and3A_831 = arith.constant 3 : i32
          %and3A_832 = vector.broadcast %and3A_831 : i32 to vector<16xi32>
          %and3A_833 = arith.andi %add3A_791, %and3A_832 : vector<16xi32>
          %shift_left3A = arith.constant 1 : i32
          %shift_left3A_834 = vector.broadcast %shift_left3A : i32 to vector<16xi32>
          %shift_left3A_835 = arith.shli %and3A_833, %shift_left3A_834 : vector<16xi32>
          %swap3A_836 = arith.index_cast %add3A_794 : i32 to index
          %swap3A_837 = tpu.vector_load %arg15[%swap3A_836] {strides = array<i32>} : memref<4096xi32, #tpu.memory_space<vmem>>, vector<16xi32>,
          tpu.vector_store %arg15[%swap3A_836], %shift_left3A_835 {strides = array<i32>} : memref<4096xi32, #tpu.memory_space<vmem>>, vector<16xi32>,
          %swap3A_838 = arith.index_cast %add3A_794 : i32 to index
          %swap3A_839 = tpu.vector_load %arg16[%swap3A_838] {strides = array<i32>} : memref<4096xf32, #tpu.memory_space<vmem>>, vector<16xf32>,
          tpu.vector_store %arg16[%swap3A_838], %mul3A_792 {strides = array<i32>} : memref<4096xf32, #tpu.memory_space<vmem>>, vector<16xf32>,
          %add3A_840 = arith.addi %min3A_775, %mul3A_781 : vector<16xi32>
          %add3A_841 = arith.addi %add3A_840, %mul3A_788 : vector<16xi32>
          %mul3A_842 = arith.mulf %mul3A_768, %sub3A_766 : vector<16xf32>
          %add3A_843 = arith.constant 512 : i32
          %add3A_844 = arith.addi %add3A_843, %mul3A_692 : i32
          %shift_right_logical3A_845 = arith.constant 2 : i32
          %shift_right_logical3A_846 = vector.broadcast %shift_right_logical3A_845 : i32 to vector<16xi32>
          %shift_right_logical3A_847 = arith.shrui %add3A_841, %shift_right_logical3A_846 : vector<16xi32>
          %add3A_848 = arith.addi %shift_right_logical3A_847, %gather3A_35 : vector<16xi32>
          %jit3A_849 = arith.constant 128 : i32
          %div3A_850 = arith.divsi %add3A_844, %jit3A_849 : i32
          %sign3A_851 = arith.constant 0 : i32
          %sign3A_852 = arith.cmpi sgt, %add3A_844, %sign3A_851 : i32
          %sign3A_853 = arith.extui %sign3A_852 : i1 to i32
          %sign3A_854 = arith.constant 0 : i32
          %sign3A_855 = arith.cmpi slt, %add3A_844, %sign3A_854 : i32
          %sign3A_856 = arith.extui %sign3A_855 : i1 to i32
          %sign3A_857 = arith.subi %sign3A_853, %sign3A_856 : i32
          %sign3A_858 = arith.constant 0 : i32
          %sign3A_859 = arith.cmpi sgt, %jit3A_849, %sign3A_858 : i32
          %sign3A_860 = arith.extui %sign3A_859 : i1 to i32
          %sign3A_861 = arith.constant 0 : i32
          %sign3A_862 = arith.cmpi slt, %jit3A_849, %sign3A_861 : i32
          %sign3A_863 = arith.extui %sign3A_862 : i1 to i32
          %sign3A_864 = arith.subi %sign3A_860, %sign3A_863 : i32
          %ne3A_865 = arith.cmpi ne, %sign3A_857, %sign3A_864 : i32
          %rem3A_866 = arith.remsi %add3A_844, %jit3A_849 : i32
          %ne3A_867 = arith.constant 0 : i32
          %ne3A_868 = arith.cmpi ne, %rem3A_866, %ne3A_867 : i32
          %and3A_869 = arith.andi %ne3A_865, %ne3A_868 : i1
          %sub3A_870 = arith.constant 1 : i32
          %sub3A_871 = arith.subi %div3A_850, %sub3A_870 : i32
          %select_n3A_872 = arith.select %and3A_869, %sub3A_871, %div3A_850 : i32
          %jit3A_873 = arith.constant 128 : i32
          %eq3A_874 = arith.constant 0 : i32
          %eq3A_875 = arith.cmpi eq, %jit3A_873, %eq3A_874 : i32
          %jit3A_876 = arith.constant 1 : i32
          %select_n3A_877 = arith.select %eq3A_875, %jit3A_876, %jit3A_873 : i32
          %rem3A_878 = arith.remsi %add3A_844, %select_n3A_877 : i32
          %ne3A_879 = arith.constant 0 : i32
          %ne3A_880 = arith.cmpi ne, %rem3A_878, %ne3A_879 : i32
          %lt3A_881 = arith.constant 0 : i32
          %lt3A_882 = arith.cmpi slt, %rem3A_878, %lt3A_881 : i32
          %lt3A_883 = arith.constant 0 : i32
          %lt3A_884 = arith.cmpi slt, %select_n3A_877, %lt3A_883 : i32
          %ne3A_885 = arith.xori %lt3A_882, %lt3A_884 : i1
          %and3A_886 = arith.andi %ne3A_885, %ne3A_880 : i1
          %add3A_887 = arith.addi %rem3A_878, %select_n3A_877 : i32
          %select_n3A_888 = arith.select %and3A_886, %add3A_887, %rem3A_878 : i32
          %swap3A_889 = arith.index_cast %select_n3A_872 : i32 to index
          %swap3A_890 = arith.index_cast %select_n3A_888 : i32 to index
          %swap3A_891 = tpu.vector_load %arg14[%swap3A_889, %swap3A_890] {strides = array<i32>} : memref<32x128xi32, #tpu.memory_space<vmem>>, vector<16xi32>,
          tpu.vector_store %arg14[%swap3A_889, %swap3A_890], %add3A_848 {strides = array<i32>} : memref<32x128xi32, #tpu.memory_space<vmem>>, vector<16xi32>,
          %and3A_892 = arith.constant 3 : i32
          %and3A_893 = vector.broadcast %and3A_892 : i32 to vector<16xi32>
          %and3A_894 = arith.andi %add3A_841, %and3A_893 : vector<16xi32>
          %shift_left3A_895 = arith.constant 1 : i32
          %shift_left3A_896 = vector.broadcast %shift_left3A_895 : i32 to vector<16xi32>
          %shift_left3A_897 = arith.shli %and3A_894, %shift_left3A_896 : vector<16xi32>
          %swap3A_898 = arith.index_cast %add3A_844 : i32 to index
          %swap3A_899 = tpu.vector_load %arg15[%swap3A_898] {strides = array<i32>} : memref<4096xi32, #tpu.memory_space<vmem>>, vector<16xi32>,
          tpu.vector_store %arg15[%swap3A_898], %shift_left3A_897 {strides = array<i32>} : memref<4096xi32, #tpu.memory_space<vmem>>, vector<16xi32>,
          %swap3A_900 = arith.index_cast %add3A_844 : i32 to index
          %swap3A_901 = tpu.vector_load %arg16[%swap3A_900] {strides = array<i32>} : memref<4096xf32, #tpu.memory_space<vmem>>, vector<16xf32>,
          tpu.vector_store %arg16[%swap3A_900], %mul3A_842 {strides = array<i32>} : memref<4096xf32, #tpu.memory_space<vmem>>, vector<16xf32>,
          %add3A_902 = arith.addi %min3A_771, %mul3A_782 : vector<16xi32>
          %add3A_903 = arith.addi %add3A_902, %mul3A_788 : vector<16xi32>
          %mul3A_904 = arith.mulf %mul3A_769, %sub3A_766 : vector<16xf32>
          %add3A_905 = arith.constant 1024 : i32
          %add3A_906 = arith.addi %add3A_905, %mul3A_692 : i32
          %shift_right_logical3A_907 = arith.constant 2 : i32
          %shift_right_logical3A_908 = vector.broadcast %shift_right_logical3A_907 : i32 to vector<16xi32>
          %shift_right_logical3A_909 = arith.shrui %add3A_903, %shift_right_logical3A_908 : vector<16xi32>
          %add3A_910 = arith.addi %shift_right_logical3A_909, %gather3A_35 : vector<16xi32>
          %jit3A_911 = arith.constant 128 : i32
          %div3A_912 = arith.divsi %add3A_906, %jit3A_911 : i32
          %sign3A_913 = arith.constant 0 : i32
          %sign3A_914 = arith.cmpi sgt, %add3A_906, %sign3A_913 : i32
          %sign3A_915 = arith.extui %sign3A_914 : i1 to i32
          %sign3A_916 = arith.constant 0 : i32
          %sign3A_917 = arith.cmpi slt, %add3A_906, %sign3A_916 : i32
          %sign3A_918 = arith.extui %sign3A_917 : i1 to i32
          %sign3A_919 = arith.subi %sign3A_915, %sign3A_918 : i32
          %sign3A_920 = arith.constant 0 : i32
          %sign3A_921 = arith.cmpi sgt, %jit3A_911, %sign3A_920 : i32
          %sign3A_922 = arith.extui %sign3A_921 : i1 to i32
          %sign3A_923 = arith.constant 0 : i32
          %sign3A_924 = arith.cmpi slt, %jit3A_911, %sign3A_923 : i32
          %sign3A_925 = arith.extui %sign3A_924 : i1 to i32
          %sign3A_926 = arith.subi %sign3A_922, %sign3A_925 : i32
          %ne3A_927 = arith.cmpi ne, %sign3A_919, %sign3A_926 : i32
          %rem3A_928 = arith.remsi %add3A_906, %jit3A_911 : i32
          %ne3A_929 = arith.constant 0 : i32
          %ne3A_930 = arith.cmpi ne, %rem3A_928, %ne3A_929 : i32
          %and3A_931 = arith.andi %ne3A_927, %ne3A_930 : i1
          %sub3A_932 = arith.constant 1 : i32
          %sub3A_933 = arith.subi %div3A_912, %sub3A_932 : i32
          %select_n3A_934 = arith.select %and3A_931, %sub3A_933, %div3A_912 : i32
          %jit3A_935 = arith.constant 128 : i32
          %eq3A_936 = arith.constant 0 : i32
          %eq3A_937 = arith.cmpi eq, %jit3A_935, %eq3A_936 : i32
          %jit3A_938 = arith.constant 1 : i32
          %select_n3A_939 = arith.select %eq3A_937, %jit3A_938, %jit3A_935 : i32
          %rem3A_940 = arith.remsi %add3A_906, %select_n3A_939 : i32
          %ne3A_941 = arith.constant 0 : i32
          %ne3A_942 = arith.cmpi ne, %rem3A_940, %ne3A_941 : i32
          %lt3A_943 = arith.constant 0 : i32
          %lt3A_944 = arith.cmpi slt, %rem3A_940, %lt3A_943 : i32
          %lt3A_945 = arith.constant 0 : i32
          %lt3A_946 = arith.cmpi slt, %select_n3A_939, %lt3A_945 : i32
          %ne3A_947 = arith.xori %lt3A_944, %lt3A_946 : i1
          %and3A_948 = arith.andi %ne3A_947, %ne3A_942 : i1
          %add3A_949 = arith.addi %rem3A_940, %select_n3A_939 : i32
          %select_n3A_950 = arith.select %and3A_948, %add3A_949, %rem3A_940 : i32
          %swap3A_951 = arith.index_cast %select_n3A_934 : i32 to index
          %swap3A_952 = arith.index_cast %select_n3A_950 : i32 to index
          %swap3A_953 = tpu.vector_load %arg14[%swap3A_951, %swap3A_952] {strides = array<i32>} : memref<32x128xi32, #tpu.memory_space<vmem>>, vector<16xi32>,
          tpu.vector_store %arg14[%swap3A_951, %swap3A_952], %add3A_910 {strides = array<i32>} : memref<32x128xi32, #tpu.memory_space<vmem>>, vector<16xi32>,
          %and3A_954 = arith.constant 3 : i32
          %and3A_955 = vector.broadcast %and3A_954 : i32 to vector<16xi32>
          %and3A_956 = arith.andi %add3A_903, %and3A_955 : vector<16xi32>
          %shift_left3A_957 = arith.constant 1 : i32
          %shift_left3A_958 = vector.broadcast %shift_left3A_957 : i32 to vector<16xi32>
          %shift_left3A_959 = arith.shli %and3A_956, %shift_left3A_958 : vector<16xi32>
          %swap3A_960 = arith.index_cast %add3A_906 : i32 to index
          %swap3A_961 = tpu.vector_load %arg15[%swap3A_960] {strides = array<i32>} : memref<4096xi32, #tpu.memory_space<vmem>>, vector<16xi32>,
          tpu.vector_store %arg15[%swap3A_960], %shift_left3A_959 {strides = array<i32>} : memref<4096xi32, #tpu.memory_space<vmem>>, vector<16xi32>,
          %swap3A_962 = arith.index_cast %add3A_906 : i32 to index
          %swap3A_963 = tpu.vector_load %arg16[%swap3A_962] {strides = array<i32>} : memref<4096xf32, #tpu.memory_space<vmem>>, vector<16xf32>,
          tpu.vector_store %arg16[%swap3A_962], %mul3A_904 {strides = array<i32>} : memref<4096xf32, #tpu.memory_space<vmem>>, vector<16xf32>,
          %add3A_964 = arith.addi %min3A_775, %mul3A_782 : vector<16xi32>
          %add3A_965 = arith.addi %add3A_964, %mul3A_788 : vector<16xi32>
          %mul3A_966 = arith.mulf %mul3A_770, %sub3A_766 : vector<16xf32>
          %add3A_967 = arith.constant 1536 : i32
          %add3A_968 = arith.addi %add3A_967, %mul3A_692 : i32
          %shift_right_logical3A_969 = arith.constant 2 : i32
          %shift_right_logical3A_970 = vector.broadcast %shift_right_logical3A_969 : i32 to vector<16xi32>
          %shift_right_logical3A_971 = arith.shrui %add3A_965, %shift_right_logical3A_970 : vector<16xi32>
          %add3A_972 = arith.addi %shift_right_logical3A_971, %gather3A_35 : vector<16xi32>
          %jit3A_973 = arith.constant 128 : i32
          %div3A_974 = arith.divsi %add3A_968, %jit3A_973 : i32
          %sign3A_975 = arith.constant 0 : i32
          %sign3A_976 = arith.cmpi sgt, %add3A_968, %sign3A_975 : i32
          %sign3A_977 = arith.extui %sign3A_976 : i1 to i32
          %sign3A_978 = arith.constant 0 : i32
          %sign3A_979 = arith.cmpi slt, %add3A_968, %sign3A_978 : i32
          %sign3A_980 = arith.extui %sign3A_979 : i1 to i32
          %sign3A_981 = arith.subi %sign3A_977, %sign3A_980 : i32
          %sign3A_982 = arith.constant 0 : i32
          %sign3A_983 = arith.cmpi sgt, %jit3A_973, %sign3A_982 : i32
          %sign3A_984 = arith.extui %sign3A_983 : i1 to i32
          %sign3A_985 = arith.constant 0 : i32
          %sign3A_986 = arith.cmpi slt, %jit3A_973, %sign3A_985 : i32
          %sign3A_987 = arith.extui %sign3A_986 : i1 to i32
          %sign3A_988 = arith.subi %sign3A_984, %sign3A_987 : i32
          %ne3A_989 = arith.cmpi ne, %sign3A_981, %sign3A_988 : i32
          %rem3A_990 = arith.remsi %add3A_968, %jit3A_973 : i32
          %ne3A_991 = arith.constant 0 : i32
          %ne3A_992 = arith.cmpi ne, %rem3A_990, %ne3A_991 : i32
          %and3A_993 = arith.andi %ne3A_989, %ne3A_992 : i1
          %sub3A_994 = arith.constant 1 : i32
          %sub3A_995 = arith.subi %div3A_974, %sub3A_994 : i32
          %select_n3A_996 = arith.select %and3A_993, %sub3A_995, %div3A_974 : i32
          %jit3A_997 = arith.constant 128 : i32
          %eq3A_998 = arith.constant 0 : i32
          %eq3A_999 = arith.cmpi eq, %jit3A_997, %eq3A_998 : i32
          %jit3A_1000 = arith.constant 1 : i32
          %select_n3A_1001 = arith.select %eq3A_999, %jit3A_1000, %jit3A_997 : i32
          %rem3A_1002 = arith.remsi %add3A_968, %select_n3A_1001 : i32
          %ne3A_1003 = arith.constant 0 : i32
          %ne3A_1004 = arith.cmpi ne, %rem3A_1002, %ne3A_1003 : i32
          %lt3A_1005 = arith.constant 0 : i32
          %lt3A_1006 = arith.cmpi slt, %rem3A_1002, %lt3A_1005 : i32
          %lt3A_1007 = arith.constant 0 : i32
          %lt3A_1008 = arith.cmpi slt, %select_n3A_1001, %lt3A_1007 : i32
          %ne3A_1009 = arith.xori %lt3A_1006, %lt3A_1008 : i1
          %and3A_1010 = arith.andi %ne3A_1009, %ne3A_1004 : i1
          %add3A_1011 = arith.addi %rem3A_1002, %select_n3A_1001 : i32
          %select_n3A_1012 = arith.select %and3A_1010, %add3A_1011, %rem3A_1002 : i32
          %swap3A_1013 = arith.index_cast %select_n3A_996 : i32 to index
          %swap3A_1014 = arith.index_cast %select_n3A_1012 : i32 to index
          %swap3A_1015 = tpu.vector_load %arg14[%swap3A_1013, %swap3A_1014] {strides = array<i32>} : memref<32x128xi32, #tpu.memory_space<vmem>>, vector<16xi32>,
          tpu.vector_store %arg14[%swap3A_1013, %swap3A_1014], %add3A_972 {strides = array<i32>} : memref<32x128xi32, #tpu.memory_space<vmem>>, vector<16xi32>,
          %and3A_1016 = arith.constant 3 : i32
          %and3A_1017 = vector.broadcast %and3A_1016 : i32 to vector<16xi32>
          %and3A_1018 = arith.andi %add3A_965, %and3A_1017 : vector<16xi32>
          %shift_left3A_1019 = arith.constant 1 : i32
          %shift_left3A_1020 = vector.broadcast %shift_left3A_1019 : i32 to vector<16xi32>
          %shift_left3A_1021 = arith.shli %and3A_1018, %shift_left3A_1020 : vector<16xi32>
          %swap3A_1022 = arith.index_cast %add3A_968 : i32 to index
          %swap3A_1023 = tpu.vector_load %arg15[%swap3A_1022] {strides = array<i32>} : memref<4096xi32, #tpu.memory_space<vmem>>, vector<16xi32>,
          tpu.vector_store %arg15[%swap3A_1022], %shift_left3A_1021 {strides = array<i32>} : memref<4096xi32, #tpu.memory_space<vmem>>, vector<16xi32>,
          %swap3A_1024 = arith.index_cast %add3A_968 : i32 to index
          %swap3A_1025 = tpu.vector_load %arg16[%swap3A_1024] {strides = array<i32>} : memref<4096xf32, #tpu.memory_space<vmem>>, vector<16xf32>,
          tpu.vector_store %arg16[%swap3A_1024], %mul3A_966 {strides = array<i32>} : memref<4096xf32, #tpu.memory_space<vmem>>, vector<16xf32>,
          %add3A_1026 = arith.addi %min3A_771, %mul3A_781 : vector<16xi32>
          %add3A_1027 = arith.addi %add3A_1026, %mul3A_789 : vector<16xi32>
          %mul3A_1028 = arith.mulf %mul3A_767, %sub3A_763 : vector<16xf32>
          %add3A_1029 = arith.constant 2048 : i32
          %add3A_1030 = arith.addi %add3A_1029, %mul3A_692 : i32
          %shift_right_logical3A_1031 = arith.constant 2 : i32
          %shift_right_logical3A_1032 = vector.broadcast %shift_right_logical3A_1031 : i32 to vector<16xi32>
          %shift_right_logical3A_1033 = arith.shrui %add3A_1027, %shift_right_logical3A_1032 : vector<16xi32>
          %add3A_1034 = arith.addi %shift_right_logical3A_1033, %gather3A_35 : vector<16xi32>
          %jit3A_1035 = arith.constant 128 : i32
          %div3A_1036 = arith.divsi %add3A_1030, %jit3A_1035 : i32
          %sign3A_1037 = arith.constant 0 : i32
          %sign3A_1038 = arith.cmpi sgt, %add3A_1030, %sign3A_1037 : i32
          %sign3A_1039 = arith.extui %sign3A_1038 : i1 to i32
          %sign3A_1040 = arith.constant 0 : i32
          %sign3A_1041 = arith.cmpi slt, %add3A_1030, %sign3A_1040 : i32
          %sign3A_1042 = arith.extui %sign3A_1041 : i1 to i32
          %sign3A_1043 = arith.subi %sign3A_1039, %sign3A_1042 : i32
          %sign3A_1044 = arith.constant 0 : i32
          %sign3A_1045 = arith.cmpi sgt, %jit3A_1035, %sign3A_1044 : i32
          %sign3A_1046 = arith.extui %sign3A_1045 : i1 to i32
          %sign3A_1047 = arith.constant 0 : i32
          %sign3A_1048 = arith.cmpi slt, %jit3A_1035, %sign3A_1047 : i32
          %sign3A_1049 = arith.extui %sign3A_1048 : i1 to i32
          %sign3A_1050 = arith.subi %sign3A_1046, %sign3A_1049 : i32
          %ne3A_1051 = arith.cmpi ne, %sign3A_1043, %sign3A_1050 : i32
          %rem3A_1052 = arith.remsi %add3A_1030, %jit3A_1035 : i32
          %ne3A_1053 = arith.constant 0 : i32
          %ne3A_1054 = arith.cmpi ne, %rem3A_1052, %ne3A_1053 : i32
          %and3A_1055 = arith.andi %ne3A_1051, %ne3A_1054 : i1
          %sub3A_1056 = arith.constant 1 : i32
          %sub3A_1057 = arith.subi %div3A_1036, %sub3A_1056 : i32
          %select_n3A_1058 = arith.select %and3A_1055, %sub3A_1057, %div3A_1036 : i32
          %jit3A_1059 = arith.constant 128 : i32
          %eq3A_1060 = arith.constant 0 : i32
          %eq3A_1061 = arith.cmpi eq, %jit3A_1059, %eq3A_1060 : i32
          %jit3A_1062 = arith.constant 1 : i32
          %select_n3A_1063 = arith.select %eq3A_1061, %jit3A_1062, %jit3A_1059 : i32
          %rem3A_1064 = arith.remsi %add3A_1030, %select_n3A_1063 : i32
          %ne3A_1065 = arith.constant 0 : i32
          %ne3A_1066 = arith.cmpi ne, %rem3A_1064, %ne3A_1065 : i32
          %lt3A_1067 = arith.constant 0 : i32
          %lt3A_1068 = arith.cmpi slt, %rem3A_1064, %lt3A_1067 : i32
          %lt3A_1069 = arith.constant 0 : i32
          %lt3A_1070 = arith.cmpi slt, %select_n3A_1063, %lt3A_1069 : i32
          %ne3A_1071 = arith.xori %lt3A_1068, %lt3A_1070 : i1
          %and3A_1072 = arith.andi %ne3A_1071, %ne3A_1066 : i1
          %add3A_1073 = arith.addi %rem3A_1064, %select_n3A_1063 : i32
          %select_n3A_1074 = arith.select %and3A_1072, %add3A_1073, %rem3A_1064 : i32
          %swap3A_1075 = arith.index_cast %select_n3A_1058 : i32 to index
          %swap3A_1076 = arith.index_cast %select_n3A_1074 : i32 to index
          %swap3A_1077 = tpu.vector_load %arg14[%swap3A_1075, %swap3A_1076] {strides = array<i32>} : memref<32x128xi32, #tpu.memory_space<vmem>>, vector<16xi32>,
          tpu.vector_store %arg14[%swap3A_1075, %swap3A_1076], %add3A_1034 {strides = array<i32>} : memref<32x128xi32, #tpu.memory_space<vmem>>, vector<16xi32>,
          %and3A_1078 = arith.constant 3 : i32
          %and3A_1079 = vector.broadcast %and3A_1078 : i32 to vector<16xi32>
          %and3A_1080 = arith.andi %add3A_1027, %and3A_1079 : vector<16xi32>
          %shift_left3A_1081 = arith.constant 1 : i32
          %shift_left3A_1082 = vector.broadcast %shift_left3A_1081 : i32 to vector<16xi32>
          %shift_left3A_1083 = arith.shli %and3A_1080, %shift_left3A_1082 : vector<16xi32>
          %swap3A_1084 = arith.index_cast %add3A_1030 : i32 to index
          %swap3A_1085 = tpu.vector_load %arg15[%swap3A_1084] {strides = array<i32>} : memref<4096xi32, #tpu.memory_space<vmem>>, vector<16xi32>,
          tpu.vector_store %arg15[%swap3A_1084], %shift_left3A_1083 {strides = array<i32>} : memref<4096xi32, #tpu.memory_space<vmem>>, vector<16xi32>,
          %swap3A_1086 = arith.index_cast %add3A_1030 : i32 to index
          %swap3A_1087 = tpu.vector_load %arg16[%swap3A_1086] {strides = array<i32>} : memref<4096xf32, #tpu.memory_space<vmem>>, vector<16xf32>,
          tpu.vector_store %arg16[%swap3A_1086], %mul3A_1028 {strides = array<i32>} : memref<4096xf32, #tpu.memory_space<vmem>>, vector<16xf32>,
          %add3A_1088 = arith.addi %min3A_775, %mul3A_781 : vector<16xi32>
          %add3A_1089 = arith.addi %add3A_1088, %mul3A_789 : vector<16xi32>
          %mul3A_1090 = arith.mulf %mul3A_768, %sub3A_763 : vector<16xf32>
          %add3A_1091 = arith.constant 2560 : i32
          %add3A_1092 = arith.addi %add3A_1091, %mul3A_692 : i32
          %shift_right_logical3A_1093 = arith.constant 2 : i32
          %shift_right_logical3A_1094 = vector.broadcast %shift_right_logical3A_1093 : i32 to vector<16xi32>
          %shift_right_logical3A_1095 = arith.shrui %add3A_1089, %shift_right_logical3A_1094 : vector<16xi32>
          %add3A_1096 = arith.addi %shift_right_logical3A_1095, %gather3A_35 : vector<16xi32>
          %jit3A_1097 = arith.constant 128 : i32
          %div3A_1098 = arith.divsi %add3A_1092, %jit3A_1097 : i32
          %sign3A_1099 = arith.constant 0 : i32
          %sign3A_1100 = arith.cmpi sgt, %add3A_1092, %sign3A_1099 : i32
          %sign3A_1101 = arith.extui %sign3A_1100 : i1 to i32
          %sign3A_1102 = arith.constant 0 : i32
          %sign3A_1103 = arith.cmpi slt, %add3A_1092, %sign3A_1102 : i32
          %sign3A_1104 = arith.extui %sign3A_1103 : i1 to i32
          %sign3A_1105 = arith.subi %sign3A_1101, %sign3A_1104 : i32
          %sign3A_1106 = arith.constant 0 : i32
          %sign3A_1107 = arith.cmpi sgt, %jit3A_1097, %sign3A_1106 : i32
          %sign3A_1108 = arith.extui %sign3A_1107 : i1 to i32
          %sign3A_1109 = arith.constant 0 : i32
          %sign3A_1110 = arith.cmpi slt, %jit3A_1097, %sign3A_1109 : i32
          %sign3A_1111 = arith.extui %sign3A_1110 : i1 to i32
          %sign3A_1112 = arith.subi %sign3A_1108, %sign3A_1111 : i32
          %ne3A_1113 = arith.cmpi ne, %sign3A_1105, %sign3A_1112 : i32
          %rem3A_1114 = arith.remsi %add3A_1092, %jit3A_1097 : i32
          %ne3A_1115 = arith.constant 0 : i32
          %ne3A_1116 = arith.cmpi ne, %rem3A_1114, %ne3A_1115 : i32
          %and3A_1117 = arith.andi %ne3A_1113, %ne3A_1116 : i1
          %sub3A_1118 = arith.constant 1 : i32
          %sub3A_1119 = arith.subi %div3A_1098, %sub3A_1118 : i32
          %select_n3A_1120 = arith.select %and3A_1117, %sub3A_1119, %div3A_1098 : i32
          %jit3A_1121 = arith.constant 128 : i32
          %eq3A_1122 = arith.constant 0 : i32
          %eq3A_1123 = arith.cmpi eq, %jit3A_1121, %eq3A_1122 : i32
          %jit3A_1124 = arith.constant 1 : i32
          %select_n3A_1125 = arith.select %eq3A_1123, %jit3A_1124, %jit3A_1121 : i32
          %rem3A_1126 = arith.remsi %add3A_1092, %select_n3A_1125 : i32
          %ne3A_1127 = arith.constant 0 : i32
          %ne3A_1128 = arith.cmpi ne, %rem3A_1126, %ne3A_1127 : i32
          %lt3A_1129 = arith.constant 0 : i32
          %lt3A_1130 = arith.cmpi slt, %rem3A_1126, %lt3A_1129 : i32
          %lt3A_1131 = arith.constant 0 : i32
          %lt3A_1132 = arith.cmpi slt, %select_n3A_1125, %lt3A_1131 : i32
          %ne3A_1133 = arith.xori %lt3A_1130, %lt3A_1132 : i1
          %and3A_1134 = arith.andi %ne3A_1133, %ne3A_1128 : i1
          %add3A_1135 = arith.addi %rem3A_1126, %select_n3A_1125 : i32
          %select_n3A_1136 = arith.select %and3A_1134, %add3A_1135, %rem3A_1126 : i32
          %swap3A_1137 = arith.index_cast %select_n3A_1120 : i32 to index
          %swap3A_1138 = arith.index_cast %select_n3A_1136 : i32 to index
          %swap3A_1139 = tpu.vector_load %arg14[%swap3A_1137, %swap3A_1138] {strides = array<i32>} : memref<32x128xi32, #tpu.memory_space<vmem>>, vector<16xi32>,
          tpu.vector_store %arg14[%swap3A_1137, %swap3A_1138], %add3A_1096 {strides = array<i32>} : memref<32x128xi32, #tpu.memory_space<vmem>>, vector<16xi32>,
          %and3A_1140 = arith.constant 3 : i32
          %and3A_1141 = vector.broadcast %and3A_1140 : i32 to vector<16xi32>
          %and3A_1142 = arith.andi %add3A_1089, %and3A_1141 : vector<16xi32>
          %shift_left3A_1143 = arith.constant 1 : i32
          %shift_left3A_1144 = vector.broadcast %shift_left3A_1143 : i32 to vector<16xi32>
          %shift_left3A_1145 = arith.shli %and3A_1142, %shift_left3A_1144 : vector<16xi32>
          %swap3A_1146 = arith.index_cast %add3A_1092 : i32 to index
          %swap3A_1147 = tpu.vector_load %arg15[%swap3A_1146] {strides = array<i32>} : memref<4096xi32, #tpu.memory_space<vmem>>, vector<16xi32>,
          tpu.vector_store %arg15[%swap3A_1146], %shift_left3A_1145 {strides = array<i32>} : memref<4096xi32, #tpu.memory_space<vmem>>, vector<16xi32>,
          %swap3A_1148 = arith.index_cast %add3A_1092 : i32 to index
          %swap3A_1149 = tpu.vector_load %arg16[%swap3A_1148] {strides = array<i32>} : memref<4096xf32, #tpu.memory_space<vmem>>, vector<16xf32>,
          tpu.vector_store %arg16[%swap3A_1148], %mul3A_1090 {strides = array<i32>} : memref<4096xf32, #tpu.memory_space<vmem>>, vector<16xf32>,
          %add3A_1150 = arith.addi %min3A_771, %mul3A_782 : vector<16xi32>
          %add3A_1151 = arith.addi %add3A_1150, %mul3A_789 : vector<16xi32>
          %mul3A_1152 = arith.mulf %mul3A_769, %sub3A_763 : vector<16xf32>
          %add3A_1153 = arith.constant 3072 : i32
          %add3A_1154 = arith.addi %add3A_1153, %mul3A_692 : i32
          %shift_right_logical3A_1155 = arith.constant 2 : i32
          %shift_right_logical3A_1156 = vector.broadcast %shift_right_logical3A_1155 : i32 to vector<16xi32>
          %shift_right_logical3A_1157 = arith.shrui %add3A_1151, %shift_right_logical3A_1156 : vector<16xi32>
          %add3A_1158 = arith.addi %shift_right_logical3A_1157, %gather3A_35 : vector<16xi32>
          %jit3A_1159 = arith.constant 128 : i32
          %div3A_1160 = arith.divsi %add3A_1154, %jit3A_1159 : i32
          %sign3A_1161 = arith.constant 0 : i32
          %sign3A_1162 = arith.cmpi sgt, %add3A_1154, %sign3A_1161 : i32
          %sign3A_1163 = arith.extui %sign3A_1162 : i1 to i32
          %sign3A_1164 = arith.constant 0 : i32
          %sign3A_1165 = arith.cmpi slt, %add3A_1154, %sign3A_1164 : i32
          %sign3A_1166 = arith.extui %sign3A_1165 : i1 to i32
          %sign3A_1167 = arith.subi %sign3A_1163, %sign3A_1166 : i32
          %sign3A_1168 = arith.constant 0 : i32
          %sign3A_1169 = arith.cmpi sgt, %jit3A_1159, %sign3A_1168 : i32
          %sign3A_1170 = arith.extui %sign3A_1169 : i1 to i32
          %sign3A_1171 = arith.constant 0 : i32
          %sign3A_1172 = arith.cmpi slt, %jit3A_1159, %sign3A_1171 : i32
          %sign3A_1173 = arith.extui %sign3A_1172 : i1 to i32
          %sign3A_1174 = arith.subi %sign3A_1170, %sign3A_1173 : i32
          %ne3A_1175 = arith.cmpi ne, %sign3A_1167, %sign3A_1174 : i32
          %rem3A_1176 = arith.remsi %add3A_1154, %jit3A_1159 : i32
          %ne3A_1177 = arith.constant 0 : i32
          %ne3A_1178 = arith.cmpi ne, %rem3A_1176, %ne3A_1177 : i32
          %and3A_1179 = arith.andi %ne3A_1175, %ne3A_1178 : i1
          %sub3A_1180 = arith.constant 1 : i32
          %sub3A_1181 = arith.subi %div3A_1160, %sub3A_1180 : i32
          %select_n3A_1182 = arith.select %and3A_1179, %sub3A_1181, %div3A_1160 : i32
          %jit3A_1183 = arith.constant 128 : i32
          %eq3A_1184 = arith.constant 0 : i32
          %eq3A_1185 = arith.cmpi eq, %jit3A_1183, %eq3A_1184 : i32
          %jit3A_1186 = arith.constant 1 : i32
          %select_n3A_1187 = arith.select %eq3A_1185, %jit3A_1186, %jit3A_1183 : i32
          %rem3A_1188 = arith.remsi %add3A_1154, %select_n3A_1187 : i32
          %ne3A_1189 = arith.constant 0 : i32
          %ne3A_1190 = arith.cmpi ne, %rem3A_1188, %ne3A_1189 : i32
          %lt3A_1191 = arith.constant 0 : i32
          %lt3A_1192 = arith.cmpi slt, %rem3A_1188, %lt3A_1191 : i32
          %lt3A_1193 = arith.constant 0 : i32
          %lt3A_1194 = arith.cmpi slt, %select_n3A_1187, %lt3A_1193 : i32
          %ne3A_1195 = arith.xori %lt3A_1192, %lt3A_1194 : i1
          %and3A_1196 = arith.andi %ne3A_1195, %ne3A_1190 : i1
          %add3A_1197 = arith.addi %rem3A_1188, %select_n3A_1187 : i32
          %select_n3A_1198 = arith.select %and3A_1196, %add3A_1197, %rem3A_1188 : i32
          %swap3A_1199 = arith.index_cast %select_n3A_1182 : i32 to index
          %swap3A_1200 = arith.index_cast %select_n3A_1198 : i32 to index
          %swap3A_1201 = tpu.vector_load %arg14[%swap3A_1199, %swap3A_1200] {strides = array<i32>} : memref<32x128xi32, #tpu.memory_space<vmem>>, vector<16xi32>,
          tpu.vector_store %arg14[%swap3A_1199, %swap3A_1200], %add3A_1158 {strides = array<i32>} : memref<32x128xi32, #tpu.memory_space<vmem>>, vector<16xi32>,
          %and3A_1202 = arith.constant 3 : i32
          %and3A_1203 = vector.broadcast %and3A_1202 : i32 to vector<16xi32>
          %and3A_1204 = arith.andi %add3A_1151, %and3A_1203 : vector<16xi32>
          %shift_left3A_1205 = arith.constant 1 : i32
          %shift_left3A_1206 = vector.broadcast %shift_left3A_1205 : i32 to vector<16xi32>
          %shift_left3A_1207 = arith.shli %and3A_1204, %shift_left3A_1206 : vector<16xi32>
          %swap3A_1208 = arith.index_cast %add3A_1154 : i32 to index
          %swap3A_1209 = tpu.vector_load %arg15[%swap3A_1208] {strides = array<i32>} : memref<4096xi32, #tpu.memory_space<vmem>>, vector<16xi32>,
          tpu.vector_store %arg15[%swap3A_1208], %shift_left3A_1207 {strides = array<i32>} : memref<4096xi32, #tpu.memory_space<vmem>>, vector<16xi32>,
          %swap3A_1210 = arith.index_cast %add3A_1154 : i32 to index
          %swap3A_1211 = tpu.vector_load %arg16[%swap3A_1210] {strides = array<i32>} : memref<4096xf32, #tpu.memory_space<vmem>>, vector<16xf32>,
          tpu.vector_store %arg16[%swap3A_1210], %mul3A_1152 {strides = array<i32>} : memref<4096xf32, #tpu.memory_space<vmem>>, vector<16xf32>,
          %add3A_1212 = arith.addi %min3A_775, %mul3A_782 : vector<16xi32>
          %add3A_1213 = arith.addi %add3A_1212, %mul3A_789 : vector<16xi32>
          %mul3A_1214 = arith.mulf %mul3A_770, %sub3A_763 : vector<16xf32>
          %add3A_1215 = arith.constant 3584 : i32
          %add3A_1216 = arith.addi %add3A_1215, %mul3A_692 : i32
          %shift_right_logical3A_1217 = arith.constant 2 : i32
          %shift_right_logical3A_1218 = vector.broadcast %shift_right_logical3A_1217 : i32 to vector<16xi32>
          %shift_right_logical3A_1219 = arith.shrui %add3A_1213, %shift_right_logical3A_1218 : vector<16xi32>
          %add3A_1220 = arith.addi %shift_right_logical3A_1219, %gather3A_35 : vector<16xi32>
          %jit3A_1221 = arith.constant 128 : i32
          %div3A_1222 = arith.divsi %add3A_1216, %jit3A_1221 : i32
          %sign3A_1223 = arith.constant 0 : i32
          %sign3A_1224 = arith.cmpi sgt, %add3A_1216, %sign3A_1223 : i32
          %sign3A_1225 = arith.extui %sign3A_1224 : i1 to i32
          %sign3A_1226 = arith.constant 0 : i32
          %sign3A_1227 = arith.cmpi slt, %add3A_1216, %sign3A_1226 : i32
          %sign3A_1228 = arith.extui %sign3A_1227 : i1 to i32
          %sign3A_1229 = arith.subi %sign3A_1225, %sign3A_1228 : i32
          %sign3A_1230 = arith.constant 0 : i32
          %sign3A_1231 = arith.cmpi sgt, %jit3A_1221, %sign3A_1230 : i32
          %sign3A_1232 = arith.extui %sign3A_1231 : i1 to i32
          %sign3A_1233 = arith.constant 0 : i32
          %sign3A_1234 = arith.cmpi slt, %jit3A_1221, %sign3A_1233 : i32
          %sign3A_1235 = arith.extui %sign3A_1234 : i1 to i32
          %sign3A_1236 = arith.subi %sign3A_1232, %sign3A_1235 : i32
          %ne3A_1237 = arith.cmpi ne, %sign3A_1229, %sign3A_1236 : i32
          %rem3A_1238 = arith.remsi %add3A_1216, %jit3A_1221 : i32
          %ne3A_1239 = arith.constant 0 : i32
          %ne3A_1240 = arith.cmpi ne, %rem3A_1238, %ne3A_1239 : i32
          %and3A_1241 = arith.andi %ne3A_1237, %ne3A_1240 : i1
          %sub3A_1242 = arith.constant 1 : i32
          %sub3A_1243 = arith.subi %div3A_1222, %sub3A_1242 : i32
          %select_n3A_1244 = arith.select %and3A_1241, %sub3A_1243, %div3A_1222 : i32
          %jit3A_1245 = arith.constant 128 : i32
          %eq3A_1246 = arith.constant 0 : i32
          %eq3A_1247 = arith.cmpi eq, %jit3A_1245, %eq3A_1246 : i32
          %jit3A_1248 = arith.constant 1 : i32
          %select_n3A_1249 = arith.select %eq3A_1247, %jit3A_1248, %jit3A_1245 : i32
          %rem3A_1250 = arith.remsi %add3A_1216, %select_n3A_1249 : i32
          %ne3A_1251 = arith.constant 0 : i32
          %ne3A_1252 = arith.cmpi ne, %rem3A_1250, %ne3A_1251 : i32
          %lt3A_1253 = arith.constant 0 : i32
          %lt3A_1254 = arith.cmpi slt, %rem3A_1250, %lt3A_1253 : i32
          %lt3A_1255 = arith.constant 0 : i32
          %lt3A_1256 = arith.cmpi slt, %select_n3A_1249, %lt3A_1255 : i32
          %ne3A_1257 = arith.xori %lt3A_1254, %lt3A_1256 : i1
          %and3A_1258 = arith.andi %ne3A_1257, %ne3A_1252 : i1
          %add3A_1259 = arith.addi %rem3A_1250, %select_n3A_1249 : i32
          %select_n3A_1260 = arith.select %and3A_1258, %add3A_1259, %rem3A_1250 : i32
          %swap3A_1261 = arith.index_cast %select_n3A_1244 : i32 to index
          %swap3A_1262 = arith.index_cast %select_n3A_1260 : i32 to index
          %swap3A_1263 = tpu.vector_load %arg14[%swap3A_1261, %swap3A_1262] {strides = array<i32>} : memref<32x128xi32, #tpu.memory_space<vmem>>, vector<16xi32>,
          tpu.vector_store %arg14[%swap3A_1261, %swap3A_1262], %add3A_1220 {strides = array<i32>} : memref<32x128xi32, #tpu.memory_space<vmem>>, vector<16xi32>,
          %and3A_1264 = arith.constant 3 : i32
          %and3A_1265 = vector.broadcast %and3A_1264 : i32 to vector<16xi32>
          %and3A_1266 = arith.andi %add3A_1213, %and3A_1265 : vector<16xi32>
          %shift_left3A_1267 = arith.constant 1 : i32
          %shift_left3A_1268 = vector.broadcast %shift_left3A_1267 : i32 to vector<16xi32>
          %shift_left3A_1269 = arith.shli %and3A_1266, %shift_left3A_1268 : vector<16xi32>
          %swap3A_1270 = arith.index_cast %add3A_1216 : i32 to index
          %swap3A_1271 = tpu.vector_load %arg15[%swap3A_1270] {strides = array<i32>} : memref<4096xi32, #tpu.memory_space<vmem>>, vector<16xi32>,
          tpu.vector_store %arg15[%swap3A_1270], %shift_left3A_1269 {strides = array<i32>} : memref<4096xi32, #tpu.memory_space<vmem>>, vector<16xi32>,
          %swap3A_1272 = arith.index_cast %add3A_1216 : i32 to index
          %swap3A_1273 = tpu.vector_load %arg16[%swap3A_1272] {strides = array<i32>} : memref<4096xf32, #tpu.memory_space<vmem>>, vector<16xf32>,
          tpu.vector_store %arg16[%swap3A_1272], %mul3A_1214 {strides = array<i32>} : memref<4096xf32, #tpu.memory_space<vmem>>, vector<16xf32>,
        }
        %scan3A_42 = arith.constant 32 : i32
        %dma_start3A = arith.constant 0 : i32
        %dma_start3A_43 = arith.constant 0 : i32
        %dma_start3A_44 = arith.constant 0 : i32
        %dma_start3A_45 = tpu.memref_slice %arg17[%dma_start3A_43, %dma_start3A_44] : memref<4096x8xf32, #tpu.memory_space<vmem>> -> memref<128x8xf32, #tpu.memory_space<vmem>>
        %dma_start3A_46 = arith.constant 0 : i32
        %dma_start3A_47 = tpu.memref_slice %arg14[%dma_start3A, %dma_start3A_46] : memref<32x128xi32, #tpu.memory_space<vmem>> -> memref<1x128xi32, #tpu.memory_space<vmem>>
        %dma_start3A_48 = tpu.memref_squeeze %dma_start3A_47 : memref<1x128xi32, #tpu.memory_space<vmem>> -> memref<128xi32, #tpu.memory_space<vmem>>
        %dma_start3A_49 = arith.constant 0 : i32
        %dma_start3A_50 = arith.constant 0 : i32
        %dma_start3A_51 = tpu.memref_slice %arg3[%dma_start3A_49, %dma_start3A_50] : memref<2097152x8xf32, #tpu.memory_space<hbm>> -> memref<2097152x8xf32, #tpu.memory_space<hbm>>
        tpu.enqueue_indirect_dma source(%dma_start3A_51 : memref<2097152x8xf32, #tpu.memory_space<hbm>>) target(%dma_start3A_45 : memref<128x8xf32, #tpu.memory_space<vmem>>) offsets(%dma_start3A_48 : memref<128xi32, #tpu.memory_space<vmem>>) semaphore(%arg19 : memref<!tpu.dma_semaphore, #tpu.memory_space<semaphore_mem>>)
        %dma_start3A_52 = arith.constant 1 : i32
        %dma_start3A_53 = arith.constant 128 : i32
        %dma_start3A_54 = arith.constant 0 : i32
        %dma_start3A_55 = tpu.memref_slice %arg17[%dma_start3A_53, %dma_start3A_54] : memref<4096x8xf32, #tpu.memory_space<vmem>> -> memref<128x8xf32, #tpu.memory_space<vmem>>
        %dma_start3A_56 = arith.constant 0 : i32
        %dma_start3A_57 = tpu.memref_slice %arg14[%dma_start3A_52, %dma_start3A_56] : memref<32x128xi32, #tpu.memory_space<vmem>> -> memref<1x128xi32, #tpu.memory_space<vmem>>
        %dma_start3A_58 = tpu.memref_squeeze %dma_start3A_57 : memref<1x128xi32, #tpu.memory_space<vmem>> -> memref<128xi32, #tpu.memory_space<vmem>>
        %dma_start3A_59 = arith.constant 0 : i32
        %dma_start3A_60 = arith.constant 0 : i32
        %dma_start3A_61 = tpu.memref_slice %arg3[%dma_start3A_59, %dma_start3A_60] : memref<2097152x8xf32, #tpu.memory_space<hbm>> -> memref<2097152x8xf32, #tpu.memory_space<hbm>>
        tpu.enqueue_indirect_dma source(%dma_start3A_61 : memref<2097152x8xf32, #tpu.memory_space<hbm>>) target(%dma_start3A_55 : memref<128x8xf32, #tpu.memory_space<vmem>>) offsets(%dma_start3A_58 : memref<128xi32, #tpu.memory_space<vmem>>) semaphore(%arg19 : memref<!tpu.dma_semaphore, #tpu.memory_space<semaphore_mem>>)
        %dma_start3A_62 = arith.constant 2 : i32
        %dma_start3A_63 = arith.constant 256 : i32
        %dma_start3A_64 = arith.constant 0 : i32
        %dma_start3A_65 = tpu.memref_slice %arg17[%dma_start3A_63, %dma_start3A_64] : memref<4096x8xf32, #tpu.memory_space<vmem>> -> memref<128x8xf32, #tpu.memory_space<vmem>>
        %dma_start3A_66 = arith.constant 0 : i32
        %dma_start3A_67 = tpu.memref_slice %arg14[%dma_start3A_62, %dma_start3A_66] : memref<32x128xi32, #tpu.memory_space<vmem>> -> memref<1x128xi32, #tpu.memory_space<vmem>>
        %dma_start3A_68 = tpu.memref_squeeze %dma_start3A_67 : memref<1x128xi32, #tpu.memory_space<vmem>> -> memref<128xi32, #tpu.memory_space<vmem>>
        %dma_start3A_69 = arith.constant 0 : i32
        %dma_start3A_70 = arith.constant 0 : i32
        %dma_start3A_71 = tpu.memref_slice %arg3[%dma_start3A_69, %dma_start3A_70] : memref<2097152x8xf32, #tpu.memory_space<hbm>> -> memref<2097152x8xf32, #tpu.memory_space<hbm>>
        tpu.enqueue_indirect_dma source(%dma_start3A_71 : memref<2097152x8xf32, #tpu.memory_space<hbm>>) target(%dma_start3A_65 : memref<128x8xf32, #tpu.memory_space<vmem>>) offsets(%dma_start3A_68 : memref<128xi32, #tpu.memory_space<vmem>>) semaphore(%arg19 : memref<!tpu.dma_semaphore, #tpu.memory_space<semaphore_mem>>)
        %dma_start3A_72 = arith.constant 3 : i32
        %dma_start3A_73 = arith.constant 384 : i32
        %dma_start3A_74 = arith.constant 0 : i32
        %dma_start3A_75 = tpu.memref_slice %arg17[%dma_start3A_73, %dma_start3A_74] : memref<4096x8xf32, #tpu.memory_space<vmem>> -> memref<128x8xf32, #tpu.memory_space<vmem>>
        %dma_start3A_76 = arith.constant 0 : i32
        %dma_start3A_77 = tpu.memref_slice %arg14[%dma_start3A_72, %dma_start3A_76] : memref<32x128xi32, #tpu.memory_space<vmem>> -> memref<1x128xi32, #tpu.memory_space<vmem>>
        %dma_start3A_78 = tpu.memref_squeeze %dma_start3A_77 : memref<1x128xi32, #tpu.memory_space<vmem>> -> memref<128xi32, #tpu.memory_space<vmem>>
        %dma_start3A_79 = arith.constant 0 : i32
        %dma_start3A_80 = arith.constant 0 : i32
        %dma_start3A_81 = tpu.memref_slice %arg3[%dma_start3A_79, %dma_start3A_80] : memref<2097152x8xf32, #tpu.memory_space<hbm>> -> memref<2097152x8xf32, #tpu.memory_space<hbm>>
        tpu.enqueue_indirect_dma source(%dma_start3A_81 : memref<2097152x8xf32, #tpu.memory_space<hbm>>) target(%dma_start3A_75 : memref<128x8xf32, #tpu.memory_space<vmem>>) offsets(%dma_start3A_78 : memref<128xi32, #tpu.memory_space<vmem>>) semaphore(%arg19 : memref<!tpu.dma_semaphore, #tpu.memory_space<semaphore_mem>>)
        %dma_start3A_82 = arith.constant 4 : i32
        %dma_start3A_83 = arith.constant 512 : i32
        %dma_start3A_84 = arith.constant 0 : i32
        %dma_start3A_85 = tpu.memref_slice %arg17[%dma_start3A_83, %dma_start3A_84] : memref<4096x8xf32, #tpu.memory_space<vmem>> -> memref<128x8xf32, #tpu.memory_space<vmem>>
        %dma_start3A_86 = arith.constant 0 : i32
        %dma_start3A_87 = tpu.memref_slice %arg14[%dma_start3A_82, %dma_start3A_86] : memref<32x128xi32, #tpu.memory_space<vmem>> -> memref<1x128xi32, #tpu.memory_space<vmem>>
        %dma_start3A_88 = tpu.memref_squeeze %dma_start3A_87 : memref<1x128xi32, #tpu.memory_space<vmem>> -> memref<128xi32, #tpu.memory_space<vmem>>
        %dma_start3A_89 = arith.constant 0 : i32
        %dma_start3A_90 = arith.constant 0 : i32
        %dma_start3A_91 = tpu.memref_slice %arg3[%dma_start3A_89, %dma_start3A_90] : memref<2097152x8xf32, #tpu.memory_space<hbm>> -> memref<2097152x8xf32, #tpu.memory_space<hbm>>
        tpu.enqueue_indirect_dma source(%dma_start3A_91 : memref<2097152x8xf32, #tpu.memory_space<hbm>>) target(%dma_start3A_85 : memref<128x8xf32, #tpu.memory_space<vmem>>) offsets(%dma_start3A_88 : memref<128xi32, #tpu.memory_space<vmem>>) semaphore(%arg19 : memref<!tpu.dma_semaphore, #tpu.memory_space<semaphore_mem>>)
        %dma_start3A_92 = arith.constant 5 : i32
        %dma_start3A_93 = arith.constant 640 : i32
        %dma_start3A_94 = arith.constant 0 : i32
        %dma_start3A_95 = tpu.memref_slice %arg17[%dma_start3A_93, %dma_start3A_94] : memref<4096x8xf32, #tpu.memory_space<vmem>> -> memref<128x8xf32, #tpu.memory_space<vmem>>
        %dma_start3A_96 = arith.constant 0 : i32
        %dma_start3A_97 = tpu.memref_slice %arg14[%dma_start3A_92, %dma_start3A_96] : memref<32x128xi32, #tpu.memory_space<vmem>> -> memref<1x128xi32, #tpu.memory_space<vmem>>
        %dma_start3A_98 = tpu.memref_squeeze %dma_start3A_97 : memref<1x128xi32, #tpu.memory_space<vmem>> -> memref<128xi32, #tpu.memory_space<vmem>>
        %dma_start3A_99 = arith.constant 0 : i32
        %dma_start3A_100 = arith.constant 0 : i32
        %dma_start3A_101 = tpu.memref_slice %arg3[%dma_start3A_99, %dma_start3A_100] : memref<2097152x8xf32, #tpu.memory_space<hbm>> -> memref<2097152x8xf32, #tpu.memory_space<hbm>>
        tpu.enqueue_indirect_dma source(%dma_start3A_101 : memref<2097152x8xf32, #tpu.memory_space<hbm>>) target(%dma_start3A_95 : memref<128x8xf32, #tpu.memory_space<vmem>>) offsets(%dma_start3A_98 : memref<128xi32, #tpu.memory_space<vmem>>) semaphore(%arg19 : memref<!tpu.dma_semaphore, #tpu.memory_space<semaphore_mem>>)
        %dma_start3A_102 = arith.constant 6 : i32
        %dma_start3A_103 = arith.constant 768 : i32
        %dma_start3A_104 = arith.constant 0 : i32
        %dma_start3A_105 = tpu.memref_slice %arg17[%dma_start3A_103, %dma_start3A_104] : memref<4096x8xf32, #tpu.memory_space<vmem>> -> memref<128x8xf32, #tpu.memory_space<vmem>>
        %dma_start3A_106 = arith.constant 0 : i32
        %dma_start3A_107 = tpu.memref_slice %arg14[%dma_start3A_102, %dma_start3A_106] : memref<32x128xi32, #tpu.memory_space<vmem>> -> memref<1x128xi32, #tpu.memory_space<vmem>>
        %dma_start3A_108 = tpu.memref_squeeze %dma_start3A_107 : memref<1x128xi32, #tpu.memory_space<vmem>> -> memref<128xi32, #tpu.memory_space<vmem>>
        %dma_start3A_109 = arith.constant 0 : i32
        %dma_start3A_110 = arith.constant 0 : i32
        %dma_start3A_111 = tpu.memref_slice %arg3[%dma_start3A_109, %dma_start3A_110] : memref<2097152x8xf32, #tpu.memory_space<hbm>> -> memref<2097152x8xf32, #tpu.memory_space<hbm>>
        tpu.enqueue_indirect_dma source(%dma_start3A_111 : memref<2097152x8xf32, #tpu.memory_space<hbm>>) target(%dma_start3A_105 : memref<128x8xf32, #tpu.memory_space<vmem>>) offsets(%dma_start3A_108 : memref<128xi32, #tpu.memory_space<vmem>>) semaphore(%arg19 : memref<!tpu.dma_semaphore, #tpu.memory_space<semaphore_mem>>)
        %dma_start3A_112 = arith.constant 7 : i32
        %dma_start3A_113 = arith.constant 896 : i32
        %dma_start3A_114 = arith.constant 0 : i32
        %dma_start3A_115 = tpu.memref_slice %arg17[%dma_start3A_113, %dma_start3A_114] : memref<4096x8xf32, #tpu.memory_space<vmem>> -> memref<128x8xf32, #tpu.memory_space<vmem>>
        %dma_start3A_116 = arith.constant 0 : i32
        %dma_start3A_117 = tpu.memref_slice %arg14[%dma_start3A_112, %dma_start3A_116] : memref<32x128xi32, #tpu.memory_space<vmem>> -> memref<1x128xi32, #tpu.memory_space<vmem>>
        %dma_start3A_118 = tpu.memref_squeeze %dma_start3A_117 : memref<1x128xi32, #tpu.memory_space<vmem>> -> memref<128xi32, #tpu.memory_space<vmem>>
        %dma_start3A_119 = arith.constant 0 : i32
        %dma_start3A_120 = arith.constant 0 : i32
        %dma_start3A_121 = tpu.memref_slice %arg3[%dma_start3A_119, %dma_start3A_120] : memref<2097152x8xf32, #tpu.memory_space<hbm>> -> memref<2097152x8xf32, #tpu.memory_space<hbm>>
        tpu.enqueue_indirect_dma source(%dma_start3A_121 : memref<2097152x8xf32, #tpu.memory_space<hbm>>) target(%dma_start3A_115 : memref<128x8xf32, #tpu.memory_space<vmem>>) offsets(%dma_start3A_118 : memref<128xi32, #tpu.memory_space<vmem>>) semaphore(%arg19 : memref<!tpu.dma_semaphore, #tpu.memory_space<semaphore_mem>>)
        %dma_start3A_122 = arith.constant 8 : i32
        %dma_start3A_123 = arith.constant 1024 : i32
        %dma_start3A_124 = arith.constant 0 : i32
        %dma_start3A_125 = tpu.memref_slice %arg17[%dma_start3A_123, %dma_start3A_124] : memref<4096x8xf32, #tpu.memory_space<vmem>> -> memref<128x8xf32, #tpu.memory_space<vmem>>
        %dma_start3A_126 = arith.constant 0 : i32
        %dma_start3A_127 = tpu.memref_slice %arg14[%dma_start3A_122, %dma_start3A_126] : memref<32x128xi32, #tpu.memory_space<vmem>> -> memref<1x128xi32, #tpu.memory_space<vmem>>
        %dma_start3A_128 = tpu.memref_squeeze %dma_start3A_127 : memref<1x128xi32, #tpu.memory_space<vmem>> -> memref<128xi32, #tpu.memory_space<vmem>>
        %dma_start3A_129 = arith.constant 0 : i32
        %dma_start3A_130 = arith.constant 0 : i32
        %dma_start3A_131 = tpu.memref_slice %arg3[%dma_start3A_129, %dma_start3A_130] : memref<2097152x8xf32, #tpu.memory_space<hbm>> -> memref<2097152x8xf32, #tpu.memory_space<hbm>>
        tpu.enqueue_indirect_dma source(%dma_start3A_131 : memref<2097152x8xf32, #tpu.memory_space<hbm>>) target(%dma_start3A_125 : memref<128x8xf32, #tpu.memory_space<vmem>>) offsets(%dma_start3A_128 : memref<128xi32, #tpu.memory_space<vmem>>) semaphore(%arg19 : memref<!tpu.dma_semaphore, #tpu.memory_space<semaphore_mem>>)
        %dma_start3A_132 = arith.constant 9 : i32
        %dma_start3A_133 = arith.constant 1152 : i32
        %dma_start3A_134 = arith.constant 0 : i32
        %dma_start3A_135 = tpu.memref_slice %arg17[%dma_start3A_133, %dma_start3A_134] : memref<4096x8xf32, #tpu.memory_space<vmem>> -> memref<128x8xf32, #tpu.memory_space<vmem>>
        %dma_start3A_136 = arith.constant 0 : i32
        %dma_start3A_137 = tpu.memref_slice %arg14[%dma_start3A_132, %dma_start3A_136] : memref<32x128xi32, #tpu.memory_space<vmem>> -> memref<1x128xi32, #tpu.memory_space<vmem>>
        %dma_start3A_138 = tpu.memref_squeeze %dma_start3A_137 : memref<1x128xi32, #tpu.memory_space<vmem>> -> memref<128xi32, #tpu.memory_space<vmem>>
        %dma_start3A_139 = arith.constant 0 : i32
        %dma_start3A_140 = arith.constant 0 : i32
        %dma_start3A_141 = tpu.memref_slice %arg3[%dma_start3A_139, %dma_start3A_140] : memref<2097152x8xf32, #tpu.memory_space<hbm>> -> memref<2097152x8xf32, #tpu.memory_space<hbm>>
        tpu.enqueue_indirect_dma source(%dma_start3A_141 : memref<2097152x8xf32, #tpu.memory_space<hbm>>) target(%dma_start3A_135 : memref<128x8xf32, #tpu.memory_space<vmem>>) offsets(%dma_start3A_138 : memref<128xi32, #tpu.memory_space<vmem>>) semaphore(%arg19 : memref<!tpu.dma_semaphore, #tpu.memory_space<semaphore_mem>>)
        %dma_start3A_142 = arith.constant 10 : i32
        %dma_start3A_143 = arith.constant 1280 : i32
        %dma_start3A_144 = arith.constant 0 : i32
        %dma_start3A_145 = tpu.memref_slice %arg17[%dma_start3A_143, %dma_start3A_144] : memref<4096x8xf32, #tpu.memory_space<vmem>> -> memref<128x8xf32, #tpu.memory_space<vmem>>
        %dma_start3A_146 = arith.constant 0 : i32
        %dma_start3A_147 = tpu.memref_slice %arg14[%dma_start3A_142, %dma_start3A_146] : memref<32x128xi32, #tpu.memory_space<vmem>> -> memref<1x128xi32, #tpu.memory_space<vmem>>
        %dma_start3A_148 = tpu.memref_squeeze %dma_start3A_147 : memref<1x128xi32, #tpu.memory_space<vmem>> -> memref<128xi32, #tpu.memory_space<vmem>>
        %dma_start3A_149 = arith.constant 0 : i32
        %dma_start3A_150 = arith.constant 0 : i32
        %dma_start3A_151 = tpu.memref_slice %arg3[%dma_start3A_149, %dma_start3A_150] : memref<2097152x8xf32, #tpu.memory_space<hbm>> -> memref<2097152x8xf32, #tpu.memory_space<hbm>>
        tpu.enqueue_indirect_dma source(%dma_start3A_151 : memref<2097152x8xf32, #tpu.memory_space<hbm>>) target(%dma_start3A_145 : memref<128x8xf32, #tpu.memory_space<vmem>>) offsets(%dma_start3A_148 : memref<128xi32, #tpu.memory_space<vmem>>) semaphore(%arg19 : memref<!tpu.dma_semaphore, #tpu.memory_space<semaphore_mem>>)
        %dma_start3A_152 = arith.constant 11 : i32
        %dma_start3A_153 = arith.constant 1408 : i32
        %dma_start3A_154 = arith.constant 0 : i32
        %dma_start3A_155 = tpu.memref_slice %arg17[%dma_start3A_153, %dma_start3A_154] : memref<4096x8xf32, #tpu.memory_space<vmem>> -> memref<128x8xf32, #tpu.memory_space<vmem>>
        %dma_start3A_156 = arith.constant 0 : i32
        %dma_start3A_157 = tpu.memref_slice %arg14[%dma_start3A_152, %dma_start3A_156] : memref<32x128xi32, #tpu.memory_space<vmem>> -> memref<1x128xi32, #tpu.memory_space<vmem>>
        %dma_start3A_158 = tpu.memref_squeeze %dma_start3A_157 : memref<1x128xi32, #tpu.memory_space<vmem>> -> memref<128xi32, #tpu.memory_space<vmem>>
        %dma_start3A_159 = arith.constant 0 : i32
        %dma_start3A_160 = arith.constant 0 : i32
        %dma_start3A_161 = tpu.memref_slice %arg3[%dma_start3A_159, %dma_start3A_160] : memref<2097152x8xf32, #tpu.memory_space<hbm>> -> memref<2097152x8xf32, #tpu.memory_space<hbm>>
        tpu.enqueue_indirect_dma source(%dma_start3A_161 : memref<2097152x8xf32, #tpu.memory_space<hbm>>) target(%dma_start3A_155 : memref<128x8xf32, #tpu.memory_space<vmem>>) offsets(%dma_start3A_158 : memref<128xi32, #tpu.memory_space<vmem>>) semaphore(%arg19 : memref<!tpu.dma_semaphore, #tpu.memory_space<semaphore_mem>>)
        %dma_start3A_162 = arith.constant 12 : i32
        %dma_start3A_163 = arith.constant 1536 : i32
        %dma_start3A_164 = arith.constant 0 : i32
        %dma_start3A_165 = tpu.memref_slice %arg17[%dma_start3A_163, %dma_start3A_164] : memref<4096x8xf32, #tpu.memory_space<vmem>> -> memref<128x8xf32, #tpu.memory_space<vmem>>
        %dma_start3A_166 = arith.constant 0 : i32
        %dma_start3A_167 = tpu.memref_slice %arg14[%dma_start3A_162, %dma_start3A_166] : memref<32x128xi32, #tpu.memory_space<vmem>> -> memref<1x128xi32, #tpu.memory_space<vmem>>
        %dma_start3A_168 = tpu.memref_squeeze %dma_start3A_167 : memref<1x128xi32, #tpu.memory_space<vmem>> -> memref<128xi32, #tpu.memory_space<vmem>>
        %dma_start3A_169 = arith.constant 0 : i32
        %dma_start3A_170 = arith.constant 0 : i32
        %dma_start3A_171 = tpu.memref_slice %arg3[%dma_start3A_169, %dma_start3A_170] : memref<2097152x8xf32, #tpu.memory_space<hbm>> -> memref<2097152x8xf32, #tpu.memory_space<hbm>>
        tpu.enqueue_indirect_dma source(%dma_start3A_171 : memref<2097152x8xf32, #tpu.memory_space<hbm>>) target(%dma_start3A_165 : memref<128x8xf32, #tpu.memory_space<vmem>>) offsets(%dma_start3A_168 : memref<128xi32, #tpu.memory_space<vmem>>) semaphore(%arg19 : memref<!tpu.dma_semaphore, #tpu.memory_space<semaphore_mem>>)
        %dma_start3A_172 = arith.constant 13 : i32
        %dma_start3A_173 = arith.constant 1664 : i32
        %dma_start3A_174 = arith.constant 0 : i32
        %dma_start3A_175 = tpu.memref_slice %arg17[%dma_start3A_173, %dma_start3A_174] : memref<4096x8xf32, #tpu.memory_space<vmem>> -> memref<128x8xf32, #tpu.memory_space<vmem>>
        %dma_start3A_176 = arith.constant 0 : i32
        %dma_start3A_177 = tpu.memref_slice %arg14[%dma_start3A_172, %dma_start3A_176] : memref<32x128xi32, #tpu.memory_space<vmem>> -> memref<1x128xi32, #tpu.memory_space<vmem>>
        %dma_start3A_178 = tpu.memref_squeeze %dma_start3A_177 : memref<1x128xi32, #tpu.memory_space<vmem>> -> memref<128xi32, #tpu.memory_space<vmem>>
        %dma_start3A_179 = arith.constant 0 : i32
        %dma_start3A_180 = arith.constant 0 : i32
        %dma_start3A_181 = tpu.memref_slice %arg3[%dma_start3A_179, %dma_start3A_180] : memref<2097152x8xf32, #tpu.memory_space<hbm>> -> memref<2097152x8xf32, #tpu.memory_space<hbm>>
        tpu.enqueue_indirect_dma source(%dma_start3A_181 : memref<2097152x8xf32, #tpu.memory_space<hbm>>) target(%dma_start3A_175 : memref<128x8xf32, #tpu.memory_space<vmem>>) offsets(%dma_start3A_178 : memref<128xi32, #tpu.memory_space<vmem>>) semaphore(%arg19 : memref<!tpu.dma_semaphore, #tpu.memory_space<semaphore_mem>>)
        %dma_start3A_182 = arith.constant 14 : i32
        %dma_start3A_183 = arith.constant 1792 : i32
        %dma_start3A_184 = arith.constant 0 : i32
        %dma_start3A_185 = tpu.memref_slice %arg17[%dma_start3A_183, %dma_start3A_184] : memref<4096x8xf32, #tpu.memory_space<vmem>> -> memref<128x8xf32, #tpu.memory_space<vmem>>
        %dma_start3A_186 = arith.constant 0 : i32
        %dma_start3A_187 = tpu.memref_slice %arg14[%dma_start3A_182, %dma_start3A_186] : memref<32x128xi32, #tpu.memory_space<vmem>> -> memref<1x128xi32, #tpu.memory_space<vmem>>
        %dma_start3A_188 = tpu.memref_squeeze %dma_start3A_187 : memref<1x128xi32, #tpu.memory_space<vmem>> -> memref<128xi32, #tpu.memory_space<vmem>>
        %dma_start3A_189 = arith.constant 0 : i32
        %dma_start3A_190 = arith.constant 0 : i32
        %dma_start3A_191 = tpu.memref_slice %arg3[%dma_start3A_189, %dma_start3A_190] : memref<2097152x8xf32, #tpu.memory_space<hbm>> -> memref<2097152x8xf32, #tpu.memory_space<hbm>>
        tpu.enqueue_indirect_dma source(%dma_start3A_191 : memref<2097152x8xf32, #tpu.memory_space<hbm>>) target(%dma_start3A_185 : memref<128x8xf32, #tpu.memory_space<vmem>>) offsets(%dma_start3A_188 : memref<128xi32, #tpu.memory_space<vmem>>) semaphore(%arg19 : memref<!tpu.dma_semaphore, #tpu.memory_space<semaphore_mem>>)
        %dma_start3A_192 = arith.constant 15 : i32
        %dma_start3A_193 = arith.constant 1920 : i32
        %dma_start3A_194 = arith.constant 0 : i32
        %dma_start3A_195 = tpu.memref_slice %arg17[%dma_start3A_193, %dma_start3A_194] : memref<4096x8xf32, #tpu.memory_space<vmem>> -> memref<128x8xf32, #tpu.memory_space<vmem>>
        %dma_start3A_196 = arith.constant 0 : i32
        %dma_start3A_197 = tpu.memref_slice %arg14[%dma_start3A_192, %dma_start3A_196] : memref<32x128xi32, #tpu.memory_space<vmem>> -> memref<1x128xi32, #tpu.memory_space<vmem>>
        %dma_start3A_198 = tpu.memref_squeeze %dma_start3A_197 : memref<1x128xi32, #tpu.memory_space<vmem>> -> memref<128xi32, #tpu.memory_space<vmem>>
        %dma_start3A_199 = arith.constant 0 : i32
        %dma_start3A_200 = arith.constant 0 : i32
        %dma_start3A_201 = tpu.memref_slice %arg3[%dma_start3A_199, %dma_start3A_200] : memref<2097152x8xf32, #tpu.memory_space<hbm>> -> memref<2097152x8xf32, #tpu.memory_space<hbm>>
        tpu.enqueue_indirect_dma source(%dma_start3A_201 : memref<2097152x8xf32, #tpu.memory_space<hbm>>) target(%dma_start3A_195 : memref<128x8xf32, #tpu.memory_space<vmem>>) offsets(%dma_start3A_198 : memref<128xi32, #tpu.memory_space<vmem>>) semaphore(%arg19 : memref<!tpu.dma_semaphore, #tpu.memory_space<semaphore_mem>>)
        %dma_start3A_202 = arith.constant 16 : i32
        %dma_start3A_203 = arith.constant 2048 : i32
        %dma_start3A_204 = arith.constant 0 : i32
        %dma_start3A_205 = tpu.memref_slice %arg17[%dma_start3A_203, %dma_start3A_204] : memref<4096x8xf32, #tpu.memory_space<vmem>> -> memref<128x8xf32, #tpu.memory_space<vmem>>
        %dma_start3A_206 = arith.constant 0 : i32
        %dma_start3A_207 = tpu.memref_slice %arg14[%dma_start3A_202, %dma_start3A_206] : memref<32x128xi32, #tpu.memory_space<vmem>> -> memref<1x128xi32, #tpu.memory_space<vmem>>
        %dma_start3A_208 = tpu.memref_squeeze %dma_start3A_207 : memref<1x128xi32, #tpu.memory_space<vmem>> -> memref<128xi32, #tpu.memory_space<vmem>>
        %dma_start3A_209 = arith.constant 0 : i32
        %dma_start3A_210 = arith.constant 0 : i32
        %dma_start3A_211 = tpu.memref_slice %arg3[%dma_start3A_209, %dma_start3A_210] : memref<2097152x8xf32, #tpu.memory_space<hbm>> -> memref<2097152x8xf32, #tpu.memory_space<hbm>>
        tpu.enqueue_indirect_dma source(%dma_start3A_211 : memref<2097152x8xf32, #tpu.memory_space<hbm>>) target(%dma_start3A_205 : memref<128x8xf32, #tpu.memory_space<vmem>>) offsets(%dma_start3A_208 : memref<128xi32, #tpu.memory_space<vmem>>) semaphore(%arg19 : memref<!tpu.dma_semaphore, #tpu.memory_space<semaphore_mem>>)
        %dma_start3A_212 = arith.constant 17 : i32
        %dma_start3A_213 = arith.constant 2176 : i32
        %dma_start3A_214 = arith.constant 0 : i32
        %dma_start3A_215 = tpu.memref_slice %arg17[%dma_start3A_213, %dma_start3A_214] : memref<4096x8xf32, #tpu.memory_space<vmem>> -> memref<128x8xf32, #tpu.memory_space<vmem>>
        %dma_start3A_216 = arith.constant 0 : i32
        %dma_start3A_217 = tpu.memref_slice %arg14[%dma_start3A_212, %dma_start3A_216] : memref<32x128xi32, #tpu.memory_space<vmem>> -> memref<1x128xi32, #tpu.memory_space<vmem>>
        %dma_start3A_218 = tpu.memref_squeeze %dma_start3A_217 : memref<1x128xi32, #tpu.memory_space<vmem>> -> memref<128xi32, #tpu.memory_space<vmem>>
        %dma_start3A_219 = arith.constant 0 : i32
        %dma_start3A_220 = arith.constant 0 : i32
        %dma_start3A_221 = tpu.memref_slice %arg3[%dma_start3A_219, %dma_start3A_220] : memref<2097152x8xf32, #tpu.memory_space<hbm>> -> memref<2097152x8xf32, #tpu.memory_space<hbm>>
        tpu.enqueue_indirect_dma source(%dma_start3A_221 : memref<2097152x8xf32, #tpu.memory_space<hbm>>) target(%dma_start3A_215 : memref<128x8xf32, #tpu.memory_space<vmem>>) offsets(%dma_start3A_218 : memref<128xi32, #tpu.memory_space<vmem>>) semaphore(%arg19 : memref<!tpu.dma_semaphore, #tpu.memory_space<semaphore_mem>>)
        %dma_start3A_222 = arith.constant 18 : i32
        %dma_start3A_223 = arith.constant 2304 : i32
        %dma_start3A_224 = arith.constant 0 : i32
        %dma_start3A_225 = tpu.memref_slice %arg17[%dma_start3A_223, %dma_start3A_224] : memref<4096x8xf32, #tpu.memory_space<vmem>> -> memref<128x8xf32, #tpu.memory_space<vmem>>
        %dma_start3A_226 = arith.constant 0 : i32
        %dma_start3A_227 = tpu.memref_slice %arg14[%dma_start3A_222, %dma_start3A_226] : memref<32x128xi32, #tpu.memory_space<vmem>> -> memref<1x128xi32, #tpu.memory_space<vmem>>
        %dma_start3A_228 = tpu.memref_squeeze %dma_start3A_227 : memref<1x128xi32, #tpu.memory_space<vmem>> -> memref<128xi32, #tpu.memory_space<vmem>>
        %dma_start3A_229 = arith.constant 0 : i32
        %dma_start3A_230 = arith.constant 0 : i32
        %dma_start3A_231 = tpu.memref_slice %arg3[%dma_start3A_229, %dma_start3A_230] : memref<2097152x8xf32, #tpu.memory_space<hbm>> -> memref<2097152x8xf32, #tpu.memory_space<hbm>>
        tpu.enqueue_indirect_dma source(%dma_start3A_231 : memref<2097152x8xf32, #tpu.memory_space<hbm>>) target(%dma_start3A_225 : memref<128x8xf32, #tpu.memory_space<vmem>>) offsets(%dma_start3A_228 : memref<128xi32, #tpu.memory_space<vmem>>) semaphore(%arg19 : memref<!tpu.dma_semaphore, #tpu.memory_space<semaphore_mem>>)
        %dma_start3A_232 = arith.constant 19 : i32
        %dma_start3A_233 = arith.constant 2432 : i32
        %dma_start3A_234 = arith.constant 0 : i32
        %dma_start3A_235 = tpu.memref_slice %arg17[%dma_start3A_233, %dma_start3A_234] : memref<4096x8xf32, #tpu.memory_space<vmem>> -> memref<128x8xf32, #tpu.memory_space<vmem>>
        %dma_start3A_236 = arith.constant 0 : i32
        %dma_start3A_237 = tpu.memref_slice %arg14[%dma_start3A_232, %dma_start3A_236] : memref<32x128xi32, #tpu.memory_space<vmem>> -> memref<1x128xi32, #tpu.memory_space<vmem>>
        %dma_start3A_238 = tpu.memref_squeeze %dma_start3A_237 : memref<1x128xi32, #tpu.memory_space<vmem>> -> memref<128xi32, #tpu.memory_space<vmem>>
        %dma_start3A_239 = arith.constant 0 : i32
        %dma_start3A_240 = arith.constant 0 : i32
        %dma_start3A_241 = tpu.memref_slice %arg3[%dma_start3A_239, %dma_start3A_240] : memref<2097152x8xf32, #tpu.memory_space<hbm>> -> memref<2097152x8xf32, #tpu.memory_space<hbm>>
        tpu.enqueue_indirect_dma source(%dma_start3A_241 : memref<2097152x8xf32, #tpu.memory_space<hbm>>) target(%dma_start3A_235 : memref<128x8xf32, #tpu.memory_space<vmem>>) offsets(%dma_start3A_238 : memref<128xi32, #tpu.memory_space<vmem>>) semaphore(%arg19 : memref<!tpu.dma_semaphore, #tpu.memory_space<semaphore_mem>>)
        %dma_start3A_242 = arith.constant 20 : i32
        %dma_start3A_243 = arith.constant 2560 : i32
        %dma_start3A_244 = arith.constant 0 : i32
        %dma_start3A_245 = tpu.memref_slice %arg17[%dma_start3A_243, %dma_start3A_244] : memref<4096x8xf32, #tpu.memory_space<vmem>> -> memref<128x8xf32, #tpu.memory_space<vmem>>
        %dma_start3A_246 = arith.constant 0 : i32
        %dma_start3A_247 = tpu.memref_slice %arg14[%dma_start3A_242, %dma_start3A_246] : memref<32x128xi32, #tpu.memory_space<vmem>> -> memref<1x128xi32, #tpu.memory_space<vmem>>
        %dma_start3A_248 = tpu.memref_squeeze %dma_start3A_247 : memref<1x128xi32, #tpu.memory_space<vmem>> -> memref<128xi32, #tpu.memory_space<vmem>>
        %dma_start3A_249 = arith.constant 0 : i32
        %dma_start3A_250 = arith.constant 0 : i32
        %dma_start3A_251 = tpu.memref_slice %arg3[%dma_start3A_249, %dma_start3A_250] : memref<2097152x8xf32, #tpu.memory_space<hbm>> -> memref<2097152x8xf32, #tpu.memory_space<hbm>>
        tpu.enqueue_indirect_dma source(%dma_start3A_251 : memref<2097152x8xf32, #tpu.memory_space<hbm>>) target(%dma_start3A_245 : memref<128x8xf32, #tpu.memory_space<vmem>>) offsets(%dma_start3A_248 : memref<128xi32, #tpu.memory_space<vmem>>) semaphore(%arg19 : memref<!tpu.dma_semaphore, #tpu.memory_space<semaphore_mem>>)
        %dma_start3A_252 = arith.constant 21 : i32
        %dma_start3A_253 = arith.constant 2688 : i32
        %dma_start3A_254 = arith.constant 0 : i32
        %dma_start3A_255 = tpu.memref_slice %arg17[%dma_start3A_253, %dma_start3A_254] : memref<4096x8xf32, #tpu.memory_space<vmem>> -> memref<128x8xf32, #tpu.memory_space<vmem>>
        %dma_start3A_256 = arith.constant 0 : i32
        %dma_start3A_257 = tpu.memref_slice %arg14[%dma_start3A_252, %dma_start3A_256] : memref<32x128xi32, #tpu.memory_space<vmem>> -> memref<1x128xi32, #tpu.memory_space<vmem>>
        %dma_start3A_258 = tpu.memref_squeeze %dma_start3A_257 : memref<1x128xi32, #tpu.memory_space<vmem>> -> memref<128xi32, #tpu.memory_space<vmem>>
        %dma_start3A_259 = arith.constant 0 : i32
        %dma_start3A_260 = arith.constant 0 : i32
        %dma_start3A_261 = tpu.memref_slice %arg3[%dma_start3A_259, %dma_start3A_260] : memref<2097152x8xf32, #tpu.memory_space<hbm>> -> memref<2097152x8xf32, #tpu.memory_space<hbm>>
        tpu.enqueue_indirect_dma source(%dma_start3A_261 : memref<2097152x8xf32, #tpu.memory_space<hbm>>) target(%dma_start3A_255 : memref<128x8xf32, #tpu.memory_space<vmem>>) offsets(%dma_start3A_258 : memref<128xi32, #tpu.memory_space<vmem>>) semaphore(%arg19 : memref<!tpu.dma_semaphore, #tpu.memory_space<semaphore_mem>>)
        %dma_start3A_262 = arith.constant 22 : i32
        %dma_start3A_263 = arith.constant 2816 : i32
        %dma_start3A_264 = arith.constant 0 : i32
        %dma_start3A_265 = tpu.memref_slice %arg17[%dma_start3A_263, %dma_start3A_264] : memref<4096x8xf32, #tpu.memory_space<vmem>> -> memref<128x8xf32, #tpu.memory_space<vmem>>
        %dma_start3A_266 = arith.constant 0 : i32
        %dma_start3A_267 = tpu.memref_slice %arg14[%dma_start3A_262, %dma_start3A_266] : memref<32x128xi32, #tpu.memory_space<vmem>> -> memref<1x128xi32, #tpu.memory_space<vmem>>
        %dma_start3A_268 = tpu.memref_squeeze %dma_start3A_267 : memref<1x128xi32, #tpu.memory_space<vmem>> -> memref<128xi32, #tpu.memory_space<vmem>>
        %dma_start3A_269 = arith.constant 0 : i32
        %dma_start3A_270 = arith.constant 0 : i32
        %dma_start3A_271 = tpu.memref_slice %arg3[%dma_start3A_269, %dma_start3A_270] : memref<2097152x8xf32, #tpu.memory_space<hbm>> -> memref<2097152x8xf32, #tpu.memory_space<hbm>>
        tpu.enqueue_indirect_dma source(%dma_start3A_271 : memref<2097152x8xf32, #tpu.memory_space<hbm>>) target(%dma_start3A_265 : memref<128x8xf32, #tpu.memory_space<vmem>>) offsets(%dma_start3A_268 : memref<128xi32, #tpu.memory_space<vmem>>) semaphore(%arg19 : memref<!tpu.dma_semaphore, #tpu.memory_space<semaphore_mem>>)
        %dma_start3A_272 = arith.constant 23 : i32
        %dma_start3A_273 = arith.constant 2944 : i32
        %dma_start3A_274 = arith.constant 0 : i32
        %dma_start3A_275 = tpu.memref_slice %arg17[%dma_start3A_273, %dma_start3A_274] : memref<4096x8xf32, #tpu.memory_space<vmem>> -> memref<128x8xf32, #tpu.memory_space<vmem>>
        %dma_start3A_276 = arith.constant 0 : i32
        %dma_start3A_277 = tpu.memref_slice %arg14[%dma_start3A_272, %dma_start3A_276] : memref<32x128xi32, #tpu.memory_space<vmem>> -> memref<1x128xi32, #tpu.memory_space<vmem>>
        %dma_start3A_278 = tpu.memref_squeeze %dma_start3A_277 : memref<1x128xi32, #tpu.memory_space<vmem>> -> memref<128xi32, #tpu.memory_space<vmem>>
        %dma_start3A_279 = arith.constant 0 : i32
        %dma_start3A_280 = arith.constant 0 : i32
        %dma_start3A_281 = tpu.memref_slice %arg3[%dma_start3A_279, %dma_start3A_280] : memref<2097152x8xf32, #tpu.memory_space<hbm>> -> memref<2097152x8xf32, #tpu.memory_space<hbm>>
        tpu.enqueue_indirect_dma source(%dma_start3A_281 : memref<2097152x8xf32, #tpu.memory_space<hbm>>) target(%dma_start3A_275 : memref<128x8xf32, #tpu.memory_space<vmem>>) offsets(%dma_start3A_278 : memref<128xi32, #tpu.memory_space<vmem>>) semaphore(%arg19 : memref<!tpu.dma_semaphore, #tpu.memory_space<semaphore_mem>>)
        %dma_start3A_282 = arith.constant 24 : i32
        %dma_start3A_283 = arith.constant 3072 : i32
        %dma_start3A_284 = arith.constant 0 : i32
        %dma_start3A_285 = tpu.memref_slice %arg17[%dma_start3A_283, %dma_start3A_284] : memref<4096x8xf32, #tpu.memory_space<vmem>> -> memref<128x8xf32, #tpu.memory_space<vmem>>
        %dma_start3A_286 = arith.constant 0 : i32
        %dma_start3A_287 = tpu.memref_slice %arg14[%dma_start3A_282, %dma_start3A_286] : memref<32x128xi32, #tpu.memory_space<vmem>> -> memref<1x128xi32, #tpu.memory_space<vmem>>
        %dma_start3A_288 = tpu.memref_squeeze %dma_start3A_287 : memref<1x128xi32, #tpu.memory_space<vmem>> -> memref<128xi32, #tpu.memory_space<vmem>>
        %dma_start3A_289 = arith.constant 0 : i32
        %dma_start3A_290 = arith.constant 0 : i32
        %dma_start3A_291 = tpu.memref_slice %arg3[%dma_start3A_289, %dma_start3A_290] : memref<2097152x8xf32, #tpu.memory_space<hbm>> -> memref<2097152x8xf32, #tpu.memory_space<hbm>>
        tpu.enqueue_indirect_dma source(%dma_start3A_291 : memref<2097152x8xf32, #tpu.memory_space<hbm>>) target(%dma_start3A_285 : memref<128x8xf32, #tpu.memory_space<vmem>>) offsets(%dma_start3A_288 : memref<128xi32, #tpu.memory_space<vmem>>) semaphore(%arg19 : memref<!tpu.dma_semaphore, #tpu.memory_space<semaphore_mem>>)
        %dma_start3A_292 = arith.constant 25 : i32
        %dma_start3A_293 = arith.constant 3200 : i32
        %dma_start3A_294 = arith.constant 0 : i32
        %dma_start3A_295 = tpu.memref_slice %arg17[%dma_start3A_293, %dma_start3A_294] : memref<4096x8xf32, #tpu.memory_space<vmem>> -> memref<128x8xf32, #tpu.memory_space<vmem>>
        %dma_start3A_296 = arith.constant 0 : i32
        %dma_start3A_297 = tpu.memref_slice %arg14[%dma_start3A_292, %dma_start3A_296] : memref<32x128xi32, #tpu.memory_space<vmem>> -> memref<1x128xi32, #tpu.memory_space<vmem>>
        %dma_start3A_298 = tpu.memref_squeeze %dma_start3A_297 : memref<1x128xi32, #tpu.memory_space<vmem>> -> memref<128xi32, #tpu.memory_space<vmem>>
        %dma_start3A_299 = arith.constant 0 : i32
        %dma_start3A_300 = arith.constant 0 : i32
        %dma_start3A_301 = tpu.memref_slice %arg3[%dma_start3A_299, %dma_start3A_300] : memref<2097152x8xf32, #tpu.memory_space<hbm>> -> memref<2097152x8xf32, #tpu.memory_space<hbm>>
        tpu.enqueue_indirect_dma source(%dma_start3A_301 : memref<2097152x8xf32, #tpu.memory_space<hbm>>) target(%dma_start3A_295 : memref<128x8xf32, #tpu.memory_space<vmem>>) offsets(%dma_start3A_298 : memref<128xi32, #tpu.memory_space<vmem>>) semaphore(%arg19 : memref<!tpu.dma_semaphore, #tpu.memory_space<semaphore_mem>>)
        %dma_start3A_302 = arith.constant 26 : i32
        %dma_start3A_303 = arith.constant 3328 : i32
        %dma_start3A_304 = arith.constant 0 : i32
        %dma_start3A_305 = tpu.memref_slice %arg17[%dma_start3A_303, %dma_start3A_304] : memref<4096x8xf32, #tpu.memory_space<vmem>> -> memref<128x8xf32, #tpu.memory_space<vmem>>
        %dma_start3A_306 = arith.constant 0 : i32
        %dma_start3A_307 = tpu.memref_slice %arg14[%dma_start3A_302, %dma_start3A_306] : memref<32x128xi32, #tpu.memory_space<vmem>> -> memref<1x128xi32, #tpu.memory_space<vmem>>
        %dma_start3A_308 = tpu.memref_squeeze %dma_start3A_307 : memref<1x128xi32, #tpu.memory_space<vmem>> -> memref<128xi32, #tpu.memory_space<vmem>>
        %dma_start3A_309 = arith.constant 0 : i32
        %dma_start3A_310 = arith.constant 0 : i32
        %dma_start3A_311 = tpu.memref_slice %arg3[%dma_start3A_309, %dma_start3A_310] : memref<2097152x8xf32, #tpu.memory_space<hbm>> -> memref<2097152x8xf32, #tpu.memory_space<hbm>>
        tpu.enqueue_indirect_dma source(%dma_start3A_311 : memref<2097152x8xf32, #tpu.memory_space<hbm>>) target(%dma_start3A_305 : memref<128x8xf32, #tpu.memory_space<vmem>>) offsets(%dma_start3A_308 : memref<128xi32, #tpu.memory_space<vmem>>) semaphore(%arg19 : memref<!tpu.dma_semaphore, #tpu.memory_space<semaphore_mem>>)
        %dma_start3A_312 = arith.constant 27 : i32
        %dma_start3A_313 = arith.constant 3456 : i32
        %dma_start3A_314 = arith.constant 0 : i32
        %dma_start3A_315 = tpu.memref_slice %arg17[%dma_start3A_313, %dma_start3A_314] : memref<4096x8xf32, #tpu.memory_space<vmem>> -> memref<128x8xf32, #tpu.memory_space<vmem>>
        %dma_start3A_316 = arith.constant 0 : i32
        %dma_start3A_317 = tpu.memref_slice %arg14[%dma_start3A_312, %dma_start3A_316] : memref<32x128xi32, #tpu.memory_space<vmem>> -> memref<1x128xi32, #tpu.memory_space<vmem>>
        %dma_start3A_318 = tpu.memref_squeeze %dma_start3A_317 : memref<1x128xi32, #tpu.memory_space<vmem>> -> memref<128xi32, #tpu.memory_space<vmem>>
        %dma_start3A_319 = arith.constant 0 : i32
        %dma_start3A_320 = arith.constant 0 : i32
        %dma_start3A_321 = tpu.memref_slice %arg3[%dma_start3A_319, %dma_start3A_320] : memref<2097152x8xf32, #tpu.memory_space<hbm>> -> memref<2097152x8xf32, #tpu.memory_space<hbm>>
        tpu.enqueue_indirect_dma source(%dma_start3A_321 : memref<2097152x8xf32, #tpu.memory_space<hbm>>) target(%dma_start3A_315 : memref<128x8xf32, #tpu.memory_space<vmem>>) offsets(%dma_start3A_318 : memref<128xi32, #tpu.memory_space<vmem>>) semaphore(%arg19 : memref<!tpu.dma_semaphore, #tpu.memory_space<semaphore_mem>>)
        %dma_start3A_322 = arith.constant 28 : i32
        %dma_start3A_323 = arith.constant 3584 : i32
        %dma_start3A_324 = arith.constant 0 : i32
        %dma_start3A_325 = tpu.memref_slice %arg17[%dma_start3A_323, %dma_start3A_324] : memref<4096x8xf32, #tpu.memory_space<vmem>> -> memref<128x8xf32, #tpu.memory_space<vmem>>
        %dma_start3A_326 = arith.constant 0 : i32
        %dma_start3A_327 = tpu.memref_slice %arg14[%dma_start3A_322, %dma_start3A_326] : memref<32x128xi32, #tpu.memory_space<vmem>> -> memref<1x128xi32, #tpu.memory_space<vmem>>
        %dma_start3A_328 = tpu.memref_squeeze %dma_start3A_327 : memref<1x128xi32, #tpu.memory_space<vmem>> -> memref<128xi32, #tpu.memory_space<vmem>>
        %dma_start3A_329 = arith.constant 0 : i32
        %dma_start3A_330 = arith.constant 0 : i32
        %dma_start3A_331 = tpu.memref_slice %arg3[%dma_start3A_329, %dma_start3A_330] : memref<2097152x8xf32, #tpu.memory_space<hbm>> -> memref<2097152x8xf32, #tpu.memory_space<hbm>>
        tpu.enqueue_indirect_dma source(%dma_start3A_331 : memref<2097152x8xf32, #tpu.memory_space<hbm>>) target(%dma_start3A_325 : memref<128x8xf32, #tpu.memory_space<vmem>>) offsets(%dma_start3A_328 : memref<128xi32, #tpu.memory_space<vmem>>) semaphore(%arg19 : memref<!tpu.dma_semaphore, #tpu.memory_space<semaphore_mem>>)
        %dma_start3A_332 = arith.constant 29 : i32
        %dma_start3A_333 = arith.constant 3712 : i32
        %dma_start3A_334 = arith.constant 0 : i32
        %dma_start3A_335 = tpu.memref_slice %arg17[%dma_start3A_333, %dma_start3A_334] : memref<4096x8xf32, #tpu.memory_space<vmem>> -> memref<128x8xf32, #tpu.memory_space<vmem>>
        %dma_start3A_336 = arith.constant 0 : i32
        %dma_start3A_337 = tpu.memref_slice %arg14[%dma_start3A_332, %dma_start3A_336] : memref<32x128xi32, #tpu.memory_space<vmem>> -> memref<1x128xi32, #tpu.memory_space<vmem>>
        %dma_start3A_338 = tpu.memref_squeeze %dma_start3A_337 : memref<1x128xi32, #tpu.memory_space<vmem>> -> memref<128xi32, #tpu.memory_space<vmem>>
        %dma_start3A_339 = arith.constant 0 : i32
        %dma_start3A_340 = arith.constant 0 : i32
        %dma_start3A_341 = tpu.memref_slice %arg3[%dma_start3A_339, %dma_start3A_340] : memref<2097152x8xf32, #tpu.memory_space<hbm>> -> memref<2097152x8xf32, #tpu.memory_space<hbm>>
        tpu.enqueue_indirect_dma source(%dma_start3A_341 : memref<2097152x8xf32, #tpu.memory_space<hbm>>) target(%dma_start3A_335 : memref<128x8xf32, #tpu.memory_space<vmem>>) offsets(%dma_start3A_338 : memref<128xi32, #tpu.memory_space<vmem>>) semaphore(%arg19 : memref<!tpu.dma_semaphore, #tpu.memory_space<semaphore_mem>>)
        %dma_start3A_342 = arith.constant 30 : i32
        %dma_start3A_343 = arith.constant 3840 : i32
        %dma_start3A_344 = arith.constant 0 : i32
        %dma_start3A_345 = tpu.memref_slice %arg17[%dma_start3A_343, %dma_start3A_344] : memref<4096x8xf32, #tpu.memory_space<vmem>> -> memref<128x8xf32, #tpu.memory_space<vmem>>
        %dma_start3A_346 = arith.constant 0 : i32
        %dma_start3A_347 = tpu.memref_slice %arg14[%dma_start3A_342, %dma_start3A_346] : memref<32x128xi32, #tpu.memory_space<vmem>> -> memref<1x128xi32, #tpu.memory_space<vmem>>
        %dma_start3A_348 = tpu.memref_squeeze %dma_start3A_347 : memref<1x128xi32, #tpu.memory_space<vmem>> -> memref<128xi32, #tpu.memory_space<vmem>>
        %dma_start3A_349 = arith.constant 0 : i32
        %dma_start3A_350 = arith.constant 0 : i32
        %dma_start3A_351 = tpu.memref_slice %arg3[%dma_start3A_349, %dma_start3A_350] : memref<2097152x8xf32, #tpu.memory_space<hbm>> -> memref<2097152x8xf32, #tpu.memory_space<hbm>>
        tpu.enqueue_indirect_dma source(%dma_start3A_351 : memref<2097152x8xf32, #tpu.memory_space<hbm>>) target(%dma_start3A_345 : memref<128x8xf32, #tpu.memory_space<vmem>>) offsets(%dma_start3A_348 : memref<128xi32, #tpu.memory_space<vmem>>) semaphore(%arg19 : memref<!tpu.dma_semaphore, #tpu.memory_space<semaphore_mem>>)
        %dma_start3A_352 = arith.constant 31 : i32
        %dma_start3A_353 = arith.constant 3968 : i32
        %dma_start3A_354 = arith.constant 0 : i32
        %dma_start3A_355 = tpu.memref_slice %arg17[%dma_start3A_353, %dma_start3A_354] : memref<4096x8xf32, #tpu.memory_space<vmem>> -> memref<128x8xf32, #tpu.memory_space<vmem>>
        %dma_start3A_356 = arith.constant 0 : i32
        %dma_start3A_357 = tpu.memref_slice %arg14[%dma_start3A_352, %dma_start3A_356] : memref<32x128xi32, #tpu.memory_space<vmem>> -> memref<1x128xi32, #tpu.memory_space<vmem>>
        %dma_start3A_358 = tpu.memref_squeeze %dma_start3A_357 : memref<1x128xi32, #tpu.memory_space<vmem>> -> memref<128xi32, #tpu.memory_space<vmem>>
        %dma_start3A_359 = arith.constant 0 : i32
        %dma_start3A_360 = arith.constant 0 : i32
        %dma_start3A_361 = tpu.memref_slice %arg3[%dma_start3A_359, %dma_start3A_360] : memref<2097152x8xf32, #tpu.memory_space<hbm>> -> memref<2097152x8xf32, #tpu.memory_space<hbm>>
        tpu.enqueue_indirect_dma source(%dma_start3A_361 : memref<2097152x8xf32, #tpu.memory_space<hbm>>) target(%dma_start3A_355 : memref<128x8xf32, #tpu.memory_space<vmem>>) offsets(%dma_start3A_358 : memref<128xi32, #tpu.memory_space<vmem>>) semaphore(%arg19 : memref<!tpu.dma_semaphore, #tpu.memory_space<semaphore_mem>>)
        %dma_wait3A = arith.constant 0 : i32
        %dma_wait3A_362 = arith.constant 0 : i32
        %dma_wait3A_363 = arith.constant 0 : i32
        %dma_wait3A_364 = tpu.memref_slice %arg17[%dma_wait3A_362, %dma_wait3A_363] : memref<4096x8xf32, #tpu.memory_space<vmem>> -> memref<128x8xf32, #tpu.memory_space<vmem>>
        %dma_wait3A_365 = arith.constant 0 : i32
        %dma_wait3A_366 = tpu.memref_slice %arg14[%dma_wait3A, %dma_wait3A_365] : memref<32x128xi32, #tpu.memory_space<vmem>> -> memref<1x128xi32, #tpu.memory_space<vmem>>
        %dma_wait3A_367 = tpu.memref_squeeze %dma_wait3A_366 : memref<1x128xi32, #tpu.memory_space<vmem>> -> memref<128xi32, #tpu.memory_space<vmem>>
        %dma_wait3A_368 = arith.constant 0 : i32
        %dma_wait3A_369 = arith.constant 0 : i32
        %dma_wait3A_370 = tpu.memref_slice %arg3[%dma_wait3A_368, %dma_wait3A_369] : memref<2097152x8xf32, #tpu.memory_space<hbm>> -> memref<2097152x8xf32, #tpu.memory_space<hbm>>
        tpu.wait_indirect_dma semaphore(%arg19 : memref<!tpu.dma_semaphore, #tpu.memory_space<semaphore_mem>>) src(%dma_wait3A_370 : memref<2097152x8xf32, #tpu.memory_space<hbm>>) dst(%dma_wait3A_364 : memref<128x8xf32, #tpu.memory_space<vmem>>)
        %dma_wait3A_371 = arith.constant 1 : i32
        %dma_wait3A_372 = arith.constant 128 : i32
        %dma_wait3A_373 = arith.constant 0 : i32
        %dma_wait3A_374 = tpu.memref_slice %arg17[%dma_wait3A_372, %dma_wait3A_373] : memref<4096x8xf32, #tpu.memory_space<vmem>> -> memref<128x8xf32, #tpu.memory_space<vmem>>
        %dma_wait3A_375 = arith.constant 0 : i32
        %dma_wait3A_376 = tpu.memref_slice %arg14[%dma_wait3A_371, %dma_wait3A_375] : memref<32x128xi32, #tpu.memory_space<vmem>> -> memref<1x128xi32, #tpu.memory_space<vmem>>
        %dma_wait3A_377 = tpu.memref_squeeze %dma_wait3A_376 : memref<1x128xi32, #tpu.memory_space<vmem>> -> memref<128xi32, #tpu.memory_space<vmem>>
        %dma_wait3A_378 = arith.constant 0 : i32
        %dma_wait3A_379 = arith.constant 0 : i32
        %dma_wait3A_380 = tpu.memref_slice %arg3[%dma_wait3A_378, %dma_wait3A_379] : memref<2097152x8xf32, #tpu.memory_space<hbm>> -> memref<2097152x8xf32, #tpu.memory_space<hbm>>
        tpu.wait_indirect_dma semaphore(%arg19 : memref<!tpu.dma_semaphore, #tpu.memory_space<semaphore_mem>>) src(%dma_wait3A_380 : memref<2097152x8xf32, #tpu.memory_space<hbm>>) dst(%dma_wait3A_374 : memref<128x8xf32, #tpu.memory_space<vmem>>)
        %dma_wait3A_381 = arith.constant 2 : i32
        %dma_wait3A_382 = arith.constant 256 : i32
        %dma_wait3A_383 = arith.constant 0 : i32
        %dma_wait3A_384 = tpu.memref_slice %arg17[%dma_wait3A_382, %dma_wait3A_383] : memref<4096x8xf32, #tpu.memory_space<vmem>> -> memref<128x8xf32, #tpu.memory_space<vmem>>
        %dma_wait3A_385 = arith.constant 0 : i32
        %dma_wait3A_386 = tpu.memref_slice %arg14[%dma_wait3A_381, %dma_wait3A_385] : memref<32x128xi32, #tpu.memory_space<vmem>> -> memref<1x128xi32, #tpu.memory_space<vmem>>
        %dma_wait3A_387 = tpu.memref_squeeze %dma_wait3A_386 : memref<1x128xi32, #tpu.memory_space<vmem>> -> memref<128xi32, #tpu.memory_space<vmem>>
        %dma_wait3A_388 = arith.constant 0 : i32
        %dma_wait3A_389 = arith.constant 0 : i32
        %dma_wait3A_390 = tpu.memref_slice %arg3[%dma_wait3A_388, %dma_wait3A_389] : memref<2097152x8xf32, #tpu.memory_space<hbm>> -> memref<2097152x8xf32, #tpu.memory_space<hbm>>
        tpu.wait_indirect_dma semaphore(%arg19 : memref<!tpu.dma_semaphore, #tpu.memory_space<semaphore_mem>>) src(%dma_wait3A_390 : memref<2097152x8xf32, #tpu.memory_space<hbm>>) dst(%dma_wait3A_384 : memref<128x8xf32, #tpu.memory_space<vmem>>)
        %dma_wait3A_391 = arith.constant 3 : i32
        %dma_wait3A_392 = arith.constant 384 : i32
        %dma_wait3A_393 = arith.constant 0 : i32
        %dma_wait3A_394 = tpu.memref_slice %arg17[%dma_wait3A_392, %dma_wait3A_393] : memref<4096x8xf32, #tpu.memory_space<vmem>> -> memref<128x8xf32, #tpu.memory_space<vmem>>
        %dma_wait3A_395 = arith.constant 0 : i32
        %dma_wait3A_396 = tpu.memref_slice %arg14[%dma_wait3A_391, %dma_wait3A_395] : memref<32x128xi32, #tpu.memory_space<vmem>> -> memref<1x128xi32, #tpu.memory_space<vmem>>
        %dma_wait3A_397 = tpu.memref_squeeze %dma_wait3A_396 : memref<1x128xi32, #tpu.memory_space<vmem>> -> memref<128xi32, #tpu.memory_space<vmem>>
        %dma_wait3A_398 = arith.constant 0 : i32
        %dma_wait3A_399 = arith.constant 0 : i32
        %dma_wait3A_400 = tpu.memref_slice %arg3[%dma_wait3A_398, %dma_wait3A_399] : memref<2097152x8xf32, #tpu.memory_space<hbm>> -> memref<2097152x8xf32, #tpu.memory_space<hbm>>
        tpu.wait_indirect_dma semaphore(%arg19 : memref<!tpu.dma_semaphore, #tpu.memory_space<semaphore_mem>>) src(%dma_wait3A_400 : memref<2097152x8xf32, #tpu.memory_space<hbm>>) dst(%dma_wait3A_394 : memref<128x8xf32, #tpu.memory_space<vmem>>)
        %dma_wait3A_401 = arith.constant 4 : i32
        %dma_wait3A_402 = arith.constant 512 : i32
        %dma_wait3A_403 = arith.constant 0 : i32
        %dma_wait3A_404 = tpu.memref_slice %arg17[%dma_wait3A_402, %dma_wait3A_403] : memref<4096x8xf32, #tpu.memory_space<vmem>> -> memref<128x8xf32, #tpu.memory_space<vmem>>
        %dma_wait3A_405 = arith.constant 0 : i32
        %dma_wait3A_406 = tpu.memref_slice %arg14[%dma_wait3A_401, %dma_wait3A_405] : memref<32x128xi32, #tpu.memory_space<vmem>> -> memref<1x128xi32, #tpu.memory_space<vmem>>
        %dma_wait3A_407 = tpu.memref_squeeze %dma_wait3A_406 : memref<1x128xi32, #tpu.memory_space<vmem>> -> memref<128xi32, #tpu.memory_space<vmem>>
        %dma_wait3A_408 = arith.constant 0 : i32
        %dma_wait3A_409 = arith.constant 0 : i32
        %dma_wait3A_410 = tpu.memref_slice %arg3[%dma_wait3A_408, %dma_wait3A_409] : memref<2097152x8xf32, #tpu.memory_space<hbm>> -> memref<2097152x8xf32, #tpu.memory_space<hbm>>
        tpu.wait_indirect_dma semaphore(%arg19 : memref<!tpu.dma_semaphore, #tpu.memory_space<semaphore_mem>>) src(%dma_wait3A_410 : memref<2097152x8xf32, #tpu.memory_space<hbm>>) dst(%dma_wait3A_404 : memref<128x8xf32, #tpu.memory_space<vmem>>)
        %dma_wait3A_411 = arith.constant 5 : i32
        %dma_wait3A_412 = arith.constant 640 : i32
        %dma_wait3A_413 = arith.constant 0 : i32
        %dma_wait3A_414 = tpu.memref_slice %arg17[%dma_wait3A_412, %dma_wait3A_413] : memref<4096x8xf32, #tpu.memory_space<vmem>> -> memref<128x8xf32, #tpu.memory_space<vmem>>
        %dma_wait3A_415 = arith.constant 0 : i32
        %dma_wait3A_416 = tpu.memref_slice %arg14[%dma_wait3A_411, %dma_wait3A_415] : memref<32x128xi32, #tpu.memory_space<vmem>> -> memref<1x128xi32, #tpu.memory_space<vmem>>
        %dma_wait3A_417 = tpu.memref_squeeze %dma_wait3A_416 : memref<1x128xi32, #tpu.memory_space<vmem>> -> memref<128xi32, #tpu.memory_space<vmem>>
        %dma_wait3A_418 = arith.constant 0 : i32
        %dma_wait3A_419 = arith.constant 0 : i32
        %dma_wait3A_420 = tpu.memref_slice %arg3[%dma_wait3A_418, %dma_wait3A_419] : memref<2097152x8xf32, #tpu.memory_space<hbm>> -> memref<2097152x8xf32, #tpu.memory_space<hbm>>
        tpu.wait_indirect_dma semaphore(%arg19 : memref<!tpu.dma_semaphore, #tpu.memory_space<semaphore_mem>>) src(%dma_wait3A_420 : memref<2097152x8xf32, #tpu.memory_space<hbm>>) dst(%dma_wait3A_414 : memref<128x8xf32, #tpu.memory_space<vmem>>)
        %dma_wait3A_421 = arith.constant 6 : i32
        %dma_wait3A_422 = arith.constant 768 : i32
        %dma_wait3A_423 = arith.constant 0 : i32
        %dma_wait3A_424 = tpu.memref_slice %arg17[%dma_wait3A_422, %dma_wait3A_423] : memref<4096x8xf32, #tpu.memory_space<vmem>> -> memref<128x8xf32, #tpu.memory_space<vmem>>
        %dma_wait3A_425 = arith.constant 0 : i32
        %dma_wait3A_426 = tpu.memref_slice %arg14[%dma_wait3A_421, %dma_wait3A_425] : memref<32x128xi32, #tpu.memory_space<vmem>> -> memref<1x128xi32, #tpu.memory_space<vmem>>
        %dma_wait3A_427 = tpu.memref_squeeze %dma_wait3A_426 : memref<1x128xi32, #tpu.memory_space<vmem>> -> memref<128xi32, #tpu.memory_space<vmem>>
        %dma_wait3A_428 = arith.constant 0 : i32
        %dma_wait3A_429 = arith.constant 0 : i32
        %dma_wait3A_430 = tpu.memref_slice %arg3[%dma_wait3A_428, %dma_wait3A_429] : memref<2097152x8xf32, #tpu.memory_space<hbm>> -> memref<2097152x8xf32, #tpu.memory_space<hbm>>
        tpu.wait_indirect_dma semaphore(%arg19 : memref<!tpu.dma_semaphore, #tpu.memory_space<semaphore_mem>>) src(%dma_wait3A_430 : memref<2097152x8xf32, #tpu.memory_space<hbm>>) dst(%dma_wait3A_424 : memref<128x8xf32, #tpu.memory_space<vmem>>)
        %dma_wait3A_431 = arith.constant 7 : i32
        %dma_wait3A_432 = arith.constant 896 : i32
        %dma_wait3A_433 = arith.constant 0 : i32
        %dma_wait3A_434 = tpu.memref_slice %arg17[%dma_wait3A_432, %dma_wait3A_433] : memref<4096x8xf32, #tpu.memory_space<vmem>> -> memref<128x8xf32, #tpu.memory_space<vmem>>
        %dma_wait3A_435 = arith.constant 0 : i32
        %dma_wait3A_436 = tpu.memref_slice %arg14[%dma_wait3A_431, %dma_wait3A_435] : memref<32x128xi32, #tpu.memory_space<vmem>> -> memref<1x128xi32, #tpu.memory_space<vmem>>
        %dma_wait3A_437 = tpu.memref_squeeze %dma_wait3A_436 : memref<1x128xi32, #tpu.memory_space<vmem>> -> memref<128xi32, #tpu.memory_space<vmem>>
        %dma_wait3A_438 = arith.constant 0 : i32
        %dma_wait3A_439 = arith.constant 0 : i32
        %dma_wait3A_440 = tpu.memref_slice %arg3[%dma_wait3A_438, %dma_wait3A_439] : memref<2097152x8xf32, #tpu.memory_space<hbm>> -> memref<2097152x8xf32, #tpu.memory_space<hbm>>
        tpu.wait_indirect_dma semaphore(%arg19 : memref<!tpu.dma_semaphore, #tpu.memory_space<semaphore_mem>>) src(%dma_wait3A_440 : memref<2097152x8xf32, #tpu.memory_space<hbm>>) dst(%dma_wait3A_434 : memref<128x8xf32, #tpu.memory_space<vmem>>)
        %dma_wait3A_441 = arith.constant 8 : i32
        %dma_wait3A_442 = arith.constant 1024 : i32
        %dma_wait3A_443 = arith.constant 0 : i32
        %dma_wait3A_444 = tpu.memref_slice %arg17[%dma_wait3A_442, %dma_wait3A_443] : memref<4096x8xf32, #tpu.memory_space<vmem>> -> memref<128x8xf32, #tpu.memory_space<vmem>>
        %dma_wait3A_445 = arith.constant 0 : i32
        %dma_wait3A_446 = tpu.memref_slice %arg14[%dma_wait3A_441, %dma_wait3A_445] : memref<32x128xi32, #tpu.memory_space<vmem>> -> memref<1x128xi32, #tpu.memory_space<vmem>>
        %dma_wait3A_447 = tpu.memref_squeeze %dma_wait3A_446 : memref<1x128xi32, #tpu.memory_space<vmem>> -> memref<128xi32, #tpu.memory_space<vmem>>
        %dma_wait3A_448 = arith.constant 0 : i32
        %dma_wait3A_449 = arith.constant 0 : i32
        %dma_wait3A_450 = tpu.memref_slice %arg3[%dma_wait3A_448, %dma_wait3A_449] : memref<2097152x8xf32, #tpu.memory_space<hbm>> -> memref<2097152x8xf32, #tpu.memory_space<hbm>>
        tpu.wait_indirect_dma semaphore(%arg19 : memref<!tpu.dma_semaphore, #tpu.memory_space<semaphore_mem>>) src(%dma_wait3A_450 : memref<2097152x8xf32, #tpu.memory_space<hbm>>) dst(%dma_wait3A_444 : memref<128x8xf32, #tpu.memory_space<vmem>>)
        %dma_wait3A_451 = arith.constant 9 : i32
        %dma_wait3A_452 = arith.constant 1152 : i32
        %dma_wait3A_453 = arith.constant 0 : i32
        %dma_wait3A_454 = tpu.memref_slice %arg17[%dma_wait3A_452, %dma_wait3A_453] : memref<4096x8xf32, #tpu.memory_space<vmem>> -> memref<128x8xf32, #tpu.memory_space<vmem>>
        %dma_wait3A_455 = arith.constant 0 : i32
        %dma_wait3A_456 = tpu.memref_slice %arg14[%dma_wait3A_451, %dma_wait3A_455] : memref<32x128xi32, #tpu.memory_space<vmem>> -> memref<1x128xi32, #tpu.memory_space<vmem>>
        %dma_wait3A_457 = tpu.memref_squeeze %dma_wait3A_456 : memref<1x128xi32, #tpu.memory_space<vmem>> -> memref<128xi32, #tpu.memory_space<vmem>>
        %dma_wait3A_458 = arith.constant 0 : i32
        %dma_wait3A_459 = arith.constant 0 : i32
        %dma_wait3A_460 = tpu.memref_slice %arg3[%dma_wait3A_458, %dma_wait3A_459] : memref<2097152x8xf32, #tpu.memory_space<hbm>> -> memref<2097152x8xf32, #tpu.memory_space<hbm>>
        tpu.wait_indirect_dma semaphore(%arg19 : memref<!tpu.dma_semaphore, #tpu.memory_space<semaphore_mem>>) src(%dma_wait3A_460 : memref<2097152x8xf32, #tpu.memory_space<hbm>>) dst(%dma_wait3A_454 : memref<128x8xf32, #tpu.memory_space<vmem>>)
        %dma_wait3A_461 = arith.constant 10 : i32
        %dma_wait3A_462 = arith.constant 1280 : i32
        %dma_wait3A_463 = arith.constant 0 : i32
        %dma_wait3A_464 = tpu.memref_slice %arg17[%dma_wait3A_462, %dma_wait3A_463] : memref<4096x8xf32, #tpu.memory_space<vmem>> -> memref<128x8xf32, #tpu.memory_space<vmem>>
        %dma_wait3A_465 = arith.constant 0 : i32
        %dma_wait3A_466 = tpu.memref_slice %arg14[%dma_wait3A_461, %dma_wait3A_465] : memref<32x128xi32, #tpu.memory_space<vmem>> -> memref<1x128xi32, #tpu.memory_space<vmem>>
        %dma_wait3A_467 = tpu.memref_squeeze %dma_wait3A_466 : memref<1x128xi32, #tpu.memory_space<vmem>> -> memref<128xi32, #tpu.memory_space<vmem>>
        %dma_wait3A_468 = arith.constant 0 : i32
        %dma_wait3A_469 = arith.constant 0 : i32
        %dma_wait3A_470 = tpu.memref_slice %arg3[%dma_wait3A_468, %dma_wait3A_469] : memref<2097152x8xf32, #tpu.memory_space<hbm>> -> memref<2097152x8xf32, #tpu.memory_space<hbm>>
        tpu.wait_indirect_dma semaphore(%arg19 : memref<!tpu.dma_semaphore, #tpu.memory_space<semaphore_mem>>) src(%dma_wait3A_470 : memref<2097152x8xf32, #tpu.memory_space<hbm>>) dst(%dma_wait3A_464 : memref<128x8xf32, #tpu.memory_space<vmem>>)
        %dma_wait3A_471 = arith.constant 11 : i32
        %dma_wait3A_472 = arith.constant 1408 : i32
        %dma_wait3A_473 = arith.constant 0 : i32
        %dma_wait3A_474 = tpu.memref_slice %arg17[%dma_wait3A_472, %dma_wait3A_473] : memref<4096x8xf32, #tpu.memory_space<vmem>> -> memref<128x8xf32, #tpu.memory_space<vmem>>
        %dma_wait3A_475 = arith.constant 0 : i32
        %dma_wait3A_476 = tpu.memref_slice %arg14[%dma_wait3A_471, %dma_wait3A_475] : memref<32x128xi32, #tpu.memory_space<vmem>> -> memref<1x128xi32, #tpu.memory_space<vmem>>
        %dma_wait3A_477 = tpu.memref_squeeze %dma_wait3A_476 : memref<1x128xi32, #tpu.memory_space<vmem>> -> memref<128xi32, #tpu.memory_space<vmem>>
        %dma_wait3A_478 = arith.constant 0 : i32
        %dma_wait3A_479 = arith.constant 0 : i32
        %dma_wait3A_480 = tpu.memref_slice %arg3[%dma_wait3A_478, %dma_wait3A_479] : memref<2097152x8xf32, #tpu.memory_space<hbm>> -> memref<2097152x8xf32, #tpu.memory_space<hbm>>
        tpu.wait_indirect_dma semaphore(%arg19 : memref<!tpu.dma_semaphore, #tpu.memory_space<semaphore_mem>>) src(%dma_wait3A_480 : memref<2097152x8xf32, #tpu.memory_space<hbm>>) dst(%dma_wait3A_474 : memref<128x8xf32, #tpu.memory_space<vmem>>)
        %dma_wait3A_481 = arith.constant 12 : i32
        %dma_wait3A_482 = arith.constant 1536 : i32
        %dma_wait3A_483 = arith.constant 0 : i32
        %dma_wait3A_484 = tpu.memref_slice %arg17[%dma_wait3A_482, %dma_wait3A_483] : memref<4096x8xf32, #tpu.memory_space<vmem>> -> memref<128x8xf32, #tpu.memory_space<vmem>>
        %dma_wait3A_485 = arith.constant 0 : i32
        %dma_wait3A_486 = tpu.memref_slice %arg14[%dma_wait3A_481, %dma_wait3A_485] : memref<32x128xi32, #tpu.memory_space<vmem>> -> memref<1x128xi32, #tpu.memory_space<vmem>>
        %dma_wait3A_487 = tpu.memref_squeeze %dma_wait3A_486 : memref<1x128xi32, #tpu.memory_space<vmem>> -> memref<128xi32, #tpu.memory_space<vmem>>
        %dma_wait3A_488 = arith.constant 0 : i32
        %dma_wait3A_489 = arith.constant 0 : i32
        %dma_wait3A_490 = tpu.memref_slice %arg3[%dma_wait3A_488, %dma_wait3A_489] : memref<2097152x8xf32, #tpu.memory_space<hbm>> -> memref<2097152x8xf32, #tpu.memory_space<hbm>>
        tpu.wait_indirect_dma semaphore(%arg19 : memref<!tpu.dma_semaphore, #tpu.memory_space<semaphore_mem>>) src(%dma_wait3A_490 : memref<2097152x8xf32, #tpu.memory_space<hbm>>) dst(%dma_wait3A_484 : memref<128x8xf32, #tpu.memory_space<vmem>>)
        %dma_wait3A_491 = arith.constant 13 : i32
        %dma_wait3A_492 = arith.constant 1664 : i32
        %dma_wait3A_493 = arith.constant 0 : i32
        %dma_wait3A_494 = tpu.memref_slice %arg17[%dma_wait3A_492, %dma_wait3A_493] : memref<4096x8xf32, #tpu.memory_space<vmem>> -> memref<128x8xf32, #tpu.memory_space<vmem>>
        %dma_wait3A_495 = arith.constant 0 : i32
        %dma_wait3A_496 = tpu.memref_slice %arg14[%dma_wait3A_491, %dma_wait3A_495] : memref<32x128xi32, #tpu.memory_space<vmem>> -> memref<1x128xi32, #tpu.memory_space<vmem>>
        %dma_wait3A_497 = tpu.memref_squeeze %dma_wait3A_496 : memref<1x128xi32, #tpu.memory_space<vmem>> -> memref<128xi32, #tpu.memory_space<vmem>>
        %dma_wait3A_498 = arith.constant 0 : i32
        %dma_wait3A_499 = arith.constant 0 : i32
        %dma_wait3A_500 = tpu.memref_slice %arg3[%dma_wait3A_498, %dma_wait3A_499] : memref<2097152x8xf32, #tpu.memory_space<hbm>> -> memref<2097152x8xf32, #tpu.memory_space<hbm>>
        tpu.wait_indirect_dma semaphore(%arg19 : memref<!tpu.dma_semaphore, #tpu.memory_space<semaphore_mem>>) src(%dma_wait3A_500 : memref<2097152x8xf32, #tpu.memory_space<hbm>>) dst(%dma_wait3A_494 : memref<128x8xf32, #tpu.memory_space<vmem>>)
        %dma_wait3A_501 = arith.constant 14 : i32
        %dma_wait3A_502 = arith.constant 1792 : i32
        %dma_wait3A_503 = arith.constant 0 : i32
        %dma_wait3A_504 = tpu.memref_slice %arg17[%dma_wait3A_502, %dma_wait3A_503] : memref<4096x8xf32, #tpu.memory_space<vmem>> -> memref<128x8xf32, #tpu.memory_space<vmem>>
        %dma_wait3A_505 = arith.constant 0 : i32
        %dma_wait3A_506 = tpu.memref_slice %arg14[%dma_wait3A_501, %dma_wait3A_505] : memref<32x128xi32, #tpu.memory_space<vmem>> -> memref<1x128xi32, #tpu.memory_space<vmem>>
        %dma_wait3A_507 = tpu.memref_squeeze %dma_wait3A_506 : memref<1x128xi32, #tpu.memory_space<vmem>> -> memref<128xi32, #tpu.memory_space<vmem>>
        %dma_wait3A_508 = arith.constant 0 : i32
        %dma_wait3A_509 = arith.constant 0 : i32
        %dma_wait3A_510 = tpu.memref_slice %arg3[%dma_wait3A_508, %dma_wait3A_509] : memref<2097152x8xf32, #tpu.memory_space<hbm>> -> memref<2097152x8xf32, #tpu.memory_space<hbm>>
        tpu.wait_indirect_dma semaphore(%arg19 : memref<!tpu.dma_semaphore, #tpu.memory_space<semaphore_mem>>) src(%dma_wait3A_510 : memref<2097152x8xf32, #tpu.memory_space<hbm>>) dst(%dma_wait3A_504 : memref<128x8xf32, #tpu.memory_space<vmem>>)
        %dma_wait3A_511 = arith.constant 15 : i32
        %dma_wait3A_512 = arith.constant 1920 : i32
        %dma_wait3A_513 = arith.constant 0 : i32
        %dma_wait3A_514 = tpu.memref_slice %arg17[%dma_wait3A_512, %dma_wait3A_513] : memref<4096x8xf32, #tpu.memory_space<vmem>> -> memref<128x8xf32, #tpu.memory_space<vmem>>
        %dma_wait3A_515 = arith.constant 0 : i32
        %dma_wait3A_516 = tpu.memref_slice %arg14[%dma_wait3A_511, %dma_wait3A_515] : memref<32x128xi32, #tpu.memory_space<vmem>> -> memref<1x128xi32, #tpu.memory_space<vmem>>
        %dma_wait3A_517 = tpu.memref_squeeze %dma_wait3A_516 : memref<1x128xi32, #tpu.memory_space<vmem>> -> memref<128xi32, #tpu.memory_space<vmem>>
        %dma_wait3A_518 = arith.constant 0 : i32
        %dma_wait3A_519 = arith.constant 0 : i32
        %dma_wait3A_520 = tpu.memref_slice %arg3[%dma_wait3A_518, %dma_wait3A_519] : memref<2097152x8xf32, #tpu.memory_space<hbm>> -> memref<2097152x8xf32, #tpu.memory_space<hbm>>
        tpu.wait_indirect_dma semaphore(%arg19 : memref<!tpu.dma_semaphore, #tpu.memory_space<semaphore_mem>>) src(%dma_wait3A_520 : memref<2097152x8xf32, #tpu.memory_space<hbm>>) dst(%dma_wait3A_514 : memref<128x8xf32, #tpu.memory_space<vmem>>)
        %dma_wait3A_521 = arith.constant 16 : i32
        %dma_wait3A_522 = arith.constant 2048 : i32
        %dma_wait3A_523 = arith.constant 0 : i32
        %dma_wait3A_524 = tpu.memref_slice %arg17[%dma_wait3A_522, %dma_wait3A_523] : memref<4096x8xf32, #tpu.memory_space<vmem>> -> memref<128x8xf32, #tpu.memory_space<vmem>>
        %dma_wait3A_525 = arith.constant 0 : i32
        %dma_wait3A_526 = tpu.memref_slice %arg14[%dma_wait3A_521, %dma_wait3A_525] : memref<32x128xi32, #tpu.memory_space<vmem>> -> memref<1x128xi32, #tpu.memory_space<vmem>>
        %dma_wait3A_527 = tpu.memref_squeeze %dma_wait3A_526 : memref<1x128xi32, #tpu.memory_space<vmem>> -> memref<128xi32, #tpu.memory_space<vmem>>
        %dma_wait3A_528 = arith.constant 0 : i32
        %dma_wait3A_529 = arith.constant 0 : i32
        %dma_wait3A_530 = tpu.memref_slice %arg3[%dma_wait3A_528, %dma_wait3A_529] : memref<2097152x8xf32, #tpu.memory_space<hbm>> -> memref<2097152x8xf32, #tpu.memory_space<hbm>>
        tpu.wait_indirect_dma semaphore(%arg19 : memref<!tpu.dma_semaphore, #tpu.memory_space<semaphore_mem>>) src(%dma_wait3A_530 : memref<2097152x8xf32, #tpu.memory_space<hbm>>) dst(%dma_wait3A_524 : memref<128x8xf32, #tpu.memory_space<vmem>>)
        %dma_wait3A_531 = arith.constant 17 : i32
        %dma_wait3A_532 = arith.constant 2176 : i32
        %dma_wait3A_533 = arith.constant 0 : i32
        %dma_wait3A_534 = tpu.memref_slice %arg17[%dma_wait3A_532, %dma_wait3A_533] : memref<4096x8xf32, #tpu.memory_space<vmem>> -> memref<128x8xf32, #tpu.memory_space<vmem>>
        %dma_wait3A_535 = arith.constant 0 : i32
        %dma_wait3A_536 = tpu.memref_slice %arg14[%dma_wait3A_531, %dma_wait3A_535] : memref<32x128xi32, #tpu.memory_space<vmem>> -> memref<1x128xi32, #tpu.memory_space<vmem>>
        %dma_wait3A_537 = tpu.memref_squeeze %dma_wait3A_536 : memref<1x128xi32, #tpu.memory_space<vmem>> -> memref<128xi32, #tpu.memory_space<vmem>>
        %dma_wait3A_538 = arith.constant 0 : i32
        %dma_wait3A_539 = arith.constant 0 : i32
        %dma_wait3A_540 = tpu.memref_slice %arg3[%dma_wait3A_538, %dma_wait3A_539] : memref<2097152x8xf32, #tpu.memory_space<hbm>> -> memref<2097152x8xf32, #tpu.memory_space<hbm>>
        tpu.wait_indirect_dma semaphore(%arg19 : memref<!tpu.dma_semaphore, #tpu.memory_space<semaphore_mem>>) src(%dma_wait3A_540 : memref<2097152x8xf32, #tpu.memory_space<hbm>>) dst(%dma_wait3A_534 : memref<128x8xf32, #tpu.memory_space<vmem>>)
        %dma_wait3A_541 = arith.constant 18 : i32
        %dma_wait3A_542 = arith.constant 2304 : i32
        %dma_wait3A_543 = arith.constant 0 : i32
        %dma_wait3A_544 = tpu.memref_slice %arg17[%dma_wait3A_542, %dma_wait3A_543] : memref<4096x8xf32, #tpu.memory_space<vmem>> -> memref<128x8xf32, #tpu.memory_space<vmem>>
        %dma_wait3A_545 = arith.constant 0 : i32
        %dma_wait3A_546 = tpu.memref_slice %arg14[%dma_wait3A_541, %dma_wait3A_545] : memref<32x128xi32, #tpu.memory_space<vmem>> -> memref<1x128xi32, #tpu.memory_space<vmem>>
        %dma_wait3A_547 = tpu.memref_squeeze %dma_wait3A_546 : memref<1x128xi32, #tpu.memory_space<vmem>> -> memref<128xi32, #tpu.memory_space<vmem>>
        %dma_wait3A_548 = arith.constant 0 : i32
        %dma_wait3A_549 = arith.constant 0 : i32
        %dma_wait3A_550 = tpu.memref_slice %arg3[%dma_wait3A_548, %dma_wait3A_549] : memref<2097152x8xf32, #tpu.memory_space<hbm>> -> memref<2097152x8xf32, #tpu.memory_space<hbm>>
        tpu.wait_indirect_dma semaphore(%arg19 : memref<!tpu.dma_semaphore, #tpu.memory_space<semaphore_mem>>) src(%dma_wait3A_550 : memref<2097152x8xf32, #tpu.memory_space<hbm>>) dst(%dma_wait3A_544 : memref<128x8xf32, #tpu.memory_space<vmem>>)
        %dma_wait3A_551 = arith.constant 19 : i32
        %dma_wait3A_552 = arith.constant 2432 : i32
        %dma_wait3A_553 = arith.constant 0 : i32
        %dma_wait3A_554 = tpu.memref_slice %arg17[%dma_wait3A_552, %dma_wait3A_553] : memref<4096x8xf32, #tpu.memory_space<vmem>> -> memref<128x8xf32, #tpu.memory_space<vmem>>
        %dma_wait3A_555 = arith.constant 0 : i32
        %dma_wait3A_556 = tpu.memref_slice %arg14[%dma_wait3A_551, %dma_wait3A_555] : memref<32x128xi32, #tpu.memory_space<vmem>> -> memref<1x128xi32, #tpu.memory_space<vmem>>
        %dma_wait3A_557 = tpu.memref_squeeze %dma_wait3A_556 : memref<1x128xi32, #tpu.memory_space<vmem>> -> memref<128xi32, #tpu.memory_space<vmem>>
        %dma_wait3A_558 = arith.constant 0 : i32
        %dma_wait3A_559 = arith.constant 0 : i32
        %dma_wait3A_560 = tpu.memref_slice %arg3[%dma_wait3A_558, %dma_wait3A_559] : memref<2097152x8xf32, #tpu.memory_space<hbm>> -> memref<2097152x8xf32, #tpu.memory_space<hbm>>
        tpu.wait_indirect_dma semaphore(%arg19 : memref<!tpu.dma_semaphore, #tpu.memory_space<semaphore_mem>>) src(%dma_wait3A_560 : memref<2097152x8xf32, #tpu.memory_space<hbm>>) dst(%dma_wait3A_554 : memref<128x8xf32, #tpu.memory_space<vmem>>)
        %dma_wait3A_561 = arith.constant 20 : i32
        %dma_wait3A_562 = arith.constant 2560 : i32
        %dma_wait3A_563 = arith.constant 0 : i32
        %dma_wait3A_564 = tpu.memref_slice %arg17[%dma_wait3A_562, %dma_wait3A_563] : memref<4096x8xf32, #tpu.memory_space<vmem>> -> memref<128x8xf32, #tpu.memory_space<vmem>>
        %dma_wait3A_565 = arith.constant 0 : i32
        %dma_wait3A_566 = tpu.memref_slice %arg14[%dma_wait3A_561, %dma_wait3A_565] : memref<32x128xi32, #tpu.memory_space<vmem>> -> memref<1x128xi32, #tpu.memory_space<vmem>>
        %dma_wait3A_567 = tpu.memref_squeeze %dma_wait3A_566 : memref<1x128xi32, #tpu.memory_space<vmem>> -> memref<128xi32, #tpu.memory_space<vmem>>
        %dma_wait3A_568 = arith.constant 0 : i32
        %dma_wait3A_569 = arith.constant 0 : i32
        %dma_wait3A_570 = tpu.memref_slice %arg3[%dma_wait3A_568, %dma_wait3A_569] : memref<2097152x8xf32, #tpu.memory_space<hbm>> -> memref<2097152x8xf32, #tpu.memory_space<hbm>>
        tpu.wait_indirect_dma semaphore(%arg19 : memref<!tpu.dma_semaphore, #tpu.memory_space<semaphore_mem>>) src(%dma_wait3A_570 : memref<2097152x8xf32, #tpu.memory_space<hbm>>) dst(%dma_wait3A_564 : memref<128x8xf32, #tpu.memory_space<vmem>>)
        %dma_wait3A_571 = arith.constant 21 : i32
        %dma_wait3A_572 = arith.constant 2688 : i32
        %dma_wait3A_573 = arith.constant 0 : i32
        %dma_wait3A_574 = tpu.memref_slice %arg17[%dma_wait3A_572, %dma_wait3A_573] : memref<4096x8xf32, #tpu.memory_space<vmem>> -> memref<128x8xf32, #tpu.memory_space<vmem>>
        %dma_wait3A_575 = arith.constant 0 : i32
        %dma_wait3A_576 = tpu.memref_slice %arg14[%dma_wait3A_571, %dma_wait3A_575] : memref<32x128xi32, #tpu.memory_space<vmem>> -> memref<1x128xi32, #tpu.memory_space<vmem>>
        %dma_wait3A_577 = tpu.memref_squeeze %dma_wait3A_576 : memref<1x128xi32, #tpu.memory_space<vmem>> -> memref<128xi32, #tpu.memory_space<vmem>>
        %dma_wait3A_578 = arith.constant 0 : i32
        %dma_wait3A_579 = arith.constant 0 : i32
        %dma_wait3A_580 = tpu.memref_slice %arg3[%dma_wait3A_578, %dma_wait3A_579] : memref<2097152x8xf32, #tpu.memory_space<hbm>> -> memref<2097152x8xf32, #tpu.memory_space<hbm>>
        tpu.wait_indirect_dma semaphore(%arg19 : memref<!tpu.dma_semaphore, #tpu.memory_space<semaphore_mem>>) src(%dma_wait3A_580 : memref<2097152x8xf32, #tpu.memory_space<hbm>>) dst(%dma_wait3A_574 : memref<128x8xf32, #tpu.memory_space<vmem>>)
        %dma_wait3A_581 = arith.constant 22 : i32
        %dma_wait3A_582 = arith.constant 2816 : i32
        %dma_wait3A_583 = arith.constant 0 : i32
        %dma_wait3A_584 = tpu.memref_slice %arg17[%dma_wait3A_582, %dma_wait3A_583] : memref<4096x8xf32, #tpu.memory_space<vmem>> -> memref<128x8xf32, #tpu.memory_space<vmem>>
        %dma_wait3A_585 = arith.constant 0 : i32
        %dma_wait3A_586 = tpu.memref_slice %arg14[%dma_wait3A_581, %dma_wait3A_585] : memref<32x128xi32, #tpu.memory_space<vmem>> -> memref<1x128xi32, #tpu.memory_space<vmem>>
        %dma_wait3A_587 = tpu.memref_squeeze %dma_wait3A_586 : memref<1x128xi32, #tpu.memory_space<vmem>> -> memref<128xi32, #tpu.memory_space<vmem>>
        %dma_wait3A_588 = arith.constant 0 : i32
        %dma_wait3A_589 = arith.constant 0 : i32
        %dma_wait3A_590 = tpu.memref_slice %arg3[%dma_wait3A_588, %dma_wait3A_589] : memref<2097152x8xf32, #tpu.memory_space<hbm>> -> memref<2097152x8xf32, #tpu.memory_space<hbm>>
        tpu.wait_indirect_dma semaphore(%arg19 : memref<!tpu.dma_semaphore, #tpu.memory_space<semaphore_mem>>) src(%dma_wait3A_590 : memref<2097152x8xf32, #tpu.memory_space<hbm>>) dst(%dma_wait3A_584 : memref<128x8xf32, #tpu.memory_space<vmem>>)
        %dma_wait3A_591 = arith.constant 23 : i32
        %dma_wait3A_592 = arith.constant 2944 : i32
        %dma_wait3A_593 = arith.constant 0 : i32
        %dma_wait3A_594 = tpu.memref_slice %arg17[%dma_wait3A_592, %dma_wait3A_593] : memref<4096x8xf32, #tpu.memory_space<vmem>> -> memref<128x8xf32, #tpu.memory_space<vmem>>
        %dma_wait3A_595 = arith.constant 0 : i32
        %dma_wait3A_596 = tpu.memref_slice %arg14[%dma_wait3A_591, %dma_wait3A_595] : memref<32x128xi32, #tpu.memory_space<vmem>> -> memref<1x128xi32, #tpu.memory_space<vmem>>
        %dma_wait3A_597 = tpu.memref_squeeze %dma_wait3A_596 : memref<1x128xi32, #tpu.memory_space<vmem>> -> memref<128xi32, #tpu.memory_space<vmem>>
        %dma_wait3A_598 = arith.constant 0 : i32
        %dma_wait3A_599 = arith.constant 0 : i32
        %dma_wait3A_600 = tpu.memref_slice %arg3[%dma_wait3A_598, %dma_wait3A_599] : memref<2097152x8xf32, #tpu.memory_space<hbm>> -> memref<2097152x8xf32, #tpu.memory_space<hbm>>
        tpu.wait_indirect_dma semaphore(%arg19 : memref<!tpu.dma_semaphore, #tpu.memory_space<semaphore_mem>>) src(%dma_wait3A_600 : memref<2097152x8xf32, #tpu.memory_space<hbm>>) dst(%dma_wait3A_594 : memref<128x8xf32, #tpu.memory_space<vmem>>)
        %dma_wait3A_601 = arith.constant 24 : i32
        %dma_wait3A_602 = arith.constant 3072 : i32
        %dma_wait3A_603 = arith.constant 0 : i32
        %dma_wait3A_604 = tpu.memref_slice %arg17[%dma_wait3A_602, %dma_wait3A_603] : memref<4096x8xf32, #tpu.memory_space<vmem>> -> memref<128x8xf32, #tpu.memory_space<vmem>>
        %dma_wait3A_605 = arith.constant 0 : i32
        %dma_wait3A_606 = tpu.memref_slice %arg14[%dma_wait3A_601, %dma_wait3A_605] : memref<32x128xi32, #tpu.memory_space<vmem>> -> memref<1x128xi32, #tpu.memory_space<vmem>>
        %dma_wait3A_607 = tpu.memref_squeeze %dma_wait3A_606 : memref<1x128xi32, #tpu.memory_space<vmem>> -> memref<128xi32, #tpu.memory_space<vmem>>
        %dma_wait3A_608 = arith.constant 0 : i32
        %dma_wait3A_609 = arith.constant 0 : i32
        %dma_wait3A_610 = tpu.memref_slice %arg3[%dma_wait3A_608, %dma_wait3A_609] : memref<2097152x8xf32, #tpu.memory_space<hbm>> -> memref<2097152x8xf32, #tpu.memory_space<hbm>>
        tpu.wait_indirect_dma semaphore(%arg19 : memref<!tpu.dma_semaphore, #tpu.memory_space<semaphore_mem>>) src(%dma_wait3A_610 : memref<2097152x8xf32, #tpu.memory_space<hbm>>) dst(%dma_wait3A_604 : memref<128x8xf32, #tpu.memory_space<vmem>>)
        %dma_wait3A_611 = arith.constant 25 : i32
        %dma_wait3A_612 = arith.constant 3200 : i32
        %dma_wait3A_613 = arith.constant 0 : i32
        %dma_wait3A_614 = tpu.memref_slice %arg17[%dma_wait3A_612, %dma_wait3A_613] : memref<4096x8xf32, #tpu.memory_space<vmem>> -> memref<128x8xf32, #tpu.memory_space<vmem>>
        %dma_wait3A_615 = arith.constant 0 : i32
        %dma_wait3A_616 = tpu.memref_slice %arg14[%dma_wait3A_611, %dma_wait3A_615] : memref<32x128xi32, #tpu.memory_space<vmem>> -> memref<1x128xi32, #tpu.memory_space<vmem>>
        %dma_wait3A_617 = tpu.memref_squeeze %dma_wait3A_616 : memref<1x128xi32, #tpu.memory_space<vmem>> -> memref<128xi32, #tpu.memory_space<vmem>>
        %dma_wait3A_618 = arith.constant 0 : i32
        %dma_wait3A_619 = arith.constant 0 : i32
        %dma_wait3A_620 = tpu.memref_slice %arg3[%dma_wait3A_618, %dma_wait3A_619] : memref<2097152x8xf32, #tpu.memory_space<hbm>> -> memref<2097152x8xf32, #tpu.memory_space<hbm>>
        tpu.wait_indirect_dma semaphore(%arg19 : memref<!tpu.dma_semaphore, #tpu.memory_space<semaphore_mem>>) src(%dma_wait3A_620 : memref<2097152x8xf32, #tpu.memory_space<hbm>>) dst(%dma_wait3A_614 : memref<128x8xf32, #tpu.memory_space<vmem>>)
        %dma_wait3A_621 = arith.constant 26 : i32
        %dma_wait3A_622 = arith.constant 3328 : i32
        %dma_wait3A_623 = arith.constant 0 : i32
        %dma_wait3A_624 = tpu.memref_slice %arg17[%dma_wait3A_622, %dma_wait3A_623] : memref<4096x8xf32, #tpu.memory_space<vmem>> -> memref<128x8xf32, #tpu.memory_space<vmem>>
        %dma_wait3A_625 = arith.constant 0 : i32
        %dma_wait3A_626 = tpu.memref_slice %arg14[%dma_wait3A_621, %dma_wait3A_625] : memref<32x128xi32, #tpu.memory_space<vmem>> -> memref<1x128xi32, #tpu.memory_space<vmem>>
        %dma_wait3A_627 = tpu.memref_squeeze %dma_wait3A_626 : memref<1x128xi32, #tpu.memory_space<vmem>> -> memref<128xi32, #tpu.memory_space<vmem>>
        %dma_wait3A_628 = arith.constant 0 : i32
        %dma_wait3A_629 = arith.constant 0 : i32
        %dma_wait3A_630 = tpu.memref_slice %arg3[%dma_wait3A_628, %dma_wait3A_629] : memref<2097152x8xf32, #tpu.memory_space<hbm>> -> memref<2097152x8xf32, #tpu.memory_space<hbm>>
        tpu.wait_indirect_dma semaphore(%arg19 : memref<!tpu.dma_semaphore, #tpu.memory_space<semaphore_mem>>) src(%dma_wait3A_630 : memref<2097152x8xf32, #tpu.memory_space<hbm>>) dst(%dma_wait3A_624 : memref<128x8xf32, #tpu.memory_space<vmem>>)
        %dma_wait3A_631 = arith.constant 27 : i32
        %dma_wait3A_632 = arith.constant 3456 : i32
        %dma_wait3A_633 = arith.constant 0 : i32
        %dma_wait3A_634 = tpu.memref_slice %arg17[%dma_wait3A_632, %dma_wait3A_633] : memref<4096x8xf32, #tpu.memory_space<vmem>> -> memref<128x8xf32, #tpu.memory_space<vmem>>
        %dma_wait3A_635 = arith.constant 0 : i32
        %dma_wait3A_636 = tpu.memref_slice %arg14[%dma_wait3A_631, %dma_wait3A_635] : memref<32x128xi32, #tpu.memory_space<vmem>> -> memref<1x128xi32, #tpu.memory_space<vmem>>
        %dma_wait3A_637 = tpu.memref_squeeze %dma_wait3A_636 : memref<1x128xi32, #tpu.memory_space<vmem>> -> memref<128xi32, #tpu.memory_space<vmem>>
        %dma_wait3A_638 = arith.constant 0 : i32
        %dma_wait3A_639 = arith.constant 0 : i32
        %dma_wait3A_640 = tpu.memref_slice %arg3[%dma_wait3A_638, %dma_wait3A_639] : memref<2097152x8xf32, #tpu.memory_space<hbm>> -> memref<2097152x8xf32, #tpu.memory_space<hbm>>
        tpu.wait_indirect_dma semaphore(%arg19 : memref<!tpu.dma_semaphore, #tpu.memory_space<semaphore_mem>>) src(%dma_wait3A_640 : memref<2097152x8xf32, #tpu.memory_space<hbm>>) dst(%dma_wait3A_634 : memref<128x8xf32, #tpu.memory_space<vmem>>)
        %dma_wait3A_641 = arith.constant 28 : i32
        %dma_wait3A_642 = arith.constant 3584 : i32
        %dma_wait3A_643 = arith.constant 0 : i32
        %dma_wait3A_644 = tpu.memref_slice %arg17[%dma_wait3A_642, %dma_wait3A_643] : memref<4096x8xf32, #tpu.memory_space<vmem>> -> memref<128x8xf32, #tpu.memory_space<vmem>>
        %dma_wait3A_645 = arith.constant 0 : i32
        %dma_wait3A_646 = tpu.memref_slice %arg14[%dma_wait3A_641, %dma_wait3A_645] : memref<32x128xi32, #tpu.memory_space<vmem>> -> memref<1x128xi32, #tpu.memory_space<vmem>>
        %dma_wait3A_647 = tpu.memref_squeeze %dma_wait3A_646 : memref<1x128xi32, #tpu.memory_space<vmem>> -> memref<128xi32, #tpu.memory_space<vmem>>
        %dma_wait3A_648 = arith.constant 0 : i32
        %dma_wait3A_649 = arith.constant 0 : i32
        %dma_wait3A_650 = tpu.memref_slice %arg3[%dma_wait3A_648, %dma_wait3A_649] : memref<2097152x8xf32, #tpu.memory_space<hbm>> -> memref<2097152x8xf32, #tpu.memory_space<hbm>>
        tpu.wait_indirect_dma semaphore(%arg19 : memref<!tpu.dma_semaphore, #tpu.memory_space<semaphore_mem>>) src(%dma_wait3A_650 : memref<2097152x8xf32, #tpu.memory_space<hbm>>) dst(%dma_wait3A_644 : memref<128x8xf32, #tpu.memory_space<vmem>>)
        %dma_wait3A_651 = arith.constant 29 : i32
        %dma_wait3A_652 = arith.constant 3712 : i32
        %dma_wait3A_653 = arith.constant 0 : i32
        %dma_wait3A_654 = tpu.memref_slice %arg17[%dma_wait3A_652, %dma_wait3A_653] : memref<4096x8xf32, #tpu.memory_space<vmem>> -> memref<128x8xf32, #tpu.memory_space<vmem>>
        %dma_wait3A_655 = arith.constant 0 : i32
        %dma_wait3A_656 = tpu.memref_slice %arg14[%dma_wait3A_651, %dma_wait3A_655] : memref<32x128xi32, #tpu.memory_space<vmem>> -> memref<1x128xi32, #tpu.memory_space<vmem>>
        %dma_wait3A_657 = tpu.memref_squeeze %dma_wait3A_656 : memref<1x128xi32, #tpu.memory_space<vmem>> -> memref<128xi32, #tpu.memory_space<vmem>>
        %dma_wait3A_658 = arith.constant 0 : i32
        %dma_wait3A_659 = arith.constant 0 : i32
        %dma_wait3A_660 = tpu.memref_slice %arg3[%dma_wait3A_658, %dma_wait3A_659] : memref<2097152x8xf32, #tpu.memory_space<hbm>> -> memref<2097152x8xf32, #tpu.memory_space<hbm>>
        tpu.wait_indirect_dma semaphore(%arg19 : memref<!tpu.dma_semaphore, #tpu.memory_space<semaphore_mem>>) src(%dma_wait3A_660 : memref<2097152x8xf32, #tpu.memory_space<hbm>>) dst(%dma_wait3A_654 : memref<128x8xf32, #tpu.memory_space<vmem>>)
        %dma_wait3A_661 = arith.constant 30 : i32
        %dma_wait3A_662 = arith.constant 3840 : i32
        %dma_wait3A_663 = arith.constant 0 : i32
        %dma_wait3A_664 = tpu.memref_slice %arg17[%dma_wait3A_662, %dma_wait3A_663] : memref<4096x8xf32, #tpu.memory_space<vmem>> -> memref<128x8xf32, #tpu.memory_space<vmem>>
        %dma_wait3A_665 = arith.constant 0 : i32
        %dma_wait3A_666 = tpu.memref_slice %arg14[%dma_wait3A_661, %dma_wait3A_665] : memref<32x128xi32, #tpu.memory_space<vmem>> -> memref<1x128xi32, #tpu.memory_space<vmem>>
        %dma_wait3A_667 = tpu.memref_squeeze %dma_wait3A_666 : memref<1x128xi32, #tpu.memory_space<vmem>> -> memref<128xi32, #tpu.memory_space<vmem>>
        %dma_wait3A_668 = arith.constant 0 : i32
        %dma_wait3A_669 = arith.constant 0 : i32
        %dma_wait3A_670 = tpu.memref_slice %arg3[%dma_wait3A_668, %dma_wait3A_669] : memref<2097152x8xf32, #tpu.memory_space<hbm>> -> memref<2097152x8xf32, #tpu.memory_space<hbm>>
        tpu.wait_indirect_dma semaphore(%arg19 : memref<!tpu.dma_semaphore, #tpu.memory_space<semaphore_mem>>) src(%dma_wait3A_670 : memref<2097152x8xf32, #tpu.memory_space<hbm>>) dst(%dma_wait3A_664 : memref<128x8xf32, #tpu.memory_space<vmem>>)
        %dma_wait3A_671 = arith.constant 31 : i32
        %dma_wait3A_672 = arith.constant 3968 : i32
        %dma_wait3A_673 = arith.constant 0 : i32
        %dma_wait3A_674 = tpu.memref_slice %arg17[%dma_wait3A_672, %dma_wait3A_673] : memref<4096x8xf32, #tpu.memory_space<vmem>> -> memref<128x8xf32, #tpu.memory_space<vmem>>
        %dma_wait3A_675 = arith.constant 0 : i32
        %dma_wait3A_676 = tpu.memref_slice %arg14[%dma_wait3A_671, %dma_wait3A_675] : memref<32x128xi32, #tpu.memory_space<vmem>> -> memref<1x128xi32, #tpu.memory_space<vmem>>
        %dma_wait3A_677 = tpu.memref_squeeze %dma_wait3A_676 : memref<1x128xi32, #tpu.memory_space<vmem>> -> memref<128xi32, #tpu.memory_space<vmem>>
        %dma_wait3A_678 = arith.constant 0 : i32
        %dma_wait3A_679 = arith.constant 0 : i32
        %dma_wait3A_680 = tpu.memref_slice %arg3[%dma_wait3A_678, %dma_wait3A_679] : memref<2097152x8xf32, #tpu.memory_space<hbm>> -> memref<2097152x8xf32, #tpu.memory_space<hbm>>
        tpu.wait_indirect_dma semaphore(%arg19 : memref<!tpu.dma_semaphore, #tpu.memory_space<semaphore_mem>>) src(%dma_wait3A_680 : memref<2097152x8xf32, #tpu.memory_space<hbm>>) dst(%dma_wait3A_674 : memref<128x8xf32, #tpu.memory_space<vmem>>)
        %scan3A_681 = arith.constant 0 : i32
        %scan3A_682 = arith.constant 32 : i32
        %scan3A_683 = arith.addi %scan3A_681, %scan3A_682 : i32
        %scan3A_684 = arith.constant 1 : i32
        scf.for %scan3A_686 = %scan3A_681 to %scan3A_683 step %scan3A_684  : i32 {
          %mul3A_687 = arith.constant 1 : i32
          %mul3A_688 = arith.muli %scan3A_686, %mul3A_687 : i32
          %add3A_689 = arith.constant 0 : i32
          %add3A_690 = arith.addi %add3A_689, %mul3A_688 : i32
          %mul3A_691 = arith.constant 16 : i32
          %mul3A_692 = arith.muli %add3A_690, %mul3A_691 : i32
          %broadcast_in_dim3A_693 = arith.constant 0.000000e+00 : f32
          %broadcast_in_dim3A_694 = vector.broadcast %broadcast_in_dim3A_693 : f32 to vector<16xf32>
          %broadcast_in_dim3A_695 = arith.constant 0.000000e+00 : f32
          %broadcast_in_dim3A_696 = vector.broadcast %broadcast_in_dim3A_695 : f32 to vector<16xf32>
          %add3A_697 = arith.constant 0 : i32
          %add3A_698 = arith.addi %add3A_697, %mul3A_692 : i32
          %get3A = arith.index_cast %add3A_698 : i32 to index
          %get3A_699 = tpu.vector_load %arg15[%get3A] {strides = array<i32>} : memref<4096xi32, #tpu.memory_space<vmem>>, vector<16xi32>,
          %get3A_700 = arith.index_cast %add3A_698 : i32 to index
          %get3A_701 = tpu.vector_load %arg16[%get3A_700] {strides = array<i32>} : memref<4096xf32, #tpu.memory_space<vmem>>, vector<16xf32>,
          %add3A_702 = vector.broadcast %add3A_698 : i32 to vector<16xi32>
          %add3A_703 = arith.addi %iota3A, %add3A_702 : vector<16xi32>
          %gather3A_704 = tpu.vector_load_idx %arg17[%add3A_703, %get3A_699] : memref<4096x8xf32, #tpu.memory_space<vmem>>[vector<16xi32>, vector<16xi32>], vector<16xf32>,
          %add3A_705 = arith.constant 1 : i32
          %add3A_706 = vector.broadcast %add3A_705 : i32 to vector<16xi32>
          %add3A_707 = arith.addi %get3A_699, %add3A_706 : vector<16xi32>
          %gather3A_708 = tpu.vector_load_idx %arg17[%add3A_703, %add3A_707] : memref<4096x8xf32, #tpu.memory_space<vmem>>[vector<16xi32>, vector<16xi32>], vector<16xf32>,
          %mul3A_709 = arith.mulf %get3A_701, %gather3A_704 : vector<16xf32>
          %add3A_710 = arith.addf %broadcast_in_dim3A_694, %mul3A_709 : vector<16xf32>
          %mul3A_711 = arith.mulf %get3A_701, %gather3A_708 : vector<16xf32>
          %add3A_712 = arith.addf %broadcast_in_dim3A_696, %mul3A_711 : vector<16xf32>
          %add3A_713 = arith.constant 512 : i32
          %add3A_714 = arith.addi %add3A_713, %mul3A_692 : i32
          %get3A_715 = arith.index_cast %add3A_714 : i32 to index
          %get3A_716 = tpu.vector_load %arg15[%get3A_715] {strides = array<i32>} : memref<4096xi32, #tpu.memory_space<vmem>>, vector<16xi32>,
          %get3A_717 = arith.index_cast %add3A_714 : i32 to index
          %get3A_718 = tpu.vector_load %arg16[%get3A_717] {strides = array<i32>} : memref<4096xf32, #tpu.memory_space<vmem>>, vector<16xf32>,
          %add3A_719 = vector.broadcast %add3A_714 : i32 to vector<16xi32>
          %add3A_720 = arith.addi %iota3A, %add3A_719 : vector<16xi32>
          %gather3A_721 = tpu.vector_load_idx %arg17[%add3A_720, %get3A_716] : memref<4096x8xf32, #tpu.memory_space<vmem>>[vector<16xi32>, vector<16xi32>], vector<16xf32>,
          %add3A_722 = arith.constant 1 : i32
          %add3A_723 = vector.broadcast %add3A_722 : i32 to vector<16xi32>
          %add3A_724 = arith.addi %get3A_716, %add3A_723 : vector<16xi32>
          %gather3A_725 = tpu.vector_load_idx %arg17[%add3A_720, %add3A_724] : memref<4096x8xf32, #tpu.memory_space<vmem>>[vector<16xi32>, vector<16xi32>], vector<16xf32>,
          %mul3A_726 = arith.mulf %get3A_718, %gather3A_721 : vector<16xf32>
          %add3A_727 = arith.addf %add3A_710, %mul3A_726 : vector<16xf32>
          %mul3A_728 = arith.mulf %get3A_718, %gather3A_725 : vector<16xf32>
          %add3A_729 = arith.addf %add3A_712, %mul3A_728 : vector<16xf32>
          %add3A_730 = arith.constant 1024 : i32
          %add3A_731 = arith.addi %add3A_730, %mul3A_692 : i32
          %get3A_732 = arith.index_cast %add3A_731 : i32 to index
          %get3A_733 = tpu.vector_load %arg15[%get3A_732] {strides = array<i32>} : memref<4096xi32, #tpu.memory_space<vmem>>, vector<16xi32>,
          %get3A_734 = arith.index_cast %add3A_731 : i32 to index
          %get3A_735 = tpu.vector_load %arg16[%get3A_734] {strides = array<i32>} : memref<4096xf32, #tpu.memory_space<vmem>>, vector<16xf32>,
          %add3A_736 = vector.broadcast %add3A_731 : i32 to vector<16xi32>
          %add3A_737 = arith.addi %iota3A, %add3A_736 : vector<16xi32>
          %gather3A_738 = tpu.vector_load_idx %arg17[%add3A_737, %get3A_733] : memref<4096x8xf32, #tpu.memory_space<vmem>>[vector<16xi32>, vector<16xi32>], vector<16xf32>,
          %add3A_739 = arith.constant 1 : i32
          %add3A_740 = vector.broadcast %add3A_739 : i32 to vector<16xi32>
          %add3A_741 = arith.addi %get3A_733, %add3A_740 : vector<16xi32>
          %gather3A_742 = tpu.vector_load_idx %arg17[%add3A_737, %add3A_741] : memref<4096x8xf32, #tpu.memory_space<vmem>>[vector<16xi32>, vector<16xi32>], vector<16xf32>,
          %mul3A_743 = arith.mulf %get3A_735, %gather3A_738 : vector<16xf32>
          %add3A_744 = arith.addf %add3A_727, %mul3A_743 : vector<16xf32>
          %mul3A_745 = arith.mulf %get3A_735, %gather3A_742 : vector<16xf32>
          %add3A_746 = arith.addf %add3A_729, %mul3A_745 : vector<16xf32>
          %add3A_747 = arith.constant 1536 : i32
          %add3A_748 = arith.addi %add3A_747, %mul3A_692 : i32
          %get3A_749 = arith.index_cast %add3A_748 : i32 to index
          %get3A_750 = tpu.vector_load %arg15[%get3A_749] {strides = array<i32>} : memref<4096xi32, #tpu.memory_space<vmem>>, vector<16xi32>,
          %get3A_751 = arith.index_cast %add3A_748 : i32 to index
          %get3A_752 = tpu.vector_load %arg16[%get3A_751] {strides = array<i32>} : memref<4096xf32, #tpu.memory_space<vmem>>, vector<16xf32>,
          %add3A_753 = vector.broadcast %add3A_748 : i32 to vector<16xi32>
          %add3A_754 = arith.addi %iota3A, %add3A_753 : vector<16xi32>
          %gather3A_755 = tpu.vector_load_idx %arg17[%add3A_754, %get3A_750] : memref<4096x8xf32, #tpu.memory_space<vmem>>[vector<16xi32>, vector<16xi32>], vector<16xf32>,
          %add3A_756 = arith.constant 1 : i32
          %add3A_757 = vector.broadcast %add3A_756 : i32 to vector<16xi32>
          %add3A_758 = arith.addi %get3A_750, %add3A_757 : vector<16xi32>
          %gather3A_759 = tpu.vector_load_idx %arg17[%add3A_754, %add3A_758] : memref<4096x8xf32, #tpu.memory_space<vmem>>[vector<16xi32>, vector<16xi32>], vector<16xf32>,
          %mul3A_760 = arith.mulf %get3A_752, %gather3A_755 : vector<16xf32>
          %add3A_761 = arith.addf %add3A_744, %mul3A_760 : vector<16xf32>
          %mul3A_762 = arith.mulf %get3A_752, %gather3A_759 : vector<16xf32>
          %add3A_763 = arith.addf %add3A_746, %mul3A_762 : vector<16xf32>
          %add3A_764 = arith.constant 2048 : i32
          %add3A_765 = arith.addi %add3A_764, %mul3A_692 : i32
          %get3A_766 = arith.index_cast %add3A_765 : i32 to index
          %get3A_767 = tpu.vector_load %arg15[%get3A_766] {strides = array<i32>} : memref<4096xi32, #tpu.memory_space<vmem>>, vector<16xi32>,
          %get3A_768 = arith.index_cast %add3A_765 : i32 to index
          %get3A_769 = tpu.vector_load %arg16[%get3A_768] {strides = array<i32>} : memref<4096xf32, #tpu.memory_space<vmem>>, vector<16xf32>,
          %add3A_770 = vector.broadcast %add3A_765 : i32 to vector<16xi32>
          %add3A_771 = arith.addi %iota3A, %add3A_770 : vector<16xi32>
          %gather3A_772 = tpu.vector_load_idx %arg17[%add3A_771, %get3A_767] : memref<4096x8xf32, #tpu.memory_space<vmem>>[vector<16xi32>, vector<16xi32>], vector<16xf32>,
          %add3A_773 = arith.constant 1 : i32
          %add3A_774 = vector.broadcast %add3A_773 : i32 to vector<16xi32>
          %add3A_775 = arith.addi %get3A_767, %add3A_774 : vector<16xi32>
          %gather3A_776 = tpu.vector_load_idx %arg17[%add3A_771, %add3A_775] : memref<4096x8xf32, #tpu.memory_space<vmem>>[vector<16xi32>, vector<16xi32>], vector<16xf32>,
          %mul3A_777 = arith.mulf %get3A_769, %gather3A_772 : vector<16xf32>
          %add3A_778 = arith.addf %add3A_761, %mul3A_777 : vector<16xf32>
          %mul3A_779 = arith.mulf %get3A_769, %gather3A_776 : vector<16xf32>
          %add3A_780 = arith.addf %add3A_763, %mul3A_779 : vector<16xf32>
          %add3A_781 = arith.constant 2560 : i32
          %add3A_782 = arith.addi %add3A_781, %mul3A_692 : i32
          %get3A_783 = arith.index_cast %add3A_782 : i32 to index
          %get3A_784 = tpu.vector_load %arg15[%get3A_783] {strides = array<i32>} : memref<4096xi32, #tpu.memory_space<vmem>>, vector<16xi32>,
          %get3A_785 = arith.index_cast %add3A_782 : i32 to index
          %get3A_786 = tpu.vector_load %arg16[%get3A_785] {strides = array<i32>} : memref<4096xf32, #tpu.memory_space<vmem>>, vector<16xf32>,
          %add3A_787 = vector.broadcast %add3A_782 : i32 to vector<16xi32>
          %add3A_788 = arith.addi %iota3A, %add3A_787 : vector<16xi32>
          %gather3A_789 = tpu.vector_load_idx %arg17[%add3A_788, %get3A_784] : memref<4096x8xf32, #tpu.memory_space<vmem>>[vector<16xi32>, vector<16xi32>], vector<16xf32>,
          %add3A_790 = arith.constant 1 : i32
          %add3A_791 = vector.broadcast %add3A_790 : i32 to vector<16xi32>
          %add3A_792 = arith.addi %get3A_784, %add3A_791 : vector<16xi32>
          %gather3A_793 = tpu.vector_load_idx %arg17[%add3A_788, %add3A_792] : memref<4096x8xf32, #tpu.memory_space<vmem>>[vector<16xi32>, vector<16xi32>], vector<16xf32>,
          %mul3A_794 = arith.mulf %get3A_786, %gather3A_789 : vector<16xf32>
          %add3A_795 = arith.addf %add3A_778, %mul3A_794 : vector<16xf32>
          %mul3A_796 = arith.mulf %get3A_786, %gather3A_793 : vector<16xf32>
          %add3A_797 = arith.addf %add3A_780, %mul3A_796 : vector<16xf32>
          %add3A_798 = arith.constant 3072 : i32
          %add3A_799 = arith.addi %add3A_798, %mul3A_692 : i32
          %get3A_800 = arith.index_cast %add3A_799 : i32 to index
          %get3A_801 = tpu.vector_load %arg15[%get3A_800] {strides = array<i32>} : memref<4096xi32, #tpu.memory_space<vmem>>, vector<16xi32>,
          %get3A_802 = arith.index_cast %add3A_799 : i32 to index
          %get3A_803 = tpu.vector_load %arg16[%get3A_802] {strides = array<i32>} : memref<4096xf32, #tpu.memory_space<vmem>>, vector<16xf32>,
          %add3A_804 = vector.broadcast %add3A_799 : i32 to vector<16xi32>
          %add3A_805 = arith.addi %iota3A, %add3A_804 : vector<16xi32>
          %gather3A_806 = tpu.vector_load_idx %arg17[%add3A_805, %get3A_801] : memref<4096x8xf32, #tpu.memory_space<vmem>>[vector<16xi32>, vector<16xi32>], vector<16xf32>,
          %add3A_807 = arith.constant 1 : i32
          %add3A_808 = vector.broadcast %add3A_807 : i32 to vector<16xi32>
          %add3A_809 = arith.addi %get3A_801, %add3A_808 : vector<16xi32>
          %gather3A_810 = tpu.vector_load_idx %arg17[%add3A_805, %add3A_809] : memref<4096x8xf32, #tpu.memory_space<vmem>>[vector<16xi32>, vector<16xi32>], vector<16xf32>,
          %mul3A_811 = arith.mulf %get3A_803, %gather3A_806 : vector<16xf32>
          %add3A_812 = arith.addf %add3A_795, %mul3A_811 : vector<16xf32>
          %mul3A_813 = arith.mulf %get3A_803, %gather3A_810 : vector<16xf32>
          %add3A_814 = arith.addf %add3A_797, %mul3A_813 : vector<16xf32>
          %add3A_815 = arith.constant 3584 : i32
          %add3A_816 = arith.addi %add3A_815, %mul3A_692 : i32
          %get3A_817 = arith.index_cast %add3A_816 : i32 to index
          %get3A_818 = tpu.vector_load %arg15[%get3A_817] {strides = array<i32>} : memref<4096xi32, #tpu.memory_space<vmem>>, vector<16xi32>,
          %get3A_819 = arith.index_cast %add3A_816 : i32 to index
          %get3A_820 = tpu.vector_load %arg16[%get3A_819] {strides = array<i32>} : memref<4096xf32, #tpu.memory_space<vmem>>, vector<16xf32>,
          %add3A_821 = vector.broadcast %add3A_816 : i32 to vector<16xi32>
          %add3A_822 = arith.addi %iota3A, %add3A_821 : vector<16xi32>
          %gather3A_823 = tpu.vector_load_idx %arg17[%add3A_822, %get3A_818] : memref<4096x8xf32, #tpu.memory_space<vmem>>[vector<16xi32>, vector<16xi32>], vector<16xf32>,
          %add3A_824 = arith.constant 1 : i32
          %add3A_825 = vector.broadcast %add3A_824 : i32 to vector<16xi32>
          %add3A_826 = arith.addi %get3A_818, %add3A_825 : vector<16xi32>
          %gather3A_827 = tpu.vector_load_idx %arg17[%add3A_822, %add3A_826] : memref<4096x8xf32, #tpu.memory_space<vmem>>[vector<16xi32>, vector<16xi32>], vector<16xf32>,
          %mul3A_828 = arith.mulf %get3A_820, %gather3A_823 : vector<16xf32>
          %add3A_829 = arith.addf %add3A_812, %mul3A_828 : vector<16xf32>
          %mul3A_830 = arith.mulf %get3A_820, %gather3A_827 : vector<16xf32>
          %add3A_831 = arith.addf %add3A_814, %mul3A_830 : vector<16xf32>
          %mul3A_832 = arith.constant 2 : i32
          %mul3A_833 = arith.muli %mul3A_832, %add3A_29 : i32
          %swap3A = arith.index_cast %mul3A_833 : i32 to index
          %swap3A_834 = arith.index_cast %mul3A_692 : i32 to index
          %swap3A_835 = tpu.vector_load %arg18[%swap3A, %swap3A_834] {strides = array<i32>} : memref<32x512xf32, #tpu.memory_space<vmem>>, vector<16xf32>,
          tpu.vector_store %arg18[%swap3A, %swap3A_834], %add3A_829 {strides = array<i32>} : memref<32x512xf32, #tpu.memory_space<vmem>>, vector<16xf32>,
          %mul3A_836 = arith.constant 2 : i32
          %mul3A_837 = arith.muli %mul3A_836, %add3A_29 : i32
          %add3A_838 = arith.constant 1 : i32
          %add3A_839 = arith.addi %mul3A_837, %add3A_838 : i32
          %swap3A_840 = arith.index_cast %add3A_839 : i32 to index
          %swap3A_841 = arith.index_cast %mul3A_692 : i32 to index
          %swap3A_842 = tpu.vector_load %arg18[%swap3A_840, %swap3A_841] {strides = array<i32>} : memref<32x512xf32, #tpu.memory_space<vmem>>, vector<16xf32>,
          tpu.vector_store %arg18[%swap3A_840, %swap3A_841], %add3A_831 {strides = array<i32>} : memref<32x512xf32, #tpu.memory_space<vmem>>, vector<16xf32>,
        }
        %scan3A_685 = arith.constant 32 : i32
      }
      %scan3A_19 = arith.constant 5 : i32
      %scan3A_20 = arith.constant 0 : i32
      %scan3A_21 = arith.constant 11 : i32
      %scan3A_22 = arith.addi %scan3A_20, %scan3A_21 : i32
      %scan3A_23 = arith.constant 1 : i32
      scf.for %scan3A_25 = %scan3A_20 to %scan3A_22 step %scan3A_23  : i32 {
        %mul3A_26 = arith.constant 1 : i32
        %mul3A_27 = arith.muli %scan3A_25, %mul3A_26 : i32
        %add3A_28 = arith.constant 5 : i32
        %add3A_29 = arith.addi %add3A_28, %mul3A_27 : i32
        %broadcast_in_dim3A = vector.broadcast %add3A_29 : i32 to vector<16xi32>
        %gather3A = tpu.vector_load_idx %arg9[%broadcast_in_dim3A] : memref<16xf32, #tpu.memory_space<vmem>>[vector<16xi32>], vector<16xf32>,
        %broadcast_in_dim3A_30 = vector.broadcast %add3A_29 : i32 to vector<16xi32>
        %gather3A_31 = tpu.vector_load_idx %arg12[%broadcast_in_dim3A_30] : memref<16xi32, #tpu.memory_space<vmem>>[vector<16xi32>], vector<16xi32>,
        %scan3A_32 = arith.constant 0 : i32
        %scan3A_33 = arith.constant 32 : i32
        %scan3A_34 = arith.addi %scan3A_32, %scan3A_33 : i32
        %scan3A_35 = arith.constant 1 : i32
        scf.for %scan3A_680 = %scan3A_32 to %scan3A_34 step %scan3A_35  : i32 {
          %mul3A_681 = arith.constant 1 : i32
          %mul3A_682 = arith.muli %scan3A_680, %mul3A_681 : i32
          %add3A_683 = arith.constant 0 : i32
          %add3A_684 = arith.addi %add3A_683, %mul3A_682 : i32
          %mul3A_685 = arith.constant 16 : i32
          %mul3A_686 = arith.muli %add3A_684, %mul3A_685 : i32
          %get3A = arith.constant 0 : i32
          %get3A_687 = arith.index_cast %get3A : i32 to index
          %get3A_688 = arith.index_cast %mul3A_686 : i32 to index
          %get3A_689 = tpu.vector_load %arg13[%get3A_687, %get3A_688] {strides = array<i32>} : memref<3x512xf32, #tpu.memory_space<vmem>>, vector<16xf32>,
          %mul3A_690 = arith.constant 5.000000e-01 : f32
          %mul3A_691 = vector.broadcast %mul3A_690 : f32 to vector<16xf32>
          %mul3A_692 = arith.mulf %get3A_689, %mul3A_691 : vector<16xf32>
          %add3A_693 = arith.constant 5.000000e-01 : f32
          %add3A_694 = vector.broadcast %add3A_693 : f32 to vector<16xf32>
          %add3A_695 = arith.addf %mul3A_692, %add3A_694 : vector<16xf32>
          %max3A = arith.constant 0.000000e+00 : f32
          %max3A_696 = vector.broadcast %max3A : f32 to vector<16xf32>
          %max3A_697 = arith.maximumf %add3A_695, %max3A_696 : vector<16xf32>
          %min3A = arith.constant 1.000000e+00 : f32
          %min3A_698 = vector.broadcast %min3A : f32 to vector<16xf32>
          %min3A_699 = arith.minimumf %max3A_697, %min3A_698 : vector<16xf32>
          %mul3A_700 = arith.mulf %min3A_699, %gather3A : vector<16xf32>
          %add3A_701 = arith.constant 5.000000e-01 : f32
          %add3A_702 = vector.broadcast %add3A_701 : f32 to vector<16xf32>
          %add3A_703 = arith.addf %mul3A_700, %add3A_702 : vector<16xf32>
          %convert_element_type3A = arith.fptosi %add3A_703 : vector<16xf32> to vector<16xi32>
          %convert_element_type3A_704 = arith.sitofp %convert_element_type3A : vector<16xi32> to vector<16xf32>
          %sub3A = arith.subf %add3A_703, %convert_element_type3A_704 : vector<16xf32>
          %sub3A_705 = arith.constant 1.000000e+00 : f32
          %sub3A_706 = vector.broadcast %sub3A_705 : f32 to vector<16xf32>
          %sub3A_707 = arith.subf %sub3A_706, %sub3A : vector<16xf32>
          %get3A_708 = arith.constant 1 : i32
          %get3A_709 = arith.index_cast %get3A_708 : i32 to index
          %get3A_710 = arith.index_cast %mul3A_686 : i32 to index
          %get3A_711 = tpu.vector_load %arg13[%get3A_709, %get3A_710] {strides = array<i32>} : memref<3x512xf32, #tpu.memory_space<vmem>>, vector<16xf32>,
          %mul3A_712 = arith.constant 5.000000e-01 : f32
          %mul3A_713 = vector.broadcast %mul3A_712 : f32 to vector<16xf32>
          %mul3A_714 = arith.mulf %get3A_711, %mul3A_713 : vector<16xf32>
          %add3A_715 = arith.constant 5.000000e-01 : f32
          %add3A_716 = vector.broadcast %add3A_715 : f32 to vector<16xf32>
          %add3A_717 = arith.addf %mul3A_714, %add3A_716 : vector<16xf32>
          %max3A_718 = arith.constant 0.000000e+00 : f32
          %max3A_719 = vector.broadcast %max3A_718 : f32 to vector<16xf32>
          %max3A_720 = arith.maximumf %add3A_717, %max3A_719 : vector<16xf32>
          %min3A_721 = arith.constant 1.000000e+00 : f32
          %min3A_722 = vector.broadcast %min3A_721 : f32 to vector<16xf32>
          %min3A_723 = arith.minimumf %max3A_720, %min3A_722 : vector<16xf32>
          %mul3A_724 = arith.mulf %min3A_723, %gather3A : vector<16xf32>
          %add3A_725 = arith.constant 5.000000e-01 : f32
          %add3A_726 = vector.broadcast %add3A_725 : f32 to vector<16xf32>
          %add3A_727 = arith.addf %mul3A_724, %add3A_726 : vector<16xf32>
          %convert_element_type3A_728 = arith.fptosi %add3A_727 : vector<16xf32> to vector<16xi32>
          %convert_element_type3A_729 = arith.sitofp %convert_element_type3A_728 : vector<16xi32> to vector<16xf32>
          %sub3A_730 = arith.subf %add3A_727, %convert_element_type3A_729 : vector<16xf32>
          %sub3A_731 = arith.constant 1.000000e+00 : f32
          %sub3A_732 = vector.broadcast %sub3A_731 : f32 to vector<16xf32>
          %sub3A_733 = arith.subf %sub3A_732, %sub3A_730 : vector<16xf32>
          %get3A_734 = arith.constant 2 : i32
          %get3A_735 = arith.index_cast %get3A_734 : i32 to index
          %get3A_736 = arith.index_cast %mul3A_686 : i32 to index
          %get3A_737 = tpu.vector_load %arg13[%get3A_735, %get3A_736] {strides = array<i32>} : memref<3x512xf32, #tpu.memory_space<vmem>>, vector<16xf32>,
          %mul3A_738 = arith.constant 5.000000e-01 : f32
          %mul3A_739 = vector.broadcast %mul3A_738 : f32 to vector<16xf32>
          %mul3A_740 = arith.mulf %get3A_737, %mul3A_739 : vector<16xf32>
          %add3A_741 = arith.constant 5.000000e-01 : f32
          %add3A_742 = vector.broadcast %add3A_741 : f32 to vector<16xf32>
          %add3A_743 = arith.addf %mul3A_740, %add3A_742 : vector<16xf32>
          %max3A_744 = arith.constant 0.000000e+00 : f32
          %max3A_745 = vector.broadcast %max3A_744 : f32 to vector<16xf32>
          %max3A_746 = arith.maximumf %add3A_743, %max3A_745 : vector<16xf32>
          %min3A_747 = arith.constant 1.000000e+00 : f32
          %min3A_748 = vector.broadcast %min3A_747 : f32 to vector<16xf32>
          %min3A_749 = arith.minimumf %max3A_746, %min3A_748 : vector<16xf32>
          %mul3A_750 = arith.mulf %min3A_749, %gather3A : vector<16xf32>
          %add3A_751 = arith.constant 5.000000e-01 : f32
          %add3A_752 = vector.broadcast %add3A_751 : f32 to vector<16xf32>
          %add3A_753 = arith.addf %mul3A_750, %add3A_752 : vector<16xf32>
          %convert_element_type3A_754 = arith.fptosi %add3A_753 : vector<16xf32> to vector<16xi32>
          %convert_element_type3A_755 = arith.sitofp %convert_element_type3A_754 : vector<16xi32> to vector<16xf32>
          %sub3A_756 = arith.subf %add3A_753, %convert_element_type3A_755 : vector<16xf32>
          %sub3A_757 = arith.constant 1.000000e+00 : f32
          %sub3A_758 = vector.broadcast %sub3A_757 : f32 to vector<16xf32>
          %sub3A_759 = arith.subf %sub3A_758, %sub3A_756 : vector<16xf32>
          %mul3A_760 = arith.mulf %sub3A_707, %sub3A_733 : vector<16xf32>
          %mul3A_761 = arith.mulf %sub3A, %sub3A_733 : vector<16xf32>
          %mul3A_762 = arith.mulf %sub3A_707, %sub3A_730 : vector<16xf32>
          %mul3A_763 = arith.mulf %sub3A, %sub3A_730 : vector<16xf32>
          %add3A_764 = arith.constant 1 : i32
          %add3A_765 = vector.broadcast %add3A_764 : i32 to vector<16xi32>
          %add3A_766 = arith.addi %convert_element_type3A, %add3A_765 : vector<16xi32>
          %mul3A_767 = arith.constant -1640531535 : i32
          %mul3A_768 = vector.broadcast %mul3A_767 : i32 to vector<16xi32>
          %mul3A_769 = arith.muli %convert_element_type3A_728, %mul3A_768 : vector<16xi32>
          %add3A_770 = arith.constant -1640531535 : i32
          %add3A_771 = vector.broadcast %add3A_770 : i32 to vector<16xi32>
          %add3A_772 = arith.addi %mul3A_769, %add3A_771 : vector<16xi32>
          %mul3A_773 = arith.constant 805459861 : i32
          %mul3A_774 = vector.broadcast %mul3A_773 : i32 to vector<16xi32>
          %mul3A_775 = arith.muli %convert_element_type3A_754, %mul3A_774 : vector<16xi32>
          %add3A_776 = arith.constant 805459861 : i32
          %add3A_777 = vector.broadcast %add3A_776 : i32 to vector<16xi32>
          %add3A_778 = arith.addi %mul3A_775, %add3A_777 : vector<16xi32>
          %xor3A = arith.xori %convert_element_type3A, %mul3A_769 : vector<16xi32>
          %xor3A_779 = arith.xori %xor3A, %mul3A_775 : vector<16xi32>
          %and3A = arith.constant 524287 : i32
          %and3A_780 = vector.broadcast %and3A : i32 to vector<16xi32>
          %and3A_781 = arith.andi %xor3A_779, %and3A_780 : vector<16xi32>
          %mul3A_782 = arith.mulf %mul3A_760, %sub3A_759 : vector<16xf32>
          %add3A_783 = arith.constant 0 : i32
          %add3A_784 = arith.addi %add3A_783, %mul3A_686 : i32
          %shift_right_logical3A = arith.constant 2 : i32
          %shift_right_logical3A_785 = vector.broadcast %shift_right_logical3A : i32 to vector<16xi32>
          %shift_right_logical3A_786 = arith.shrui %and3A_781, %shift_right_logical3A_785 : vector<16xi32>
          %add3A_787 = arith.addi %shift_right_logical3A_786, %gather3A_31 : vector<16xi32>
          %jit3A = arith.constant 128 : i32
          %div3A = arith.divsi %add3A_784, %jit3A : i32
          %sign3A = arith.constant 0 : i32
          %sign3A_788 = arith.cmpi sgt, %add3A_784, %sign3A : i32
          %sign3A_789 = arith.extui %sign3A_788 : i1 to i32
          %sign3A_790 = arith.constant 0 : i32
          %sign3A_791 = arith.cmpi slt, %add3A_784, %sign3A_790 : i32
          %sign3A_792 = arith.extui %sign3A_791 : i1 to i32
          %sign3A_793 = arith.subi %sign3A_789, %sign3A_792 : i32
          %sign3A_794 = arith.constant 0 : i32
          %sign3A_795 = arith.cmpi sgt, %jit3A, %sign3A_794 : i32
          %sign3A_796 = arith.extui %sign3A_795 : i1 to i32
          %sign3A_797 = arith.constant 0 : i32
          %sign3A_798 = arith.cmpi slt, %jit3A, %sign3A_797 : i32
          %sign3A_799 = arith.extui %sign3A_798 : i1 to i32
          %sign3A_800 = arith.subi %sign3A_796, %sign3A_799 : i32
          %ne3A = arith.cmpi ne, %sign3A_793, %sign3A_800 : i32
          %rem3A = arith.remsi %add3A_784, %jit3A : i32
          %ne3A_801 = arith.constant 0 : i32
          %ne3A_802 = arith.cmpi ne, %rem3A, %ne3A_801 : i32
          %and3A_803 = arith.andi %ne3A, %ne3A_802 : i1
          %sub3A_804 = arith.constant 1 : i32
          %sub3A_805 = arith.subi %div3A, %sub3A_804 : i32
          %select_n3A = arith.select %and3A_803, %sub3A_805, %div3A : i32
          %jit3A_806 = arith.constant 128 : i32
          %eq3A = arith.constant 0 : i32
          %eq3A_807 = arith.cmpi eq, %jit3A_806, %eq3A : i32
          %jit3A_808 = arith.constant 1 : i32
          %select_n3A_809 = arith.select %eq3A_807, %jit3A_808, %jit3A_806 : i32
          %rem3A_810 = arith.remsi %add3A_784, %select_n3A_809 : i32
          %ne3A_811 = arith.constant 0 : i32
          %ne3A_812 = arith.cmpi ne, %rem3A_810, %ne3A_811 : i32
          %lt3A = arith.constant 0 : i32
          %lt3A_813 = arith.cmpi slt, %rem3A_810, %lt3A : i32
          %lt3A_814 = arith.constant 0 : i32
          %lt3A_815 = arith.cmpi slt, %select_n3A_809, %lt3A_814 : i32
          %ne3A_816 = arith.xori %lt3A_813, %lt3A_815 : i1
          %and3A_817 = arith.andi %ne3A_816, %ne3A_812 : i1
          %add3A_818 = arith.addi %rem3A_810, %select_n3A_809 : i32
          %select_n3A_819 = arith.select %and3A_817, %add3A_818, %rem3A_810 : i32
          %swap3A = arith.index_cast %select_n3A : i32 to index
          %swap3A_820 = arith.index_cast %select_n3A_819 : i32 to index
          %swap3A_821 = tpu.vector_load %arg14[%swap3A, %swap3A_820] {strides = array<i32>} : memref<32x128xi32, #tpu.memory_space<vmem>>, vector<16xi32>,
          tpu.vector_store %arg14[%swap3A, %swap3A_820], %add3A_787 {strides = array<i32>} : memref<32x128xi32, #tpu.memory_space<vmem>>, vector<16xi32>,
          %and3A_822 = arith.constant 3 : i32
          %and3A_823 = vector.broadcast %and3A_822 : i32 to vector<16xi32>
          %and3A_824 = arith.andi %and3A_781, %and3A_823 : vector<16xi32>
          %shift_left3A = arith.constant 1 : i32
          %shift_left3A_825 = vector.broadcast %shift_left3A : i32 to vector<16xi32>
          %shift_left3A_826 = arith.shli %and3A_824, %shift_left3A_825 : vector<16xi32>
          %swap3A_827 = arith.index_cast %add3A_784 : i32 to index
          %swap3A_828 = tpu.vector_load %arg15[%swap3A_827] {strides = array<i32>} : memref<4096xi32, #tpu.memory_space<vmem>>, vector<16xi32>,
          tpu.vector_store %arg15[%swap3A_827], %shift_left3A_826 {strides = array<i32>} : memref<4096xi32, #tpu.memory_space<vmem>>, vector<16xi32>,
          %swap3A_829 = arith.index_cast %add3A_784 : i32 to index
          %swap3A_830 = tpu.vector_load %arg16[%swap3A_829] {strides = array<i32>} : memref<4096xf32, #tpu.memory_space<vmem>>, vector<16xf32>,
          tpu.vector_store %arg16[%swap3A_829], %mul3A_782 {strides = array<i32>} : memref<4096xf32, #tpu.memory_space<vmem>>, vector<16xf32>,
          %xor3A_831 = arith.xori %add3A_766, %mul3A_769 : vector<16xi32>
          %xor3A_832 = arith.xori %xor3A_831, %mul3A_775 : vector<16xi32>
          %and3A_833 = arith.constant 524287 : i32
          %and3A_834 = vector.broadcast %and3A_833 : i32 to vector<16xi32>
          %and3A_835 = arith.andi %xor3A_832, %and3A_834 : vector<16xi32>
          %mul3A_836 = arith.mulf %mul3A_761, %sub3A_759 : vector<16xf32>
          %add3A_837 = arith.constant 512 : i32
          %add3A_838 = arith.addi %add3A_837, %mul3A_686 : i32
          %shift_right_logical3A_839 = arith.constant 2 : i32
          %shift_right_logical3A_840 = vector.broadcast %shift_right_logical3A_839 : i32 to vector<16xi32>
          %shift_right_logical3A_841 = arith.shrui %and3A_835, %shift_right_logical3A_840 : vector<16xi32>
          %add3A_842 = arith.addi %shift_right_logical3A_841, %gather3A_31 : vector<16xi32>
          %jit3A_843 = arith.constant 128 : i32
          %div3A_844 = arith.divsi %add3A_838, %jit3A_843 : i32
          %sign3A_845 = arith.constant 0 : i32
          %sign3A_846 = arith.cmpi sgt, %add3A_838, %sign3A_845 : i32
          %sign3A_847 = arith.extui %sign3A_846 : i1 to i32
          %sign3A_848 = arith.constant 0 : i32
          %sign3A_849 = arith.cmpi slt, %add3A_838, %sign3A_848 : i32
          %sign3A_850 = arith.extui %sign3A_849 : i1 to i32
          %sign3A_851 = arith.subi %sign3A_847, %sign3A_850 : i32
          %sign3A_852 = arith.constant 0 : i32
          %sign3A_853 = arith.cmpi sgt, %jit3A_843, %sign3A_852 : i32
          %sign3A_854 = arith.extui %sign3A_853 : i1 to i32
          %sign3A_855 = arith.constant 0 : i32
          %sign3A_856 = arith.cmpi slt, %jit3A_843, %sign3A_855 : i32
          %sign3A_857 = arith.extui %sign3A_856 : i1 to i32
          %sign3A_858 = arith.subi %sign3A_854, %sign3A_857 : i32
          %ne3A_859 = arith.cmpi ne, %sign3A_851, %sign3A_858 : i32
          %rem3A_860 = arith.remsi %add3A_838, %jit3A_843 : i32
          %ne3A_861 = arith.constant 0 : i32
          %ne3A_862 = arith.cmpi ne, %rem3A_860, %ne3A_861 : i32
          %and3A_863 = arith.andi %ne3A_859, %ne3A_862 : i1
          %sub3A_864 = arith.constant 1 : i32
          %sub3A_865 = arith.subi %div3A_844, %sub3A_864 : i32
          %select_n3A_866 = arith.select %and3A_863, %sub3A_865, %div3A_844 : i32
          %jit3A_867 = arith.constant 128 : i32
          %eq3A_868 = arith.constant 0 : i32
          %eq3A_869 = arith.cmpi eq, %jit3A_867, %eq3A_868 : i32
          %jit3A_870 = arith.constant 1 : i32
          %select_n3A_871 = arith.select %eq3A_869, %jit3A_870, %jit3A_867 : i32
          %rem3A_872 = arith.remsi %add3A_838, %select_n3A_871 : i32
          %ne3A_873 = arith.constant 0 : i32
          %ne3A_874 = arith.cmpi ne, %rem3A_872, %ne3A_873 : i32
          %lt3A_875 = arith.constant 0 : i32
          %lt3A_876 = arith.cmpi slt, %rem3A_872, %lt3A_875 : i32
          %lt3A_877 = arith.constant 0 : i32
          %lt3A_878 = arith.cmpi slt, %select_n3A_871, %lt3A_877 : i32
          %ne3A_879 = arith.xori %lt3A_876, %lt3A_878 : i1
          %and3A_880 = arith.andi %ne3A_879, %ne3A_874 : i1
          %add3A_881 = arith.addi %rem3A_872, %select_n3A_871 : i32
          %select_n3A_882 = arith.select %and3A_880, %add3A_881, %rem3A_872 : i32
          %swap3A_883 = arith.index_cast %select_n3A_866 : i32 to index
          %swap3A_884 = arith.index_cast %select_n3A_882 : i32 to index
          %swap3A_885 = tpu.vector_load %arg14[%swap3A_883, %swap3A_884] {strides = array<i32>} : memref<32x128xi32, #tpu.memory_space<vmem>>, vector<16xi32>,
          tpu.vector_store %arg14[%swap3A_883, %swap3A_884], %add3A_842 {strides = array<i32>} : memref<32x128xi32, #tpu.memory_space<vmem>>, vector<16xi32>,
          %and3A_886 = arith.constant 3 : i32
          %and3A_887 = vector.broadcast %and3A_886 : i32 to vector<16xi32>
          %and3A_888 = arith.andi %and3A_835, %and3A_887 : vector<16xi32>
          %shift_left3A_889 = arith.constant 1 : i32
          %shift_left3A_890 = vector.broadcast %shift_left3A_889 : i32 to vector<16xi32>
          %shift_left3A_891 = arith.shli %and3A_888, %shift_left3A_890 : vector<16xi32>
          %swap3A_892 = arith.index_cast %add3A_838 : i32 to index
          %swap3A_893 = tpu.vector_load %arg15[%swap3A_892] {strides = array<i32>} : memref<4096xi32, #tpu.memory_space<vmem>>, vector<16xi32>,
          tpu.vector_store %arg15[%swap3A_892], %shift_left3A_891 {strides = array<i32>} : memref<4096xi32, #tpu.memory_space<vmem>>, vector<16xi32>,
          %swap3A_894 = arith.index_cast %add3A_838 : i32 to index
          %swap3A_895 = tpu.vector_load %arg16[%swap3A_894] {strides = array<i32>} : memref<4096xf32, #tpu.memory_space<vmem>>, vector<16xf32>,
          tpu.vector_store %arg16[%swap3A_894], %mul3A_836 {strides = array<i32>} : memref<4096xf32, #tpu.memory_space<vmem>>, vector<16xf32>,
          %xor3A_896 = arith.xori %convert_element_type3A, %add3A_772 : vector<16xi32>
          %xor3A_897 = arith.xori %xor3A_896, %mul3A_775 : vector<16xi32>
          %and3A_898 = arith.constant 524287 : i32
          %and3A_899 = vector.broadcast %and3A_898 : i32 to vector<16xi32>
          %and3A_900 = arith.andi %xor3A_897, %and3A_899 : vector<16xi32>
          %mul3A_901 = arith.mulf %mul3A_762, %sub3A_759 : vector<16xf32>
          %add3A_902 = arith.constant 1024 : i32
          %add3A_903 = arith.addi %add3A_902, %mul3A_686 : i32
          %shift_right_logical3A_904 = arith.constant 2 : i32
          %shift_right_logical3A_905 = vector.broadcast %shift_right_logical3A_904 : i32 to vector<16xi32>
          %shift_right_logical3A_906 = arith.shrui %and3A_900, %shift_right_logical3A_905 : vector<16xi32>
          %add3A_907 = arith.addi %shift_right_logical3A_906, %gather3A_31 : vector<16xi32>
          %jit3A_908 = arith.constant 128 : i32
          %div3A_909 = arith.divsi %add3A_903, %jit3A_908 : i32
          %sign3A_910 = arith.constant 0 : i32
          %sign3A_911 = arith.cmpi sgt, %add3A_903, %sign3A_910 : i32
          %sign3A_912 = arith.extui %sign3A_911 : i1 to i32
          %sign3A_913 = arith.constant 0 : i32
          %sign3A_914 = arith.cmpi slt, %add3A_903, %sign3A_913 : i32
          %sign3A_915 = arith.extui %sign3A_914 : i1 to i32
          %sign3A_916 = arith.subi %sign3A_912, %sign3A_915 : i32
          %sign3A_917 = arith.constant 0 : i32
          %sign3A_918 = arith.cmpi sgt, %jit3A_908, %sign3A_917 : i32
          %sign3A_919 = arith.extui %sign3A_918 : i1 to i32
          %sign3A_920 = arith.constant 0 : i32
          %sign3A_921 = arith.cmpi slt, %jit3A_908, %sign3A_920 : i32
          %sign3A_922 = arith.extui %sign3A_921 : i1 to i32
          %sign3A_923 = arith.subi %sign3A_919, %sign3A_922 : i32
          %ne3A_924 = arith.cmpi ne, %sign3A_916, %sign3A_923 : i32
          %rem3A_925 = arith.remsi %add3A_903, %jit3A_908 : i32
          %ne3A_926 = arith.constant 0 : i32
          %ne3A_927 = arith.cmpi ne, %rem3A_925, %ne3A_926 : i32
          %and3A_928 = arith.andi %ne3A_924, %ne3A_927 : i1
          %sub3A_929 = arith.constant 1 : i32
          %sub3A_930 = arith.subi %div3A_909, %sub3A_929 : i32
          %select_n3A_931 = arith.select %and3A_928, %sub3A_930, %div3A_909 : i32
          %jit3A_932 = arith.constant 128 : i32
          %eq3A_933 = arith.constant 0 : i32
          %eq3A_934 = arith.cmpi eq, %jit3A_932, %eq3A_933 : i32
          %jit3A_935 = arith.constant 1 : i32
          %select_n3A_936 = arith.select %eq3A_934, %jit3A_935, %jit3A_932 : i32
          %rem3A_937 = arith.remsi %add3A_903, %select_n3A_936 : i32
          %ne3A_938 = arith.constant 0 : i32
          %ne3A_939 = arith.cmpi ne, %rem3A_937, %ne3A_938 : i32
          %lt3A_940 = arith.constant 0 : i32
          %lt3A_941 = arith.cmpi slt, %rem3A_937, %lt3A_940 : i32
          %lt3A_942 = arith.constant 0 : i32
          %lt3A_943 = arith.cmpi slt, %select_n3A_936, %lt3A_942 : i32
          %ne3A_944 = arith.xori %lt3A_941, %lt3A_943 : i1
          %and3A_945 = arith.andi %ne3A_944, %ne3A_939 : i1
          %add3A_946 = arith.addi %rem3A_937, %select_n3A_936 : i32
          %select_n3A_947 = arith.select %and3A_945, %add3A_946, %rem3A_937 : i32
          %swap3A_948 = arith.index_cast %select_n3A_931 : i32 to index
          %swap3A_949 = arith.index_cast %select_n3A_947 : i32 to index
          %swap3A_950 = tpu.vector_load %arg14[%swap3A_948, %swap3A_949] {strides = array<i32>} : memref<32x128xi32, #tpu.memory_space<vmem>>, vector<16xi32>,
          tpu.vector_store %arg14[%swap3A_948, %swap3A_949], %add3A_907 {strides = array<i32>} : memref<32x128xi32, #tpu.memory_space<vmem>>, vector<16xi32>,
          %and3A_951 = arith.constant 3 : i32
          %and3A_952 = vector.broadcast %and3A_951 : i32 to vector<16xi32>
          %and3A_953 = arith.andi %and3A_900, %and3A_952 : vector<16xi32>
          %shift_left3A_954 = arith.constant 1 : i32
          %shift_left3A_955 = vector.broadcast %shift_left3A_954 : i32 to vector<16xi32>
          %shift_left3A_956 = arith.shli %and3A_953, %shift_left3A_955 : vector<16xi32>
          %swap3A_957 = arith.index_cast %add3A_903 : i32 to index
          %swap3A_958 = tpu.vector_load %arg15[%swap3A_957] {strides = array<i32>} : memref<4096xi32, #tpu.memory_space<vmem>>, vector<16xi32>,
          tpu.vector_store %arg15[%swap3A_957], %shift_left3A_956 {strides = array<i32>} : memref<4096xi32, #tpu.memory_space<vmem>>, vector<16xi32>,
          %swap3A_959 = arith.index_cast %add3A_903 : i32 to index
          %swap3A_960 = tpu.vector_load %arg16[%swap3A_959] {strides = array<i32>} : memref<4096xf32, #tpu.memory_space<vmem>>, vector<16xf32>,
          tpu.vector_store %arg16[%swap3A_959], %mul3A_901 {strides = array<i32>} : memref<4096xf32, #tpu.memory_space<vmem>>, vector<16xf32>,
          %xor3A_961 = arith.xori %add3A_766, %add3A_772 : vector<16xi32>
          %xor3A_962 = arith.xori %xor3A_961, %mul3A_775 : vector<16xi32>
          %and3A_963 = arith.constant 524287 : i32
          %and3A_964 = vector.broadcast %and3A_963 : i32 to vector<16xi32>
          %and3A_965 = arith.andi %xor3A_962, %and3A_964 : vector<16xi32>
          %mul3A_966 = arith.mulf %mul3A_763, %sub3A_759 : vector<16xf32>
          %add3A_967 = arith.constant 1536 : i32
          %add3A_968 = arith.addi %add3A_967, %mul3A_686 : i32
          %shift_right_logical3A_969 = arith.constant 2 : i32
          %shift_right_logical3A_970 = vector.broadcast %shift_right_logical3A_969 : i32 to vector<16xi32>
          %shift_right_logical3A_971 = arith.shrui %and3A_965, %shift_right_logical3A_970 : vector<16xi32>
          %add3A_972 = arith.addi %shift_right_logical3A_971, %gather3A_31 : vector<16xi32>
          %jit3A_973 = arith.constant 128 : i32
          %div3A_974 = arith.divsi %add3A_968, %jit3A_973 : i32
          %sign3A_975 = arith.constant 0 : i32
          %sign3A_976 = arith.cmpi sgt, %add3A_968, %sign3A_975 : i32
          %sign3A_977 = arith.extui %sign3A_976 : i1 to i32
          %sign3A_978 = arith.constant 0 : i32
          %sign3A_979 = arith.cmpi slt, %add3A_968, %sign3A_978 : i32
          %sign3A_980 = arith.extui %sign3A_979 : i1 to i32
          %sign3A_981 = arith.subi %sign3A_977, %sign3A_980 : i32
          %sign3A_982 = arith.constant 0 : i32
          %sign3A_983 = arith.cmpi sgt, %jit3A_973, %sign3A_982 : i32
          %sign3A_984 = arith.extui %sign3A_983 : i1 to i32
          %sign3A_985 = arith.constant 0 : i32
          %sign3A_986 = arith.cmpi slt, %jit3A_973, %sign3A_985 : i32
          %sign3A_987 = arith.extui %sign3A_986 : i1 to i32
          %sign3A_988 = arith.subi %sign3A_984, %sign3A_987 : i32
          %ne3A_989 = arith.cmpi ne, %sign3A_981, %sign3A_988 : i32
          %rem3A_990 = arith.remsi %add3A_968, %jit3A_973 : i32
          %ne3A_991 = arith.constant 0 : i32
          %ne3A_992 = arith.cmpi ne, %rem3A_990, %ne3A_991 : i32
          %and3A_993 = arith.andi %ne3A_989, %ne3A_992 : i1
          %sub3A_994 = arith.constant 1 : i32
          %sub3A_995 = arith.subi %div3A_974, %sub3A_994 : i32
          %select_n3A_996 = arith.select %and3A_993, %sub3A_995, %div3A_974 : i32
          %jit3A_997 = arith.constant 128 : i32
          %eq3A_998 = arith.constant 0 : i32
          %eq3A_999 = arith.cmpi eq, %jit3A_997, %eq3A_998 : i32
          %jit3A_1000 = arith.constant 1 : i32
          %select_n3A_1001 = arith.select %eq3A_999, %jit3A_1000, %jit3A_997 : i32
          %rem3A_1002 = arith.remsi %add3A_968, %select_n3A_1001 : i32
          %ne3A_1003 = arith.constant 0 : i32
          %ne3A_1004 = arith.cmpi ne, %rem3A_1002, %ne3A_1003 : i32
          %lt3A_1005 = arith.constant 0 : i32
          %lt3A_1006 = arith.cmpi slt, %rem3A_1002, %lt3A_1005 : i32
          %lt3A_1007 = arith.constant 0 : i32
          %lt3A_1008 = arith.cmpi slt, %select_n3A_1001, %lt3A_1007 : i32
          %ne3A_1009 = arith.xori %lt3A_1006, %lt3A_1008 : i1
          %and3A_1010 = arith.andi %ne3A_1009, %ne3A_1004 : i1
          %add3A_1011 = arith.addi %rem3A_1002, %select_n3A_1001 : i32
          %select_n3A_1012 = arith.select %and3A_1010, %add3A_1011, %rem3A_1002 : i32
          %swap3A_1013 = arith.index_cast %select_n3A_996 : i32 to index
          %swap3A_1014 = arith.index_cast %select_n3A_1012 : i32 to index
          %swap3A_1015 = tpu.vector_load %arg14[%swap3A_1013, %swap3A_1014] {strides = array<i32>} : memref<32x128xi32, #tpu.memory_space<vmem>>, vector<16xi32>,
          tpu.vector_store %arg14[%swap3A_1013, %swap3A_1014], %add3A_972 {strides = array<i32>} : memref<32x128xi32, #tpu.memory_space<vmem>>, vector<16xi32>,
          %and3A_1016 = arith.constant 3 : i32
          %and3A_1017 = vector.broadcast %and3A_1016 : i32 to vector<16xi32>
          %and3A_1018 = arith.andi %and3A_965, %and3A_1017 : vector<16xi32>
          %shift_left3A_1019 = arith.constant 1 : i32
          %shift_left3A_1020 = vector.broadcast %shift_left3A_1019 : i32 to vector<16xi32>
          %shift_left3A_1021 = arith.shli %and3A_1018, %shift_left3A_1020 : vector<16xi32>
          %swap3A_1022 = arith.index_cast %add3A_968 : i32 to index
          %swap3A_1023 = tpu.vector_load %arg15[%swap3A_1022] {strides = array<i32>} : memref<4096xi32, #tpu.memory_space<vmem>>, vector<16xi32>,
          tpu.vector_store %arg15[%swap3A_1022], %shift_left3A_1021 {strides = array<i32>} : memref<4096xi32, #tpu.memory_space<vmem>>, vector<16xi32>,
          %swap3A_1024 = arith.index_cast %add3A_968 : i32 to index
          %swap3A_1025 = tpu.vector_load %arg16[%swap3A_1024] {strides = array<i32>} : memref<4096xf32, #tpu.memory_space<vmem>>, vector<16xf32>,
          tpu.vector_store %arg16[%swap3A_1024], %mul3A_966 {strides = array<i32>} : memref<4096xf32, #tpu.memory_space<vmem>>, vector<16xf32>,
          %xor3A_1026 = arith.xori %convert_element_type3A, %mul3A_769 : vector<16xi32>
          %xor3A_1027 = arith.xori %xor3A_1026, %add3A_778 : vector<16xi32>
          %and3A_1028 = arith.constant 524287 : i32
          %and3A_1029 = vector.broadcast %and3A_1028 : i32 to vector<16xi32>
          %and3A_1030 = arith.andi %xor3A_1027, %and3A_1029 : vector<16xi32>
          %mul3A_1031 = arith.mulf %mul3A_760, %sub3A_756 : vector<16xf32>
          %add3A_1032 = arith.constant 2048 : i32
          %add3A_1033 = arith.addi %add3A_1032, %mul3A_686 : i32
          %shift_right_logical3A_1034 = arith.constant 2 : i32
          %shift_right_logical3A_1035 = vector.broadcast %shift_right_logical3A_1034 : i32 to vector<16xi32>
          %shift_right_logical3A_1036 = arith.shrui %and3A_1030, %shift_right_logical3A_1035 : vector<16xi32>
          %add3A_1037 = arith.addi %shift_right_logical3A_1036, %gather3A_31 : vector<16xi32>
          %jit3A_1038 = arith.constant 128 : i32
          %div3A_1039 = arith.divsi %add3A_1033, %jit3A_1038 : i32
          %sign3A_1040 = arith.constant 0 : i32
          %sign3A_1041 = arith.cmpi sgt, %add3A_1033, %sign3A_1040 : i32
          %sign3A_1042 = arith.extui %sign3A_1041 : i1 to i32
          %sign3A_1043 = arith.constant 0 : i32
          %sign3A_1044 = arith.cmpi slt, %add3A_1033, %sign3A_1043 : i32
          %sign3A_1045 = arith.extui %sign3A_1044 : i1 to i32
          %sign3A_1046 = arith.subi %sign3A_1042, %sign3A_1045 : i32
          %sign3A_1047 = arith.constant 0 : i32
          %sign3A_1048 = arith.cmpi sgt, %jit3A_1038, %sign3A_1047 : i32
          %sign3A_1049 = arith.extui %sign3A_1048 : i1 to i32
          %sign3A_1050 = arith.constant 0 : i32
          %sign3A_1051 = arith.cmpi slt, %jit3A_1038, %sign3A_1050 : i32
          %sign3A_1052 = arith.extui %sign3A_1051 : i1 to i32
          %sign3A_1053 = arith.subi %sign3A_1049, %sign3A_1052 : i32
          %ne3A_1054 = arith.cmpi ne, %sign3A_1046, %sign3A_1053 : i32
          %rem3A_1055 = arith.remsi %add3A_1033, %jit3A_1038 : i32
          %ne3A_1056 = arith.constant 0 : i32
          %ne3A_1057 = arith.cmpi ne, %rem3A_1055, %ne3A_1056 : i32
          %and3A_1058 = arith.andi %ne3A_1054, %ne3A_1057 : i1
          %sub3A_1059 = arith.constant 1 : i32
          %sub3A_1060 = arith.subi %div3A_1039, %sub3A_1059 : i32
          %select_n3A_1061 = arith.select %and3A_1058, %sub3A_1060, %div3A_1039 : i32
          %jit3A_1062 = arith.constant 128 : i32
          %eq3A_1063 = arith.constant 0 : i32
          %eq3A_1064 = arith.cmpi eq, %jit3A_1062, %eq3A_1063 : i32
          %jit3A_1065 = arith.constant 1 : i32
          %select_n3A_1066 = arith.select %eq3A_1064, %jit3A_1065, %jit3A_1062 : i32
          %rem3A_1067 = arith.remsi %add3A_1033, %select_n3A_1066 : i32
          %ne3A_1068 = arith.constant 0 : i32
          %ne3A_1069 = arith.cmpi ne, %rem3A_1067, %ne3A_1068 : i32
          %lt3A_1070 = arith.constant 0 : i32
          %lt3A_1071 = arith.cmpi slt, %rem3A_1067, %lt3A_1070 : i32
          %lt3A_1072 = arith.constant 0 : i32
          %lt3A_1073 = arith.cmpi slt, %select_n3A_1066, %lt3A_1072 : i32
          %ne3A_1074 = arith.xori %lt3A_1071, %lt3A_1073 : i1
          %and3A_1075 = arith.andi %ne3A_1074, %ne3A_1069 : i1
          %add3A_1076 = arith.addi %rem3A_1067, %select_n3A_1066 : i32
          %select_n3A_1077 = arith.select %and3A_1075, %add3A_1076, %rem3A_1067 : i32
          %swap3A_1078 = arith.index_cast %select_n3A_1061 : i32 to index
          %swap3A_1079 = arith.index_cast %select_n3A_1077 : i32 to index
          %swap3A_1080 = tpu.vector_load %arg14[%swap3A_1078, %swap3A_1079] {strides = array<i32>} : memref<32x128xi32, #tpu.memory_space<vmem>>, vector<16xi32>,
          tpu.vector_store %arg14[%swap3A_1078, %swap3A_1079], %add3A_1037 {strides = array<i32>} : memref<32x128xi32, #tpu.memory_space<vmem>>, vector<16xi32>,
          %and3A_1081 = arith.constant 3 : i32
          %and3A_1082 = vector.broadcast %and3A_1081 : i32 to vector<16xi32>
          %and3A_1083 = arith.andi %and3A_1030, %and3A_1082 : vector<16xi32>
          %shift_left3A_1084 = arith.constant 1 : i32
          %shift_left3A_1085 = vector.broadcast %shift_left3A_1084 : i32 to vector<16xi32>
          %shift_left3A_1086 = arith.shli %and3A_1083, %shift_left3A_1085 : vector<16xi32>
          %swap3A_1087 = arith.index_cast %add3A_1033 : i32 to index
          %swap3A_1088 = tpu.vector_load %arg15[%swap3A_1087] {strides = array<i32>} : memref<4096xi32, #tpu.memory_space<vmem>>, vector<16xi32>,
          tpu.vector_store %arg15[%swap3A_1087], %shift_left3A_1086 {strides = array<i32>} : memref<4096xi32, #tpu.memory_space<vmem>>, vector<16xi32>,
          %swap3A_1089 = arith.index_cast %add3A_1033 : i32 to index
          %swap3A_1090 = tpu.vector_load %arg16[%swap3A_1089] {strides = array<i32>} : memref<4096xf32, #tpu.memory_space<vmem>>, vector<16xf32>,
          tpu.vector_store %arg16[%swap3A_1089], %mul3A_1031 {strides = array<i32>} : memref<4096xf32, #tpu.memory_space<vmem>>, vector<16xf32>,
          %xor3A_1091 = arith.xori %add3A_766, %mul3A_769 : vector<16xi32>
          %xor3A_1092 = arith.xori %xor3A_1091, %add3A_778 : vector<16xi32>
          %and3A_1093 = arith.constant 524287 : i32
          %and3A_1094 = vector.broadcast %and3A_1093 : i32 to vector<16xi32>
          %and3A_1095 = arith.andi %xor3A_1092, %and3A_1094 : vector<16xi32>
          %mul3A_1096 = arith.mulf %mul3A_761, %sub3A_756 : vector<16xf32>
          %add3A_1097 = arith.constant 2560 : i32
          %add3A_1098 = arith.addi %add3A_1097, %mul3A_686 : i32
          %shift_right_logical3A_1099 = arith.constant 2 : i32
          %shift_right_logical3A_1100 = vector.broadcast %shift_right_logical3A_1099 : i32 to vector<16xi32>
          %shift_right_logical3A_1101 = arith.shrui %and3A_1095, %shift_right_logical3A_1100 : vector<16xi32>
          %add3A_1102 = arith.addi %shift_right_logical3A_1101, %gather3A_31 : vector<16xi32>
          %jit3A_1103 = arith.constant 128 : i32
          %div3A_1104 = arith.divsi %add3A_1098, %jit3A_1103 : i32
          %sign3A_1105 = arith.constant 0 : i32
          %sign3A_1106 = arith.cmpi sgt, %add3A_1098, %sign3A_1105 : i32
          %sign3A_1107 = arith.extui %sign3A_1106 : i1 to i32
          %sign3A_1108 = arith.constant 0 : i32
          %sign3A_1109 = arith.cmpi slt, %add3A_1098, %sign3A_1108 : i32
          %sign3A_1110 = arith.extui %sign3A_1109 : i1 to i32
          %sign3A_1111 = arith.subi %sign3A_1107, %sign3A_1110 : i32
          %sign3A_1112 = arith.constant 0 : i32
          %sign3A_1113 = arith.cmpi sgt, %jit3A_1103, %sign3A_1112 : i32
          %sign3A_1114 = arith.extui %sign3A_1113 : i1 to i32
          %sign3A_1115 = arith.constant 0 : i32
          %sign3A_1116 = arith.cmpi slt, %jit3A_1103, %sign3A_1115 : i32
          %sign3A_1117 = arith.extui %sign3A_1116 : i1 to i32
          %sign3A_1118 = arith.subi %sign3A_1114, %sign3A_1117 : i32
          %ne3A_1119 = arith.cmpi ne, %sign3A_1111, %sign3A_1118 : i32
          %rem3A_1120 = arith.remsi %add3A_1098, %jit3A_1103 : i32
          %ne3A_1121 = arith.constant 0 : i32
          %ne3A_1122 = arith.cmpi ne, %rem3A_1120, %ne3A_1121 : i32
          %and3A_1123 = arith.andi %ne3A_1119, %ne3A_1122 : i1
          %sub3A_1124 = arith.constant 1 : i32
          %sub3A_1125 = arith.subi %div3A_1104, %sub3A_1124 : i32
          %select_n3A_1126 = arith.select %and3A_1123, %sub3A_1125, %div3A_1104 : i32
          %jit3A_1127 = arith.constant 128 : i32
          %eq3A_1128 = arith.constant 0 : i32
          %eq3A_1129 = arith.cmpi eq, %jit3A_1127, %eq3A_1128 : i32
          %jit3A_1130 = arith.constant 1 : i32
          %select_n3A_1131 = arith.select %eq3A_1129, %jit3A_1130, %jit3A_1127 : i32
          %rem3A_1132 = arith.remsi %add3A_1098, %select_n3A_1131 : i32
          %ne3A_1133 = arith.constant 0 : i32
          %ne3A_1134 = arith.cmpi ne, %rem3A_1132, %ne3A_1133 : i32
          %lt3A_1135 = arith.constant 0 : i32
          %lt3A_1136 = arith.cmpi slt, %rem3A_1132, %lt3A_1135 : i32
          %lt3A_1137 = arith.constant 0 : i32
          %lt3A_1138 = arith.cmpi slt, %select_n3A_1131, %lt3A_1137 : i32
          %ne3A_1139 = arith.xori %lt3A_1136, %lt3A_1138 : i1
          %and3A_1140 = arith.andi %ne3A_1139, %ne3A_1134 : i1
          %add3A_1141 = arith.addi %rem3A_1132, %select_n3A_1131 : i32
          %select_n3A_1142 = arith.select %and3A_1140, %add3A_1141, %rem3A_1132 : i32
          %swap3A_1143 = arith.index_cast %select_n3A_1126 : i32 to index
          %swap3A_1144 = arith.index_cast %select_n3A_1142 : i32 to index
          %swap3A_1145 = tpu.vector_load %arg14[%swap3A_1143, %swap3A_1144] {strides = array<i32>} : memref<32x128xi32, #tpu.memory_space<vmem>>, vector<16xi32>,
          tpu.vector_store %arg14[%swap3A_1143, %swap3A_1144], %add3A_1102 {strides = array<i32>} : memref<32x128xi32, #tpu.memory_space<vmem>>, vector<16xi32>,
          %and3A_1146 = arith.constant 3 : i32
          %and3A_1147 = vector.broadcast %and3A_1146 : i32 to vector<16xi32>
          %and3A_1148 = arith.andi %and3A_1095, %and3A_1147 : vector<16xi32>
          %shift_left3A_1149 = arith.constant 1 : i32
          %shift_left3A_1150 = vector.broadcast %shift_left3A_1149 : i32 to vector<16xi32>
          %shift_left3A_1151 = arith.shli %and3A_1148, %shift_left3A_1150 : vector<16xi32>
          %swap3A_1152 = arith.index_cast %add3A_1098 : i32 to index
          %swap3A_1153 = tpu.vector_load %arg15[%swap3A_1152] {strides = array<i32>} : memref<4096xi32, #tpu.memory_space<vmem>>, vector<16xi32>,
          tpu.vector_store %arg15[%swap3A_1152], %shift_left3A_1151 {strides = array<i32>} : memref<4096xi32, #tpu.memory_space<vmem>>, vector<16xi32>,
          %swap3A_1154 = arith.index_cast %add3A_1098 : i32 to index
          %swap3A_1155 = tpu.vector_load %arg16[%swap3A_1154] {strides = array<i32>} : memref<4096xf32, #tpu.memory_space<vmem>>, vector<16xf32>,
          tpu.vector_store %arg16[%swap3A_1154], %mul3A_1096 {strides = array<i32>} : memref<4096xf32, #tpu.memory_space<vmem>>, vector<16xf32>,
          %xor3A_1156 = arith.xori %convert_element_type3A, %add3A_772 : vector<16xi32>
          %xor3A_1157 = arith.xori %xor3A_1156, %add3A_778 : vector<16xi32>
          %and3A_1158 = arith.constant 524287 : i32
          %and3A_1159 = vector.broadcast %and3A_1158 : i32 to vector<16xi32>
          %and3A_1160 = arith.andi %xor3A_1157, %and3A_1159 : vector<16xi32>
          %mul3A_1161 = arith.mulf %mul3A_762, %sub3A_756 : vector<16xf32>
          %add3A_1162 = arith.constant 3072 : i32
          %add3A_1163 = arith.addi %add3A_1162, %mul3A_686 : i32
          %shift_right_logical3A_1164 = arith.constant 2 : i32
          %shift_right_logical3A_1165 = vector.broadcast %shift_right_logical3A_1164 : i32 to vector<16xi32>
          %shift_right_logical3A_1166 = arith.shrui %and3A_1160, %shift_right_logical3A_1165 : vector<16xi32>
          %add3A_1167 = arith.addi %shift_right_logical3A_1166, %gather3A_31 : vector<16xi32>
          %jit3A_1168 = arith.constant 128 : i32
          %div3A_1169 = arith.divsi %add3A_1163, %jit3A_1168 : i32
          %sign3A_1170 = arith.constant 0 : i32
          %sign3A_1171 = arith.cmpi sgt, %add3A_1163, %sign3A_1170 : i32
          %sign3A_1172 = arith.extui %sign3A_1171 : i1 to i32
          %sign3A_1173 = arith.constant 0 : i32
          %sign3A_1174 = arith.cmpi slt, %add3A_1163, %sign3A_1173 : i32
          %sign3A_1175 = arith.extui %sign3A_1174 : i1 to i32
          %sign3A_1176 = arith.subi %sign3A_1172, %sign3A_1175 : i32
          %sign3A_1177 = arith.constant 0 : i32
          %sign3A_1178 = arith.cmpi sgt, %jit3A_1168, %sign3A_1177 : i32
          %sign3A_1179 = arith.extui %sign3A_1178 : i1 to i32
          %sign3A_1180 = arith.constant 0 : i32
          %sign3A_1181 = arith.cmpi slt, %jit3A_1168, %sign3A_1180 : i32
          %sign3A_1182 = arith.extui %sign3A_1181 : i1 to i32
          %sign3A_1183 = arith.subi %sign3A_1179, %sign3A_1182 : i32
          %ne3A_1184 = arith.cmpi ne, %sign3A_1176, %sign3A_1183 : i32
          %rem3A_1185 = arith.remsi %add3A_1163, %jit3A_1168 : i32
          %ne3A_1186 = arith.constant 0 : i32
          %ne3A_1187 = arith.cmpi ne, %rem3A_1185, %ne3A_1186 : i32
          %and3A_1188 = arith.andi %ne3A_1184, %ne3A_1187 : i1
          %sub3A_1189 = arith.constant 1 : i32
          %sub3A_1190 = arith.subi %div3A_1169, %sub3A_1189 : i32
          %select_n3A_1191 = arith.select %and3A_1188, %sub3A_1190, %div3A_1169 : i32
          %jit3A_1192 = arith.constant 128 : i32
          %eq3A_1193 = arith.constant 0 : i32
          %eq3A_1194 = arith.cmpi eq, %jit3A_1192, %eq3A_1193 : i32
          %jit3A_1195 = arith.constant 1 : i32
          %select_n3A_1196 = arith.select %eq3A_1194, %jit3A_1195, %jit3A_1192 : i32
          %rem3A_1197 = arith.remsi %add3A_1163, %select_n3A_1196 : i32
          %ne3A_1198 = arith.constant 0 : i32
          %ne3A_1199 = arith.cmpi ne, %rem3A_1197, %ne3A_1198 : i32
          %lt3A_1200 = arith.constant 0 : i32
          %lt3A_1201 = arith.cmpi slt, %rem3A_1197, %lt3A_1200 : i32
          %lt3A_1202 = arith.constant 0 : i32
          %lt3A_1203 = arith.cmpi slt, %select_n3A_1196, %lt3A_1202 : i32
          %ne3A_1204 = arith.xori %lt3A_1201, %lt3A_1203 : i1
          %and3A_1205 = arith.andi %ne3A_1204, %ne3A_1199 : i1
          %add3A_1206 = arith.addi %rem3A_1197, %select_n3A_1196 : i32
          %select_n3A_1207 = arith.select %and3A_1205, %add3A_1206, %rem3A_1197 : i32
          %swap3A_1208 = arith.index_cast %select_n3A_1191 : i32 to index
          %swap3A_1209 = arith.index_cast %select_n3A_1207 : i32 to index
          %swap3A_1210 = tpu.vector_load %arg14[%swap3A_1208, %swap3A_1209] {strides = array<i32>} : memref<32x128xi32, #tpu.memory_space<vmem>>, vector<16xi32>,
          tpu.vector_store %arg14[%swap3A_1208, %swap3A_1209], %add3A_1167 {strides = array<i32>} : memref<32x128xi32, #tpu.memory_space<vmem>>, vector<16xi32>,
          %and3A_1211 = arith.constant 3 : i32
          %and3A_1212 = vector.broadcast %and3A_1211 : i32 to vector<16xi32>
          %and3A_1213 = arith.andi %and3A_1160, %and3A_1212 : vector<16xi32>
          %shift_left3A_1214 = arith.constant 1 : i32
          %shift_left3A_1215 = vector.broadcast %shift_left3A_1214 : i32 to vector<16xi32>
          %shift_left3A_1216 = arith.shli %and3A_1213, %shift_left3A_1215 : vector<16xi32>
          %swap3A_1217 = arith.index_cast %add3A_1163 : i32 to index
          %swap3A_1218 = tpu.vector_load %arg15[%swap3A_1217] {strides = array<i32>} : memref<4096xi32, #tpu.memory_space<vmem>>, vector<16xi32>,
          tpu.vector_store %arg15[%swap3A_1217], %shift_left3A_1216 {strides = array<i32>} : memref<4096xi32, #tpu.memory_space<vmem>>, vector<16xi32>,
          %swap3A_1219 = arith.index_cast %add3A_1163 : i32 to index
          %swap3A_1220 = tpu.vector_load %arg16[%swap3A_1219] {strides = array<i32>} : memref<4096xf32, #tpu.memory_space<vmem>>, vector<16xf32>,
          tpu.vector_store %arg16[%swap3A_1219], %mul3A_1161 {strides = array<i32>} : memref<4096xf32, #tpu.memory_space<vmem>>, vector<16xf32>,
          %xor3A_1221 = arith.xori %add3A_766, %add3A_772 : vector<16xi32>
          %xor3A_1222 = arith.xori %xor3A_1221, %add3A_778 : vector<16xi32>
          %and3A_1223 = arith.constant 524287 : i32
          %and3A_1224 = vector.broadcast %and3A_1223 : i32 to vector<16xi32>
          %and3A_1225 = arith.andi %xor3A_1222, %and3A_1224 : vector<16xi32>
          %mul3A_1226 = arith.mulf %mul3A_763, %sub3A_756 : vector<16xf32>
          %add3A_1227 = arith.constant 3584 : i32
          %add3A_1228 = arith.addi %add3A_1227, %mul3A_686 : i32
          %shift_right_logical3A_1229 = arith.constant 2 : i32
          %shift_right_logical3A_1230 = vector.broadcast %shift_right_logical3A_1229 : i32 to vector<16xi32>
          %shift_right_logical3A_1231 = arith.shrui %and3A_1225, %shift_right_logical3A_1230 : vector<16xi32>
          %add3A_1232 = arith.addi %shift_right_logical3A_1231, %gather3A_31 : vector<16xi32>
          %jit3A_1233 = arith.constant 128 : i32
          %div3A_1234 = arith.divsi %add3A_1228, %jit3A_1233 : i32
          %sign3A_1235 = arith.constant 0 : i32
          %sign3A_1236 = arith.cmpi sgt, %add3A_1228, %sign3A_1235 : i32
          %sign3A_1237 = arith.extui %sign3A_1236 : i1 to i32
          %sign3A_1238 = arith.constant 0 : i32
          %sign3A_1239 = arith.cmpi slt, %add3A_1228, %sign3A_1238 : i32
          %sign3A_1240 = arith.extui %sign3A_1239 : i1 to i32
          %sign3A_1241 = arith.subi %sign3A_1237, %sign3A_1240 : i32
          %sign3A_1242 = arith.constant 0 : i32
          %sign3A_1243 = arith.cmpi sgt, %jit3A_1233, %sign3A_1242 : i32
          %sign3A_1244 = arith.extui %sign3A_1243 : i1 to i32
          %sign3A_1245 = arith.constant 0 : i32
          %sign3A_1246 = arith.cmpi slt, %jit3A_1233, %sign3A_1245 : i32
          %sign3A_1247 = arith.extui %sign3A_1246 : i1 to i32
          %sign3A_1248 = arith.subi %sign3A_1244, %sign3A_1247 : i32
          %ne3A_1249 = arith.cmpi ne, %sign3A_1241, %sign3A_1248 : i32
          %rem3A_1250 = arith.remsi %add3A_1228, %jit3A_1233 : i32
          %ne3A_1251 = arith.constant 0 : i32
          %ne3A_1252 = arith.cmpi ne, %rem3A_1250, %ne3A_1251 : i32
          %and3A_1253 = arith.andi %ne3A_1249, %ne3A_1252 : i1
          %sub3A_1254 = arith.constant 1 : i32
          %sub3A_1255 = arith.subi %div3A_1234, %sub3A_1254 : i32
          %select_n3A_1256 = arith.select %and3A_1253, %sub3A_1255, %div3A_1234 : i32
          %jit3A_1257 = arith.constant 128 : i32
          %eq3A_1258 = arith.constant 0 : i32
          %eq3A_1259 = arith.cmpi eq, %jit3A_1257, %eq3A_1258 : i32
          %jit3A_1260 = arith.constant 1 : i32
          %select_n3A_1261 = arith.select %eq3A_1259, %jit3A_1260, %jit3A_1257 : i32
          %rem3A_1262 = arith.remsi %add3A_1228, %select_n3A_1261 : i32
          %ne3A_1263 = arith.constant 0 : i32
          %ne3A_1264 = arith.cmpi ne, %rem3A_1262, %ne3A_1263 : i32
          %lt3A_1265 = arith.constant 0 : i32
          %lt3A_1266 = arith.cmpi slt, %rem3A_1262, %lt3A_1265 : i32
          %lt3A_1267 = arith.constant 0 : i32
          %lt3A_1268 = arith.cmpi slt, %select_n3A_1261, %lt3A_1267 : i32
          %ne3A_1269 = arith.xori %lt3A_1266, %lt3A_1268 : i1
          %and3A_1270 = arith.andi %ne3A_1269, %ne3A_1264 : i1
          %add3A_1271 = arith.addi %rem3A_1262, %select_n3A_1261 : i32
          %select_n3A_1272 = arith.select %and3A_1270, %add3A_1271, %rem3A_1262 : i32
          %swap3A_1273 = arith.index_cast %select_n3A_1256 : i32 to index
          %swap3A_1274 = arith.index_cast %select_n3A_1272 : i32 to index
          %swap3A_1275 = tpu.vector_load %arg14[%swap3A_1273, %swap3A_1274] {strides = array<i32>} : memref<32x128xi32, #tpu.memory_space<vmem>>, vector<16xi32>,
          tpu.vector_store %arg14[%swap3A_1273, %swap3A_1274], %add3A_1232 {strides = array<i32>} : memref<32x128xi32, #tpu.memory_space<vmem>>, vector<16xi32>,
          %and3A_1276 = arith.constant 3 : i32
          %and3A_1277 = vector.broadcast %and3A_1276 : i32 to vector<16xi32>
          %and3A_1278 = arith.andi %and3A_1225, %and3A_1277 : vector<16xi32>
          %shift_left3A_1279 = arith.constant 1 : i32
          %shift_left3A_1280 = vector.broadcast %shift_left3A_1279 : i32 to vector<16xi32>
          %shift_left3A_1281 = arith.shli %and3A_1278, %shift_left3A_1280 : vector<16xi32>
          %swap3A_1282 = arith.index_cast %add3A_1228 : i32 to index
          %swap3A_1283 = tpu.vector_load %arg15[%swap3A_1282] {strides = array<i32>} : memref<4096xi32, #tpu.memory_space<vmem>>, vector<16xi32>,
          tpu.vector_store %arg15[%swap3A_1282], %shift_left3A_1281 {strides = array<i32>} : memref<4096xi32, #tpu.memory_space<vmem>>, vector<16xi32>,
          %swap3A_1284 = arith.index_cast %add3A_1228 : i32 to index
          %swap3A_1285 = tpu.vector_load %arg16[%swap3A_1284] {strides = array<i32>} : memref<4096xf32, #tpu.memory_space<vmem>>, vector<16xf32>,
          tpu.vector_store %arg16[%swap3A_1284], %mul3A_1226 {strides = array<i32>} : memref<4096xf32, #tpu.memory_space<vmem>>, vector<16xf32>,
        }
        %scan3A_36 = arith.constant 32 : i32
        %dma_start3A = arith.constant 0 : i32
        %dma_start3A_37 = arith.constant 0 : i32
        %dma_start3A_38 = arith.constant 0 : i32
        %dma_start3A_39 = tpu.memref_slice %arg17[%dma_start3A_37, %dma_start3A_38] : memref<4096x8xf32, #tpu.memory_space<vmem>> -> memref<128x8xf32, #tpu.memory_space<vmem>>
        %dma_start3A_40 = arith.constant 0 : i32
        %dma_start3A_41 = tpu.memref_slice %arg14[%dma_start3A, %dma_start3A_40] : memref<32x128xi32, #tpu.memory_space<vmem>> -> memref<1x128xi32, #tpu.memory_space<vmem>>
        %dma_start3A_42 = tpu.memref_squeeze %dma_start3A_41 : memref<1x128xi32, #tpu.memory_space<vmem>> -> memref<128xi32, #tpu.memory_space<vmem>>
        %dma_start3A_43 = arith.constant 0 : i32
        %dma_start3A_44 = arith.constant 0 : i32
        %dma_start3A_45 = tpu.memref_slice %arg3[%dma_start3A_43, %dma_start3A_44] : memref<2097152x8xf32, #tpu.memory_space<hbm>> -> memref<2097152x8xf32, #tpu.memory_space<hbm>>
        tpu.enqueue_indirect_dma source(%dma_start3A_45 : memref<2097152x8xf32, #tpu.memory_space<hbm>>) target(%dma_start3A_39 : memref<128x8xf32, #tpu.memory_space<vmem>>) offsets(%dma_start3A_42 : memref<128xi32, #tpu.memory_space<vmem>>) semaphore(%arg19 : memref<!tpu.dma_semaphore, #tpu.memory_space<semaphore_mem>>)
        %dma_start3A_46 = arith.constant 1 : i32
        %dma_start3A_47 = arith.constant 128 : i32
        %dma_start3A_48 = arith.constant 0 : i32
        %dma_start3A_49 = tpu.memref_slice %arg17[%dma_start3A_47, %dma_start3A_48] : memref<4096x8xf32, #tpu.memory_space<vmem>> -> memref<128x8xf32, #tpu.memory_space<vmem>>
        %dma_start3A_50 = arith.constant 0 : i32
        %dma_start3A_51 = tpu.memref_slice %arg14[%dma_start3A_46, %dma_start3A_50] : memref<32x128xi32, #tpu.memory_space<vmem>> -> memref<1x128xi32, #tpu.memory_space<vmem>>
        %dma_start3A_52 = tpu.memref_squeeze %dma_start3A_51 : memref<1x128xi32, #tpu.memory_space<vmem>> -> memref<128xi32, #tpu.memory_space<vmem>>
        %dma_start3A_53 = arith.constant 0 : i32
        %dma_start3A_54 = arith.constant 0 : i32
        %dma_start3A_55 = tpu.memref_slice %arg3[%dma_start3A_53, %dma_start3A_54] : memref<2097152x8xf32, #tpu.memory_space<hbm>> -> memref<2097152x8xf32, #tpu.memory_space<hbm>>
        tpu.enqueue_indirect_dma source(%dma_start3A_55 : memref<2097152x8xf32, #tpu.memory_space<hbm>>) target(%dma_start3A_49 : memref<128x8xf32, #tpu.memory_space<vmem>>) offsets(%dma_start3A_52 : memref<128xi32, #tpu.memory_space<vmem>>) semaphore(%arg19 : memref<!tpu.dma_semaphore, #tpu.memory_space<semaphore_mem>>)
        %dma_start3A_56 = arith.constant 2 : i32
        %dma_start3A_57 = arith.constant 256 : i32
        %dma_start3A_58 = arith.constant 0 : i32
        %dma_start3A_59 = tpu.memref_slice %arg17[%dma_start3A_57, %dma_start3A_58] : memref<4096x8xf32, #tpu.memory_space<vmem>> -> memref<128x8xf32, #tpu.memory_space<vmem>>
        %dma_start3A_60 = arith.constant 0 : i32
        %dma_start3A_61 = tpu.memref_slice %arg14[%dma_start3A_56, %dma_start3A_60] : memref<32x128xi32, #tpu.memory_space<vmem>> -> memref<1x128xi32, #tpu.memory_space<vmem>>
        %dma_start3A_62 = tpu.memref_squeeze %dma_start3A_61 : memref<1x128xi32, #tpu.memory_space<vmem>> -> memref<128xi32, #tpu.memory_space<vmem>>
        %dma_start3A_63 = arith.constant 0 : i32
        %dma_start3A_64 = arith.constant 0 : i32
        %dma_start3A_65 = tpu.memref_slice %arg3[%dma_start3A_63, %dma_start3A_64] : memref<2097152x8xf32, #tpu.memory_space<hbm>> -> memref<2097152x8xf32, #tpu.memory_space<hbm>>
        tpu.enqueue_indirect_dma source(%dma_start3A_65 : memref<2097152x8xf32, #tpu.memory_space<hbm>>) target(%dma_start3A_59 : memref<128x8xf32, #tpu.memory_space<vmem>>) offsets(%dma_start3A_62 : memref<128xi32, #tpu.memory_space<vmem>>) semaphore(%arg19 : memref<!tpu.dma_semaphore, #tpu.memory_space<semaphore_mem>>)
        %dma_start3A_66 = arith.constant 3 : i32
        %dma_start3A_67 = arith.constant 384 : i32
        %dma_start3A_68 = arith.constant 0 : i32
        %dma_start3A_69 = tpu.memref_slice %arg17[%dma_start3A_67, %dma_start3A_68] : memref<4096x8xf32, #tpu.memory_space<vmem>> -> memref<128x8xf32, #tpu.memory_space<vmem>>
        %dma_start3A_70 = arith.constant 0 : i32
        %dma_start3A_71 = tpu.memref_slice %arg14[%dma_start3A_66, %dma_start3A_70] : memref<32x128xi32, #tpu.memory_space<vmem>> -> memref<1x128xi32, #tpu.memory_space<vmem>>
        %dma_start3A_72 = tpu.memref_squeeze %dma_start3A_71 : memref<1x128xi32, #tpu.memory_space<vmem>> -> memref<128xi32, #tpu.memory_space<vmem>>
        %dma_start3A_73 = arith.constant 0 : i32
        %dma_start3A_74 = arith.constant 0 : i32
        %dma_start3A_75 = tpu.memref_slice %arg3[%dma_start3A_73, %dma_start3A_74] : memref<2097152x8xf32, #tpu.memory_space<hbm>> -> memref<2097152x8xf32, #tpu.memory_space<hbm>>
        tpu.enqueue_indirect_dma source(%dma_start3A_75 : memref<2097152x8xf32, #tpu.memory_space<hbm>>) target(%dma_start3A_69 : memref<128x8xf32, #tpu.memory_space<vmem>>) offsets(%dma_start3A_72 : memref<128xi32, #tpu.memory_space<vmem>>) semaphore(%arg19 : memref<!tpu.dma_semaphore, #tpu.memory_space<semaphore_mem>>)
        %dma_start3A_76 = arith.constant 4 : i32
        %dma_start3A_77 = arith.constant 512 : i32
        %dma_start3A_78 = arith.constant 0 : i32
        %dma_start3A_79 = tpu.memref_slice %arg17[%dma_start3A_77, %dma_start3A_78] : memref<4096x8xf32, #tpu.memory_space<vmem>> -> memref<128x8xf32, #tpu.memory_space<vmem>>
        %dma_start3A_80 = arith.constant 0 : i32
        %dma_start3A_81 = tpu.memref_slice %arg14[%dma_start3A_76, %dma_start3A_80] : memref<32x128xi32, #tpu.memory_space<vmem>> -> memref<1x128xi32, #tpu.memory_space<vmem>>
        %dma_start3A_82 = tpu.memref_squeeze %dma_start3A_81 : memref<1x128xi32, #tpu.memory_space<vmem>> -> memref<128xi32, #tpu.memory_space<vmem>>
        %dma_start3A_83 = arith.constant 0 : i32
        %dma_start3A_84 = arith.constant 0 : i32
        %dma_start3A_85 = tpu.memref_slice %arg3[%dma_start3A_83, %dma_start3A_84] : memref<2097152x8xf32, #tpu.memory_space<hbm>> -> memref<2097152x8xf32, #tpu.memory_space<hbm>>
        tpu.enqueue_indirect_dma source(%dma_start3A_85 : memref<2097152x8xf32, #tpu.memory_space<hbm>>) target(%dma_start3A_79 : memref<128x8xf32, #tpu.memory_space<vmem>>) offsets(%dma_start3A_82 : memref<128xi32, #tpu.memory_space<vmem>>) semaphore(%arg19 : memref<!tpu.dma_semaphore, #tpu.memory_space<semaphore_mem>>)
        %dma_start3A_86 = arith.constant 5 : i32
        %dma_start3A_87 = arith.constant 640 : i32
        %dma_start3A_88 = arith.constant 0 : i32
        %dma_start3A_89 = tpu.memref_slice %arg17[%dma_start3A_87, %dma_start3A_88] : memref<4096x8xf32, #tpu.memory_space<vmem>> -> memref<128x8xf32, #tpu.memory_space<vmem>>
        %dma_start3A_90 = arith.constant 0 : i32
        %dma_start3A_91 = tpu.memref_slice %arg14[%dma_start3A_86, %dma_start3A_90] : memref<32x128xi32, #tpu.memory_space<vmem>> -> memref<1x128xi32, #tpu.memory_space<vmem>>
        %dma_start3A_92 = tpu.memref_squeeze %dma_start3A_91 : memref<1x128xi32, #tpu.memory_space<vmem>> -> memref<128xi32, #tpu.memory_space<vmem>>
        %dma_start3A_93 = arith.constant 0 : i32
        %dma_start3A_94 = arith.constant 0 : i32
        %dma_start3A_95 = tpu.memref_slice %arg3[%dma_start3A_93, %dma_start3A_94] : memref<2097152x8xf32, #tpu.memory_space<hbm>> -> memref<2097152x8xf32, #tpu.memory_space<hbm>>
        tpu.enqueue_indirect_dma source(%dma_start3A_95 : memref<2097152x8xf32, #tpu.memory_space<hbm>>) target(%dma_start3A_89 : memref<128x8xf32, #tpu.memory_space<vmem>>) offsets(%dma_start3A_92 : memref<128xi32, #tpu.memory_space<vmem>>) semaphore(%arg19 : memref<!tpu.dma_semaphore, #tpu.memory_space<semaphore_mem>>)
        %dma_start3A_96 = arith.constant 6 : i32
        %dma_start3A_97 = arith.constant 768 : i32
        %dma_start3A_98 = arith.constant 0 : i32
        %dma_start3A_99 = tpu.memref_slice %arg17[%dma_start3A_97, %dma_start3A_98] : memref<4096x8xf32, #tpu.memory_space<vmem>> -> memref<128x8xf32, #tpu.memory_space<vmem>>
        %dma_start3A_100 = arith.constant 0 : i32
        %dma_start3A_101 = tpu.memref_slice %arg14[%dma_start3A_96, %dma_start3A_100] : memref<32x128xi32, #tpu.memory_space<vmem>> -> memref<1x128xi32, #tpu.memory_space<vmem>>
        %dma_start3A_102 = tpu.memref_squeeze %dma_start3A_101 : memref<1x128xi32, #tpu.memory_space<vmem>> -> memref<128xi32, #tpu.memory_space<vmem>>
        %dma_start3A_103 = arith.constant 0 : i32
        %dma_start3A_104 = arith.constant 0 : i32
        %dma_start3A_105 = tpu.memref_slice %arg3[%dma_start3A_103, %dma_start3A_104] : memref<2097152x8xf32, #tpu.memory_space<hbm>> -> memref<2097152x8xf32, #tpu.memory_space<hbm>>
        tpu.enqueue_indirect_dma source(%dma_start3A_105 : memref<2097152x8xf32, #tpu.memory_space<hbm>>) target(%dma_start3A_99 : memref<128x8xf32, #tpu.memory_space<vmem>>) offsets(%dma_start3A_102 : memref<128xi32, #tpu.memory_space<vmem>>) semaphore(%arg19 : memref<!tpu.dma_semaphore, #tpu.memory_space<semaphore_mem>>)
        %dma_start3A_106 = arith.constant 7 : i32
        %dma_start3A_107 = arith.constant 896 : i32
        %dma_start3A_108 = arith.constant 0 : i32
        %dma_start3A_109 = tpu.memref_slice %arg17[%dma_start3A_107, %dma_start3A_108] : memref<4096x8xf32, #tpu.memory_space<vmem>> -> memref<128x8xf32, #tpu.memory_space<vmem>>
        %dma_start3A_110 = arith.constant 0 : i32
        %dma_start3A_111 = tpu.memref_slice %arg14[%dma_start3A_106, %dma_start3A_110] : memref<32x128xi32, #tpu.memory_space<vmem>> -> memref<1x128xi32, #tpu.memory_space<vmem>>
        %dma_start3A_112 = tpu.memref_squeeze %dma_start3A_111 : memref<1x128xi32, #tpu.memory_space<vmem>> -> memref<128xi32, #tpu.memory_space<vmem>>
        %dma_start3A_113 = arith.constant 0 : i32
        %dma_start3A_114 = arith.constant 0 : i32
        %dma_start3A_115 = tpu.memref_slice %arg3[%dma_start3A_113, %dma_start3A_114] : memref<2097152x8xf32, #tpu.memory_space<hbm>> -> memref<2097152x8xf32, #tpu.memory_space<hbm>>
        tpu.enqueue_indirect_dma source(%dma_start3A_115 : memref<2097152x8xf32, #tpu.memory_space<hbm>>) target(%dma_start3A_109 : memref<128x8xf32, #tpu.memory_space<vmem>>) offsets(%dma_start3A_112 : memref<128xi32, #tpu.memory_space<vmem>>) semaphore(%arg19 : memref<!tpu.dma_semaphore, #tpu.memory_space<semaphore_mem>>)
        %dma_start3A_116 = arith.constant 8 : i32
        %dma_start3A_117 = arith.constant 1024 : i32
        %dma_start3A_118 = arith.constant 0 : i32
        %dma_start3A_119 = tpu.memref_slice %arg17[%dma_start3A_117, %dma_start3A_118] : memref<4096x8xf32, #tpu.memory_space<vmem>> -> memref<128x8xf32, #tpu.memory_space<vmem>>
        %dma_start3A_120 = arith.constant 0 : i32
        %dma_start3A_121 = tpu.memref_slice %arg14[%dma_start3A_116, %dma_start3A_120] : memref<32x128xi32, #tpu.memory_space<vmem>> -> memref<1x128xi32, #tpu.memory_space<vmem>>
        %dma_start3A_122 = tpu.memref_squeeze %dma_start3A_121 : memref<1x128xi32, #tpu.memory_space<vmem>> -> memref<128xi32, #tpu.memory_space<vmem>>
        %dma_start3A_123 = arith.constant 0 : i32
        %dma_start3A_124 = arith.constant 0 : i32
        %dma_start3A_125 = tpu.memref_slice %arg3[%dma_start3A_123, %dma_start3A_124] : memref<2097152x8xf32, #tpu.memory_space<hbm>> -> memref<2097152x8xf32, #tpu.memory_space<hbm>>
        tpu.enqueue_indirect_dma source(%dma_start3A_125 : memref<2097152x8xf32, #tpu.memory_space<hbm>>) target(%dma_start3A_119 : memref<128x8xf32, #tpu.memory_space<vmem>>) offsets(%dma_start3A_122 : memref<128xi32, #tpu.memory_space<vmem>>) semaphore(%arg19 : memref<!tpu.dma_semaphore, #tpu.memory_space<semaphore_mem>>)
        %dma_start3A_126 = arith.constant 9 : i32
        %dma_start3A_127 = arith.constant 1152 : i32
        %dma_start3A_128 = arith.constant 0 : i32
        %dma_start3A_129 = tpu.memref_slice %arg17[%dma_start3A_127, %dma_start3A_128] : memref<4096x8xf32, #tpu.memory_space<vmem>> -> memref<128x8xf32, #tpu.memory_space<vmem>>
        %dma_start3A_130 = arith.constant 0 : i32
        %dma_start3A_131 = tpu.memref_slice %arg14[%dma_start3A_126, %dma_start3A_130] : memref<32x128xi32, #tpu.memory_space<vmem>> -> memref<1x128xi32, #tpu.memory_space<vmem>>
        %dma_start3A_132 = tpu.memref_squeeze %dma_start3A_131 : memref<1x128xi32, #tpu.memory_space<vmem>> -> memref<128xi32, #tpu.memory_space<vmem>>
        %dma_start3A_133 = arith.constant 0 : i32
        %dma_start3A_134 = arith.constant 0 : i32
        %dma_start3A_135 = tpu.memref_slice %arg3[%dma_start3A_133, %dma_start3A_134] : memref<2097152x8xf32, #tpu.memory_space<hbm>> -> memref<2097152x8xf32, #tpu.memory_space<hbm>>
        tpu.enqueue_indirect_dma source(%dma_start3A_135 : memref<2097152x8xf32, #tpu.memory_space<hbm>>) target(%dma_start3A_129 : memref<128x8xf32, #tpu.memory_space<vmem>>) offsets(%dma_start3A_132 : memref<128xi32, #tpu.memory_space<vmem>>) semaphore(%arg19 : memref<!tpu.dma_semaphore, #tpu.memory_space<semaphore_mem>>)
        %dma_start3A_136 = arith.constant 10 : i32
        %dma_start3A_137 = arith.constant 1280 : i32
        %dma_start3A_138 = arith.constant 0 : i32
        %dma_start3A_139 = tpu.memref_slice %arg17[%dma_start3A_137, %dma_start3A_138] : memref<4096x8xf32, #tpu.memory_space<vmem>> -> memref<128x8xf32, #tpu.memory_space<vmem>>
        %dma_start3A_140 = arith.constant 0 : i32
        %dma_start3A_141 = tpu.memref_slice %arg14[%dma_start3A_136, %dma_start3A_140] : memref<32x128xi32, #tpu.memory_space<vmem>> -> memref<1x128xi32, #tpu.memory_space<vmem>>
        %dma_start3A_142 = tpu.memref_squeeze %dma_start3A_141 : memref<1x128xi32, #tpu.memory_space<vmem>> -> memref<128xi32, #tpu.memory_space<vmem>>
        %dma_start3A_143 = arith.constant 0 : i32
        %dma_start3A_144 = arith.constant 0 : i32
        %dma_start3A_145 = tpu.memref_slice %arg3[%dma_start3A_143, %dma_start3A_144] : memref<2097152x8xf32, #tpu.memory_space<hbm>> -> memref<2097152x8xf32, #tpu.memory_space<hbm>>
        tpu.enqueue_indirect_dma source(%dma_start3A_145 : memref<2097152x8xf32, #tpu.memory_space<hbm>>) target(%dma_start3A_139 : memref<128x8xf32, #tpu.memory_space<vmem>>) offsets(%dma_start3A_142 : memref<128xi32, #tpu.memory_space<vmem>>) semaphore(%arg19 : memref<!tpu.dma_semaphore, #tpu.memory_space<semaphore_mem>>)
        %dma_start3A_146 = arith.constant 11 : i32
        %dma_start3A_147 = arith.constant 1408 : i32
        %dma_start3A_148 = arith.constant 0 : i32
        %dma_start3A_149 = tpu.memref_slice %arg17[%dma_start3A_147, %dma_start3A_148] : memref<4096x8xf32, #tpu.memory_space<vmem>> -> memref<128x8xf32, #tpu.memory_space<vmem>>
        %dma_start3A_150 = arith.constant 0 : i32
        %dma_start3A_151 = tpu.memref_slice %arg14[%dma_start3A_146, %dma_start3A_150] : memref<32x128xi32, #tpu.memory_space<vmem>> -> memref<1x128xi32, #tpu.memory_space<vmem>>
        %dma_start3A_152 = tpu.memref_squeeze %dma_start3A_151 : memref<1x128xi32, #tpu.memory_space<vmem>> -> memref<128xi32, #tpu.memory_space<vmem>>
        %dma_start3A_153 = arith.constant 0 : i32
        %dma_start3A_154 = arith.constant 0 : i32
        %dma_start3A_155 = tpu.memref_slice %arg3[%dma_start3A_153, %dma_start3A_154] : memref<2097152x8xf32, #tpu.memory_space<hbm>> -> memref<2097152x8xf32, #tpu.memory_space<hbm>>
        tpu.enqueue_indirect_dma source(%dma_start3A_155 : memref<2097152x8xf32, #tpu.memory_space<hbm>>) target(%dma_start3A_149 : memref<128x8xf32, #tpu.memory_space<vmem>>) offsets(%dma_start3A_152 : memref<128xi32, #tpu.memory_space<vmem>>) semaphore(%arg19 : memref<!tpu.dma_semaphore, #tpu.memory_space<semaphore_mem>>)
        %dma_start3A_156 = arith.constant 12 : i32
        %dma_start3A_157 = arith.constant 1536 : i32
        %dma_start3A_158 = arith.constant 0 : i32
        %dma_start3A_159 = tpu.memref_slice %arg17[%dma_start3A_157, %dma_start3A_158] : memref<4096x8xf32, #tpu.memory_space<vmem>> -> memref<128x8xf32, #tpu.memory_space<vmem>>
        %dma_start3A_160 = arith.constant 0 : i32
        %dma_start3A_161 = tpu.memref_slice %arg14[%dma_start3A_156, %dma_start3A_160] : memref<32x128xi32, #tpu.memory_space<vmem>> -> memref<1x128xi32, #tpu.memory_space<vmem>>
        %dma_start3A_162 = tpu.memref_squeeze %dma_start3A_161 : memref<1x128xi32, #tpu.memory_space<vmem>> -> memref<128xi32, #tpu.memory_space<vmem>>
        %dma_start3A_163 = arith.constant 0 : i32
        %dma_start3A_164 = arith.constant 0 : i32
        %dma_start3A_165 = tpu.memref_slice %arg3[%dma_start3A_163, %dma_start3A_164] : memref<2097152x8xf32, #tpu.memory_space<hbm>> -> memref<2097152x8xf32, #tpu.memory_space<hbm>>
        tpu.enqueue_indirect_dma source(%dma_start3A_165 : memref<2097152x8xf32, #tpu.memory_space<hbm>>) target(%dma_start3A_159 : memref<128x8xf32, #tpu.memory_space<vmem>>) offsets(%dma_start3A_162 : memref<128xi32, #tpu.memory_space<vmem>>) semaphore(%arg19 : memref<!tpu.dma_semaphore, #tpu.memory_space<semaphore_mem>>)
        %dma_start3A_166 = arith.constant 13 : i32
        %dma_start3A_167 = arith.constant 1664 : i32
        %dma_start3A_168 = arith.constant 0 : i32
        %dma_start3A_169 = tpu.memref_slice %arg17[%dma_start3A_167, %dma_start3A_168] : memref<4096x8xf32, #tpu.memory_space<vmem>> -> memref<128x8xf32, #tpu.memory_space<vmem>>
        %dma_start3A_170 = arith.constant 0 : i32
        %dma_start3A_171 = tpu.memref_slice %arg14[%dma_start3A_166, %dma_start3A_170] : memref<32x128xi32, #tpu.memory_space<vmem>> -> memref<1x128xi32, #tpu.memory_space<vmem>>
        %dma_start3A_172 = tpu.memref_squeeze %dma_start3A_171 : memref<1x128xi32, #tpu.memory_space<vmem>> -> memref<128xi32, #tpu.memory_space<vmem>>
        %dma_start3A_173 = arith.constant 0 : i32
        %dma_start3A_174 = arith.constant 0 : i32
        %dma_start3A_175 = tpu.memref_slice %arg3[%dma_start3A_173, %dma_start3A_174] : memref<2097152x8xf32, #tpu.memory_space<hbm>> -> memref<2097152x8xf32, #tpu.memory_space<hbm>>
        tpu.enqueue_indirect_dma source(%dma_start3A_175 : memref<2097152x8xf32, #tpu.memory_space<hbm>>) target(%dma_start3A_169 : memref<128x8xf32, #tpu.memory_space<vmem>>) offsets(%dma_start3A_172 : memref<128xi32, #tpu.memory_space<vmem>>) semaphore(%arg19 : memref<!tpu.dma_semaphore, #tpu.memory_space<semaphore_mem>>)
        %dma_start3A_176 = arith.constant 14 : i32
        %dma_start3A_177 = arith.constant 1792 : i32
        %dma_start3A_178 = arith.constant 0 : i32
        %dma_start3A_179 = tpu.memref_slice %arg17[%dma_start3A_177, %dma_start3A_178] : memref<4096x8xf32, #tpu.memory_space<vmem>> -> memref<128x8xf32, #tpu.memory_space<vmem>>
        %dma_start3A_180 = arith.constant 0 : i32
        %dma_start3A_181 = tpu.memref_slice %arg14[%dma_start3A_176, %dma_start3A_180] : memref<32x128xi32, #tpu.memory_space<vmem>> -> memref<1x128xi32, #tpu.memory_space<vmem>>
        %dma_start3A_182 = tpu.memref_squeeze %dma_start3A_181 : memref<1x128xi32, #tpu.memory_space<vmem>> -> memref<128xi32, #tpu.memory_space<vmem>>
        %dma_start3A_183 = arith.constant 0 : i32
        %dma_start3A_184 = arith.constant 0 : i32
        %dma_start3A_185 = tpu.memref_slice %arg3[%dma_start3A_183, %dma_start3A_184] : memref<2097152x8xf32, #tpu.memory_space<hbm>> -> memref<2097152x8xf32, #tpu.memory_space<hbm>>
        tpu.enqueue_indirect_dma source(%dma_start3A_185 : memref<2097152x8xf32, #tpu.memory_space<hbm>>) target(%dma_start3A_179 : memref<128x8xf32, #tpu.memory_space<vmem>>) offsets(%dma_start3A_182 : memref<128xi32, #tpu.memory_space<vmem>>) semaphore(%arg19 : memref<!tpu.dma_semaphore, #tpu.memory_space<semaphore_mem>>)
        %dma_start3A_186 = arith.constant 15 : i32
        %dma_start3A_187 = arith.constant 1920 : i32
        %dma_start3A_188 = arith.constant 0 : i32
        %dma_start3A_189 = tpu.memref_slice %arg17[%dma_start3A_187, %dma_start3A_188] : memref<4096x8xf32, #tpu.memory_space<vmem>> -> memref<128x8xf32, #tpu.memory_space<vmem>>
        %dma_start3A_190 = arith.constant 0 : i32
        %dma_start3A_191 = tpu.memref_slice %arg14[%dma_start3A_186, %dma_start3A_190] : memref<32x128xi32, #tpu.memory_space<vmem>> -> memref<1x128xi32, #tpu.memory_space<vmem>>
        %dma_start3A_192 = tpu.memref_squeeze %dma_start3A_191 : memref<1x128xi32, #tpu.memory_space<vmem>> -> memref<128xi32, #tpu.memory_space<vmem>>
        %dma_start3A_193 = arith.constant 0 : i32
        %dma_start3A_194 = arith.constant 0 : i32
        %dma_start3A_195 = tpu.memref_slice %arg3[%dma_start3A_193, %dma_start3A_194] : memref<2097152x8xf32, #tpu.memory_space<hbm>> -> memref<2097152x8xf32, #tpu.memory_space<hbm>>
        tpu.enqueue_indirect_dma source(%dma_start3A_195 : memref<2097152x8xf32, #tpu.memory_space<hbm>>) target(%dma_start3A_189 : memref<128x8xf32, #tpu.memory_space<vmem>>) offsets(%dma_start3A_192 : memref<128xi32, #tpu.memory_space<vmem>>) semaphore(%arg19 : memref<!tpu.dma_semaphore, #tpu.memory_space<semaphore_mem>>)
        %dma_start3A_196 = arith.constant 16 : i32
        %dma_start3A_197 = arith.constant 2048 : i32
        %dma_start3A_198 = arith.constant 0 : i32
        %dma_start3A_199 = tpu.memref_slice %arg17[%dma_start3A_197, %dma_start3A_198] : memref<4096x8xf32, #tpu.memory_space<vmem>> -> memref<128x8xf32, #tpu.memory_space<vmem>>
        %dma_start3A_200 = arith.constant 0 : i32
        %dma_start3A_201 = tpu.memref_slice %arg14[%dma_start3A_196, %dma_start3A_200] : memref<32x128xi32, #tpu.memory_space<vmem>> -> memref<1x128xi32, #tpu.memory_space<vmem>>
        %dma_start3A_202 = tpu.memref_squeeze %dma_start3A_201 : memref<1x128xi32, #tpu.memory_space<vmem>> -> memref<128xi32, #tpu.memory_space<vmem>>
        %dma_start3A_203 = arith.constant 0 : i32
        %dma_start3A_204 = arith.constant 0 : i32
        %dma_start3A_205 = tpu.memref_slice %arg3[%dma_start3A_203, %dma_start3A_204] : memref<2097152x8xf32, #tpu.memory_space<hbm>> -> memref<2097152x8xf32, #tpu.memory_space<hbm>>
        tpu.enqueue_indirect_dma source(%dma_start3A_205 : memref<2097152x8xf32, #tpu.memory_space<hbm>>) target(%dma_start3A_199 : memref<128x8xf32, #tpu.memory_space<vmem>>) offsets(%dma_start3A_202 : memref<128xi32, #tpu.memory_space<vmem>>) semaphore(%arg19 : memref<!tpu.dma_semaphore, #tpu.memory_space<semaphore_mem>>)
        %dma_start3A_206 = arith.constant 17 : i32
        %dma_start3A_207 = arith.constant 2176 : i32
        %dma_start3A_208 = arith.constant 0 : i32
        %dma_start3A_209 = tpu.memref_slice %arg17[%dma_start3A_207, %dma_start3A_208] : memref<4096x8xf32, #tpu.memory_space<vmem>> -> memref<128x8xf32, #tpu.memory_space<vmem>>
        %dma_start3A_210 = arith.constant 0 : i32
        %dma_start3A_211 = tpu.memref_slice %arg14[%dma_start3A_206, %dma_start3A_210] : memref<32x128xi32, #tpu.memory_space<vmem>> -> memref<1x128xi32, #tpu.memory_space<vmem>>
        %dma_start3A_212 = tpu.memref_squeeze %dma_start3A_211 : memref<1x128xi32, #tpu.memory_space<vmem>> -> memref<128xi32, #tpu.memory_space<vmem>>
        %dma_start3A_213 = arith.constant 0 : i32
        %dma_start3A_214 = arith.constant 0 : i32
        %dma_start3A_215 = tpu.memref_slice %arg3[%dma_start3A_213, %dma_start3A_214] : memref<2097152x8xf32, #tpu.memory_space<hbm>> -> memref<2097152x8xf32, #tpu.memory_space<hbm>>
        tpu.enqueue_indirect_dma source(%dma_start3A_215 : memref<2097152x8xf32, #tpu.memory_space<hbm>>) target(%dma_start3A_209 : memref<128x8xf32, #tpu.memory_space<vmem>>) offsets(%dma_start3A_212 : memref<128xi32, #tpu.memory_space<vmem>>) semaphore(%arg19 : memref<!tpu.dma_semaphore, #tpu.memory_space<semaphore_mem>>)
        %dma_start3A_216 = arith.constant 18 : i32
        %dma_start3A_217 = arith.constant 2304 : i32
        %dma_start3A_218 = arith.constant 0 : i32
        %dma_start3A_219 = tpu.memref_slice %arg17[%dma_start3A_217, %dma_start3A_218] : memref<4096x8xf32, #tpu.memory_space<vmem>> -> memref<128x8xf32, #tpu.memory_space<vmem>>
        %dma_start3A_220 = arith.constant 0 : i32
        %dma_start3A_221 = tpu.memref_slice %arg14[%dma_start3A_216, %dma_start3A_220] : memref<32x128xi32, #tpu.memory_space<vmem>> -> memref<1x128xi32, #tpu.memory_space<vmem>>
        %dma_start3A_222 = tpu.memref_squeeze %dma_start3A_221 : memref<1x128xi32, #tpu.memory_space<vmem>> -> memref<128xi32, #tpu.memory_space<vmem>>
        %dma_start3A_223 = arith.constant 0 : i32
        %dma_start3A_224 = arith.constant 0 : i32
        %dma_start3A_225 = tpu.memref_slice %arg3[%dma_start3A_223, %dma_start3A_224] : memref<2097152x8xf32, #tpu.memory_space<hbm>> -> memref<2097152x8xf32, #tpu.memory_space<hbm>>
        tpu.enqueue_indirect_dma source(%dma_start3A_225 : memref<2097152x8xf32, #tpu.memory_space<hbm>>) target(%dma_start3A_219 : memref<128x8xf32, #tpu.memory_space<vmem>>) offsets(%dma_start3A_222 : memref<128xi32, #tpu.memory_space<vmem>>) semaphore(%arg19 : memref<!tpu.dma_semaphore, #tpu.memory_space<semaphore_mem>>)
        %dma_start3A_226 = arith.constant 19 : i32
        %dma_start3A_227 = arith.constant 2432 : i32
        %dma_start3A_228 = arith.constant 0 : i32
        %dma_start3A_229 = tpu.memref_slice %arg17[%dma_start3A_227, %dma_start3A_228] : memref<4096x8xf32, #tpu.memory_space<vmem>> -> memref<128x8xf32, #tpu.memory_space<vmem>>
        %dma_start3A_230 = arith.constant 0 : i32
        %dma_start3A_231 = tpu.memref_slice %arg14[%dma_start3A_226, %dma_start3A_230] : memref<32x128xi32, #tpu.memory_space<vmem>> -> memref<1x128xi32, #tpu.memory_space<vmem>>
        %dma_start3A_232 = tpu.memref_squeeze %dma_start3A_231 : memref<1x128xi32, #tpu.memory_space<vmem>> -> memref<128xi32, #tpu.memory_space<vmem>>
        %dma_start3A_233 = arith.constant 0 : i32
        %dma_start3A_234 = arith.constant 0 : i32
        %dma_start3A_235 = tpu.memref_slice %arg3[%dma_start3A_233, %dma_start3A_234] : memref<2097152x8xf32, #tpu.memory_space<hbm>> -> memref<2097152x8xf32, #tpu.memory_space<hbm>>
        tpu.enqueue_indirect_dma source(%dma_start3A_235 : memref<2097152x8xf32, #tpu.memory_space<hbm>>) target(%dma_start3A_229 : memref<128x8xf32, #tpu.memory_space<vmem>>) offsets(%dma_start3A_232 : memref<128xi32, #tpu.memory_space<vmem>>) semaphore(%arg19 : memref<!tpu.dma_semaphore, #tpu.memory_space<semaphore_mem>>)
        %dma_start3A_236 = arith.constant 20 : i32
        %dma_start3A_237 = arith.constant 2560 : i32
        %dma_start3A_238 = arith.constant 0 : i32
        %dma_start3A_239 = tpu.memref_slice %arg17[%dma_start3A_237, %dma_start3A_238] : memref<4096x8xf32, #tpu.memory_space<vmem>> -> memref<128x8xf32, #tpu.memory_space<vmem>>
        %dma_start3A_240 = arith.constant 0 : i32
        %dma_start3A_241 = tpu.memref_slice %arg14[%dma_start3A_236, %dma_start3A_240] : memref<32x128xi32, #tpu.memory_space<vmem>> -> memref<1x128xi32, #tpu.memory_space<vmem>>
        %dma_start3A_242 = tpu.memref_squeeze %dma_start3A_241 : memref<1x128xi32, #tpu.memory_space<vmem>> -> memref<128xi32, #tpu.memory_space<vmem>>
        %dma_start3A_243 = arith.constant 0 : i32
        %dma_start3A_244 = arith.constant 0 : i32
        %dma_start3A_245 = tpu.memref_slice %arg3[%dma_start3A_243, %dma_start3A_244] : memref<2097152x8xf32, #tpu.memory_space<hbm>> -> memref<2097152x8xf32, #tpu.memory_space<hbm>>
        tpu.enqueue_indirect_dma source(%dma_start3A_245 : memref<2097152x8xf32, #tpu.memory_space<hbm>>) target(%dma_start3A_239 : memref<128x8xf32, #tpu.memory_space<vmem>>) offsets(%dma_start3A_242 : memref<128xi32, #tpu.memory_space<vmem>>) semaphore(%arg19 : memref<!tpu.dma_semaphore, #tpu.memory_space<semaphore_mem>>)
        %dma_start3A_246 = arith.constant 21 : i32
        %dma_start3A_247 = arith.constant 2688 : i32
        %dma_start3A_248 = arith.constant 0 : i32
        %dma_start3A_249 = tpu.memref_slice %arg17[%dma_start3A_247, %dma_start3A_248] : memref<4096x8xf32, #tpu.memory_space<vmem>> -> memref<128x8xf32, #tpu.memory_space<vmem>>
        %dma_start3A_250 = arith.constant 0 : i32
        %dma_start3A_251 = tpu.memref_slice %arg14[%dma_start3A_246, %dma_start3A_250] : memref<32x128xi32, #tpu.memory_space<vmem>> -> memref<1x128xi32, #tpu.memory_space<vmem>>
        %dma_start3A_252 = tpu.memref_squeeze %dma_start3A_251 : memref<1x128xi32, #tpu.memory_space<vmem>> -> memref<128xi32, #tpu.memory_space<vmem>>
        %dma_start3A_253 = arith.constant 0 : i32
        %dma_start3A_254 = arith.constant 0 : i32
        %dma_start3A_255 = tpu.memref_slice %arg3[%dma_start3A_253, %dma_start3A_254] : memref<2097152x8xf32, #tpu.memory_space<hbm>> -> memref<2097152x8xf32, #tpu.memory_space<hbm>>
        tpu.enqueue_indirect_dma source(%dma_start3A_255 : memref<2097152x8xf32, #tpu.memory_space<hbm>>) target(%dma_start3A_249 : memref<128x8xf32, #tpu.memory_space<vmem>>) offsets(%dma_start3A_252 : memref<128xi32, #tpu.memory_space<vmem>>) semaphore(%arg19 : memref<!tpu.dma_semaphore, #tpu.memory_space<semaphore_mem>>)
        %dma_start3A_256 = arith.constant 22 : i32
        %dma_start3A_257 = arith.constant 2816 : i32
        %dma_start3A_258 = arith.constant 0 : i32
        %dma_start3A_259 = tpu.memref_slice %arg17[%dma_start3A_257, %dma_start3A_258] : memref<4096x8xf32, #tpu.memory_space<vmem>> -> memref<128x8xf32, #tpu.memory_space<vmem>>
        %dma_start3A_260 = arith.constant 0 : i32
        %dma_start3A_261 = tpu.memref_slice %arg14[%dma_start3A_256, %dma_start3A_260] : memref<32x128xi32, #tpu.memory_space<vmem>> -> memref<1x128xi32, #tpu.memory_space<vmem>>
        %dma_start3A_262 = tpu.memref_squeeze %dma_start3A_261 : memref<1x128xi32, #tpu.memory_space<vmem>> -> memref<128xi32, #tpu.memory_space<vmem>>
        %dma_start3A_263 = arith.constant 0 : i32
        %dma_start3A_264 = arith.constant 0 : i32
        %dma_start3A_265 = tpu.memref_slice %arg3[%dma_start3A_263, %dma_start3A_264] : memref<2097152x8xf32, #tpu.memory_space<hbm>> -> memref<2097152x8xf32, #tpu.memory_space<hbm>>
        tpu.enqueue_indirect_dma source(%dma_start3A_265 : memref<2097152x8xf32, #tpu.memory_space<hbm>>) target(%dma_start3A_259 : memref<128x8xf32, #tpu.memory_space<vmem>>) offsets(%dma_start3A_262 : memref<128xi32, #tpu.memory_space<vmem>>) semaphore(%arg19 : memref<!tpu.dma_semaphore, #tpu.memory_space<semaphore_mem>>)
        %dma_start3A_266 = arith.constant 23 : i32
        %dma_start3A_267 = arith.constant 2944 : i32
        %dma_start3A_268 = arith.constant 0 : i32
        %dma_start3A_269 = tpu.memref_slice %arg17[%dma_start3A_267, %dma_start3A_268] : memref<4096x8xf32, #tpu.memory_space<vmem>> -> memref<128x8xf32, #tpu.memory_space<vmem>>
        %dma_start3A_270 = arith.constant 0 : i32
        %dma_start3A_271 = tpu.memref_slice %arg14[%dma_start3A_266, %dma_start3A_270] : memref<32x128xi32, #tpu.memory_space<vmem>> -> memref<1x128xi32, #tpu.memory_space<vmem>>
        %dma_start3A_272 = tpu.memref_squeeze %dma_start3A_271 : memref<1x128xi32, #tpu.memory_space<vmem>> -> memref<128xi32, #tpu.memory_space<vmem>>
        %dma_start3A_273 = arith.constant 0 : i32
        %dma_start3A_274 = arith.constant 0 : i32
        %dma_start3A_275 = tpu.memref_slice %arg3[%dma_start3A_273, %dma_start3A_274] : memref<2097152x8xf32, #tpu.memory_space<hbm>> -> memref<2097152x8xf32, #tpu.memory_space<hbm>>
        tpu.enqueue_indirect_dma source(%dma_start3A_275 : memref<2097152x8xf32, #tpu.memory_space<hbm>>) target(%dma_start3A_269 : memref<128x8xf32, #tpu.memory_space<vmem>>) offsets(%dma_start3A_272 : memref<128xi32, #tpu.memory_space<vmem>>) semaphore(%arg19 : memref<!tpu.dma_semaphore, #tpu.memory_space<semaphore_mem>>)
        %dma_start3A_276 = arith.constant 24 : i32
        %dma_start3A_277 = arith.constant 3072 : i32
        %dma_start3A_278 = arith.constant 0 : i32
        %dma_start3A_279 = tpu.memref_slice %arg17[%dma_start3A_277, %dma_start3A_278] : memref<4096x8xf32, #tpu.memory_space<vmem>> -> memref<128x8xf32, #tpu.memory_space<vmem>>
        %dma_start3A_280 = arith.constant 0 : i32
        %dma_start3A_281 = tpu.memref_slice %arg14[%dma_start3A_276, %dma_start3A_280] : memref<32x128xi32, #tpu.memory_space<vmem>> -> memref<1x128xi32, #tpu.memory_space<vmem>>
        %dma_start3A_282 = tpu.memref_squeeze %dma_start3A_281 : memref<1x128xi32, #tpu.memory_space<vmem>> -> memref<128xi32, #tpu.memory_space<vmem>>
        %dma_start3A_283 = arith.constant 0 : i32
        %dma_start3A_284 = arith.constant 0 : i32
        %dma_start3A_285 = tpu.memref_slice %arg3[%dma_start3A_283, %dma_start3A_284] : memref<2097152x8xf32, #tpu.memory_space<hbm>> -> memref<2097152x8xf32, #tpu.memory_space<hbm>>
        tpu.enqueue_indirect_dma source(%dma_start3A_285 : memref<2097152x8xf32, #tpu.memory_space<hbm>>) target(%dma_start3A_279 : memref<128x8xf32, #tpu.memory_space<vmem>>) offsets(%dma_start3A_282 : memref<128xi32, #tpu.memory_space<vmem>>) semaphore(%arg19 : memref<!tpu.dma_semaphore, #tpu.memory_space<semaphore_mem>>)
        %dma_start3A_286 = arith.constant 25 : i32
        %dma_start3A_287 = arith.constant 3200 : i32
        %dma_start3A_288 = arith.constant 0 : i32
        %dma_start3A_289 = tpu.memref_slice %arg17[%dma_start3A_287, %dma_start3A_288] : memref<4096x8xf32, #tpu.memory_space<vmem>> -> memref<128x8xf32, #tpu.memory_space<vmem>>
        %dma_start3A_290 = arith.constant 0 : i32
        %dma_start3A_291 = tpu.memref_slice %arg14[%dma_start3A_286, %dma_start3A_290] : memref<32x128xi32, #tpu.memory_space<vmem>> -> memref<1x128xi32, #tpu.memory_space<vmem>>
        %dma_start3A_292 = tpu.memref_squeeze %dma_start3A_291 : memref<1x128xi32, #tpu.memory_space<vmem>> -> memref<128xi32, #tpu.memory_space<vmem>>
        %dma_start3A_293 = arith.constant 0 : i32
        %dma_start3A_294 = arith.constant 0 : i32
        %dma_start3A_295 = tpu.memref_slice %arg3[%dma_start3A_293, %dma_start3A_294] : memref<2097152x8xf32, #tpu.memory_space<hbm>> -> memref<2097152x8xf32, #tpu.memory_space<hbm>>
        tpu.enqueue_indirect_dma source(%dma_start3A_295 : memref<2097152x8xf32, #tpu.memory_space<hbm>>) target(%dma_start3A_289 : memref<128x8xf32, #tpu.memory_space<vmem>>) offsets(%dma_start3A_292 : memref<128xi32, #tpu.memory_space<vmem>>) semaphore(%arg19 : memref<!tpu.dma_semaphore, #tpu.memory_space<semaphore_mem>>)
        %dma_start3A_296 = arith.constant 26 : i32
        %dma_start3A_297 = arith.constant 3328 : i32
        %dma_start3A_298 = arith.constant 0 : i32
        %dma_start3A_299 = tpu.memref_slice %arg17[%dma_start3A_297, %dma_start3A_298] : memref<4096x8xf32, #tpu.memory_space<vmem>> -> memref<128x8xf32, #tpu.memory_space<vmem>>
        %dma_start3A_300 = arith.constant 0 : i32
        %dma_start3A_301 = tpu.memref_slice %arg14[%dma_start3A_296, %dma_start3A_300] : memref<32x128xi32, #tpu.memory_space<vmem>> -> memref<1x128xi32, #tpu.memory_space<vmem>>
        %dma_start3A_302 = tpu.memref_squeeze %dma_start3A_301 : memref<1x128xi32, #tpu.memory_space<vmem>> -> memref<128xi32, #tpu.memory_space<vmem>>
        %dma_start3A_303 = arith.constant 0 : i32
        %dma_start3A_304 = arith.constant 0 : i32
        %dma_start3A_305 = tpu.memref_slice %arg3[%dma_start3A_303, %dma_start3A_304] : memref<2097152x8xf32, #tpu.memory_space<hbm>> -> memref<2097152x8xf32, #tpu.memory_space<hbm>>
        tpu.enqueue_indirect_dma source(%dma_start3A_305 : memref<2097152x8xf32, #tpu.memory_space<hbm>>) target(%dma_start3A_299 : memref<128x8xf32, #tpu.memory_space<vmem>>) offsets(%dma_start3A_302 : memref<128xi32, #tpu.memory_space<vmem>>) semaphore(%arg19 : memref<!tpu.dma_semaphore, #tpu.memory_space<semaphore_mem>>)
        %dma_start3A_306 = arith.constant 27 : i32
        %dma_start3A_307 = arith.constant 3456 : i32
        %dma_start3A_308 = arith.constant 0 : i32
        %dma_start3A_309 = tpu.memref_slice %arg17[%dma_start3A_307, %dma_start3A_308] : memref<4096x8xf32, #tpu.memory_space<vmem>> -> memref<128x8xf32, #tpu.memory_space<vmem>>
        %dma_start3A_310 = arith.constant 0 : i32
        %dma_start3A_311 = tpu.memref_slice %arg14[%dma_start3A_306, %dma_start3A_310] : memref<32x128xi32, #tpu.memory_space<vmem>> -> memref<1x128xi32, #tpu.memory_space<vmem>>
        %dma_start3A_312 = tpu.memref_squeeze %dma_start3A_311 : memref<1x128xi32, #tpu.memory_space<vmem>> -> memref<128xi32, #tpu.memory_space<vmem>>
        %dma_start3A_313 = arith.constant 0 : i32
        %dma_start3A_314 = arith.constant 0 : i32
        %dma_start3A_315 = tpu.memref_slice %arg3[%dma_start3A_313, %dma_start3A_314] : memref<2097152x8xf32, #tpu.memory_space<hbm>> -> memref<2097152x8xf32, #tpu.memory_space<hbm>>
        tpu.enqueue_indirect_dma source(%dma_start3A_315 : memref<2097152x8xf32, #tpu.memory_space<hbm>>) target(%dma_start3A_309 : memref<128x8xf32, #tpu.memory_space<vmem>>) offsets(%dma_start3A_312 : memref<128xi32, #tpu.memory_space<vmem>>) semaphore(%arg19 : memref<!tpu.dma_semaphore, #tpu.memory_space<semaphore_mem>>)
        %dma_start3A_316 = arith.constant 28 : i32
        %dma_start3A_317 = arith.constant 3584 : i32
        %dma_start3A_318 = arith.constant 0 : i32
        %dma_start3A_319 = tpu.memref_slice %arg17[%dma_start3A_317, %dma_start3A_318] : memref<4096x8xf32, #tpu.memory_space<vmem>> -> memref<128x8xf32, #tpu.memory_space<vmem>>
        %dma_start3A_320 = arith.constant 0 : i32
        %dma_start3A_321 = tpu.memref_slice %arg14[%dma_start3A_316, %dma_start3A_320] : memref<32x128xi32, #tpu.memory_space<vmem>> -> memref<1x128xi32, #tpu.memory_space<vmem>>
        %dma_start3A_322 = tpu.memref_squeeze %dma_start3A_321 : memref<1x128xi32, #tpu.memory_space<vmem>> -> memref<128xi32, #tpu.memory_space<vmem>>
        %dma_start3A_323 = arith.constant 0 : i32
        %dma_start3A_324 = arith.constant 0 : i32
        %dma_start3A_325 = tpu.memref_slice %arg3[%dma_start3A_323, %dma_start3A_324] : memref<2097152x8xf32, #tpu.memory_space<hbm>> -> memref<2097152x8xf32, #tpu.memory_space<hbm>>
        tpu.enqueue_indirect_dma source(%dma_start3A_325 : memref<2097152x8xf32, #tpu.memory_space<hbm>>) target(%dma_start3A_319 : memref<128x8xf32, #tpu.memory_space<vmem>>) offsets(%dma_start3A_322 : memref<128xi32, #tpu.memory_space<vmem>>) semaphore(%arg19 : memref<!tpu.dma_semaphore, #tpu.memory_space<semaphore_mem>>)
        %dma_start3A_326 = arith.constant 29 : i32
        %dma_start3A_327 = arith.constant 3712 : i32
        %dma_start3A_328 = arith.constant 0 : i32
        %dma_start3A_329 = tpu.memref_slice %arg17[%dma_start3A_327, %dma_start3A_328] : memref<4096x8xf32, #tpu.memory_space<vmem>> -> memref<128x8xf32, #tpu.memory_space<vmem>>
        %dma_start3A_330 = arith.constant 0 : i32
        %dma_start3A_331 = tpu.memref_slice %arg14[%dma_start3A_326, %dma_start3A_330] : memref<32x128xi32, #tpu.memory_space<vmem>> -> memref<1x128xi32, #tpu.memory_space<vmem>>
        %dma_start3A_332 = tpu.memref_squeeze %dma_start3A_331 : memref<1x128xi32, #tpu.memory_space<vmem>> -> memref<128xi32, #tpu.memory_space<vmem>>
        %dma_start3A_333 = arith.constant 0 : i32
        %dma_start3A_334 = arith.constant 0 : i32
        %dma_start3A_335 = tpu.memref_slice %arg3[%dma_start3A_333, %dma_start3A_334] : memref<2097152x8xf32, #tpu.memory_space<hbm>> -> memref<2097152x8xf32, #tpu.memory_space<hbm>>
        tpu.enqueue_indirect_dma source(%dma_start3A_335 : memref<2097152x8xf32, #tpu.memory_space<hbm>>) target(%dma_start3A_329 : memref<128x8xf32, #tpu.memory_space<vmem>>) offsets(%dma_start3A_332 : memref<128xi32, #tpu.memory_space<vmem>>) semaphore(%arg19 : memref<!tpu.dma_semaphore, #tpu.memory_space<semaphore_mem>>)
        %dma_start3A_336 = arith.constant 30 : i32
        %dma_start3A_337 = arith.constant 3840 : i32
        %dma_start3A_338 = arith.constant 0 : i32
        %dma_start3A_339 = tpu.memref_slice %arg17[%dma_start3A_337, %dma_start3A_338] : memref<4096x8xf32, #tpu.memory_space<vmem>> -> memref<128x8xf32, #tpu.memory_space<vmem>>
        %dma_start3A_340 = arith.constant 0 : i32
        %dma_start3A_341 = tpu.memref_slice %arg14[%dma_start3A_336, %dma_start3A_340] : memref<32x128xi32, #tpu.memory_space<vmem>> -> memref<1x128xi32, #tpu.memory_space<vmem>>
        %dma_start3A_342 = tpu.memref_squeeze %dma_start3A_341 : memref<1x128xi32, #tpu.memory_space<vmem>> -> memref<128xi32, #tpu.memory_space<vmem>>
        %dma_start3A_343 = arith.constant 0 : i32
        %dma_start3A_344 = arith.constant 0 : i32
        %dma_start3A_345 = tpu.memref_slice %arg3[%dma_start3A_343, %dma_start3A_344] : memref<2097152x8xf32, #tpu.memory_space<hbm>> -> memref<2097152x8xf32, #tpu.memory_space<hbm>>
        tpu.enqueue_indirect_dma source(%dma_start3A_345 : memref<2097152x8xf32, #tpu.memory_space<hbm>>) target(%dma_start3A_339 : memref<128x8xf32, #tpu.memory_space<vmem>>) offsets(%dma_start3A_342 : memref<128xi32, #tpu.memory_space<vmem>>) semaphore(%arg19 : memref<!tpu.dma_semaphore, #tpu.memory_space<semaphore_mem>>)
        %dma_start3A_346 = arith.constant 31 : i32
        %dma_start3A_347 = arith.constant 3968 : i32
        %dma_start3A_348 = arith.constant 0 : i32
        %dma_start3A_349 = tpu.memref_slice %arg17[%dma_start3A_347, %dma_start3A_348] : memref<4096x8xf32, #tpu.memory_space<vmem>> -> memref<128x8xf32, #tpu.memory_space<vmem>>
        %dma_start3A_350 = arith.constant 0 : i32
        %dma_start3A_351 = tpu.memref_slice %arg14[%dma_start3A_346, %dma_start3A_350] : memref<32x128xi32, #tpu.memory_space<vmem>> -> memref<1x128xi32, #tpu.memory_space<vmem>>
        %dma_start3A_352 = tpu.memref_squeeze %dma_start3A_351 : memref<1x128xi32, #tpu.memory_space<vmem>> -> memref<128xi32, #tpu.memory_space<vmem>>
        %dma_start3A_353 = arith.constant 0 : i32
        %dma_start3A_354 = arith.constant 0 : i32
        %dma_start3A_355 = tpu.memref_slice %arg3[%dma_start3A_353, %dma_start3A_354] : memref<2097152x8xf32, #tpu.memory_space<hbm>> -> memref<2097152x8xf32, #tpu.memory_space<hbm>>
        tpu.enqueue_indirect_dma source(%dma_start3A_355 : memref<2097152x8xf32, #tpu.memory_space<hbm>>) target(%dma_start3A_349 : memref<128x8xf32, #tpu.memory_space<vmem>>) offsets(%dma_start3A_352 : memref<128xi32, #tpu.memory_space<vmem>>) semaphore(%arg19 : memref<!tpu.dma_semaphore, #tpu.memory_space<semaphore_mem>>)
        %dma_wait3A = arith.constant 0 : i32
        %dma_wait3A_356 = arith.constant 0 : i32
        %dma_wait3A_357 = arith.constant 0 : i32
        %dma_wait3A_358 = tpu.memref_slice %arg17[%dma_wait3A_356, %dma_wait3A_357] : memref<4096x8xf32, #tpu.memory_space<vmem>> -> memref<128x8xf32, #tpu.memory_space<vmem>>
        %dma_wait3A_359 = arith.constant 0 : i32
        %dma_wait3A_360 = tpu.memref_slice %arg14[%dma_wait3A, %dma_wait3A_359] : memref<32x128xi32, #tpu.memory_space<vmem>> -> memref<1x128xi32, #tpu.memory_space<vmem>>
        %dma_wait3A_361 = tpu.memref_squeeze %dma_wait3A_360 : memref<1x128xi32, #tpu.memory_space<vmem>> -> memref<128xi32, #tpu.memory_space<vmem>>
        %dma_wait3A_362 = arith.constant 0 : i32
        %dma_wait3A_363 = arith.constant 0 : i32
        %dma_wait3A_364 = tpu.memref_slice %arg3[%dma_wait3A_362, %dma_wait3A_363] : memref<2097152x8xf32, #tpu.memory_space<hbm>> -> memref<2097152x8xf32, #tpu.memory_space<hbm>>
        tpu.wait_indirect_dma semaphore(%arg19 : memref<!tpu.dma_semaphore, #tpu.memory_space<semaphore_mem>>) src(%dma_wait3A_364 : memref<2097152x8xf32, #tpu.memory_space<hbm>>) dst(%dma_wait3A_358 : memref<128x8xf32, #tpu.memory_space<vmem>>)
        %dma_wait3A_365 = arith.constant 1 : i32
        %dma_wait3A_366 = arith.constant 128 : i32
        %dma_wait3A_367 = arith.constant 0 : i32
        %dma_wait3A_368 = tpu.memref_slice %arg17[%dma_wait3A_366, %dma_wait3A_367] : memref<4096x8xf32, #tpu.memory_space<vmem>> -> memref<128x8xf32, #tpu.memory_space<vmem>>
        %dma_wait3A_369 = arith.constant 0 : i32
        %dma_wait3A_370 = tpu.memref_slice %arg14[%dma_wait3A_365, %dma_wait3A_369] : memref<32x128xi32, #tpu.memory_space<vmem>> -> memref<1x128xi32, #tpu.memory_space<vmem>>
        %dma_wait3A_371 = tpu.memref_squeeze %dma_wait3A_370 : memref<1x128xi32, #tpu.memory_space<vmem>> -> memref<128xi32, #tpu.memory_space<vmem>>
        %dma_wait3A_372 = arith.constant 0 : i32
        %dma_wait3A_373 = arith.constant 0 : i32
        %dma_wait3A_374 = tpu.memref_slice %arg3[%dma_wait3A_372, %dma_wait3A_373] : memref<2097152x8xf32, #tpu.memory_space<hbm>> -> memref<2097152x8xf32, #tpu.memory_space<hbm>>
        tpu.wait_indirect_dma semaphore(%arg19 : memref<!tpu.dma_semaphore, #tpu.memory_space<semaphore_mem>>) src(%dma_wait3A_374 : memref<2097152x8xf32, #tpu.memory_space<hbm>>) dst(%dma_wait3A_368 : memref<128x8xf32, #tpu.memory_space<vmem>>)
        %dma_wait3A_375 = arith.constant 2 : i32
        %dma_wait3A_376 = arith.constant 256 : i32
        %dma_wait3A_377 = arith.constant 0 : i32
        %dma_wait3A_378 = tpu.memref_slice %arg17[%dma_wait3A_376, %dma_wait3A_377] : memref<4096x8xf32, #tpu.memory_space<vmem>> -> memref<128x8xf32, #tpu.memory_space<vmem>>
        %dma_wait3A_379 = arith.constant 0 : i32
        %dma_wait3A_380 = tpu.memref_slice %arg14[%dma_wait3A_375, %dma_wait3A_379] : memref<32x128xi32, #tpu.memory_space<vmem>> -> memref<1x128xi32, #tpu.memory_space<vmem>>
        %dma_wait3A_381 = tpu.memref_squeeze %dma_wait3A_380 : memref<1x128xi32, #tpu.memory_space<vmem>> -> memref<128xi32, #tpu.memory_space<vmem>>
        %dma_wait3A_382 = arith.constant 0 : i32
        %dma_wait3A_383 = arith.constant 0 : i32
        %dma_wait3A_384 = tpu.memref_slice %arg3[%dma_wait3A_382, %dma_wait3A_383] : memref<2097152x8xf32, #tpu.memory_space<hbm>> -> memref<2097152x8xf32, #tpu.memory_space<hbm>>
        tpu.wait_indirect_dma semaphore(%arg19 : memref<!tpu.dma_semaphore, #tpu.memory_space<semaphore_mem>>) src(%dma_wait3A_384 : memref<2097152x8xf32, #tpu.memory_space<hbm>>) dst(%dma_wait3A_378 : memref<128x8xf32, #tpu.memory_space<vmem>>)
        %dma_wait3A_385 = arith.constant 3 : i32
        %dma_wait3A_386 = arith.constant 384 : i32
        %dma_wait3A_387 = arith.constant 0 : i32
        %dma_wait3A_388 = tpu.memref_slice %arg17[%dma_wait3A_386, %dma_wait3A_387] : memref<4096x8xf32, #tpu.memory_space<vmem>> -> memref<128x8xf32, #tpu.memory_space<vmem>>
        %dma_wait3A_389 = arith.constant 0 : i32
        %dma_wait3A_390 = tpu.memref_slice %arg14[%dma_wait3A_385, %dma_wait3A_389] : memref<32x128xi32, #tpu.memory_space<vmem>> -> memref<1x128xi32, #tpu.memory_space<vmem>>
        %dma_wait3A_391 = tpu.memref_squeeze %dma_wait3A_390 : memref<1x128xi32, #tpu.memory_space<vmem>> -> memref<128xi32, #tpu.memory_space<vmem>>
        %dma_wait3A_392 = arith.constant 0 : i32
        %dma_wait3A_393 = arith.constant 0 : i32
        %dma_wait3A_394 = tpu.memref_slice %arg3[%dma_wait3A_392, %dma_wait3A_393] : memref<2097152x8xf32, #tpu.memory_space<hbm>> -> memref<2097152x8xf32, #tpu.memory_space<hbm>>
        tpu.wait_indirect_dma semaphore(%arg19 : memref<!tpu.dma_semaphore, #tpu.memory_space<semaphore_mem>>) src(%dma_wait3A_394 : memref<2097152x8xf32, #tpu.memory_space<hbm>>) dst(%dma_wait3A_388 : memref<128x8xf32, #tpu.memory_space<vmem>>)
        %dma_wait3A_395 = arith.constant 4 : i32
        %dma_wait3A_396 = arith.constant 512 : i32
        %dma_wait3A_397 = arith.constant 0 : i32
        %dma_wait3A_398 = tpu.memref_slice %arg17[%dma_wait3A_396, %dma_wait3A_397] : memref<4096x8xf32, #tpu.memory_space<vmem>> -> memref<128x8xf32, #tpu.memory_space<vmem>>
        %dma_wait3A_399 = arith.constant 0 : i32
        %dma_wait3A_400 = tpu.memref_slice %arg14[%dma_wait3A_395, %dma_wait3A_399] : memref<32x128xi32, #tpu.memory_space<vmem>> -> memref<1x128xi32, #tpu.memory_space<vmem>>
        %dma_wait3A_401 = tpu.memref_squeeze %dma_wait3A_400 : memref<1x128xi32, #tpu.memory_space<vmem>> -> memref<128xi32, #tpu.memory_space<vmem>>
        %dma_wait3A_402 = arith.constant 0 : i32
        %dma_wait3A_403 = arith.constant 0 : i32
        %dma_wait3A_404 = tpu.memref_slice %arg3[%dma_wait3A_402, %dma_wait3A_403] : memref<2097152x8xf32, #tpu.memory_space<hbm>> -> memref<2097152x8xf32, #tpu.memory_space<hbm>>
        tpu.wait_indirect_dma semaphore(%arg19 : memref<!tpu.dma_semaphore, #tpu.memory_space<semaphore_mem>>) src(%dma_wait3A_404 : memref<2097152x8xf32, #tpu.memory_space<hbm>>) dst(%dma_wait3A_398 : memref<128x8xf32, #tpu.memory_space<vmem>>)
        %dma_wait3A_405 = arith.constant 5 : i32
        %dma_wait3A_406 = arith.constant 640 : i32
        %dma_wait3A_407 = arith.constant 0 : i32
        %dma_wait3A_408 = tpu.memref_slice %arg17[%dma_wait3A_406, %dma_wait3A_407] : memref<4096x8xf32, #tpu.memory_space<vmem>> -> memref<128x8xf32, #tpu.memory_space<vmem>>
        %dma_wait3A_409 = arith.constant 0 : i32
        %dma_wait3A_410 = tpu.memref_slice %arg14[%dma_wait3A_405, %dma_wait3A_409] : memref<32x128xi32, #tpu.memory_space<vmem>> -> memref<1x128xi32, #tpu.memory_space<vmem>>
        %dma_wait3A_411 = tpu.memref_squeeze %dma_wait3A_410 : memref<1x128xi32, #tpu.memory_space<vmem>> -> memref<128xi32, #tpu.memory_space<vmem>>
        %dma_wait3A_412 = arith.constant 0 : i32
        %dma_wait3A_413 = arith.constant 0 : i32
        %dma_wait3A_414 = tpu.memref_slice %arg3[%dma_wait3A_412, %dma_wait3A_413] : memref<2097152x8xf32, #tpu.memory_space<hbm>> -> memref<2097152x8xf32, #tpu.memory_space<hbm>>
        tpu.wait_indirect_dma semaphore(%arg19 : memref<!tpu.dma_semaphore, #tpu.memory_space<semaphore_mem>>) src(%dma_wait3A_414 : memref<2097152x8xf32, #tpu.memory_space<hbm>>) dst(%dma_wait3A_408 : memref<128x8xf32, #tpu.memory_space<vmem>>)
        %dma_wait3A_415 = arith.constant 6 : i32
        %dma_wait3A_416 = arith.constant 768 : i32
        %dma_wait3A_417 = arith.constant 0 : i32
        %dma_wait3A_418 = tpu.memref_slice %arg17[%dma_wait3A_416, %dma_wait3A_417] : memref<4096x8xf32, #tpu.memory_space<vmem>> -> memref<128x8xf32, #tpu.memory_space<vmem>>
        %dma_wait3A_419 = arith.constant 0 : i32
        %dma_wait3A_420 = tpu.memref_slice %arg14[%dma_wait3A_415, %dma_wait3A_419] : memref<32x128xi32, #tpu.memory_space<vmem>> -> memref<1x128xi32, #tpu.memory_space<vmem>>
        %dma_wait3A_421 = tpu.memref_squeeze %dma_wait3A_420 : memref<1x128xi32, #tpu.memory_space<vmem>> -> memref<128xi32, #tpu.memory_space<vmem>>
        %dma_wait3A_422 = arith.constant 0 : i32
        %dma_wait3A_423 = arith.constant 0 : i32
        %dma_wait3A_424 = tpu.memref_slice %arg3[%dma_wait3A_422, %dma_wait3A_423] : memref<2097152x8xf32, #tpu.memory_space<hbm>> -> memref<2097152x8xf32, #tpu.memory_space<hbm>>
        tpu.wait_indirect_dma semaphore(%arg19 : memref<!tpu.dma_semaphore, #tpu.memory_space<semaphore_mem>>) src(%dma_wait3A_424 : memref<2097152x8xf32, #tpu.memory_space<hbm>>) dst(%dma_wait3A_418 : memref<128x8xf32, #tpu.memory_space<vmem>>)
        %dma_wait3A_425 = arith.constant 7 : i32
        %dma_wait3A_426 = arith.constant 896 : i32
        %dma_wait3A_427 = arith.constant 0 : i32
        %dma_wait3A_428 = tpu.memref_slice %arg17[%dma_wait3A_426, %dma_wait3A_427] : memref<4096x8xf32, #tpu.memory_space<vmem>> -> memref<128x8xf32, #tpu.memory_space<vmem>>
        %dma_wait3A_429 = arith.constant 0 : i32
        %dma_wait3A_430 = tpu.memref_slice %arg14[%dma_wait3A_425, %dma_wait3A_429] : memref<32x128xi32, #tpu.memory_space<vmem>> -> memref<1x128xi32, #tpu.memory_space<vmem>>
        %dma_wait3A_431 = tpu.memref_squeeze %dma_wait3A_430 : memref<1x128xi32, #tpu.memory_space<vmem>> -> memref<128xi32, #tpu.memory_space<vmem>>
        %dma_wait3A_432 = arith.constant 0 : i32
        %dma_wait3A_433 = arith.constant 0 : i32
        %dma_wait3A_434 = tpu.memref_slice %arg3[%dma_wait3A_432, %dma_wait3A_433] : memref<2097152x8xf32, #tpu.memory_space<hbm>> -> memref<2097152x8xf32, #tpu.memory_space<hbm>>
        tpu.wait_indirect_dma semaphore(%arg19 : memref<!tpu.dma_semaphore, #tpu.memory_space<semaphore_mem>>) src(%dma_wait3A_434 : memref<2097152x8xf32, #tpu.memory_space<hbm>>) dst(%dma_wait3A_428 : memref<128x8xf32, #tpu.memory_space<vmem>>)
        %dma_wait3A_435 = arith.constant 8 : i32
        %dma_wait3A_436 = arith.constant 1024 : i32
        %dma_wait3A_437 = arith.constant 0 : i32
        %dma_wait3A_438 = tpu.memref_slice %arg17[%dma_wait3A_436, %dma_wait3A_437] : memref<4096x8xf32, #tpu.memory_space<vmem>> -> memref<128x8xf32, #tpu.memory_space<vmem>>
        %dma_wait3A_439 = arith.constant 0 : i32
        %dma_wait3A_440 = tpu.memref_slice %arg14[%dma_wait3A_435, %dma_wait3A_439] : memref<32x128xi32, #tpu.memory_space<vmem>> -> memref<1x128xi32, #tpu.memory_space<vmem>>
        %dma_wait3A_441 = tpu.memref_squeeze %dma_wait3A_440 : memref<1x128xi32, #tpu.memory_space<vmem>> -> memref<128xi32, #tpu.memory_space<vmem>>
        %dma_wait3A_442 = arith.constant 0 : i32
        %dma_wait3A_443 = arith.constant 0 : i32
        %dma_wait3A_444 = tpu.memref_slice %arg3[%dma_wait3A_442, %dma_wait3A_443] : memref<2097152x8xf32, #tpu.memory_space<hbm>> -> memref<2097152x8xf32, #tpu.memory_space<hbm>>
        tpu.wait_indirect_dma semaphore(%arg19 : memref<!tpu.dma_semaphore, #tpu.memory_space<semaphore_mem>>) src(%dma_wait3A_444 : memref<2097152x8xf32, #tpu.memory_space<hbm>>) dst(%dma_wait3A_438 : memref<128x8xf32, #tpu.memory_space<vmem>>)
        %dma_wait3A_445 = arith.constant 9 : i32
        %dma_wait3A_446 = arith.constant 1152 : i32
        %dma_wait3A_447 = arith.constant 0 : i32
        %dma_wait3A_448 = tpu.memref_slice %arg17[%dma_wait3A_446, %dma_wait3A_447] : memref<4096x8xf32, #tpu.memory_space<vmem>> -> memref<128x8xf32, #tpu.memory_space<vmem>>
        %dma_wait3A_449 = arith.constant 0 : i32
        %dma_wait3A_450 = tpu.memref_slice %arg14[%dma_wait3A_445, %dma_wait3A_449] : memref<32x128xi32, #tpu.memory_space<vmem>> -> memref<1x128xi32, #tpu.memory_space<vmem>>
        %dma_wait3A_451 = tpu.memref_squeeze %dma_wait3A_450 : memref<1x128xi32, #tpu.memory_space<vmem>> -> memref<128xi32, #tpu.memory_space<vmem>>
        %dma_wait3A_452 = arith.constant 0 : i32
        %dma_wait3A_453 = arith.constant 0 : i32
        %dma_wait3A_454 = tpu.memref_slice %arg3[%dma_wait3A_452, %dma_wait3A_453] : memref<2097152x8xf32, #tpu.memory_space<hbm>> -> memref<2097152x8xf32, #tpu.memory_space<hbm>>
        tpu.wait_indirect_dma semaphore(%arg19 : memref<!tpu.dma_semaphore, #tpu.memory_space<semaphore_mem>>) src(%dma_wait3A_454 : memref<2097152x8xf32, #tpu.memory_space<hbm>>) dst(%dma_wait3A_448 : memref<128x8xf32, #tpu.memory_space<vmem>>)
        %dma_wait3A_455 = arith.constant 10 : i32
        %dma_wait3A_456 = arith.constant 1280 : i32
        %dma_wait3A_457 = arith.constant 0 : i32
        %dma_wait3A_458 = tpu.memref_slice %arg17[%dma_wait3A_456, %dma_wait3A_457] : memref<4096x8xf32, #tpu.memory_space<vmem>> -> memref<128x8xf32, #tpu.memory_space<vmem>>
        %dma_wait3A_459 = arith.constant 0 : i32
        %dma_wait3A_460 = tpu.memref_slice %arg14[%dma_wait3A_455, %dma_wait3A_459] : memref<32x128xi32, #tpu.memory_space<vmem>> -> memref<1x128xi32, #tpu.memory_space<vmem>>
        %dma_wait3A_461 = tpu.memref_squeeze %dma_wait3A_460 : memref<1x128xi32, #tpu.memory_space<vmem>> -> memref<128xi32, #tpu.memory_space<vmem>>
        %dma_wait3A_462 = arith.constant 0 : i32
        %dma_wait3A_463 = arith.constant 0 : i32
        %dma_wait3A_464 = tpu.memref_slice %arg3[%dma_wait3A_462, %dma_wait3A_463] : memref<2097152x8xf32, #tpu.memory_space<hbm>> -> memref<2097152x8xf32, #tpu.memory_space<hbm>>
        tpu.wait_indirect_dma semaphore(%arg19 : memref<!tpu.dma_semaphore, #tpu.memory_space<semaphore_mem>>) src(%dma_wait3A_464 : memref<2097152x8xf32, #tpu.memory_space<hbm>>) dst(%dma_wait3A_458 : memref<128x8xf32, #tpu.memory_space<vmem>>)
        %dma_wait3A_465 = arith.constant 11 : i32
        %dma_wait3A_466 = arith.constant 1408 : i32
        %dma_wait3A_467 = arith.constant 0 : i32
        %dma_wait3A_468 = tpu.memref_slice %arg17[%dma_wait3A_466, %dma_wait3A_467] : memref<4096x8xf32, #tpu.memory_space<vmem>> -> memref<128x8xf32, #tpu.memory_space<vmem>>
        %dma_wait3A_469 = arith.constant 0 : i32
        %dma_wait3A_470 = tpu.memref_slice %arg14[%dma_wait3A_465, %dma_wait3A_469] : memref<32x128xi32, #tpu.memory_space<vmem>> -> memref<1x128xi32, #tpu.memory_space<vmem>>
        %dma_wait3A_471 = tpu.memref_squeeze %dma_wait3A_470 : memref<1x128xi32, #tpu.memory_space<vmem>> -> memref<128xi32, #tpu.memory_space<vmem>>
        %dma_wait3A_472 = arith.constant 0 : i32
        %dma_wait3A_473 = arith.constant 0 : i32
        %dma_wait3A_474 = tpu.memref_slice %arg3[%dma_wait3A_472, %dma_wait3A_473] : memref<2097152x8xf32, #tpu.memory_space<hbm>> -> memref<2097152x8xf32, #tpu.memory_space<hbm>>
        tpu.wait_indirect_dma semaphore(%arg19 : memref<!tpu.dma_semaphore, #tpu.memory_space<semaphore_mem>>) src(%dma_wait3A_474 : memref<2097152x8xf32, #tpu.memory_space<hbm>>) dst(%dma_wait3A_468 : memref<128x8xf32, #tpu.memory_space<vmem>>)
        %dma_wait3A_475 = arith.constant 12 : i32
        %dma_wait3A_476 = arith.constant 1536 : i32
        %dma_wait3A_477 = arith.constant 0 : i32
        %dma_wait3A_478 = tpu.memref_slice %arg17[%dma_wait3A_476, %dma_wait3A_477] : memref<4096x8xf32, #tpu.memory_space<vmem>> -> memref<128x8xf32, #tpu.memory_space<vmem>>
        %dma_wait3A_479 = arith.constant 0 : i32
        %dma_wait3A_480 = tpu.memref_slice %arg14[%dma_wait3A_475, %dma_wait3A_479] : memref<32x128xi32, #tpu.memory_space<vmem>> -> memref<1x128xi32, #tpu.memory_space<vmem>>
        %dma_wait3A_481 = tpu.memref_squeeze %dma_wait3A_480 : memref<1x128xi32, #tpu.memory_space<vmem>> -> memref<128xi32, #tpu.memory_space<vmem>>
        %dma_wait3A_482 = arith.constant 0 : i32
        %dma_wait3A_483 = arith.constant 0 : i32
        %dma_wait3A_484 = tpu.memref_slice %arg3[%dma_wait3A_482, %dma_wait3A_483] : memref<2097152x8xf32, #tpu.memory_space<hbm>> -> memref<2097152x8xf32, #tpu.memory_space<hbm>>
        tpu.wait_indirect_dma semaphore(%arg19 : memref<!tpu.dma_semaphore, #tpu.memory_space<semaphore_mem>>) src(%dma_wait3A_484 : memref<2097152x8xf32, #tpu.memory_space<hbm>>) dst(%dma_wait3A_478 : memref<128x8xf32, #tpu.memory_space<vmem>>)
        %dma_wait3A_485 = arith.constant 13 : i32
        %dma_wait3A_486 = arith.constant 1664 : i32
        %dma_wait3A_487 = arith.constant 0 : i32
        %dma_wait3A_488 = tpu.memref_slice %arg17[%dma_wait3A_486, %dma_wait3A_487] : memref<4096x8xf32, #tpu.memory_space<vmem>> -> memref<128x8xf32, #tpu.memory_space<vmem>>
        %dma_wait3A_489 = arith.constant 0 : i32
        %dma_wait3A_490 = tpu.memref_slice %arg14[%dma_wait3A_485, %dma_wait3A_489] : memref<32x128xi32, #tpu.memory_space<vmem>> -> memref<1x128xi32, #tpu.memory_space<vmem>>
        %dma_wait3A_491 = tpu.memref_squeeze %dma_wait3A_490 : memref<1x128xi32, #tpu.memory_space<vmem>> -> memref<128xi32, #tpu.memory_space<vmem>>
        %dma_wait3A_492 = arith.constant 0 : i32
        %dma_wait3A_493 = arith.constant 0 : i32
        %dma_wait3A_494 = tpu.memref_slice %arg3[%dma_wait3A_492, %dma_wait3A_493] : memref<2097152x8xf32, #tpu.memory_space<hbm>> -> memref<2097152x8xf32, #tpu.memory_space<hbm>>
        tpu.wait_indirect_dma semaphore(%arg19 : memref<!tpu.dma_semaphore, #tpu.memory_space<semaphore_mem>>) src(%dma_wait3A_494 : memref<2097152x8xf32, #tpu.memory_space<hbm>>) dst(%dma_wait3A_488 : memref<128x8xf32, #tpu.memory_space<vmem>>)
        %dma_wait3A_495 = arith.constant 14 : i32
        %dma_wait3A_496 = arith.constant 1792 : i32
        %dma_wait3A_497 = arith.constant 0 : i32
        %dma_wait3A_498 = tpu.memref_slice %arg17[%dma_wait3A_496, %dma_wait3A_497] : memref<4096x8xf32, #tpu.memory_space<vmem>> -> memref<128x8xf32, #tpu.memory_space<vmem>>
        %dma_wait3A_499 = arith.constant 0 : i32
        %dma_wait3A_500 = tpu.memref_slice %arg14[%dma_wait3A_495, %dma_wait3A_499] : memref<32x128xi32, #tpu.memory_space<vmem>> -> memref<1x128xi32, #tpu.memory_space<vmem>>
        %dma_wait3A_501 = tpu.memref_squeeze %dma_wait3A_500 : memref<1x128xi32, #tpu.memory_space<vmem>> -> memref<128xi32, #tpu.memory_space<vmem>>
        %dma_wait3A_502 = arith.constant 0 : i32
        %dma_wait3A_503 = arith.constant 0 : i32
        %dma_wait3A_504 = tpu.memref_slice %arg3[%dma_wait3A_502, %dma_wait3A_503] : memref<2097152x8xf32, #tpu.memory_space<hbm>> -> memref<2097152x8xf32, #tpu.memory_space<hbm>>
        tpu.wait_indirect_dma semaphore(%arg19 : memref<!tpu.dma_semaphore, #tpu.memory_space<semaphore_mem>>) src(%dma_wait3A_504 : memref<2097152x8xf32, #tpu.memory_space<hbm>>) dst(%dma_wait3A_498 : memref<128x8xf32, #tpu.memory_space<vmem>>)
        %dma_wait3A_505 = arith.constant 15 : i32
        %dma_wait3A_506 = arith.constant 1920 : i32
        %dma_wait3A_507 = arith.constant 0 : i32
        %dma_wait3A_508 = tpu.memref_slice %arg17[%dma_wait3A_506, %dma_wait3A_507] : memref<4096x8xf32, #tpu.memory_space<vmem>> -> memref<128x8xf32, #tpu.memory_space<vmem>>
        %dma_wait3A_509 = arith.constant 0 : i32
        %dma_wait3A_510 = tpu.memref_slice %arg14[%dma_wait3A_505, %dma_wait3A_509] : memref<32x128xi32, #tpu.memory_space<vmem>> -> memref<1x128xi32, #tpu.memory_space<vmem>>
        %dma_wait3A_511 = tpu.memref_squeeze %dma_wait3A_510 : memref<1x128xi32, #tpu.memory_space<vmem>> -> memref<128xi32, #tpu.memory_space<vmem>>
        %dma_wait3A_512 = arith.constant 0 : i32
        %dma_wait3A_513 = arith.constant 0 : i32
        %dma_wait3A_514 = tpu.memref_slice %arg3[%dma_wait3A_512, %dma_wait3A_513] : memref<2097152x8xf32, #tpu.memory_space<hbm>> -> memref<2097152x8xf32, #tpu.memory_space<hbm>>
        tpu.wait_indirect_dma semaphore(%arg19 : memref<!tpu.dma_semaphore, #tpu.memory_space<semaphore_mem>>) src(%dma_wait3A_514 : memref<2097152x8xf32, #tpu.memory_space<hbm>>) dst(%dma_wait3A_508 : memref<128x8xf32, #tpu.memory_space<vmem>>)
        %dma_wait3A_515 = arith.constant 16 : i32
        %dma_wait3A_516 = arith.constant 2048 : i32
        %dma_wait3A_517 = arith.constant 0 : i32
        %dma_wait3A_518 = tpu.memref_slice %arg17[%dma_wait3A_516, %dma_wait3A_517] : memref<4096x8xf32, #tpu.memory_space<vmem>> -> memref<128x8xf32, #tpu.memory_space<vmem>>
        %dma_wait3A_519 = arith.constant 0 : i32
        %dma_wait3A_520 = tpu.memref_slice %arg14[%dma_wait3A_515, %dma_wait3A_519] : memref<32x128xi32, #tpu.memory_space<vmem>> -> memref<1x128xi32, #tpu.memory_space<vmem>>
        %dma_wait3A_521 = tpu.memref_squeeze %dma_wait3A_520 : memref<1x128xi32, #tpu.memory_space<vmem>> -> memref<128xi32, #tpu.memory_space<vmem>>
        %dma_wait3A_522 = arith.constant 0 : i32
        %dma_wait3A_523 = arith.constant 0 : i32
        %dma_wait3A_524 = tpu.memref_slice %arg3[%dma_wait3A_522, %dma_wait3A_523] : memref<2097152x8xf32, #tpu.memory_space<hbm>> -> memref<2097152x8xf32, #tpu.memory_space<hbm>>
        tpu.wait_indirect_dma semaphore(%arg19 : memref<!tpu.dma_semaphore, #tpu.memory_space<semaphore_mem>>) src(%dma_wait3A_524 : memref<2097152x8xf32, #tpu.memory_space<hbm>>) dst(%dma_wait3A_518 : memref<128x8xf32, #tpu.memory_space<vmem>>)
        %dma_wait3A_525 = arith.constant 17 : i32
        %dma_wait3A_526 = arith.constant 2176 : i32
        %dma_wait3A_527 = arith.constant 0 : i32
        %dma_wait3A_528 = tpu.memref_slice %arg17[%dma_wait3A_526, %dma_wait3A_527] : memref<4096x8xf32, #tpu.memory_space<vmem>> -> memref<128x8xf32, #tpu.memory_space<vmem>>
        %dma_wait3A_529 = arith.constant 0 : i32
        %dma_wait3A_530 = tpu.memref_slice %arg14[%dma_wait3A_525, %dma_wait3A_529] : memref<32x128xi32, #tpu.memory_space<vmem>> -> memref<1x128xi32, #tpu.memory_space<vmem>>
        %dma_wait3A_531 = tpu.memref_squeeze %dma_wait3A_530 : memref<1x128xi32, #tpu.memory_space<vmem>> -> memref<128xi32, #tpu.memory_space<vmem>>
        %dma_wait3A_532 = arith.constant 0 : i32
        %dma_wait3A_533 = arith.constant 0 : i32
        %dma_wait3A_534 = tpu.memref_slice %arg3[%dma_wait3A_532, %dma_wait3A_533] : memref<2097152x8xf32, #tpu.memory_space<hbm>> -> memref<2097152x8xf32, #tpu.memory_space<hbm>>
        tpu.wait_indirect_dma semaphore(%arg19 : memref<!tpu.dma_semaphore, #tpu.memory_space<semaphore_mem>>) src(%dma_wait3A_534 : memref<2097152x8xf32, #tpu.memory_space<hbm>>) dst(%dma_wait3A_528 : memref<128x8xf32, #tpu.memory_space<vmem>>)
        %dma_wait3A_535 = arith.constant 18 : i32
        %dma_wait3A_536 = arith.constant 2304 : i32
        %dma_wait3A_537 = arith.constant 0 : i32
        %dma_wait3A_538 = tpu.memref_slice %arg17[%dma_wait3A_536, %dma_wait3A_537] : memref<4096x8xf32, #tpu.memory_space<vmem>> -> memref<128x8xf32, #tpu.memory_space<vmem>>
        %dma_wait3A_539 = arith.constant 0 : i32
        %dma_wait3A_540 = tpu.memref_slice %arg14[%dma_wait3A_535, %dma_wait3A_539] : memref<32x128xi32, #tpu.memory_space<vmem>> -> memref<1x128xi32, #tpu.memory_space<vmem>>
        %dma_wait3A_541 = tpu.memref_squeeze %dma_wait3A_540 : memref<1x128xi32, #tpu.memory_space<vmem>> -> memref<128xi32, #tpu.memory_space<vmem>>
        %dma_wait3A_542 = arith.constant 0 : i32
        %dma_wait3A_543 = arith.constant 0 : i32
        %dma_wait3A_544 = tpu.memref_slice %arg3[%dma_wait3A_542, %dma_wait3A_543] : memref<2097152x8xf32, #tpu.memory_space<hbm>> -> memref<2097152x8xf32, #tpu.memory_space<hbm>>
        tpu.wait_indirect_dma semaphore(%arg19 : memref<!tpu.dma_semaphore, #tpu.memory_space<semaphore_mem>>) src(%dma_wait3A_544 : memref<2097152x8xf32, #tpu.memory_space<hbm>>) dst(%dma_wait3A_538 : memref<128x8xf32, #tpu.memory_space<vmem>>)
        %dma_wait3A_545 = arith.constant 19 : i32
        %dma_wait3A_546 = arith.constant 2432 : i32
        %dma_wait3A_547 = arith.constant 0 : i32
        %dma_wait3A_548 = tpu.memref_slice %arg17[%dma_wait3A_546, %dma_wait3A_547] : memref<4096x8xf32, #tpu.memory_space<vmem>> -> memref<128x8xf32, #tpu.memory_space<vmem>>
        %dma_wait3A_549 = arith.constant 0 : i32
        %dma_wait3A_550 = tpu.memref_slice %arg14[%dma_wait3A_545, %dma_wait3A_549] : memref<32x128xi32, #tpu.memory_space<vmem>> -> memref<1x128xi32, #tpu.memory_space<vmem>>
        %dma_wait3A_551 = tpu.memref_squeeze %dma_wait3A_550 : memref<1x128xi32, #tpu.memory_space<vmem>> -> memref<128xi32, #tpu.memory_space<vmem>>
        %dma_wait3A_552 = arith.constant 0 : i32
        %dma_wait3A_553 = arith.constant 0 : i32
        %dma_wait3A_554 = tpu.memref_slice %arg3[%dma_wait3A_552, %dma_wait3A_553] : memref<2097152x8xf32, #tpu.memory_space<hbm>> -> memref<2097152x8xf32, #tpu.memory_space<hbm>>
        tpu.wait_indirect_dma semaphore(%arg19 : memref<!tpu.dma_semaphore, #tpu.memory_space<semaphore_mem>>) src(%dma_wait3A_554 : memref<2097152x8xf32, #tpu.memory_space<hbm>>) dst(%dma_wait3A_548 : memref<128x8xf32, #tpu.memory_space<vmem>>)
        %dma_wait3A_555 = arith.constant 20 : i32
        %dma_wait3A_556 = arith.constant 2560 : i32
        %dma_wait3A_557 = arith.constant 0 : i32
        %dma_wait3A_558 = tpu.memref_slice %arg17[%dma_wait3A_556, %dma_wait3A_557] : memref<4096x8xf32, #tpu.memory_space<vmem>> -> memref<128x8xf32, #tpu.memory_space<vmem>>
        %dma_wait3A_559 = arith.constant 0 : i32
        %dma_wait3A_560 = tpu.memref_slice %arg14[%dma_wait3A_555, %dma_wait3A_559] : memref<32x128xi32, #tpu.memory_space<vmem>> -> memref<1x128xi32, #tpu.memory_space<vmem>>
        %dma_wait3A_561 = tpu.memref_squeeze %dma_wait3A_560 : memref<1x128xi32, #tpu.memory_space<vmem>> -> memref<128xi32, #tpu.memory_space<vmem>>
        %dma_wait3A_562 = arith.constant 0 : i32
        %dma_wait3A_563 = arith.constant 0 : i32
        %dma_wait3A_564 = tpu.memref_slice %arg3[%dma_wait3A_562, %dma_wait3A_563] : memref<2097152x8xf32, #tpu.memory_space<hbm>> -> memref<2097152x8xf32, #tpu.memory_space<hbm>>
        tpu.wait_indirect_dma semaphore(%arg19 : memref<!tpu.dma_semaphore, #tpu.memory_space<semaphore_mem>>) src(%dma_wait3A_564 : memref<2097152x8xf32, #tpu.memory_space<hbm>>) dst(%dma_wait3A_558 : memref<128x8xf32, #tpu.memory_space<vmem>>)
        %dma_wait3A_565 = arith.constant 21 : i32
        %dma_wait3A_566 = arith.constant 2688 : i32
        %dma_wait3A_567 = arith.constant 0 : i32
        %dma_wait3A_568 = tpu.memref_slice %arg17[%dma_wait3A_566, %dma_wait3A_567] : memref<4096x8xf32, #tpu.memory_space<vmem>> -> memref<128x8xf32, #tpu.memory_space<vmem>>
        %dma_wait3A_569 = arith.constant 0 : i32
        %dma_wait3A_570 = tpu.memref_slice %arg14[%dma_wait3A_565, %dma_wait3A_569] : memref<32x128xi32, #tpu.memory_space<vmem>> -> memref<1x128xi32, #tpu.memory_space<vmem>>
        %dma_wait3A_571 = tpu.memref_squeeze %dma_wait3A_570 : memref<1x128xi32, #tpu.memory_space<vmem>> -> memref<128xi32, #tpu.memory_space<vmem>>
        %dma_wait3A_572 = arith.constant 0 : i32
        %dma_wait3A_573 = arith.constant 0 : i32
        %dma_wait3A_574 = tpu.memref_slice %arg3[%dma_wait3A_572, %dma_wait3A_573] : memref<2097152x8xf32, #tpu.memory_space<hbm>> -> memref<2097152x8xf32, #tpu.memory_space<hbm>>
        tpu.wait_indirect_dma semaphore(%arg19 : memref<!tpu.dma_semaphore, #tpu.memory_space<semaphore_mem>>) src(%dma_wait3A_574 : memref<2097152x8xf32, #tpu.memory_space<hbm>>) dst(%dma_wait3A_568 : memref<128x8xf32, #tpu.memory_space<vmem>>)
        %dma_wait3A_575 = arith.constant 22 : i32
        %dma_wait3A_576 = arith.constant 2816 : i32
        %dma_wait3A_577 = arith.constant 0 : i32
        %dma_wait3A_578 = tpu.memref_slice %arg17[%dma_wait3A_576, %dma_wait3A_577] : memref<4096x8xf32, #tpu.memory_space<vmem>> -> memref<128x8xf32, #tpu.memory_space<vmem>>
        %dma_wait3A_579 = arith.constant 0 : i32
        %dma_wait3A_580 = tpu.memref_slice %arg14[%dma_wait3A_575, %dma_wait3A_579] : memref<32x128xi32, #tpu.memory_space<vmem>> -> memref<1x128xi32, #tpu.memory_space<vmem>>
        %dma_wait3A_581 = tpu.memref_squeeze %dma_wait3A_580 : memref<1x128xi32, #tpu.memory_space<vmem>> -> memref<128xi32, #tpu.memory_space<vmem>>
        %dma_wait3A_582 = arith.constant 0 : i32
        %dma_wait3A_583 = arith.constant 0 : i32
        %dma_wait3A_584 = tpu.memref_slice %arg3[%dma_wait3A_582, %dma_wait3A_583] : memref<2097152x8xf32, #tpu.memory_space<hbm>> -> memref<2097152x8xf32, #tpu.memory_space<hbm>>
        tpu.wait_indirect_dma semaphore(%arg19 : memref<!tpu.dma_semaphore, #tpu.memory_space<semaphore_mem>>) src(%dma_wait3A_584 : memref<2097152x8xf32, #tpu.memory_space<hbm>>) dst(%dma_wait3A_578 : memref<128x8xf32, #tpu.memory_space<vmem>>)
        %dma_wait3A_585 = arith.constant 23 : i32
        %dma_wait3A_586 = arith.constant 2944 : i32
        %dma_wait3A_587 = arith.constant 0 : i32
        %dma_wait3A_588 = tpu.memref_slice %arg17[%dma_wait3A_586, %dma_wait3A_587] : memref<4096x8xf32, #tpu.memory_space<vmem>> -> memref<128x8xf32, #tpu.memory_space<vmem>>
        %dma_wait3A_589 = arith.constant 0 : i32
        %dma_wait3A_590 = tpu.memref_slice %arg14[%dma_wait3A_585, %dma_wait3A_589] : memref<32x128xi32, #tpu.memory_space<vmem>> -> memref<1x128xi32, #tpu.memory_space<vmem>>
        %dma_wait3A_591 = tpu.memref_squeeze %dma_wait3A_590 : memref<1x128xi32, #tpu.memory_space<vmem>> -> memref<128xi32, #tpu.memory_space<vmem>>
        %dma_wait3A_592 = arith.constant 0 : i32
        %dma_wait3A_593 = arith.constant 0 : i32
        %dma_wait3A_594 = tpu.memref_slice %arg3[%dma_wait3A_592, %dma_wait3A_593] : memref<2097152x8xf32, #tpu.memory_space<hbm>> -> memref<2097152x8xf32, #tpu.memory_space<hbm>>
        tpu.wait_indirect_dma semaphore(%arg19 : memref<!tpu.dma_semaphore, #tpu.memory_space<semaphore_mem>>) src(%dma_wait3A_594 : memref<2097152x8xf32, #tpu.memory_space<hbm>>) dst(%dma_wait3A_588 : memref<128x8xf32, #tpu.memory_space<vmem>>)
        %dma_wait3A_595 = arith.constant 24 : i32
        %dma_wait3A_596 = arith.constant 3072 : i32
        %dma_wait3A_597 = arith.constant 0 : i32
        %dma_wait3A_598 = tpu.memref_slice %arg17[%dma_wait3A_596, %dma_wait3A_597] : memref<4096x8xf32, #tpu.memory_space<vmem>> -> memref<128x8xf32, #tpu.memory_space<vmem>>
        %dma_wait3A_599 = arith.constant 0 : i32
        %dma_wait3A_600 = tpu.memref_slice %arg14[%dma_wait3A_595, %dma_wait3A_599] : memref<32x128xi32, #tpu.memory_space<vmem>> -> memref<1x128xi32, #tpu.memory_space<vmem>>
        %dma_wait3A_601 = tpu.memref_squeeze %dma_wait3A_600 : memref<1x128xi32, #tpu.memory_space<vmem>> -> memref<128xi32, #tpu.memory_space<vmem>>
        %dma_wait3A_602 = arith.constant 0 : i32
        %dma_wait3A_603 = arith.constant 0 : i32
        %dma_wait3A_604 = tpu.memref_slice %arg3[%dma_wait3A_602, %dma_wait3A_603] : memref<2097152x8xf32, #tpu.memory_space<hbm>> -> memref<2097152x8xf32, #tpu.memory_space<hbm>>
        tpu.wait_indirect_dma semaphore(%arg19 : memref<!tpu.dma_semaphore, #tpu.memory_space<semaphore_mem>>) src(%dma_wait3A_604 : memref<2097152x8xf32, #tpu.memory_space<hbm>>) dst(%dma_wait3A_598 : memref<128x8xf32, #tpu.memory_space<vmem>>)
        %dma_wait3A_605 = arith.constant 25 : i32
        %dma_wait3A_606 = arith.constant 3200 : i32
        %dma_wait3A_607 = arith.constant 0 : i32
        %dma_wait3A_608 = tpu.memref_slice %arg17[%dma_wait3A_606, %dma_wait3A_607] : memref<4096x8xf32, #tpu.memory_space<vmem>> -> memref<128x8xf32, #tpu.memory_space<vmem>>
        %dma_wait3A_609 = arith.constant 0 : i32
        %dma_wait3A_610 = tpu.memref_slice %arg14[%dma_wait3A_605, %dma_wait3A_609] : memref<32x128xi32, #tpu.memory_space<vmem>> -> memref<1x128xi32, #tpu.memory_space<vmem>>
        %dma_wait3A_611 = tpu.memref_squeeze %dma_wait3A_610 : memref<1x128xi32, #tpu.memory_space<vmem>> -> memref<128xi32, #tpu.memory_space<vmem>>
        %dma_wait3A_612 = arith.constant 0 : i32
        %dma_wait3A_613 = arith.constant 0 : i32
        %dma_wait3A_614 = tpu.memref_slice %arg3[%dma_wait3A_612, %dma_wait3A_613] : memref<2097152x8xf32, #tpu.memory_space<hbm>> -> memref<2097152x8xf32, #tpu.memory_space<hbm>>
        tpu.wait_indirect_dma semaphore(%arg19 : memref<!tpu.dma_semaphore, #tpu.memory_space<semaphore_mem>>) src(%dma_wait3A_614 : memref<2097152x8xf32, #tpu.memory_space<hbm>>) dst(%dma_wait3A_608 : memref<128x8xf32, #tpu.memory_space<vmem>>)
        %dma_wait3A_615 = arith.constant 26 : i32
        %dma_wait3A_616 = arith.constant 3328 : i32
        %dma_wait3A_617 = arith.constant 0 : i32
        %dma_wait3A_618 = tpu.memref_slice %arg17[%dma_wait3A_616, %dma_wait3A_617] : memref<4096x8xf32, #tpu.memory_space<vmem>> -> memref<128x8xf32, #tpu.memory_space<vmem>>
        %dma_wait3A_619 = arith.constant 0 : i32
        %dma_wait3A_620 = tpu.memref_slice %arg14[%dma_wait3A_615, %dma_wait3A_619] : memref<32x128xi32, #tpu.memory_space<vmem>> -> memref<1x128xi32, #tpu.memory_space<vmem>>
        %dma_wait3A_621 = tpu.memref_squeeze %dma_wait3A_620 : memref<1x128xi32, #tpu.memory_space<vmem>> -> memref<128xi32, #tpu.memory_space<vmem>>
        %dma_wait3A_622 = arith.constant 0 : i32
        %dma_wait3A_623 = arith.constant 0 : i32
        %dma_wait3A_624 = tpu.memref_slice %arg3[%dma_wait3A_622, %dma_wait3A_623] : memref<2097152x8xf32, #tpu.memory_space<hbm>> -> memref<2097152x8xf32, #tpu.memory_space<hbm>>
        tpu.wait_indirect_dma semaphore(%arg19 : memref<!tpu.dma_semaphore, #tpu.memory_space<semaphore_mem>>) src(%dma_wait3A_624 : memref<2097152x8xf32, #tpu.memory_space<hbm>>) dst(%dma_wait3A_618 : memref<128x8xf32, #tpu.memory_space<vmem>>)
        %dma_wait3A_625 = arith.constant 27 : i32
        %dma_wait3A_626 = arith.constant 3456 : i32
        %dma_wait3A_627 = arith.constant 0 : i32
        %dma_wait3A_628 = tpu.memref_slice %arg17[%dma_wait3A_626, %dma_wait3A_627] : memref<4096x8xf32, #tpu.memory_space<vmem>> -> memref<128x8xf32, #tpu.memory_space<vmem>>
        %dma_wait3A_629 = arith.constant 0 : i32
        %dma_wait3A_630 = tpu.memref_slice %arg14[%dma_wait3A_625, %dma_wait3A_629] : memref<32x128xi32, #tpu.memory_space<vmem>> -> memref<1x128xi32, #tpu.memory_space<vmem>>
        %dma_wait3A_631 = tpu.memref_squeeze %dma_wait3A_630 : memref<1x128xi32, #tpu.memory_space<vmem>> -> memref<128xi32, #tpu.memory_space<vmem>>
        %dma_wait3A_632 = arith.constant 0 : i32
        %dma_wait3A_633 = arith.constant 0 : i32
        %dma_wait3A_634 = tpu.memref_slice %arg3[%dma_wait3A_632, %dma_wait3A_633] : memref<2097152x8xf32, #tpu.memory_space<hbm>> -> memref<2097152x8xf32, #tpu.memory_space<hbm>>
        tpu.wait_indirect_dma semaphore(%arg19 : memref<!tpu.dma_semaphore, #tpu.memory_space<semaphore_mem>>) src(%dma_wait3A_634 : memref<2097152x8xf32, #tpu.memory_space<hbm>>) dst(%dma_wait3A_628 : memref<128x8xf32, #tpu.memory_space<vmem>>)
        %dma_wait3A_635 = arith.constant 28 : i32
        %dma_wait3A_636 = arith.constant 3584 : i32
        %dma_wait3A_637 = arith.constant 0 : i32
        %dma_wait3A_638 = tpu.memref_slice %arg17[%dma_wait3A_636, %dma_wait3A_637] : memref<4096x8xf32, #tpu.memory_space<vmem>> -> memref<128x8xf32, #tpu.memory_space<vmem>>
        %dma_wait3A_639 = arith.constant 0 : i32
        %dma_wait3A_640 = tpu.memref_slice %arg14[%dma_wait3A_635, %dma_wait3A_639] : memref<32x128xi32, #tpu.memory_space<vmem>> -> memref<1x128xi32, #tpu.memory_space<vmem>>
        %dma_wait3A_641 = tpu.memref_squeeze %dma_wait3A_640 : memref<1x128xi32, #tpu.memory_space<vmem>> -> memref<128xi32, #tpu.memory_space<vmem>>
        %dma_wait3A_642 = arith.constant 0 : i32
        %dma_wait3A_643 = arith.constant 0 : i32
        %dma_wait3A_644 = tpu.memref_slice %arg3[%dma_wait3A_642, %dma_wait3A_643] : memref<2097152x8xf32, #tpu.memory_space<hbm>> -> memref<2097152x8xf32, #tpu.memory_space<hbm>>
        tpu.wait_indirect_dma semaphore(%arg19 : memref<!tpu.dma_semaphore, #tpu.memory_space<semaphore_mem>>) src(%dma_wait3A_644 : memref<2097152x8xf32, #tpu.memory_space<hbm>>) dst(%dma_wait3A_638 : memref<128x8xf32, #tpu.memory_space<vmem>>)
        %dma_wait3A_645 = arith.constant 29 : i32
        %dma_wait3A_646 = arith.constant 3712 : i32
        %dma_wait3A_647 = arith.constant 0 : i32
        %dma_wait3A_648 = tpu.memref_slice %arg17[%dma_wait3A_646, %dma_wait3A_647] : memref<4096x8xf32, #tpu.memory_space<vmem>> -> memref<128x8xf32, #tpu.memory_space<vmem>>
        %dma_wait3A_649 = arith.constant 0 : i32
        %dma_wait3A_650 = tpu.memref_slice %arg14[%dma_wait3A_645, %dma_wait3A_649] : memref<32x128xi32, #tpu.memory_space<vmem>> -> memref<1x128xi32, #tpu.memory_space<vmem>>
        %dma_wait3A_651 = tpu.memref_squeeze %dma_wait3A_650 : memref<1x128xi32, #tpu.memory_space<vmem>> -> memref<128xi32, #tpu.memory_space<vmem>>
        %dma_wait3A_652 = arith.constant 0 : i32
        %dma_wait3A_653 = arith.constant 0 : i32
        %dma_wait3A_654 = tpu.memref_slice %arg3[%dma_wait3A_652, %dma_wait3A_653] : memref<2097152x8xf32, #tpu.memory_space<hbm>> -> memref<2097152x8xf32, #tpu.memory_space<hbm>>
        tpu.wait_indirect_dma semaphore(%arg19 : memref<!tpu.dma_semaphore, #tpu.memory_space<semaphore_mem>>) src(%dma_wait3A_654 : memref<2097152x8xf32, #tpu.memory_space<hbm>>) dst(%dma_wait3A_648 : memref<128x8xf32, #tpu.memory_space<vmem>>)
        %dma_wait3A_655 = arith.constant 30 : i32
        %dma_wait3A_656 = arith.constant 3840 : i32
        %dma_wait3A_657 = arith.constant 0 : i32
        %dma_wait3A_658 = tpu.memref_slice %arg17[%dma_wait3A_656, %dma_wait3A_657] : memref<4096x8xf32, #tpu.memory_space<vmem>> -> memref<128x8xf32, #tpu.memory_space<vmem>>
        %dma_wait3A_659 = arith.constant 0 : i32
        %dma_wait3A_660 = tpu.memref_slice %arg14[%dma_wait3A_655, %dma_wait3A_659] : memref<32x128xi32, #tpu.memory_space<vmem>> -> memref<1x128xi32, #tpu.memory_space<vmem>>
        %dma_wait3A_661 = tpu.memref_squeeze %dma_wait3A_660 : memref<1x128xi32, #tpu.memory_space<vmem>> -> memref<128xi32, #tpu.memory_space<vmem>>
        %dma_wait3A_662 = arith.constant 0 : i32
        %dma_wait3A_663 = arith.constant 0 : i32
        %dma_wait3A_664 = tpu.memref_slice %arg3[%dma_wait3A_662, %dma_wait3A_663] : memref<2097152x8xf32, #tpu.memory_space<hbm>> -> memref<2097152x8xf32, #tpu.memory_space<hbm>>
        tpu.wait_indirect_dma semaphore(%arg19 : memref<!tpu.dma_semaphore, #tpu.memory_space<semaphore_mem>>) src(%dma_wait3A_664 : memref<2097152x8xf32, #tpu.memory_space<hbm>>) dst(%dma_wait3A_658 : memref<128x8xf32, #tpu.memory_space<vmem>>)
        %dma_wait3A_665 = arith.constant 31 : i32
        %dma_wait3A_666 = arith.constant 3968 : i32
        %dma_wait3A_667 = arith.constant 0 : i32
        %dma_wait3A_668 = tpu.memref_slice %arg17[%dma_wait3A_666, %dma_wait3A_667] : memref<4096x8xf32, #tpu.memory_space<vmem>> -> memref<128x8xf32, #tpu.memory_space<vmem>>
        %dma_wait3A_669 = arith.constant 0 : i32
        %dma_wait3A_670 = tpu.memref_slice %arg14[%dma_wait3A_665, %dma_wait3A_669] : memref<32x128xi32, #tpu.memory_space<vmem>> -> memref<1x128xi32, #tpu.memory_space<vmem>>
        %dma_wait3A_671 = tpu.memref_squeeze %dma_wait3A_670 : memref<1x128xi32, #tpu.memory_space<vmem>> -> memref<128xi32, #tpu.memory_space<vmem>>
        %dma_wait3A_672 = arith.constant 0 : i32
        %dma_wait3A_673 = arith.constant 0 : i32
        %dma_wait3A_674 = tpu.memref_slice %arg3[%dma_wait3A_672, %dma_wait3A_673] : memref<2097152x8xf32, #tpu.memory_space<hbm>> -> memref<2097152x8xf32, #tpu.memory_space<hbm>>
        tpu.wait_indirect_dma semaphore(%arg19 : memref<!tpu.dma_semaphore, #tpu.memory_space<semaphore_mem>>) src(%dma_wait3A_674 : memref<2097152x8xf32, #tpu.memory_space<hbm>>) dst(%dma_wait3A_668 : memref<128x8xf32, #tpu.memory_space<vmem>>)
        %scan3A_675 = arith.constant 0 : i32
        %scan3A_676 = arith.constant 32 : i32
        %scan3A_677 = arith.addi %scan3A_675, %scan3A_676 : i32
        %scan3A_678 = arith.constant 1 : i32
        scf.for %scan3A_680 = %scan3A_675 to %scan3A_677 step %scan3A_678  : i32 {
          %mul3A_681 = arith.constant 1 : i32
          %mul3A_682 = arith.muli %scan3A_680, %mul3A_681 : i32
          %add3A_683 = arith.constant 0 : i32
          %add3A_684 = arith.addi %add3A_683, %mul3A_682 : i32
          %mul3A_685 = arith.constant 16 : i32
          %mul3A_686 = arith.muli %add3A_684, %mul3A_685 : i32
          %broadcast_in_dim3A_687 = arith.constant 0.000000e+00 : f32
          %broadcast_in_dim3A_688 = vector.broadcast %broadcast_in_dim3A_687 : f32 to vector<16xf32>
          %broadcast_in_dim3A_689 = arith.constant 0.000000e+00 : f32
          %broadcast_in_dim3A_690 = vector.broadcast %broadcast_in_dim3A_689 : f32 to vector<16xf32>
          %add3A_691 = arith.constant 0 : i32
          %add3A_692 = arith.addi %add3A_691, %mul3A_686 : i32
          %get3A = arith.index_cast %add3A_692 : i32 to index
          %get3A_693 = tpu.vector_load %arg15[%get3A] {strides = array<i32>} : memref<4096xi32, #tpu.memory_space<vmem>>, vector<16xi32>,
          %get3A_694 = arith.index_cast %add3A_692 : i32 to index
          %get3A_695 = tpu.vector_load %arg16[%get3A_694] {strides = array<i32>} : memref<4096xf32, #tpu.memory_space<vmem>>, vector<16xf32>,
          %add3A_696 = vector.broadcast %add3A_692 : i32 to vector<16xi32>
          %add3A_697 = arith.addi %iota3A, %add3A_696 : vector<16xi32>
          %gather3A_698 = tpu.vector_load_idx %arg17[%add3A_697, %get3A_693] : memref<4096x8xf32, #tpu.memory_space<vmem>>[vector<16xi32>, vector<16xi32>], vector<16xf32>,
          %add3A_699 = arith.constant 1 : i32
          %add3A_700 = vector.broadcast %add3A_699 : i32 to vector<16xi32>
          %add3A_701 = arith.addi %get3A_693, %add3A_700 : vector<16xi32>
          %gather3A_702 = tpu.vector_load_idx %arg17[%add3A_697, %add3A_701] : memref<4096x8xf32, #tpu.memory_space<vmem>>[vector<16xi32>, vector<16xi32>], vector<16xf32>,
          %mul3A_703 = arith.mulf %get3A_695, %gather3A_698 : vector<16xf32>
          %add3A_704 = arith.addf %broadcast_in_dim3A_688, %mul3A_703 : vector<16xf32>
          %mul3A_705 = arith.mulf %get3A_695, %gather3A_702 : vector<16xf32>
          %add3A_706 = arith.addf %broadcast_in_dim3A_690, %mul3A_705 : vector<16xf32>
          %add3A_707 = arith.constant 512 : i32
          %add3A_708 = arith.addi %add3A_707, %mul3A_686 : i32
          %get3A_709 = arith.index_cast %add3A_708 : i32 to index
          %get3A_710 = tpu.vector_load %arg15[%get3A_709] {strides = array<i32>} : memref<4096xi32, #tpu.memory_space<vmem>>, vector<16xi32>,
          %get3A_711 = arith.index_cast %add3A_708 : i32 to index
          %get3A_712 = tpu.vector_load %arg16[%get3A_711] {strides = array<i32>} : memref<4096xf32, #tpu.memory_space<vmem>>, vector<16xf32>,
          %add3A_713 = vector.broadcast %add3A_708 : i32 to vector<16xi32>
          %add3A_714 = arith.addi %iota3A, %add3A_713 : vector<16xi32>
          %gather3A_715 = tpu.vector_load_idx %arg17[%add3A_714, %get3A_710] : memref<4096x8xf32, #tpu.memory_space<vmem>>[vector<16xi32>, vector<16xi32>], vector<16xf32>,
          %add3A_716 = arith.constant 1 : i32
          %add3A_717 = vector.broadcast %add3A_716 : i32 to vector<16xi32>
          %add3A_718 = arith.addi %get3A_710, %add3A_717 : vector<16xi32>
          %gather3A_719 = tpu.vector_load_idx %arg17[%add3A_714, %add3A_718] : memref<4096x8xf32, #tpu.memory_space<vmem>>[vector<16xi32>, vector<16xi32>], vector<16xf32>,
          %mul3A_720 = arith.mulf %get3A_712, %gather3A_715 : vector<16xf32>
          %add3A_721 = arith.addf %add3A_704, %mul3A_720 : vector<16xf32>
          %mul3A_722 = arith.mulf %get3A_712, %gather3A_719 : vector<16xf32>
          %add3A_723 = arith.addf %add3A_706, %mul3A_722 : vector<16xf32>
          %add3A_724 = arith.constant 1024 : i32
          %add3A_725 = arith.addi %add3A_724, %mul3A_686 : i32
          %get3A_726 = arith.index_cast %add3A_725 : i32 to index
          %get3A_727 = tpu.vector_load %arg15[%get3A_726] {strides = array<i32>} : memref<4096xi32, #tpu.memory_space<vmem>>, vector<16xi32>,
          %get3A_728 = arith.index_cast %add3A_725 : i32 to index
          %get3A_729 = tpu.vector_load %arg16[%get3A_728] {strides = array<i32>} : memref<4096xf32, #tpu.memory_space<vmem>>, vector<16xf32>,
          %add3A_730 = vector.broadcast %add3A_725 : i32 to vector<16xi32>
          %add3A_731 = arith.addi %iota3A, %add3A_730 : vector<16xi32>
          %gather3A_732 = tpu.vector_load_idx %arg17[%add3A_731, %get3A_727] : memref<4096x8xf32, #tpu.memory_space<vmem>>[vector<16xi32>, vector<16xi32>], vector<16xf32>,
          %add3A_733 = arith.constant 1 : i32
          %add3A_734 = vector.broadcast %add3A_733 : i32 to vector<16xi32>
          %add3A_735 = arith.addi %get3A_727, %add3A_734 : vector<16xi32>
          %gather3A_736 = tpu.vector_load_idx %arg17[%add3A_731, %add3A_735] : memref<4096x8xf32, #tpu.memory_space<vmem>>[vector<16xi32>, vector<16xi32>], vector<16xf32>,
          %mul3A_737 = arith.mulf %get3A_729, %gather3A_732 : vector<16xf32>
          %add3A_738 = arith.addf %add3A_721, %mul3A_737 : vector<16xf32>
          %mul3A_739 = arith.mulf %get3A_729, %gather3A_736 : vector<16xf32>
          %add3A_740 = arith.addf %add3A_723, %mul3A_739 : vector<16xf32>
          %add3A_741 = arith.constant 1536 : i32
          %add3A_742 = arith.addi %add3A_741, %mul3A_686 : i32
          %get3A_743 = arith.index_cast %add3A_742 : i32 to index
          %get3A_744 = tpu.vector_load %arg15[%get3A_743] {strides = array<i32>} : memref<4096xi32, #tpu.memory_space<vmem>>, vector<16xi32>,
          %get3A_745 = arith.index_cast %add3A_742 : i32 to index
          %get3A_746 = tpu.vector_load %arg16[%get3A_745] {strides = array<i32>} : memref<4096xf32, #tpu.memory_space<vmem>>, vector<16xf32>,
          %add3A_747 = vector.broadcast %add3A_742 : i32 to vector<16xi32>
          %add3A_748 = arith.addi %iota3A, %add3A_747 : vector<16xi32>
          %gather3A_749 = tpu.vector_load_idx %arg17[%add3A_748, %get3A_744] : memref<4096x8xf32, #tpu.memory_space<vmem>>[vector<16xi32>, vector<16xi32>], vector<16xf32>,
          %add3A_750 = arith.constant 1 : i32
          %add3A_751 = vector.broadcast %add3A_750 : i32 to vector<16xi32>
          %add3A_752 = arith.addi %get3A_744, %add3A_751 : vector<16xi32>
          %gather3A_753 = tpu.vector_load_idx %arg17[%add3A_748, %add3A_752] : memref<4096x8xf32, #tpu.memory_space<vmem>>[vector<16xi32>, vector<16xi32>], vector<16xf32>,
          %mul3A_754 = arith.mulf %get3A_746, %gather3A_749 : vector<16xf32>
          %add3A_755 = arith.addf %add3A_738, %mul3A_754 : vector<16xf32>
          %mul3A_756 = arith.mulf %get3A_746, %gather3A_753 : vector<16xf32>
          %add3A_757 = arith.addf %add3A_740, %mul3A_756 : vector<16xf32>
          %add3A_758 = arith.constant 2048 : i32
          %add3A_759 = arith.addi %add3A_758, %mul3A_686 : i32
          %get3A_760 = arith.index_cast %add3A_759 : i32 to index
          %get3A_761 = tpu.vector_load %arg15[%get3A_760] {strides = array<i32>} : memref<4096xi32, #tpu.memory_space<vmem>>, vector<16xi32>,
          %get3A_762 = arith.index_cast %add3A_759 : i32 to index
          %get3A_763 = tpu.vector_load %arg16[%get3A_762] {strides = array<i32>} : memref<4096xf32, #tpu.memory_space<vmem>>, vector<16xf32>,
          %add3A_764 = vector.broadcast %add3A_759 : i32 to vector<16xi32>
          %add3A_765 = arith.addi %iota3A, %add3A_764 : vector<16xi32>
          %gather3A_766 = tpu.vector_load_idx %arg17[%add3A_765, %get3A_761] : memref<4096x8xf32, #tpu.memory_space<vmem>>[vector<16xi32>, vector<16xi32>], vector<16xf32>,
          %add3A_767 = arith.constant 1 : i32
          %add3A_768 = vector.broadcast %add3A_767 : i32 to vector<16xi32>
          %add3A_769 = arith.addi %get3A_761, %add3A_768 : vector<16xi32>
          %gather3A_770 = tpu.vector_load_idx %arg17[%add3A_765, %add3A_769] : memref<4096x8xf32, #tpu.memory_space<vmem>>[vector<16xi32>, vector<16xi32>], vector<16xf32>,
          %mul3A_771 = arith.mulf %get3A_763, %gather3A_766 : vector<16xf32>
          %add3A_772 = arith.addf %add3A_755, %mul3A_771 : vector<16xf32>
          %mul3A_773 = arith.mulf %get3A_763, %gather3A_770 : vector<16xf32>
          %add3A_774 = arith.addf %add3A_757, %mul3A_773 : vector<16xf32>
          %add3A_775 = arith.constant 2560 : i32
          %add3A_776 = arith.addi %add3A_775, %mul3A_686 : i32
          %get3A_777 = arith.index_cast %add3A_776 : i32 to index
          %get3A_778 = tpu.vector_load %arg15[%get3A_777] {strides = array<i32>} : memref<4096xi32, #tpu.memory_space<vmem>>, vector<16xi32>,
          %get3A_779 = arith.index_cast %add3A_776 : i32 to index
          %get3A_780 = tpu.vector_load %arg16[%get3A_779] {strides = array<i32>} : memref<4096xf32, #tpu.memory_space<vmem>>, vector<16xf32>,
          %add3A_781 = vector.broadcast %add3A_776 : i32 to vector<16xi32>
          %add3A_782 = arith.addi %iota3A, %add3A_781 : vector<16xi32>
          %gather3A_783 = tpu.vector_load_idx %arg17[%add3A_782, %get3A_778] : memref<4096x8xf32, #tpu.memory_space<vmem>>[vector<16xi32>, vector<16xi32>], vector<16xf32>,
          %add3A_784 = arith.constant 1 : i32
          %add3A_785 = vector.broadcast %add3A_784 : i32 to vector<16xi32>
          %add3A_786 = arith.addi %get3A_778, %add3A_785 : vector<16xi32>
          %gather3A_787 = tpu.vector_load_idx %arg17[%add3A_782, %add3A_786] : memref<4096x8xf32, #tpu.memory_space<vmem>>[vector<16xi32>, vector<16xi32>], vector<16xf32>,
          %mul3A_788 = arith.mulf %get3A_780, %gather3A_783 : vector<16xf32>
          %add3A_789 = arith.addf %add3A_772, %mul3A_788 : vector<16xf32>
          %mul3A_790 = arith.mulf %get3A_780, %gather3A_787 : vector<16xf32>
          %add3A_791 = arith.addf %add3A_774, %mul3A_790 : vector<16xf32>
          %add3A_792 = arith.constant 3072 : i32
          %add3A_793 = arith.addi %add3A_792, %mul3A_686 : i32
          %get3A_794 = arith.index_cast %add3A_793 : i32 to index
          %get3A_795 = tpu.vector_load %arg15[%get3A_794] {strides = array<i32>} : memref<4096xi32, #tpu.memory_space<vmem>>, vector<16xi32>,
          %get3A_796 = arith.index_cast %add3A_793 : i32 to index
          %get3A_797 = tpu.vector_load %arg16[%get3A_796] {strides = array<i32>} : memref<4096xf32, #tpu.memory_space<vmem>>, vector<16xf32>,
          %add3A_798 = vector.broadcast %add3A_793 : i32 to vector<16xi32>
          %add3A_799 = arith.addi %iota3A, %add3A_798 : vector<16xi32>
          %gather3A_800 = tpu.vector_load_idx %arg17[%add3A_799, %get3A_795] : memref<4096x8xf32, #tpu.memory_space<vmem>>[vector<16xi32>, vector<16xi32>], vector<16xf32>,
          %add3A_801 = arith.constant 1 : i32
          %add3A_802 = vector.broadcast %add3A_801 : i32 to vector<16xi32>
          %add3A_803 = arith.addi %get3A_795, %add3A_802 : vector<16xi32>
          %gather3A_804 = tpu.vector_load_idx %arg17[%add3A_799, %add3A_803] : memref<4096x8xf32, #tpu.memory_space<vmem>>[vector<16xi32>, vector<16xi32>], vector<16xf32>,
          %mul3A_805 = arith.mulf %get3A_797, %gather3A_800 : vector<16xf32>
          %add3A_806 = arith.addf %add3A_789, %mul3A_805 : vector<16xf32>
          %mul3A_807 = arith.mulf %get3A_797, %gather3A_804 : vector<16xf32>
          %add3A_808 = arith.addf %add3A_791, %mul3A_807 : vector<16xf32>
          %add3A_809 = arith.constant 3584 : i32
          %add3A_810 = arith.addi %add3A_809, %mul3A_686 : i32
          %get3A_811 = arith.index_cast %add3A_810 : i32 to index
          %get3A_812 = tpu.vector_load %arg15[%get3A_811] {strides = array<i32>} : memref<4096xi32, #tpu.memory_space<vmem>>, vector<16xi32>,
          %get3A_813 = arith.index_cast %add3A_810 : i32 to index
          %get3A_814 = tpu.vector_load %arg16[%get3A_813] {strides = array<i32>} : memref<4096xf32, #tpu.memory_space<vmem>>, vector<16xf32>,
          %add3A_815 = vector.broadcast %add3A_810 : i32 to vector<16xi32>
          %add3A_816 = arith.addi %iota3A, %add3A_815 : vector<16xi32>
          %gather3A_817 = tpu.vector_load_idx %arg17[%add3A_816, %get3A_812] : memref<4096x8xf32, #tpu.memory_space<vmem>>[vector<16xi32>, vector<16xi32>], vector<16xf32>,
          %add3A_818 = arith.constant 1 : i32
          %add3A_819 = vector.broadcast %add3A_818 : i32 to vector<16xi32>
          %add3A_820 = arith.addi %get3A_812, %add3A_819 : vector<16xi32>
          %gather3A_821 = tpu.vector_load_idx %arg17[%add3A_816, %add3A_820] : memref<4096x8xf32, #tpu.memory_space<vmem>>[vector<16xi32>, vector<16xi32>], vector<16xf32>,
          %mul3A_822 = arith.mulf %get3A_814, %gather3A_817 : vector<16xf32>
          %add3A_823 = arith.addf %add3A_806, %mul3A_822 : vector<16xf32>
          %mul3A_824 = arith.mulf %get3A_814, %gather3A_821 : vector<16xf32>
          %add3A_825 = arith.addf %add3A_808, %mul3A_824 : vector<16xf32>
          %mul3A_826 = arith.constant 2 : i32
          %mul3A_827 = arith.muli %mul3A_826, %add3A_29 : i32
          %swap3A = arith.index_cast %mul3A_827 : i32 to index
          %swap3A_828 = arith.index_cast %mul3A_686 : i32 to index
          %swap3A_829 = tpu.vector_load %arg18[%swap3A, %swap3A_828] {strides = array<i32>} : memref<32x512xf32, #tpu.memory_space<vmem>>, vector<16xf32>,
          tpu.vector_store %arg18[%swap3A, %swap3A_828], %add3A_823 {strides = array<i32>} : memref<32x512xf32, #tpu.memory_space<vmem>>, vector<16xf32>,
          %mul3A_830 = arith.constant 2 : i32
          %mul3A_831 = arith.muli %mul3A_830, %add3A_29 : i32
          %add3A_832 = arith.constant 1 : i32
          %add3A_833 = arith.addi %mul3A_831, %add3A_832 : i32
          %swap3A_834 = arith.index_cast %add3A_833 : i32 to index
          %swap3A_835 = arith.index_cast %mul3A_686 : i32 to index
          %swap3A_836 = tpu.vector_load %arg18[%swap3A_834, %swap3A_835] {strides = array<i32>} : memref<32x512xf32, #tpu.memory_space<vmem>>, vector<16xf32>,
          tpu.vector_store %arg18[%swap3A_834, %swap3A_835], %add3A_825 {strides = array<i32>} : memref<32x512xf32, #tpu.memory_space<vmem>>, vector<16xf32>,
        }
        %scan3A_679 = arith.constant 32 : i32
      }
      %scan3A_24 = arith.constant 11 : i32
      "tpu.region"() ({
        %run_scoped3A = tpu.sem_alloc : memref<!tpu.dma_semaphore, #tpu.memory_space<semaphore_mem>>
        %dma_start3A = arith.constant 0 : i32
        %dma_start3A_25 = tpu.memref_slice %arg8[%dma_start3A, %add3A_14] : memref<32x524288xf32, #tpu.memory_space<hbm>> -> memref<32x512xf32, #tpu.memory_space<hbm>>
        %dma_start3A_26 = arith.constant 0 : i32
        %dma_start3A_27 = tpu.memref_slice %arg8[%dma_start3A_26, %add3A_14] : memref<32x524288xf32, #tpu.memory_space<hbm>> -> memref<32x512xf32, #tpu.memory_space<hbm>>
        tpu.enqueue_dma source(%arg18 : memref<32x512xf32, #tpu.memory_space<vmem>>) target(%dma_start3A_27 : memref<32x512xf32, #tpu.memory_space<hbm>>) target_semaphore(%run_scoped3A : memref<!tpu.dma_semaphore, #tpu.memory_space<semaphore_mem>>)
        %dma_wait3A = arith.constant 0 : i32
        %dma_wait3A_28 = tpu.memref_slice %arg8[%dma_wait3A, %add3A_14] : memref<32x524288xf32, #tpu.memory_space<hbm>> -> memref<32x512xf32, #tpu.memory_space<hbm>>
        %dma_wait3A_29 = arith.constant 0 : i32
        %dma_wait3A_30 = tpu.memref_slice %arg8[%dma_wait3A_29, %add3A_14] : memref<32x524288xf32, #tpu.memory_space<hbm>> -> memref<32x512xf32, #tpu.memory_space<hbm>>
        tpu.wait_dma2 semaphore(%run_scoped3A : memref<!tpu.dma_semaphore, #tpu.memory_space<semaphore_mem>>) src(%arg18 : memref<32x512xf32, #tpu.memory_space<vmem>>) dst(%dma_wait3A_30 : memref<32x512xf32, #tpu.memory_space<hbm>>)
        tpu.yield
      }) : () -> ()
    }
    %scan3A_4 = arith.constant 32 : i32
    return
  }
}

module attributes {stable_mosaic.version = 14 : i64} {
  func.func @_mlp_body(%arg0: i32, %arg1: memref<32x4096xf32, #tpu.memory_space<vmem>>, %arg2: memref<32x64xf32, #tpu.memory_space<vmem>>, %arg3: memref<64x96xf32, #tpu.memory_space<vmem>>, %arg4: memref<4096x96xf32, #tpu.memory_space<vmem>>) attributes {dimension_semantics = [#tpu.dimension_semantics<arbitrary>], iteration_bounds = array<i64: 128>, scalar_prefetch = 0 : i64, scratch_operands = 0 : i64, tpu.core_type = #tpu.core_type<tc>, window_params = [{transform_indices = @transform_0, window_bounds = array<i64: 32, 4096>}, {pipeline_mode = #tpu.pipeline_mode<synchronous>, transform_indices = @transform_1, window_bounds = array<i64: 32, 64>}, {pipeline_mode = #tpu.pipeline_mode<synchronous>, transform_indices = @transform_2, window_bounds = array<i64: 64, 96>}, {transform_indices = @transform_3, window_bounds = array<i64: 4096, 96>}]} {
    %get3A = arith.constant 0 : index
    %get3A_0 = arith.constant 0 : index
    %get3A_1 = vector.load %arg1[%get3A, %get3A_0] : memref<32x4096xf32, #tpu.memory_space<vmem>>, vector<32x4096xf32>
    %get3A_2 = arith.constant 0 : index
    %get3A_3 = arith.constant 0 : index
    %get3A_4 = vector.load %arg2[%get3A_2, %get3A_3] : memref<32x64xf32, #tpu.memory_space<vmem>>, vector<32x64xf32>
    %dot_general3A = arith.constant dense<0.000000e+00> : vector<4096x64xf32>
    %dot_general3A_5 = tpu.matmul %get3A_1, %get3A_4, %dot_general3A {dimension_numbers = #tpu.dot_dimension_numbers<[0], [0], [1], [1], [0, 1, 1, 1], [], []>, transpose_lhs_hint = false} : vector<32x4096xf32>, vector<32x64xf32>, vector<4096x64xf32> -> vector<4096x64xf32>
    %max3A = arith.constant 0.000000e+00 : f32
    %max3A_6 = vector.broadcast %max3A : f32 to vector<4096x64xf32>
    %max3A_7 = arith.maximumf %dot_general3A_5, %max3A_6 : vector<4096x64xf32>
    %get3A_8 = arith.constant 0 : index
    %get3A_9 = arith.constant 0 : index
    %get3A_10 = vector.load %arg3[%get3A_8, %get3A_9] : memref<64x96xf32, #tpu.memory_space<vmem>>, vector<64x96xf32>
    %dot_general3A_11 = arith.constant dense<0.000000e+00> : vector<4096x96xf32>
    %dot_general3A_12 = tpu.matmul %max3A_7, %get3A_10, %dot_general3A_11 {dimension_numbers = #tpu.dot_dimension_numbers<[1], [0], [0], [1], [0, 0, 1, 1], [], []>, transpose_lhs_hint = false} : vector<4096x64xf32>, vector<64x96xf32>, vector<4096x96xf32> -> vector<4096x96xf32>
    %max3A_13 = arith.constant 0.000000e+00 : f32
    %max3A_14 = vector.broadcast %max3A_13 : f32 to vector<4096x96xf32>
    %max3A_15 = arith.maximumf %dot_general3A_12, %max3A_14 : vector<4096x96xf32>
    %swap3A = arith.constant 0 : index
    %swap3A_16 = arith.constant 0 : index
    %swap3A_17 = vector.load %arg4[%swap3A, %swap3A_16] : memref<4096x96xf32, #tpu.memory_space<vmem>>, vector<4096x96xf32>
    tpu.vector_store %arg4[%swap3A, %swap3A_16], %max3A_15 {strides = array<i32>} : memref<4096x96xf32, #tpu.memory_space<vmem>>, vector<4096x96xf32>,
    return
  }
  func.func @transform_0(%arg0: i32) -> (i32, i32) {
    %c0_i32 = arith.constant 0 : i32
    %c0_i32_0 = arith.constant 0 : i32
    return %c0_i32, %arg0 : i32, i32
  }
  func.func @transform_1(%arg0: i32) -> (i32, i32) {
    %c0_i32 = arith.constant 0 : i32
    %c0_i32_0 = arith.constant 0 : i32
    %c0_i32_1 = arith.constant 0 : i32
    return %c0_i32, %c0_i32_0 : i32, i32
  }
  func.func @transform_2(%arg0: i32) -> (i32, i32) {
    %c0_i32 = arith.constant 0 : i32
    %c0_i32_0 = arith.constant 0 : i32
    %c0_i32_1 = arith.constant 0 : i32
    return %c0_i32, %c0_i32_0 : i32, i32
  }
  func.func @transform_3(%arg0: i32) -> (i32, i32) {
    %c0_i32 = arith.constant 0 : i32
    %c0_i32_0 = arith.constant 0 : i32
    return %arg0, %c0_i32 : i32, i32
  }
}

</mosaic_0001>

<sc_bundles>
// kernel: kernel.4.cloned.1.call-start
scs
__scs_entry_jumppad:
0x0: {  	(pc) =	sbr.rel $0x88, $3  }
0x1: {  	(tag) =	ssettag $0x0;
	lr =	simm.s32 $0x1  }
0x2: {  	[smem:$0x3F9D] =	sst lr;
	_ =	strace $0xD0000000  }
0x3: {  	_ = 	snop  }
0x4: {  	_ = 	snop  }
0x5: {  	_ = 	snop  }
0x6: {  	_ = 	snop  }
0x7: {  	_ = 	snop  }
__scs_overlays_trampoline_lowered:
0x8: {  	[smem:$0x3FAC] =	sst s0  }
0x9: {  	[smem:$0x3FAD] =	sst s1  }
0xa: {  	[smem:$0x3FAE] =	sst s2  }
0xb: {  	[smem:$0x3FAF] =	sst s3  }
0xc: {  	[smem:$0x3FB0] =	sst s4  }
0xd: {  	[smem:$0x3FB1] =	sst s5  }
0xe: {  	[smem:$0x3FB2] =	sst s6  }
0xf: {  	[smem:$0x3FB3] =	sst s7  }
0x10: {  	[smem:$0x3FB4] =	sst s8  }
0x11: {  	[smem:$0x3FB5] =	sst s9;
	s0 =	simm.s32 @!p0 $0x0  }
0x12: {  	s1 =	sld [smem:$0x3F9B];
	s0 =	simm.s32 @p0 $0x1  }
0x13: {  	[smem:$0x3FB6] =	sst s0;
	s0 =	simm.s32 @!p1 $0x0  }
0x14: {  	s2 =	sld [smem:$0x3F9A];
	s0 =	simm.s32 @p1 $0x1  }
0x15: {  	[smem:$0x3FB7] =	sst s0;
	s0 =	simm.s32 @!p2 $0x0  }
0x16: {  	s3 =	sld [smem:$0x3FDB];
	s0 =	simm.s32 @p2 $0x1  }
0x17: {  	s4 =	simm.s32 $0x1BF5;
	[smem:$0x3FB9] =	sst s0  }
0x18: {  	s0 =	sld [smem:$0x3F9C];
	_ =	swait.ge [sflag:s4], $0x0  }
0x19: {  	s7 =	sld [smem:$0x3F9D]  }
0x1a: {  	s8 =	sadd.s32 $0xFFFFE003, lr  }
0x1b: {  	s9 =	sadd.s32 $0xFFFFFEF7, lr;
	s5 =	simm.s32 $0xFFFFFFFF;
	p2 =	slt.u32 s8, $0xFFFFF086  }
0x1c: {  	p1 =	slt.u32 s9, $0xF7A;
	s5 =	simm.s32 @!p2 $0x0  }
0x1d: {  	s5 =	simm.s32 @p1 $0x1;
	p0 =	seq.s32 s7, s2  }
0x1e: {  	s7 =	smul.u32 @!p0 $0xF7A, s2;
	p2 =	seq.s32 @!p0 s5, $0x0  }
0x1f: {  	s9 =	smul.u32 $0xF7A, s1;
	s8 =	simm.s32 @!p0 $0x1BF5;
	p2 =	por !p2, p0  }
0x20: {  	[sflag:s8] =	ssyncset.s32 @!p0 $0xFFFFF086;
	s6 =	sadd.s32 @!p0 s3, s7;
	s7 =	simm.s32 @!p0 $0x108  }
0x21: {  	s3 =	sadd.s32 s3, s9;
	s6 =	sadd.s32 @!p0 $0x88, s6;
	s7 =	simm.s32 @p2 $0x1082  }
0x22: {  	[simem:s7], [sflag:s8] =	dma.local @!p0 [hbm:s6], $0xF7A  }
0x23: {  	s9 =	sor.u32 $0xD0000000, s2;
	s6 =	simm.s32 $0x108;
	_ =	swait.ge @!p0 [sflag:s8], $0x0  }
0x24: {  	s3 =	sadd.s32 $0x88, s3;
	s6 =	simm.s32 @!p1 $0x1082;
	[sflag:s4] =	ssyncset.s32 $0xFFFFF086  }
0x25: {  	[simem:s6], [sflag:s4] =	dma.local [hbm:s3], $0xF7A  }
0x26: {  	[smem:$0x3F9D] =	sst s1;
	(tag) =	ssettag s2;
	_ =	strace s9  }
0x27: {  	s1 =	sld [smem:$0x3FAD]  }
0x28: {  	s2 =	sld [smem:$0x3FAE]  }
0x29: {  	s4 =	sld [smem:$0x3FB0]  }
0x2a: {  	p0 =	seq.s32 s5, $0x0;
	s5 =	sld [smem:$0x3FB1]  }
0x2b: {  	s6 =	sld [smem:$0x3FB2]  }
0x2c: {  	s7 =	sld [smem:$0x3FB3]  }
0x2d: {  	s3 =	simm.s32 $0x108;
	s8 =	sld [smem:$0x3FB4]  }
0x2e: {  	s3 =	simm.s32 @!p0 $0x1082;
	s9 =	sld [smem:$0x3FB5]  }
0x2f: {  	lr =	sadd.s32 s0, s3;
	s0 =	sld [smem:$0x3FAC]  }
0x30: {  	s3 =	sld [smem:$0x3FAF]  }
0x31: {  	[smem:$0x3FB8] =	sst s10  }
0x32: {  	s10 =	sld [smem:$0x3FB6];
	_ =	sdelay $0x3  }
0x33: {  	p0 =	seq.s32 s10, $0x1;
	s10 =	sld [smem:$0x3FB8];
	_ =	sdelay $0x3  }
0x34: {  	[smem:$0x3FB8] =	sst s10  }
0x35: {  	s10 =	sld [smem:$0x3FB7];
	_ =	sdelay $0x3  }
0x36: {  	p1 =	seq.s32 s10, $0x1;
	s10 =	sld [smem:$0x3FB8];
	_ =	sdelay $0x3  }
0x37: {  	[smem:$0x3FB8] =	sst s10  }
0x38: {  	s10 =	sld [smem:$0x3FB9]  }
0x39: {  	_ = 	snop;
	(pc) =	sbr.ind lr, $3  }
0x3a: {  	_ = 	snop  }
0x3b: {  	_ = 	snop  }
0x3c: {  	p2 =	seq.s32 s10, $0x1;
	s10 =	sld [smem:$0x3FB8]  }
0x3d: {  	_ =	shalt  }
0x3e: {  	_ =	shalt  }
0x3f: {  	_ =	shalt  }
0x40: {  	_ =	shalt  }
0x41: {  	_ =	shalt  }
0x42: {  	_ =	shalt  }
0x43: {  	_ =	shalt  }
0x44: {  	_ =	shalt  }
0x45: {  	_ =	shalt  }
0x46: {  	_ =	shalt  }
0x47: {  	_ =	shalt  }
0x48: {  	_ =	shalt  }
0x49: {  	_ =	shalt  }
0x4a: {  	_ =	shalt  }
0x4b: {  	_ =	shalt  }
0x4c: {  	_ =	shalt  }
0x4d: {  	_ =	shalt  }
0x4e: {  	_ =	shalt  }
0x4f: {  	_ =	shalt  }
0x50: {  	_ =	shalt  }
0x51: {  	_ =	shalt  }
0x52: {  	_ =	shalt  }
0x53: {  	_ =	shalt  }
0x54: {  	_ =	shalt  }
0x55: {  	_ =	shalt  }
0x56: {  	_ =	shalt  }
0x57: {  	_ =	shalt  }
0x58: {  	_ =	shalt  }
0x59: {  	_ =	shalt  }
0x5a: {  	_ =	shalt  }
0x5b: {  	_ =	shalt  }
0x5c: {  	_ =	shalt  }
0x5d: {  	_ =	shalt  }
0x5e: {  	_ =	shalt  }
0x5f: {  	_ =	shalt  }
0x60: {  	_ =	shalt  }
0x61: {  	_ =	shalt  }
0x62: {  	_ =	shalt  }
0x63: {  	_ =	shalt  }
0x64: {  	_ =	shalt  }
0x65: {  	_ =	shalt  }
0x66: {  	_ =	shalt  }
0x67: {  	_ =	shalt  }
0x68: {  	_ =	shalt  }
0x69: {  	_ =	shalt  }
0x6a: {  	_ =	shalt  }
0x6b: {  	_ =	shalt  }
0x6c: {  	_ =	shalt  }
0x6d: {  	_ =	shalt  }
0x6e: {  	_ =	shalt  }
0x6f: {  	_ =	shalt  }
0x70: {  	_ =	shalt  }
0x71: {  	_ =	shalt  }
0x72: {  	_ =	shalt  }
0x73: {  	_ =	shalt  }
0x74: {  	_ =	shalt  }
0x75: {  	_ =	shalt  }
0x76: {  	_ =	shalt  }
0x77: {  	_ =	shalt  }
0x78: {  	_ =	shalt  }
0x79: {  	_ =	shalt  }
0x7a: {  	_ =	shalt  }
0x7b: {  	_ =	shalt  }
0x7c: {  	_ =	shalt  }
0x7d: {  	_ =	shalt  }
0x7e: {  	_ =	shalt  }
0x7f: {  	_ =	shalt  }
0x80: {  	_ =	shalt  }
0x81: {  	_ =	shalt  }
0x82: {  	_ =	shalt  }
0x83: {  	_ =	shalt  }
0x84: {  	_ =	shalt  }
0x85: {  	_ =	shalt  }
0x86: {  	_ =	shalt  }
0x87: {  	_ =	shalt  }
.Lfunc_end0:
.L_simem_size_0:
called_computation_lowered:
.L_overlay_start_0:
0x88: {  	s2 =	sld [smem:$0x3FD9]  }
0x89: {  	s3 =	sld [smem:$0x3FFE];
	_ =	sdelay $0x1  }
0x8a: {  	s1 =	srdreg.scid  }
0x8b: {  	s0 =	sand.u32 $0x1, s1  }
0x8c: {  	s17 =	sshll.u32 s0, $0xA;
	s2 =	sadd.s32 s3, s2  }
0x8d: {  	s2 =	sadd.s32 s2, s17  }
0x8e: {  	[smem:$0x3FC4] =	sst s2  }
0x8f: {  	_ = 	snop  }
0x90: {  	s2 =	sld [smem:$0x3FD0];
	(tm) =	ssettm $0x1  }
0x91: {  	s18 =	sld [smem:$0x3FFB];
	_ =	sdelay $0x3  }
0x92: {  	_ =	strace s18  }
0x93: {  	s3 =	sld [smem:$0x3FFC];
	_ =	sdelay $0x3  }
0x94: {  	_ =	strace s3  }
0x95: {  	s3 =	sld [smem:$0x3FFD];
	_ =	sdelay $0x3  }
0x96: {  	_ =	strace s3  }
0x97: {  	_ =	strace $0x8FFFFFFF  }
0x98: {  	s19 =	sld [smem:$0x3FDB];
	_ =	sdelay $0x1  }
0x99: {  	s4 =	simm.s32 $_scs_section_size  }
0x9a: {  	s5 =	simm.s32 $_size__tile_overlayer_lowered;
	s6 =	simm.s32 $_tile_overlayer_lowered  }
0x9b: {  	s22 =	simm.s32 $0x1BFF;
	s21 =	sshll.u32 s6, $0x1;
	s3 =	sadd.s32 s4, s19  }
0x9c: {  	s7 =	simm.s32 $0x0;
	s20 =	sshll.u32 s5, $0x1;
	s5 =	sadd.s32 s21, s3  }
0x9d: {  	[timem:s7], [sflag:s22] =	dma.local [hbm:s5], s20  }
0x9e: {  	_ =	swait.ge [sflag:s22], s20  }
0x9f: {  	s4 =	ssub.s32 $0x0, s20;
	[sflag:s22] =	ssyncset.done $0x0  }
0xa0: {  	[sflag:s22] =	ssyncadd.s32 s4;
	_ =	sdelay $0x1  }
0xa1: {  	s23 =	simm.s32 $0x1B8B  }
0xa2: {  	_ =	swait.ge [sflag:s23], $0x1  }
0xa3: {  	[sflag:s23] =	ssyncset.done $0x0  }
0xa4: {  	s25 =	simm.s32 $0x1B8E;
	s24 =	sld [smem:$0x3FFE];
	[sflag:s23] =	ssyncadd.s32 $0xFFFFFFFF  }
0xa5: {  	s26 =	simm.s32 $execute0_lowered;
	[smem:$0x3FD2] =	sst s25  }
0xa6: {  	s5 =	sshll.u32 s26, $0x1;
	_ =	strace $0x80000046;
	[dreg:$0x1] =	wrdreg $0xFFFFFFFF  }
0xa7: {  	s28 =	simm.s32 $_size_execute0_lowered;
	s3 =	sadd.s32 s3, s5;
	[dreg:$0x0] =	wrdreg $0x0  }
0xa8: {  	s5 =	sshll.u32 s28, $0x1;
	[dreg:$0x2] =	wrdreg s3  }
0xa9: {  	[dreg:$0x3] =	wrdreg s5  }
0xaa: {  	[dreg:$0x4] =	wrdreg $0xC0  }
0xab: {  	_ =	task [dreg:s7], $0x5FFFF  }
0xac: {  	[dreg:$0x1] =	wrdreg $0xFFFFFFFF  }
0xad: {  	[dreg:$0x0] =	wrdreg $0x60  }
0xae: {  	[dreg:$0x2] =	wrdreg s24  }
0xaf: {  	[dreg:$0x3] =	wrdreg s2  }
0xb0: {  	[dreg:$0x4] =	wrdreg $0x9  }
0xb1: {  	_ =	task.clear_ibuf [dreg:s7], $0x5FFFF;
	_ =	strace $0x90000046  }
0xb2: {  	s29 =	simm.s32 $0x9;
	_ =	strace $0x80000048  }
0xb3: {  	_ =	swait.ge [sflag:s29], $0x1  }
0xb4: {  	[sflag:s29] =	ssyncadd.s32 $0xFFFFFFFF  }
0xb5: {  	_ =	strace $0x90000048  }
0xb6: {  	_ =	sfence  }
0xb7: {  	s30 =	sld [smem:$0x0];
	_ =	sdelay $0x2  }
0xb8: {  	s31 =	sshll.u32 s1, $0xD;
	s1 =	sshrl.u32 s1, $0x2  }
0xb9: {  	s3 =	sand.u32 $0x4000, s31;
	s1 =	sadd.s32 s1, s30  }
0xba: {  	s0 =	sor.u32 s3, s0;
	s1 =	sshll.u32 s1, $0x11  }
0xbb: {  	s0 =	sor.u32 s1, s0  }
0xbc: {  	s0 =	sadd.s32 $0x8F2B, s0  }
0xbd: {  	[sflag:s0] =	ssyncadd.remote.s32 $0x1  }
0xbe: {  	_ =	sfence.sel $0xFFFF  }
0xbf: {  	[dreg:$0x0] =	wrdreg $0xFFFFFFFF;
	(pc) =	sbr.abs _section_cstart, $3  }
0xc0: {  	[dreg:$0x1] =	wrdreg $0xFFFFFFFF  }
0xc1: {  	_ =	task.clear_ibuf [dreg:s7], $0x2FFFF;
	_ =	strace $0x9FFFFFFF  }
0xc2: {  	(tm) =	ssettm $0x7FFFFFFF  }
0xc3: {  	_ =	shalt  }
tec
execute0_lowered:
.L_overlay_start_1:
0x0: {  	(tag) =	ssettag $0x1  }
0x1: {  	s0 =	rddreg [dreg:$0x0]  }
0x2: {  	s1 =	rddreg [dreg:$0x1]  }
0x3: {  	s2 =	simm.s32 $0x0;
	s20 =	srdreg.scid;
	s5 =	stileid.u32  }
0x4: {  	s6 =	simm.s32 $0x80000;
	s19 =	simm.s32 $0x80;
	s10 =	simm.s32 $0x12C0  }
0x5: {  	s16 =	simm.s32 $0x9A40;
	s17 =	simm.s32 $0x1340;
	s12 =	simm.s32 $0x9E40  }
0x6: {  	s13 =	simm.s32 $0x13C0;
	s14 =	simm.s32 $0xA240;
	s15 =	simm.s32 $0x1440  }
0x7: {  	s28 =	simm.s32 $0xB240;
	s29 =	simm.s32 $0x1;
	[smem:$0x7FF] =	sst s2  }
0x8: {  	s3 =	sadd.s32 $0x1200, s0;
	s21 =	sadd.s32 $0x31600, s0;
	s2 =	sand.u32 $0x1, s20  }
0x9: {  	s22 =	sadd.s32 $0x31400, s0;
	_ =	strace $0x80000047;
	[dreg:$0x3] =	wrdreg s3  }
0xa: {  	s23 =	sadd.s32 $0x31200, s0;
	s4 =	sadd.s32 $0x1000, s0;
	[dreg:$0x4] =	wrdreg s21  }
0xb: {  	s26 =	sshll.u32 s5, $0xC;
	s0 =	sadd.s32 $0x31800, s0;
	[dreg:$0x5] =	wrdreg s22  }
0xc: {  	s5 =	simm.s32 $0x200;
	s20 =	simm.s32 $0xA640;
	[dreg:$0x6] =	wrdreg s23  }
0xd: {  	s24 =	ssub.s32 $0x2, s2;
	[dreg:$0x7] =	wrdreg s4;
	s2 =	sshll.u32 s2, $0xB  }
0xe: {  	[dreg:$0x8] =	wrdreg s0;
	s21 =	simm.s32 $0x3640;
	s22 =	simm.s32 $0x14C0  }
0xf: {  	s23 =	simm.s32 $0xAA40;
	s25 =	sshrl.u32 s24, $0x1;
	s30 =	sor.u32 s2, s26  }
0x10: {  	s26 =	simm.s32 $0x15C0;
	s2 =	simm.s32 $0x0;
	s3 =	ssub.s32 s24, s25  }
0x11: {  	v0 =	vlaneseq.u32;
	[dreg:$0x9] =	wrdreg s30;
	s24 =	simm.s32 $0x1540;
	s31 =	smax.u32 s3, $0x1  }
0x12: {  	v0 =	vmul.u32 $0x8, v0;
	s25 =	simm.s32 $0xAE40;
	s3 =	simm.s32 $0x2;
	[dreg:$0xa] =	wrdreg s31  }
.LBB2_1:
0x13: {  	[dreg:$0xb] =	wrdreg s2  }
0x14: {  	s0 =	simm.s32 $0x0;
	s8 =	rddreg [dreg:$0x4]  }
0x15: {  	[tilespmem:s0], [sflag:$0x2] =	stream.linear.gather [hbm4b:s8+s0], $0x10, $0x38;
	[tilespmem:$0xF640] =	vst v63  }
0x16: {  	_ =	swait.ge [sflag:s3], $0x10  }
0x17: {  	[sflag:s3] =	ssyncset.done $0x0  }
0x18: {  	s4 =	simm.s32 $0x10;
	s9 =	rddreg [dreg:$0x5];
	[sflag:s3] =	ssyncadd.s32 $0xFFFFFFF0  }
0x19: {  	[tilespmem:s4], [sflag:$0x2] =	stream.linear.gather [hbm4b:s9+s0], $0x10, $0x38;
	[tilespmem:$0xF640] =	vst v63  }
0x1a: {  	_ =	swait.ge [sflag:s3], $0x10  }
0x1b: {  	[sflag:s3] =	ssyncset.done $0x0  }
0x1c: {  	s18 =	simm.s32 $0x20;
	s11 =	rddreg [dreg:$0x6];
	[sflag:s3] =	ssyncadd.s32 $0xFFFFFFF0  }
0x1d: {  	[tilespmem:s18], [sflag:$0x2] =	stream.linear.gather [hbm4b:s11+s0], $0x10, $0x38;
	[tilespmem:$0xF640] =	vst v63  }
0x1e: {  	_ =	swait.ge [sflag:s3], $0x10  }
0x1f: {  	[sflag:s3] =	ssyncset.done $0x0  }
0x20: {  	s31 =	simm.s32 $0x30;
	s30 =	rddreg [dreg:$0x7];
	[sflag:s3] =	ssyncadd.s32 $0xFFFFFFF0  }
0x21: {  	[tilespmem:s31], [sflag:$0x2] =	stream.linear.gather [hbm4b:s30+s0], $0x10, $0x38;
	[tilespmem:$0xF640] =	vst v63  }
0x22: {  	_ =	swait.ge [sflag:s3], $0x10  }
0x23: {  	[sflag:s3] =	ssyncset.done $0x0  }
0x24: {  	s0 =	simm.s32 $0x0;
	[sflag:s3] =	ssyncadd.s32 $0xFFFFFFF0  }
.LBB2_2:
0x25: {  	[dreg:$0xc] =	wrdreg s0  }
0x26: {  	s11 =	sshll.u32 s0, $0x6;
	s2 =	rddreg [dreg:$0x9]  }
0x27: {  	s18 =	rddreg [dreg:$0x3];
	s2 =	sadd.s32 s2, s11  }
0x28: {  	s31 =	simm.s32 $0x40;
	[dreg:$0xd] =	wrdreg s2;
	s0 =	sadd.s32 s18, s2  }
0x29: {  	[tilespmem:s31], [sflag:$0x2] =	stream.strided.gather [hbm4b:s0+s5], $0x600, s6, s5, $0x38;
	[tilespmem:$0xF640] =	vst v63  }
0x2a: {  	_ =	swait.ge [sflag:s3], $0x600  }
0x2b: {  	s30 =	simm.s32 $0x0;
	[sflag:s3] =	ssyncset.done $0x0  }
0x2c: {  	s11 =	simm.s32 $0xB840;
	s0 =	simm.s32 $0x0;
	[sflag:s3] =	ssyncadd.s32 $0xFFFFFA00  }
.LBB2_3:
0x2d: {  	v1 =	vmov s0;
	_ =	sdelay $0x3  }
0x2e: {  	s2 =	simm.s32 $0x10  }
0x2f: {  	s5 =	simm.s32 $0xE00;
	v4 =	vld.idx.msk [tilespmem:v1+s2+$0x0], $0xffff  }
0x30: {  	v7 =	vld [tilespmem:s5+$0xFFFFF240]  }
0x31: {  	v6 =	vld [tilespmem:s5+$0xFFFFF440]  }
0x32: {  	s18 =	simm.s32 $0x20;
	v5 =	vld.idx.msk [tilespmem:v1+s30+$0x0], $0xffff  }
0x33: {  	s31 =	simm.s32 $0x30;
	s4 =	simm.s32 $0x3800;
	v2 =	vld.idx.msk [tilespmem:v1+s18+$0x0], $0xffff  }
0x34: {  	s7 =	simm.s32 $0x0;
	s6 =	simm.s32 $0x0;
	v1 =	vld.idx.msk [tilespmem:v1+s31+$0x0], $0xffff;
	s2 =	simm.s32 $0x3840;
	v3 =	vadd.s32 $0xFFFFFFFF, v4  }
.LBB2_4:
0x35: {  	_ = 	snop  }
0x36: {  	p0 =	sne.s32 s2, $0x3FC0  }
0x37: {  	s7 =	sadd.s32 $0x10, s7;
	s8 =	smov.u32 s2;
	s2 =	sadd.s32 $0x40, s2  }
0x38: {  	v8 =	vld [tilespmem:s5+$0xFFFFF640];
	v7 =	vmul.f32 $5.000000000e-01, v7;
	_ =	sdelay $0x1  }
0x39: {  	v7 =	vadd.f32 $5.000000000e-01, v7;
	_ =	sdelay $0x1  }
0x3a: {  	v6 =	vmul.f32 $5.000000000e-01, v6;
	v7 =	vmax.f32 v7, $0.0e+00  }
0x3b: {  	v8 =	vmul.f32 $5.000000000e-01, v8;
	v7 =	vmin.f32 v7, $1.000000000e+00  }
0x3c: {  	v6 =	vadd.f32 $5.000000000e-01, v6;
	v7 =	vmul.f32 v7, v5  }
0x3d: {  	v8 =	vadd.f32 $5.000000000e-01, v8  }
0x3e: {  	v6 =	vmax.f32 v6, $0.0e+00;
	v7 =	vadd.f32 $5.000000000e-01, v7  }
0x3f: {  	v6 =	vmin.f32 v6, $1.000000000e+00;
	v8 =	vmax.f32 v8, $0.0e+00  }
0x40: {  	s31 =	sshra.s32 s8, $0x2;
	v6 =	vmul.f32 v6, v5;
	v8 =	vmin.f32 v8, $1.000000000e+00;
	v9 =	vtrunc.f32 v7  }
0x41: {  	v8 =	vmul.f32 v8, v5;
	v9 =	vcvt.f32.s32 v9  }
0x42: {  	v6 =	vadd.f32 $5.000000000e-01, v6  }
0x43: {  	v8 =	vadd.f32 $5.000000000e-01, v8;
	v10 =	vcvt.s32.f32 v9;
	v11 =	vadd.s32 $0x1, v9  }
0x44: {  	v12 =	vtrunc.f32 v6;
	vm0 =	vlt.s32 v9, v3;
	vm1 =	vlt.s32 v11, v3  }
0x45: {  	v7 =	vsub.f32 v7, v10;
	v10 =	vcvt.f32.s32 v12;
	v12 =	vtrunc.f32 v8  }
0x46: {  	v9 =	vsel vm0, v9, v3;
	v11 =	vsel vm1, v11, v3;
	v12 =	vcvt.f32.s32 v12  }
0x47: {  	v13 =	vcvt.s32.f32 v10;
	vm0 =	vlt.s32 v10, v3;
	v14 =	vadd.s32 $0x1, v10  }
0x48: {  	v15 =	vcvt.s32.f32 v12;
	v10 =	vsel vm0, v10, v3;
	vm0 =	vlt.s32 v12, v3  }
0x49: {  	v6 =	vsub.f32 v6, v13;
	v10 =	vmul.u32 v4, v10;
	v13 =	vsel vm0, v12, v3  }
0x4a: {  	v16 =	vsub.f32 $1.000000000e+00, v7;
	v8 =	vsub.f32 v8, v15;
	v13 =	vmul.u32 v2, v13  }
0x4b: {  	v15 =	vsub.f32 $1.000000000e+00, v6;
	v17 =	vadd.s32 v9, v10;
	v10 =	vadd.s32 v11, v10  }
0x4c: {  	s18 =	sadd.s32 $0xFFFFC800, s4;
	vm0 =	vlt.s32 v14, v3;
	v18 =	vadd.s32 v13, v17;
	v19 =	vadd.s32 v13, v10  }
0x4d: {  	s3 =	sand.u32 $0x600, s18;
	v20 =	vsub.f32 $1.000000000e+00, v8;
	v21 =	vmul.f32 v15, v16;
	v22 =	vshrl.u32 v18, $0x2  }
0x4e: {  	s18 =	sand.u32 $0x70, s6;
	s6 =	smov.u32 s7;
	s3 =	sshrl.u32 s3, $0x2;
	v15 =	vmul.f32 v15, v7;
	v23 =	vshrl.u32 v19, $0x2;
	v22 =	vadd.s32 v1, v22  }
0x4f: {  	s9 =	sadd.s32 $0xFFFFD000, s4;
	s3 =	sor.u32 s18, s3;
	v14 =	vsel vm0, v14, v3;
	v19 =	vshll.u32 v19, $0x1;
	v24 =	vmul.f32 v20, v21  }
0x50: {  	v14 =	vmul.u32 v4, v14;
	v16 =	vmul.f32 v6, v16;
	v18 =	vshll.u32 v18, $0x1;
	[tilespmem:s3+$0x640] =	vst v22;
	s3 =	sand.u32 $0xE00, s9  }
0x51: {  	v6 =	vmul.f32 v6, v7;
	v7 =	vadd.s32 $0x1, v12;
	v12 =	vand.u32 $0x6, v18;
	[tilespmem:s5+$0x1840] =	vst v24;
	s3 =	sshrl.u32 s3, $0x2  }
0x52: {  	v9 =	vadd.s32 v9, v14;
	v11 =	vadd.s32 v11, v14;
	[tilespmem:s5+$0x840] =	vst v12;
	v12 =	vadd.s32 v1, v23;
	s3 =	sor.u32 s18, s3  }
0x53: {  	v18 =	vadd.s32 v13, v11;
	v14 =	vmul.f32 v20, v15;
	[tilespmem:s3+$0x640] =	vst v12;
	v12 =	vand.u32 $0x6, v19;
	s3 =	sadd.s32 $0xFFFFD800, s4  }
0x54: {  	vm0 =	vlt.s32 v7, v3;
	[tilespmem:s5+$0xA40] =	vst v12;
	v12 =	vadd.s32 v13, v9;
	s3 =	sand.u32 $0x1600, s3;
	v13 =	vmul.f32 v21, v8  }
0x55: {  	v19 =	vshrl.u32 v18, $0x2;
	v18 =	vshll.u32 v18, $0x1;
	[tilespmem:s5+$0x1A40] =	vst v14;
	v14 =	vshrl.u32 v12, $0x2;
	s3 =	sshrl.u32 s3, $0x2  }
0x56: {  	s9 =	sadd.s32 $0xFFFFE000, s4;
	v21 =	vmul.f32 v20, v16;
	v12 =	vshll.u32 v12, $0x1;
	v14 =	vadd.s32 v1, v14;
	s3 =	sor.u32 s18, s3  }
0x57: {  	v7 =	vsel vm0, v7, v3;
	v12 =	vand.u32 $0x6, v12;
	[tilespmem:s3+$0x640] =	vst v14;
	s3 =	sand.u32 $0x1E00, s9;
	v14 =	vmul.f32 v15, v8  }
0x58: {  	v7 =	vmul.u32 v2, v7;
	v15 =	vmul.f32 v8, v16;
	[tilespmem:s5+$0xC40] =	vst v12;
	v12 =	vadd.s32 v1, v19;
	s3 =	sshrl.u32 s3, $0x2  }
0x59: {  	v18 =	vand.u32 $0x6, v18;
	v16 =	vmul.f32 v20, v6;
	s9 =	sadd.s32 $0xFFFFE800, s4;
	v8 =	vmul.f32 v8, v6;
	[tilespmem:s5+$0x1C40] =	vst v21;
	s3 =	sor.u32 s18, s3  }
0x5a: {  	v10 =	vadd.s32 v10, v7;
	v9 =	vadd.s32 v7, v9;
	v6 =	vadd.s32 v17, v7;
	[tilespmem:s3+$0x640] =	vst v12;
	s3 =	sand.u32 $0x2600, s9  }
0x5b: {  	v12 =	vshrl.u32 v6, $0x2;
	v6 =	vshll.u32 v6, $0x1;
	[tilespmem:s5+$0x1E40] =	vst v16;
	s3 =	sshrl.u32 s3, $0x2;
	v16 =	vshrl.u32 v10, $0x2  }
0x5c: {  	v17 =	vshrl.u32 v9, $0x2;
	s9 =	sadd.s32 $0xFFFFF000, s4;
	v12 =	vadd.s32 v1, v12;
	v10 =	vshll.u32 v10, $0x1;
	[tilespmem:s5+$0xE40] =	vst v18;
	s3 =	sor.u32 s18, s3  }
0x5d: {  	v9 =	vshll.u32 v9, $0x1;
	v7 =	vadd.s32 v7, v11;
	v6 =	vand.u32 $0x6, v6;
	[tilespmem:s3+$0x640] =	vst v12;
	s3 =	sand.u32 $0x2E00, s9  }
0x5e: {  	[tilespmem:s5+$0x1040] =	vst v6;
	s3 =	sshrl.u32 s3, $0x2;
	v6 =	vshrl.u32 v7, $0x2;
	v7 =	vshll.u32 v7, $0x1  }
0x5f: {  	v11 =	vadd.s32 v1, v16;
	s9 =	sadd.s32 $0xFFFFF800, s4;
	[tilespmem:s5+$0x2040] =	vst v13;
	s3 =	sor.u32 s18, s3  }
0x60: {  	v10 =	vand.u32 $0x6, v10;
	[tilespmem:s3+$0x640] =	vst v11;
	s3 =	sand.u32 $0x3600, s9  }
0x61: {  	[tilespmem:s5+$0x1240] =	vst v10;
	s3 =	sshrl.u32 s3, $0x2  }
0x62: {  	s9 =	sand.u32 $0x3E00, s4;
	s4 =	smov.u32 s8;
	v10 =	vadd.s32 v1, v17;
	[tilespmem:s5+$0x2240] =	vst v14;
	s3 =	sor.u32 s18, s3  }
0x63: {  	v9 =	vand.u32 $0x6, v9;
	[tilespmem:s3+$0x640] =	vst v10;
	s3 =	sshrl.u32 s9, $0x2  }
.Ltmp0:
0x64: {  	v6 =	vadd.s32 v1, v6;
	[tilespmem:s5+$0x1440] =	vst v9;
	s3 =	sor.u32 s18, s3;
	(pc) =	sbr.rel @p0 .LBB2_4-.Ltmp0, $4  }
0x65: {  	[tilespmem:s5+$0x2440] =	vst v15  }
0x66: {  	[tilespmem:s3+$0x640] =	vst v6;
	v6 =	vand.u32 $0x6, v7  }
0x67: {  	v7 =	vld [tilespmem:s31+$0xFFFFF240];
	[tilespmem:s5+$0x1640] =	vst v6  }
0x68: {  	v6 =	vld [tilespmem:s31+$0xFFFFF440];
	[tilespmem:s5+$0x2640] =	vst v8;
	s5 =	smov.u32 s31  }
0x69: {  	_ =	sdelay $0x1  }
0x6a: {  	v8 =	vld [tilespmem:s5+$0xFFFFF640]  }
0x6b: {  	v7 =	vmul.f32 $5.000000000e-01, v7  }
0x6c: {  	v6 =	vmul.f32 $5.000000000e-01, v6  }
0x6d: {  	v7 =	vadd.f32 $5.000000000e-01, v7  }
0x6e: {  	v6 =	vadd.f32 $5.000000000e-01, v6  }
0x6f: {  	v8 =	vmul.f32 $5.000000000e-01, v8;
	v7 =	vmax.f32 v7, $0.0e+00  }
0x70: {  	v7 =	vmin.f32 v7, $1.000000000e+00;
	v6 =	vmax.f32 v6, $0.0e+00  }
0x71: {  	v8 =	vadd.f32 $5.000000000e-01, v8;
	v7 =	vmul.f32 v7, v5;
	v6 =	vmin.f32 v6, $1.000000000e+00  }
0x72: {  	v6 =	vmul.f32 v6, v5  }
0x73: {  	v8 =	vmax.f32 v8, $0.0e+00;
	v7 =	vadd.f32 $5.000000000e-01, v7  }
0x74: {  	v8 =	vmin.f32 v8, $1.000000000e+00;
	v6 =	vadd.f32 $5.000000000e-01, v6  }
0x75: {  	v5 =	vmul.f32 v8, v5;
	v9 =	vtrunc.f32 v7  }
0x76: {  	v9 =	vcvt.f32.s32 v9;
	v11 =	vtrunc.f32 v6  }
0x77: {  	v5 =	vadd.f32 $5.000000000e-01, v5;
	v11 =	vcvt.f32.s32 v11  }
0x78: {  	v8 =	vcvt.s32.f32 v9;
	v10 =	vadd.s32 $0x1, v9;
	vm0 =	vlt.s32 v9, v3  }
0x79: {  	v12 =	vtrunc.f32 v5;
	vm1 =	vlt.s32 v10, v3;
	v9 =	vsel vm0, v9, v3  }
0x7a: {  	vm12 =	vlt.s32 v11, v3;
	v7 =	vsub.f32 v7, v8;
	v8 =	vcvt.f32.s32 v12  }
0x7b: {  	v12 =	vcvt.s32.f32 v11;
	v14 =	vsel vm12, v11, v3;
	v11 =	vadd.s32 $0x1, v11  }
0x7c: {  	v10 =	vsel vm1, v10, v3;
	vm14 =	vlt.s32 v11, v3;
	v13 =	vcvt.s32.f32 v8  }
0x7d: {  	vm13 =	vlt.s32 v8, v3;
	v6 =	vsub.f32 v6, v12;
	v12 =	vmul.u32 v4, v14  }
0x7e: {  	v15 =	vsub.f32 $1.000000000e+00, v7;
	v11 =	vsel vm14, v11, v3;
	v14 =	vsel vm13, v8, v3  }
0x7f: {  	v14 =	vmul.u32 v2, v14;
	v5 =	vsub.f32 v5, v13;
	v13 =	vsub.f32 $1.000000000e+00, v6  }
0x80: {  	s2 =	sadd.s32 $0xFFFFC800, s4;
	v4 =	vmul.u32 v4, v11;
	v8 =	vadd.s32 $0x1, v8;
	v16 =	vadd.s32 v9, v12  }
0x81: {  	s3 =	sand.u32 $0x600, s2;
	v17 =	vadd.s32 v14, v16;
	v18 =	vsub.f32 $1.000000000e+00, v5;
	v19 =	vmul.f32 v13, v15  }
0x82: {  	s2 =	sand.u32 $0x70, s6;
	s3 =	sshrl.u32 s3, $0x2;
	v12 =	vadd.s32 v10, v12;
	v9 =	vadd.s32 v9, v4;
	v20 =	vshrl.u32 v17, $0x2  }
0x83: {  	s8 =	sadd.s32 $0xFFFFD000, s4;
	s3 =	sor.u32 s2, s3;
	v21 =	vadd.s32 v14, v12;
	v20 =	vadd.s32 v1, v20;
	v23 =	vmul.f32 v18, v19  }
0x84: {  	s9 =	sand.u32 $0xE00, s8;
	v13 =	vmul.f32 v13, v7;
	v15 =	vmul.f32 v6, v15;
	v11 =	vshll.u32 v17, $0x1;
	[tilespmem:s3+$0x640] =	vst v20  }
0x85: {  	v6 =	vmul.f32 v6, v7;
	v22 =	vshrl.u32 v21, $0x2;
	v7 =	vand.u32 $0x6, v11;
	s3 =	sshrl.u32 s9, $0x2;
	[tilespmem:s5+$0x1840] =	vst v23  }
0x86: {  	s18 =	sadd.s32 $0xFFFFD800, s4;
	v4 =	vadd.s32 v10, v4;
	v21 =	vshll.u32 v21, $0x1;
	[tilespmem:s5+$0x840] =	vst v7;
	v7 =	vadd.s32 v1, v22;
	s3 =	sor.u32 s2, s3  }
0x87: {  	s7 =	sand.u32 $0x1600, s18;
	v10 =	vmul.f32 v18, v13;
	v11 =	vadd.s32 v14, v9;
	[tilespmem:s3+$0x640] =	vst v7;
	v7 =	vand.u32 $0x6, v21  }
0x88: {  	vm15 =	vlt.s32 v8, v3;
	s3 =	sshrl.u32 s7, $0x2;
	[tilespmem:s5+$0xA40] =	vst v7;
	v7 =	vshrl.u32 v11, $0x2  }
0x89: {  	s8 =	sadd.s32 $0xFFFFE000, s4;
	v3 =	vsel vm15, v8, v3;
	[tilespmem:s5+$0x1A40] =	vst v10;
	s3 =	sor.u32 s2, s3;
	v10 =	vshll.u32 v11, $0x1;
	v7 =	vadd.s32 v1, v7  }
0x8a: {  	v14 =	vadd.s32 v14, v4;
	s9 =	sand.u32 $0x1E00, s8;
	v11 =	vmul.f32 v18, v15;
	[tilespmem:s3+$0x640] =	vst v7;
	v7 =	vand.u32 $0x6, v10  }
0x8b: {  	v2 =	vmul.u32 v2, v3;
	v8 =	vshrl.u32 v14, $0x2;
	s3 =	sshrl.u32 s9, $0x2;
	[tilespmem:s5+$0xC40] =	vst v7  }
0x8c: {  	s18 =	sadd.s32 $0xFFFFE800, s4;
	v3 =	vadd.s32 v1, v8;
	[tilespmem:s5+$0x1C40] =	vst v11;
	v7 =	vmul.f32 v18, v6;
	s3 =	sor.u32 s2, s3  }
0x8d: {  	s6 =	sand.u32 $0x2600, s18;
	v8 =	vshll.u32 v14, $0x1;
	[tilespmem:s3+$0x640] =	vst v3;
	v3 =	vadd.s32 v16, v2  }
0x8e: {  	v8 =	vand.u32 $0x6, v8;
	s3 =	sshrl.u32 s6, $0x2;
	[tilespmem:s5+$0x1E40] =	vst v7;
	v7 =	vshrl.u32 v3, $0x2  }
0x8f: {  	s7 =	sadd.s32 $0xFFFFF000, s4;
	v3 =	vshll.u32 v3, $0x1;
	[tilespmem:s5+$0xE40] =	vst v8;
	s3 =	sor.u32 s2, s3;
	v7 =	vadd.s32 v1, v7  }
0x90: {  	s8 =	sand.u32 $0x2E00, s7;
	v10 =	vadd.s32 v12, v2;
	v8 =	vmul.f32 v19, v5;
	v3 =	vand.u32 $0x6, v3;
	[tilespmem:s3+$0x640] =	vst v7  }
0x91: {  	v7 =	vshrl.u32 v10, $0x2;
	s3 =	sshrl.u32 s8, $0x2;
	[tilespmem:s5+$0x1040] =	vst v3  }
0x92: {  	s9 =	sadd.s32 $0xFFFFF800, s4;
	v3 =	vshll.u32 v10, $0x1;
	[tilespmem:s5+$0x2040] =	vst v8;
	v7 =	vadd.s32 v1, v7;
	s3 =	sor.u32 s2, s3  }
0x93: {  	v9 =	vadd.s32 v2, v9;
	s18 =	sand.u32 $0x3600, s9;
	v8 =	vmul.f32 v13, v5;
	[tilespmem:s3+$0x640] =	vst v7;
	v3 =	vand.u32 $0x6, v3  }
0x94: {  	v7 =	vshrl.u32 v9, $0x2;
	s3 =	sshrl.u32 s18, $0x2;
	[tilespmem:s5+$0x1240] =	vst v3  }
0x95: {  	v3 =	vshll.u32 v9, $0x1;
	[tilespmem:s5+$0x2240] =	vst v8;
	v7 =	vadd.s32 v1, v7;
	s3 =	sor.u32 s2, s3  }
0x96: {  	v2 =	vadd.s32 v2, v4;
	s6 =	sand.u32 $0x3E00, s4;
	v8 =	vmul.f32 v5, v15;
	[tilespmem:s3+$0x640] =	vst v7;
	v3 =	vand.u32 $0x6, v3  }
0x97: {  	v4 =	vshrl.u32 v2, $0x2;
	s7 =	sshrl.u32 s6, $0x2;
	[tilespmem:s5+$0x1440] =	vst v3  }
0x98: {  	v2 =	vshll.u32 v2, $0x1;
	v1 =	vadd.s32 v1, v4;
	s2 =	sor.u32 s2, s7;
	[tilespmem:s5+$0x2440] =	vst v8  }
0x99: {  	v3 =	vmul.f32 v5, v6;
	[tilespmem:s2+$0x640] =	vst v1;
	v1 =	vand.u32 $0x6, v2  }
0x9a: {  	[tilespmem:s5+$0x1640] =	vst v1  }
0x9b: {  	s8 =	simm.s32 $0x640;
	[tilespmem:s5+$0x2640] =	vst v3  }
0x9c: {  	[tilespmem:s21], [sflag:$0x1] =	stream.indirect.gather [hbm4b:s1+s19], $0x8, s8, s19, $0xb8;
	[tilespmem:$0xF640] =	vst v63  }
0x9d: {  	s9 =	simm.s32 $0x6C0;
	s18 =	simm.s32 $0x3A40  }
0x9e: {  	[tilespmem:s18], [sflag:$0x1] =	stream.indirect.gather [hbm4b:s1+s19], $0x8, s9, s19, $0xb8;
	[tilespmem:$0xF640] =	vst v63  }
0x9f: {  	s4 =	simm.s32 $0x3E40;
	s3 =	simm.s32 $0x740  }
0xa0: {  	[tilespmem:s4], [sflag:$0x1] =	stream.indirect.gather [hbm4b:s1+s19], $0x8, s3, s19, $0xb8;
	[tilespmem:$0xF640] =	vst v63  }
0xa1: {  	s6 =	simm.s32 $0x4240;
	s5 =	simm.s32 $0x7C0  }
0xa2: {  	[tilespmem:s6], [sflag:$0x1] =	stream.indirect.gather [hbm4b:s1+s19], $0x8, s5, s19, $0xb8;
	[tilespmem:$0xF640] =	vst v63  }
0xa3: {  	s7 =	simm.s32 $0x840;
	s8 =	simm.s32 $0x4640  }
0xa4: {  	[tilespmem:s8], [sflag:$0x1] =	stream.indirect.gather [hbm4b:s1+s19], $0x8, s7, s19, $0xb8;
	[tilespmem:$0xF640] =	vst v63  }
0xa5: {  	s9 =	simm.s32 $0x8C0;
	s18 =	simm.s32 $0x4A40  }
0xa6: {  	[tilespmem:s18], [sflag:$0x1] =	stream.indirect.gather [hbm4b:s1+s19], $0x8, s9, s19, $0xb8;
	[tilespmem:$0xF640] =	vst v63  }
0xa7: {  	s3 =	simm.s32 $0x940;
	s4 =	simm.s32 $0x4E40  }
0xa8: {  	[tilespmem:s4], [sflag:$0x1] =	stream.indirect.gather [hbm4b:s1+s19], $0x8, s3, s19, $0xb8;
	[tilespmem:$0xF640] =	vst v63  }
0xa9: {  	s5 =	simm.s32 $0x9C0;
	s6 =	simm.s32 $0x5240  }
0xaa: {  	[tilespmem:s6], [sflag:$0x1] =	stream.indirect.gather [hbm4b:s1+s19], $0x8, s5, s19, $0xb8;
	[tilespmem:$0xF640] =	vst v63  }
0xab: {  	s7 =	simm.s32 $0xA40;
	s8 =	simm.s32 $0x5640  }
0xac: {  	[tilespmem:s8], [sflag:$0x1] =	stream.indirect.gather [hbm4b:s1+s19], $0x8, s7, s19, $0xb8;
	[tilespmem:$0xF640] =	vst v63  }
0xad: {  	s9 =	simm.s32 $0xAC0;
	s18 =	simm.s32 $0x5A40  }
0xae: {  	[tilespmem:s18], [sflag:$0x1] =	stream.indirect.gather [hbm4b:s1+s19], $0x8, s9, s19, $0xb8;
	[tilespmem:$0xF640] =	vst v63  }
0xaf: {  	s3 =	simm.s32 $0xB40;
	s4 =	simm.s32 $0x5E40  }
0xb0: {  	[tilespmem:s4], [sflag:$0x1] =	stream.indirect.gather [hbm4b:s1+s19], $0x8, s3, s19, $0xb8;
	[tilespmem:$0xF640] =	vst v63  }
0xb1: {  	s5 =	simm.s32 $0xBC0;
	s6 =	simm.s32 $0x6240  }
0xb2: {  	[tilespmem:s6], [sflag:$0x1] =	stream.indirect.gather [hbm4b:s1+s19], $0x8, s5, s19, $0xb8;
	[tilespmem:$0xF640] =	vst v63  }
0xb3: {  	s7 =	simm.s32 $0xC40;
	s8 =	simm.s32 $0x6640  }
0xb4: {  	[tilespmem:s8], [sflag:$0x1] =	stream.indirect.gather [hbm4b:s1+s19], $0x8, s7, s19, $0xb8;
	[tilespmem:$0xF640] =	vst v63  }
0xb5: {  	s9 =	simm.s32 $0xCC0;
	s18 =	simm.s32 $0x6A40  }
0xb6: {  	[tilespmem:s18], [sflag:$0x1] =	stream.indirect.gather [hbm4b:s1+s19], $0x8, s9, s19, $0xb8;
	[tilespmem:$0xF640] =	vst v63  }
0xb7: {  	s3 =	simm.s32 $0xD40;
	s4 =	simm.s32 $0x6E40  }
0xb8: {  	[tilespmem:s4], [sflag:$0x1] =	stream.indirect.gather [hbm4b:s1+s19], $0x8, s3, s19, $0xb8;
	[tilespmem:$0xF640] =	vst v63  }
0xb9: {  	s5 =	simm.s32 $0xDC0;
	s6 =	simm.s32 $0x7240  }
0xba: {  	[tilespmem:s6], [sflag:$0x1] =	stream.indirect.gather [hbm4b:s1+s19], $0x8, s5, s19, $0xb8;
	[tilespmem:$0xF640] =	vst v63  }
0xbb: {  	s7 =	simm.s32 $0xE40;
	s8 =	simm.s32 $0x7640  }
0xbc: {  	[tilespmem:s8], [sflag:$0x1] =	stream.indirect.gather [hbm4b:s1+s19], $0x8, s7, s19, $0xb8;
	[tilespmem:$0xF640] =	vst v63  }
0xbd: {  	s9 =	simm.s32 $0xEC0;
	s18 =	simm.s32 $0x7A40  }
0xbe: {  	[tilespmem:s18], [sflag:$0x1] =	stream.indirect.gather [hbm4b:s1+s19], $0x8, s9, s19, $0xb8;
	[tilespmem:$0xF640] =	vst v63  }
0xbf: {  	s3 =	simm.s32 $0xF40;
	s4 =	simm.s32 $0x7E40  }
0xc0: {  	[tilespmem:s4], [sflag:$0x1] =	stream.indirect.gather [hbm4b:s1+s19], $0x8, s3, s19, $0xb8;
	[tilespmem:$0xF640] =	vst v63  }
0xc1: {  	s5 =	simm.s32 $0xFC0;
	s6 =	simm.s32 $0x8240  }
0xc2: {  	[tilespmem:s6], [sflag:$0x1] =	stream.indirect.gather [hbm4b:s1+s19], $0x8, s5, s19, $0xb8;
	[tilespmem:$0xF640] =	vst v63  }
0xc3: {  	s7 =	simm.s32 $0x1040;
	s8 =	simm.s32 $0x8640  }
0xc4: {  	[tilespmem:s8], [sflag:$0x1] =	stream.indirect.gather [hbm4b:s1+s19], $0x8, s7, s19, $0xb8;
	[tilespmem:$0xF640] =	vst v63  }
0xc5: {  	s9 =	simm.s32 $0x10C0;
	s18 =	simm.s32 $0x8A40  }
0xc6: {  	[tilespmem:s18], [sflag:$0x1] =	stream.indirect.gather [hbm4b:s1+s19], $0x8, s9, s19, $0xb8;
	[tilespmem:$0xF640] =	vst v63  }
0xc7: {  	s4 =	simm.s32 $0x1140;
	s5 =	simm.s32 $0x8E40  }
0xc8: {  	[tilespmem:s5], [sflag:$0x1] =	stream.indirect.gather [hbm4b:s1+s19], $0x8, s4, s19, $0xb8;
	[tilespmem:$0xF640] =	vst v63  }
0xc9: {  	s6 =	simm.s32 $0x11C0;
	s7 =	simm.s32 $0x9240  }
0xca: {  	[tilespmem:s7], [sflag:$0x1] =	stream.indirect.gather [hbm4b:s1+s19], $0x8, s6, s19, $0xb8;
	[tilespmem:$0xF640] =	vst v63  }
0xcb: {  	s8 =	simm.s32 $0x1240;
	s9 =	simm.s32 $0x9640  }
0xcc: {  	[tilespmem:s9], [sflag:$0x1] =	stream.indirect.gather [hbm4b:s1+s19], $0x8, s8, s19, $0xb8;
	[tilespmem:$0xF640] =	vst v63  }
0xcd: {  	_ = 	snop  }
0xce: {  	[tilespmem:s16], [sflag:$0x1] =	stream.indirect.gather [hbm4b:s1+s19], $0x8, s10, s19, $0xb8;
	[tilespmem:$0xF640] =	vst v63  }
0xcf: {  	_ = 	snop  }
0xd0: {  	[tilespmem:s12], [sflag:$0x1] =	stream.indirect.gather [hbm4b:s1+s19], $0x8, s17, s19, $0xb8;
	[tilespmem:$0xF640] =	vst v63  }
0xd1: {  	_ = 	snop  }
0xd2: {  	[tilespmem:s14], [sflag:$0x1] =	stream.indirect.gather [hbm4b:s1+s19], $0x8, s13, s19, $0xb8;
	[tilespmem:$0xF640] =	vst v63  }
0xd3: {  	_ = 	snop  }
0xd4: {  	[tilespmem:s20], [sflag:$0x1] =	stream.indirect.gather [hbm4b:s1+s19], $0x8, s15, s19, $0xb8;
	[tilespmem:$0xF640] =	vst v63  }
0xd5: {  	_ = 	snop  }
0xd6: {  	[tilespmem:s23], [sflag:$0x1] =	stream.indirect.gather [hbm4b:s1+s19], $0x8, s22, s19, $0xb8;
	[tilespmem:$0xF640] =	vst v63  }
0xd7: {  	_ = 	snop  }
0xd8: {  	[tilespmem:s25], [sflag:$0x1] =	stream.indirect.gather [hbm4b:s1+s19], $0x8, s24, s19, $0xb8;
	[tilespmem:$0xF640] =	vst v63  }
0xd9: {  	_ = 	snop  }
0xda: {  	[tilespmem:s28], [sflag:$0x1] =	stream.indirect.gather [hbm4b:s1+s19], $0x8, s26, s19, $0xb8;
	[tilespmem:$0xF640] =	vst v63  }
0xdb: {  	_ =	swait.ge [sflag:s29], $0x400  }
0xdc: {  	[sflag:s29] =	ssyncset.done $0x0  }
0xdd: {  	[sflag:s29] =	ssyncadd.s32 $0xFFFFFC00  }
0xde: {  	_ =	swait.ge [sflag:s29], $0x400  }
0xdf: {  	[sflag:s29] =	ssyncset.done $0x0  }
0xe0: {  	[sflag:s29] =	ssyncadd.s32 $0xFFFFFC00  }
0xe1: {  	_ =	swait.ge [sflag:s29], $0x400  }
0xe2: {  	[sflag:s29] =	ssyncset.done $0x0  }
0xe3: {  	[sflag:s29] =	ssyncadd.s32 $0xFFFFFC00  }
0xe4: {  	_ =	swait.ge [sflag:s29], $0x400  }
0xe5: {  	[sflag:s29] =	ssyncset.done $0x0  }
0xe6: {  	[sflag:s29] =	ssyncadd.s32 $0xFFFFFC00  }
0xe7: {  	_ =	swait.ge [sflag:s29], $0x400  }
0xe8: {  	[sflag:s29] =	ssyncset.done $0x0  }
0xe9: {  	[sflag:s29] =	ssyncadd.s32 $0xFFFFFC00  }
0xea: {  	_ =	swait.ge [sflag:s29], $0x400  }
0xeb: {  	[sflag:s29] =	ssyncset.done $0x0  }
0xec: {  	[sflag:s29] =	ssyncadd.s32 $0xFFFFFC00  }
0xed: {  	_ =	swait.ge [sflag:s29], $0x400  }
0xee: {  	[sflag:s29] =	ssyncset.done $0x0  }
0xef: {  	[sflag:s29] =	ssyncadd.s32 $0xFFFFFC00  }
0xf0: {  	_ =	swait.ge [sflag:s29], $0x400  }
0xf1: {  	[sflag:s29] =	ssyncset.done $0x0  }
0xf2: {  	[sflag:s29] =	ssyncadd.s32 $0xFFFFFC00  }
0xf3: {  	_ =	swait.ge [sflag:s29], $0x400  }
0xf4: {  	[sflag:s29] =	ssyncset.done $0x0  }
0xf5: {  	[sflag:s29] =	ssyncadd.s32 $0xFFFFFC00  }
0xf6: {  	_ =	swait.ge [sflag:s29], $0x400  }
0xf7: {  	[sflag:s29] =	ssyncset.done $0x0  }
0xf8: {  	[sflag:s29] =	ssyncadd.s32 $0xFFFFFC00  }
0xf9: {  	_ =	swait.ge [sflag:s29], $0x400  }
0xfa: {  	[sflag:s29] =	ssyncset.done $0x0  }
0xfb: {  	[sflag:s29] =	ssyncadd.s32 $0xFFFFFC00  }
0xfc: {  	_ =	swait.ge [sflag:s29], $0x400  }
0xfd: {  	[sflag:s29] =	ssyncset.done $0x0  }
0xfe: {  	[sflag:s29] =	ssyncadd.s32 $0xFFFFFC00  }
0xff: {  	_ =	swait.ge [sflag:s29], $0x400  }
0x100: {  	[sflag:s29] =	ssyncset.done $0x0  }
0x101: {  	[sflag:s29] =	ssyncadd.s32 $0xFFFFFC00  }
0x102: {  	_ =	swait.ge [sflag:s29], $0x400  }
0x103: {  	[sflag:s29] =	ssyncset.done $0x0  }
0x104: {  	[sflag:s29] =	ssyncadd.s32 $0xFFFFFC00  }
0x105: {  	_ =	swait.ge [sflag:s29], $0x400  }
0x106: {  	[sflag:s29] =	ssyncset.done $0x0  }
0x107: {  	[sflag:s29] =	ssyncadd.s32 $0xFFFFFC00  }
0x108: {  	_ =	swait.ge [sflag:s29], $0x400  }
0x109: {  	[sflag:s29] =	ssyncset.done $0x0  }
0x10a: {  	[sflag:s29] =	ssyncadd.s32 $0xFFFFFC00  }
0x10b: {  	_ =	swait.ge [sflag:s29], $0x400  }
0x10c: {  	[sflag:s29] =	ssyncset.done $0x0  }
0x10d: {  	[sflag:s29] =	ssyncadd.s32 $0xFFFFFC00  }
0x10e: {  	_ =	swait.ge [sflag:s29], $0x400  }
0x10f: {  	[sflag:s29] =	ssyncset.done $0x0  }
0x110: {  	[sflag:s29] =	ssyncadd.s32 $0xFFFFFC00  }
0x111: {  	_ =	swait.ge [sflag:s29], $0x400  }
0x112: {  	[sflag:s29] =	ssyncset.done $0x0  }
0x113: {  	[sflag:s29] =	ssyncadd.s32 $0xFFFFFC00  }
0x114: {  	_ =	swait.ge [sflag:s29], $0x400  }
0x115: {  	[sflag:s29] =	ssyncset.done $0x0  }
0x116: {  	[sflag:s29] =	ssyncadd.s32 $0xFFFFFC00  }
0x117: {  	_ =	swait.ge [sflag:s29], $0x400  }
0x118: {  	[sflag:s29] =	ssyncset.done $0x0  }
0x119: {  	[sflag:s29] =	ssyncadd.s32 $0xFFFFFC00  }
0x11a: {  	_ =	swait.ge [sflag:s29], $0x400  }
0x11b: {  	[sflag:s29] =	ssyncset.done $0x0  }
0x11c: {  	[sflag:s29] =	ssyncadd.s32 $0xFFFFFC00  }
0x11d: {  	_ =	swait.ge [sflag:s29], $0x400  }
0x11e: {  	[sflag:s29] =	ssyncset.done $0x0  }
0x11f: {  	[sflag:s29] =	ssyncadd.s32 $0xFFFFFC00  }
0x120: {  	_ =	swait.ge [sflag:s29], $0x400  }
0x121: {  	[sflag:s29] =	ssyncset.done $0x0  }
0x122: {  	[sflag:s29] =	ssyncadd.s32 $0xFFFFFC00  }
0x123: {  	_ =	swait.ge [sflag:s29], $0x400  }
0x124: {  	[sflag:s29] =	ssyncset.done $0x0  }
0x125: {  	[sflag:s29] =	ssyncadd.s32 $0xFFFFFC00  }
0x126: {  	_ =	swait.ge [sflag:s29], $0x400  }
0x127: {  	[sflag:s29] =	ssyncset.done $0x0  }
0x128: {  	[sflag:s29] =	ssyncadd.s32 $0xFFFFFC00  }
0x129: {  	_ =	swait.ge [sflag:s29], $0x400  }
0x12a: {  	[sflag:s29] =	ssyncset.done $0x0  }
0x12b: {  	[sflag:s29] =	ssyncadd.s32 $0xFFFFFC00  }
0x12c: {  	_ =	swait.ge [sflag:s29], $0x400  }
0x12d: {  	[sflag:s29] =	ssyncset.done $0x0  }
0x12e: {  	[sflag:s29] =	ssyncadd.s32 $0xFFFFFC00  }
0x12f: {  	_ =	swait.ge [sflag:s29], $0x400  }
0x130: {  	[sflag:s29] =	ssyncset.done $0x0  }
0x131: {  	[sflag:s29] =	ssyncadd.s32 $0xFFFFFC00  }
0x132: {  	_ =	swait.ge [sflag:s29], $0x400  }
0x133: {  	[sflag:s29] =	ssyncset.done $0x0  }
0x134: {  	[sflag:s29] =	ssyncadd.s32 $0xFFFFFC00  }
0x135: {  	_ =	swait.ge [sflag:s29], $0x400  }
0x136: {  	[sflag:s29] =	ssyncset.done $0x0  }
0x137: {  	s3 =	simm.s32 $0x200;
	[sflag:s29] =	ssyncadd.s32 $0xFFFFFC00  }
0x138: {  	v2 =	vmov s3;
	s4 =	simm.s32 $0x400;
	_ =	swait.ge [sflag:s29], $0x400  }
0x139: {  	v2 =	vshll.u32 v2, $0x3;
	s5 =	simm.s32 $0x600;
	v3 =	vmov s4;
	[sflag:s29] =	ssyncset.done $0x0  }
0x13a: {  	v4 =	vor.u32 v0, v2;
	s6 =	simm.s32 $0x1E40;
	v2 =	vshll.u32 v3, $0x3;
	s7 =	simm.s32 $0x800;
	v3 =	vmov s5;
	[sflag:s29] =	ssyncadd.s32 $0xFFFFFC00  }
0x13b: {  	v5 =	vor.u32 v0, v2;
	v2 =	vshll.u32 v3, $0x3;
	v3 =	vmov s7;
	s8 =	simm.s32 $0xE00;
	v7 =	vld [tilespmem:s6+$0xFFFFFE00]  }
0x13c: {  	s18 =	simm.s32 $0x0;
	v3 =	vshll.u32 v3, $0x3;
	v9 =	vmov s8;
	v8 =	vld [tilespmem:s6+$0xFFFFF800]  }
0x13d: {  	v1 =	vmov s18;
	v6 =	vor.u32 v0, v3;
	v3 =	vshll.u32 v9, $0x3;
	v10 =	vld [tilespmem:s6+$0xFFFFFA00]  }
0x13e: {  	s18 =	simm.s32 $0xC00;
	v1 =	vshll.u32 v1, $0x3;
	v17 =	vor.u32 v0, v3;
	v3 =	vld [tilespmem:s6+$0x600]  }
0x13f: {  	v12 =	vmov s18;
	v1 =	vor.u32 v0, v1;
	s9 =	simm.s32 $0xA00  }
0x140: {  	v19 =	vshll.u32 v12, $0x3;
	v2 =	vor.u32 v0, v2;
	v11 =	vmov s9  }
0x141: {  	v16 =	vand.u32 $0x7, v7;
	v9 =	vand.u32 $0xFFFFFFF8, v8;
	v14 =	vadd.s32 $0x1, v8  }
0x142: {  	v18 =	vand.u32 $0xFFFFFFF8, v7;
	v8 =	vand.u32 $0x7, v8;
	v21 =	vadd.s32 $0x1, v10  }
0x143: {  	v25 =	vand.u32 $0x7, v3;
	v23 =	vand.u32 $0xFFFFFFF8, v10;
	v13 =	vadd.s32 v1, v9  }
0x144: {  	v9 =	vadd.s32 $0x1, v7;
	v7 =	vshll.u32 v11, $0x3;
	v11 =	vand.u32 $0xFFFFFFF8, v14  }
0x145: {  	v20 =	vld [tilespmem:s6+$0x400];
	v12 =	vand.u32 $0x7, v21;
	v26 =	vand.u32 $0x7, v14;
	v14 =	vadd.s32 $0x1, v3  }
0x146: {  	s5 =	simm.s32 $0x2E40;
	v22 =	vadd.s32 v2, v18;
	v7 =	vor.u32 v0, v7;
	v15 =	vor.u32 v8, v13;
	v13 =	vld [tilespmem:s6+$0xFFFFFC00]  }
0x147: {  	v24 =	vadd.s32 v1, v11;
	v1 =	vand.u32 $0xFFFFFFF8, v9;
	v8 =	vand.u32 $0xFFFFFFF8, v3;
	v3 =	vld [tilespmem:s5+$0x0]  }
0x148: {  	s31 =	smov.u32 s11;
	s2 =	simm.s32 $0x2E40;
	v27 =	vand.u32 $0xFFFFFFF8, v14;
	v11 =	vadd.s32 v2, v1;
	v1 =	vld [tilespmem:s5+$0x200];
	v8 =	vadd.s32 v17, v8  }
0x149: {  	s4 =	smov.u32 s11;
	s7 =	simm.s32 $0x1E40;
	s8 =	simm.s32 $0xE10;
	v2 =	vld [tilespmem:s5+$0x600];
	v18 =	vor.u32 v26, v24;
	v17 =	vadd.s32 v17, v27;
	v8 =	vor.u32 v25, v8  }
.LBB2_6:
0x14a: {  	v24 =	vand.u32 $0x7, v10;
	v23 =	vadd.s32 v4, v23;
	v21 =	vand.u32 $0xFFFFFFF8, v21;
	v10 =	vld [tilespmem:s5+$0x400];
	s31 =	sadd.s32 $0x10, s31;
	s6 =	sadd.s32 $0x10, s6;
	s2 =	sadd.s32 $0x10, s2  }
0x14b: {  	p0 =	sne.s32 s8, $0xFF0;
	v16 =	vor.u32 v16, v22;
	v14 =	vand.u32 $0x7, v14;
	s18 =	smov.u32 s8;
	s8 =	sadd.s32 $0x10, s8;
	v25 =	vld [tilespmem:s5+$0xFFFFFC00];
	v22 =	vand.u32 $0x7, v20  }
0x14c: {  	v19 =	vor.u32 v0, v19;
	v27 =	vand.u32 $0xFFFFFFF8, v20;
	v14 =	vor.u32 v14, v17;
	v26 =	vld [tilespmem:s5+$0xFFFFFA00]  }
0x14d: {  	v17 =	vadd.s32 $0x1, v13;
	v20 =	vadd.s32 $0x1, v20;
	v27 =	vadd.s32 v19, v27;
	v28 =	vld [tilespmem:s7+$0x0]  }
0x14e: {  	v23 =	vor.u32 v24, v23;
	v24 =	vand.u32 $0xFFFFFFF8, v20;
	v22 =	vor.u32 v22, v27;
	v15 =	vld.idx.msk [tilespmem:v15+s21+$0x0], $0xffff  }
0x14f: {  	v29 =	vand.u32 $0x7, v13;
	v30 =	vand.u32 $0xFFFFFFF8, v17;
	v19 =	vadd.s32 v19, v24;
	v27 =	vld [tilespmem:s5+$0xFFFFF800]  }
0x150: {  	v17 =	vand.u32 $0x7, v17;
	v20 =	vand.u32 $0x7, v20;
	v24 =	vadd.s32 v5, v30;
	v18 =	vld.idx.msk [tilespmem:v18+s21+$0x0], $0xffff  }
0x151: {  	v4 =	vadd.s32 v4, v21;
	v13 =	vand.u32 $0xFFFFFFF8, v13;
	v17 =	vor.u32 v17, v24;
	v21 =	vld [tilespmem:s7+$0x200];
	s7 =	smov.u32 s6  }
0x152: {  	v9 =	vand.u32 $0x7, v9;
	v5 =	vadd.s32 v5, v13;
	v13 =	vld.idx.msk [tilespmem:v16+s21+$0x0], $0xffff;
	v16 =	vand.u32 $0xFFFFFFF8, v28  }
0x153: {  	v9 =	vor.u32 v9, v11;
	v4 =	vor.u32 v12, v4;
	v11 =	vadd.s32 $0x1, v28;
	v12 =	vld [tilespmem:s5+$0xFFFFFE00];
	s5 =	smov.u32 s2  }
0x154: {  	v16 =	vadd.s32 v6, v16;
	v24 =	vand.u32 $0xFFFFFFF8, v11;
	v11 =	vand.u32 $0x7, v11  }
0x155: {  	v5 =	vor.u32 v29, v5;
	v28 =	vand.u32 $0x7, v28;
	v6 =	vadd.s32 v6, v24;
	v8 =	vld.idx.msk [tilespmem:v8+s21+$0x0], $0xffff  }
0x156: {  	v16 =	vor.u32 v28, v16;
	v6 =	vor.u32 v11, v6;
	v23 =	vld.idx.msk [tilespmem:v23+s21+$0x0], $0xffff;
	v11 =	vadd.s32 $0x1, v21  }
0x157: {  	v19 =	vor.u32 v20, v19;
	v18 =	vmul.f32 v18, v27;
	v17 =	vld.idx.msk [tilespmem:v17+s21+$0x0], $0xffff;
	v24 =	vand.u32 $0xFFFFFFF8, v11  }
0x158: {  	v11 =	vand.u32 $0x7, v11;
	v4 =	vld.idx.msk [tilespmem:v4+s21+$0x0], $0xffff;
	v13 =	vmul.f32 v13, v12;
	v20 =	vadd.s32 v7, v24  }
0x159: {  	v15 =	vmul.f32 v15, v27;
	v24 =	vand.u32 $0xFFFFFFF8, v21;
	v9 =	vld.idx.msk [tilespmem:v9+s21+$0x0], $0xffff;
	v11 =	vor.u32 v11, v20  }
0x15a: {  	v7 =	vadd.s32 v7, v24;
	v5 =	vld.idx.msk [tilespmem:v5+s21+$0x0], $0xffff  }
0x15b: {  	v20 =	vand.u32 $0x7, v21;
	v8 =	vmul.f32 v8, v2  }
0x15c: {  	v7 =	vor.u32 v20, v7;
	v21 =	vmul.f32 v23, v26;
	v6 =	vld.idx.msk [tilespmem:v6+s21+$0x0], $0xffff  }
0x15d: {  	s3 =	sadd.s32 $0xFFFFF200, s18;
	v15 =	vadd.f32 $0.0e+00, v15;
	v17 =	vmul.f32 v17, v25  }
0x15e: {  	v18 =	vadd.f32 $0.0e+00, v18;
	v20 =	vmov s3;
	v4 =	vmul.f32 v4, v26;
	v16 =	vld.idx.msk [tilespmem:v16+s21+$0x0], $0xffff  }
0x15f: {  	v20 =	vshll.u32 v20, $0x3;
	v15 =	vadd.f32 v21, v15;
	v9 =	vmul.f32 v9, v12;
	v11 =	vld.idx.msk [tilespmem:v11+s21+$0x0], $0xffff  }
0x160: {  	s3 =	sadd.s32 $0xFFFFF400, s18;
	v12 =	vor.u32 v0, v20;
	v4 =	vadd.f32 v4, v18;
	v5 =	vmul.f32 v5, v25;
	v14 =	vld.idx.msk [tilespmem:v14+s21+$0x0], $0xffff  }
0x161: {  	v7 =	vld.idx.msk [tilespmem:v7+s21+$0x0], $0xffff  }
0x162: {  	v18 =	vmov s3;
	v5 =	vadd.f32 v5, v15;
	v4 =	vadd.f32 v17, v4;
	v15 =	vld.idx.msk [tilespmem:v22+s21+$0x0], $0xffff  }
0x163: {  	s3 =	sadd.s32 $0xFFFFF600, s18;
	v17 =	vshll.u32 v18, $0x3;
	v6 =	vmul.f32 v6, v3;
	v18 =	vld.idx.msk [tilespmem:v19+s21+$0x0], $0xffff  }
0x164: {  	v5 =	vadd.f32 v13, v5;
	v4 =	vadd.f32 v9, v4;
	v3 =	vmul.f32 v16, v3;
	_ =	sdelay $0x1  }
0x165: {  	v3 =	vadd.f32 v3, v5;
	v5 =	vadd.f32 v6, v4;
	v2 =	vmul.f32 v14, v2  }
0x166: {  	s9 =	sadd.s32 $0xFFFFF800, s18;
	v6 =	vmul.f32 v7, v1;
	v1 =	vmul.f32 v11, v1  }
0x167: {  	v4 =	vor.u32 v0, v17;
	v7 =	vmov s3;
	v9 =	vmul.f32 v15, v10  }
0x168: {  	v7 =	vshll.u32 v7, $0x3;
	v3 =	vadd.f32 v6, v3;
	v1 =	vadd.f32 v1, v5  }
0x169: {  	v6 =	vmul.f32 v18, v10  }
0x16a: {  	s3 =	sadd.s32 $0xFFFFFA00, s18;
	v5 =	vor.u32 v0, v7;
	v3 =	vadd.f32 v9, v3  }
0x16b: {  	v7 =	vmov s9;
	v1 =	vadd.f32 v6, v1  }
0x16c: {  	v7 =	vshll.u32 v7, $0x3;
	v3 =	vadd.f32 v8, v3  }
0x16d: {  	v1 =	vadd.f32 v2, v1  }
0x16e: {  	v2 =	vmov s3;
	[tilespmem:s4+$0xFFFFFE00] =	vst v3  }
0x16f: {  	s3 =	sadd.s32 $0xFFFFFC00, s18;
	v2 =	vshll.u32 v2, $0x3;
	[tilespmem:s4+$0x0] =	vst v1;
	s4 =	smov.u32 s31  }
0x170: {  	v3 =	vmov s3;
	v1 =	vld [tilespmem:s6+$0xFFFFFE00]  }
0x171: {  	v6 =	vor.u32 v0, v2;
	v8 =	vld [tilespmem:s6+$0xFFFFF800]  }
0x172: {  	v2 =	vmov s18;
	v10 =	vld [tilespmem:s6+$0xFFFFFA00]  }
0x173: {  	v17 =	vor.u32 v0, v7;
	s3 =	sadd.s32 $0xFFFFFE00, s18;
	v14 =	vld [tilespmem:s6+$0x600]  }
0x174: {  	v2 =	vshll.u32 v2, $0x3;
	v11 =	vmov s3  }
0x175: {  	v24 =	vor.u32 v0, v2;
	v16 =	vand.u32 $0x7, v1  }
0x176: {  	v22 =	vand.u32 $0xFFFFFFF8, v1;
	v2 =	vand.u32 $0xFFFFFFF8, v8;
	v18 =	vadd.s32 $0x1, v8  }
0x177: {  	v9 =	vadd.s32 $0x1, v1;
	v1 =	vshll.u32 v3, $0x3;
	v2 =	vadd.s32 v12, v2  }
0x178: {  	v3 =	vand.u32 $0x7, v8;
	v7 =	vor.u32 v0, v1;
	v8 =	vand.u32 $0xFFFFFFF8, v18  }
0x179: {  	v19 =	vshll.u32 v11, $0x3;
	v1 =	vand.u32 $0xFFFFFFF8, v9;
	v8 =	vadd.s32 v12, v8  }
.Ltmp1:
0x17a: {  	v21 =	vadd.s32 $0x1, v10;
	v11 =	vadd.s32 v17, v1;
	v15 =	vor.u32 v3, v2;
	v13 =	vld [tilespmem:s6+$0xFFFFFC00];
	(pc) =	sbr.rel @p0 .LBB2_6-.Ltmp1, $4  }
0x17b: {  	v12 =	vand.u32 $0x7, v21;
	v3 =	vand.u32 $0xFFFFFFF8, v14;
	v25 =	vand.u32 $0x7, v14;
	v20 =	vld [tilespmem:s6+$0x400]  }
0x17c: {  	v18 =	vand.u32 $0x7, v18;
	v23 =	vand.u32 $0xFFFFFFF8, v10;
	v14 =	vadd.s32 $0x1, v14;
	v1 =	vld [tilespmem:s2+$0x200]  }
0x17d: {  	v22 =	vadd.s32 v17, v22;
	v17 =	vadd.s32 v24, v3;
	v26 =	vand.u32 $0xFFFFFFF8, v14;
	v2 =	vld [tilespmem:s2+$0x600]  }
0x17e: {  	v18 =	vor.u32 v18, v8;
	v8 =	vor.u32 v25, v17;
	v17 =	vadd.s32 v24, v26;
	v3 =	vld [tilespmem:s2+$0x0]  }
0x17f: {  	v10 =	vand.u32 $0x7, v10  }
0x180: {  	v23 =	vadd.s32 v4, v23;
	v21 =	vand.u32 $0xFFFFFFF8, v21;
	v16 =	vor.u32 v16, v22  }
0x181: {  	v63 =	vld [tilespmem:s5+$0x400];
	v19 =	vor.u32 v0, v19;
	v26 =	vadd.s32 $0x1, v13;
	v29 =	vand.u32 $0x7, v13  }
0x182: {  	v27 =	vld [tilespmem:s7+$0x0];
	v38 =	vand.u32 $0xFFFFFFF8, v13;
	v9 =	vand.u32 $0x7, v9;
	v24 =	vand.u32 $0x7, v20  }
0x183: {  	v39 =	vld [tilespmem:s7+$0x200];
	v25 =	vand.u32 $0xFFFFFFF8, v20;
	v33 =	vadd.s32 $0x1, v20;
	v10 =	vor.u32 v10, v23  }
0x184: {  	v15 =	vld.idx.msk [tilespmem:v15+s21+$0x0], $0xffff;
	v30 =	vand.u32 $0xFFFFFFF8, v26;
	v26 =	vand.u32 $0x7, v26;
	v37 =	vadd.s32 v4, v21  }
0x185: {  	v41 =	vld [tilespmem:s5+$0xFFFFF800];
	v40 =	vadd.s32 v5, v38;
	v9 =	vor.u32 v9, v11;
	v25 =	vadd.s32 v19, v25  }
0x186: {  	v28 =	vld [tilespmem:s5+$0xFFFFFC00];
	v35 =	vand.u32 $0xFFFFFFF8, v33;
	v30 =	vadd.s32 v5, v30;
	v4 =	vor.u32 v12, v37  }
0x187: {  	v36 =	vld [tilespmem:s5+$0xFFFFFA00];
	v5 =	vor.u32 v29, v40;
	v53 =	vand.u32 $0x7, v33;
	v26 =	vor.u32 v26, v30  }
0x188: {  	v18 =	vld.idx.msk [tilespmem:v18+s21+$0x0], $0xffff;
	v42 =	vand.u32 $0xFFFFFFF8, v27;
	v43 =	vadd.s32 $0x1, v27;
	v27 =	vand.u32 $0x7, v27  }
0x189: {  	v52 =	vld [tilespmem:s5+$0xFFFFFE00];
	v46 =	vadd.s32 $0x1, v39;
	v48 =	vand.u32 $0xFFFFFFF8, v39;
	v21 =	vand.u32 $0x7, v39  }
0x18a: {  	v50 =	vmul.f32 v15, v41;
	v13 =	vadd.s32 v6, v42;
	v44 =	vand.u32 $0xFFFFFFF8, v43;
	v10 =	vld.idx.msk [tilespmem:v10+s21+$0x0], $0xffff  }
0x18b: {  	v11 =	vand.u32 $0x7, v43;
	v45 =	vadd.s32 v6, v44;
	v13 =	vor.u32 v27, v13;
	v4 =	vld.idx.msk [tilespmem:v4+s21+$0x0], $0xffff  }
0x18c: {  	v47 =	vand.u32 $0xFFFFFFF8, v46;
	v29 =	vadd.s32 v7, v48;
	v5 =	vld.idx.msk [tilespmem:v5+s21+$0x0], $0xffff;
	v6 =	vor.u32 v11, v45  }
0x18d: {  	v27 =	vand.u32 $0x7, v46;
	v49 =	vadd.s32 v7, v47;
	v51 =	vor.u32 v21, v29;
	v26 =	vld.idx.msk [tilespmem:v26+s21+$0x0], $0xffff  }
0x18e: {  	v34 =	vor.u32 v24, v25;
	v16 =	vld.idx.msk [tilespmem:v16+s21+$0x0], $0xffff;
	v12 =	vmul.f32 v18, v41;
	v7 =	vor.u32 v27, v49  }
0x18f: {  	v19 =	vadd.s32 v19, v35;
	v9 =	vld.idx.msk [tilespmem:v9+s21+$0x0], $0xffff;
	v11 =	vadd.f32 $0.0e+00, v50;
	v10 =	vmul.f32 v10, v36  }
0x190: {  	v18 =	vor.u32 v53, v19;
	v12 =	vadd.f32 $0.0e+00, v12;
	v4 =	vmul.f32 v4, v36;
	v13 =	vld.idx.msk [tilespmem:v13+s21+$0x0], $0xffff  }
0x191: {  	v14 =	vand.u32 $0x7, v14;
	v5 =	vmul.f32 v5, v28;
	v6 =	vld.idx.msk [tilespmem:v6+s21+$0x0], $0xffff;
	v10 =	vadd.f32 v10, v11  }
0x192: {  	v54 =	vor.u32 v14, v17;
	v56 =	vld.idx.msk [tilespmem:v51+s21+$0x0], $0xffff;
	v55 =	vmul.f32 v26, v28;
	v4 =	vadd.f32 v4, v12  }
0x193: {  	v57 =	vmul.f32 v16, v52;
	v7 =	vld.idx.msk [tilespmem:v7+s21+$0x0], $0xffff;
	v5 =	vadd.f32 v5, v10  }
0x194: {  	v58 =	vld.idx.msk [tilespmem:v34+s21+$0x0], $0xffff;
	v9 =	vmul.f32 v9, v52;
	v4 =	vadd.f32 v55, v4  }
0x195: {  	v59 =	vld.idx.msk [tilespmem:v18+s21+$0x0], $0xffff;
	v5 =	vadd.f32 v57, v5;
	v13 =	vmul.f32 v13, v3  }
0x196: {  	v8 =	vld.idx.msk [tilespmem:v8+s21+$0x0], $0xffff;
	v3 =	vmul.f32 v6, v3;
	v4 =	vadd.f32 v9, v4  }
0x197: {  	v60 =	vld.idx.msk [tilespmem:v54+s21+$0x0], $0xffff;
	v61 =	vmul.f32 v56, v1;
	v5 =	vadd.f32 v13, v5  }
0x198: {  	v1 =	vmul.f32 v7, v1;
	v3 =	vadd.f32 v3, v4  }
0x199: {  	v62 =	vmul.f32 v58, v63;
	v5 =	vadd.f32 v61, v5  }
0x19a: {  	s0 =	sadd.s32 $0x1, s0;
	v1 =	vadd.f32 v1, v3;
	v3 =	vmul.f32 v59, v63  }
0x19b: {  	p0 =	sne.s32 s0, $0x5;
	v63 =	vmul.f32 v8, v2;
	v4 =	vadd.f32 v62, v5  }
.Ltmp2:
0x19c: {  	v2 =	vmul.f32 v60, v2;
	v1 =	vadd.f32 v3, v1;
	(pc) =	sbr.rel @p0 .LBB2_3-.Ltmp2, $4  }
0x19d: {  	v3 =	vadd.f32 v63, v4  }
0x19e: {  	v1 =	vadd.f32 v2, v1  }
0x19f: {  	[tilespmem:s4+$0xFFFFFE00] =	vst v3  }
0x1a0: {  	s11 =	sadd.s32 $0x400, s11;
	[tilespmem:s4+$0x0] =	vst v1  }
0x1a1: {  	s0 =	simm.s32 $0x0;
	s30 =	simm.s32 $0xCC40;
	s31 =	simm.s32 $0x0  }
.LBB2_9:
0x1a2: {  	s5 =	simm.s32 $0xE00  }
0x1a3: {  	s2 =	sadd.s32 $0x5, s31;
	v1 =	vld [tilespmem:s5+$0xFFFFF440]  }
0x1a4: {  	v3 =	vmov s2;
	v4 =	vld [tilespmem:s5+$0xFFFFF240]  }
0x1a5: {  	v6 =	vld [tilespmem:s5+$0xFFFFF640];
	_ =	sdelay $0x2  }
0x1a6: {  	v7 =	vmul.f32 $5.000000000e-01, v1  }
0x1a7: {  	s4 =	simm.s32 $0x3800;
	s18 =	simm.s32 $0x30;
	v2 =	vld.idx.msk [tilespmem:v3+s0+$0x0], $0xffff  }
0x1a8: {  	s7 =	simm.s32 $0x0;
	s6 =	simm.s32 $0x0;
	s2 =	simm.s32 $0x3840;
	v1 =	vld.idx.msk [tilespmem:v3+s18+$0x0], $0xffff;
	v5 =	vmul.f32 $5.000000000e-01, v4;
	v4 =	vmul.f32 $5.000000000e-01, v6;
	v3 =	vadd.f32 $5.000000000e-01, v7  }
.LBB2_10:
0x1a9: {  	p0 =	sne.s32 s2, $0x3FC0  }
0x1aa: {  	v5 =	vadd.f32 $5.000000000e-01, v5;
	s7 =	sadd.s32 $0x10, s7;
	s8 =	smov.u32 s2;
	s2 =	sadd.s32 $0x40, s2  }
0x1ab: {  	v3 =	vmax.f32 v3, $0.0e+00;
	v4 =	vadd.f32 $5.000000000e-01, v4  }
0x1ac: {  	v5 =	vmax.f32 v5, $0.0e+00;
	v3 =	vmin.f32 v3, $1.000000000e+00  }
0x1ad: {  	v5 =	vmin.f32 v5, $1.000000000e+00;
	v3 =	vmul.f32 v3, v2;
	v4 =	vmax.f32 v4, $0.0e+00  }
0x1ae: {  	v5 =	vmul.f32 v5, v2;
	v4 =	vmin.f32 v4, $1.000000000e+00  }
0x1af: {  	v4 =	vmul.f32 v4, v2  }
0x1b0: {  	v3 =	vadd.f32 $5.000000000e-01, v3;
	v5 =	vadd.f32 $5.000000000e-01, v5  }
0x1b1: {  	v4 =	vadd.f32 $5.000000000e-01, v4  }
0x1b2: {  	s11 =	sshra.s32 s8, $0x2;
	v7 =	vtrunc.f32 v3;
	v6 =	vtrunc.f32 v5  }
0x1b3: {  	v7 =	vcvt.f32.s32 v7;
	v6 =	vcvt.f32.s32 v6  }
0x1b4: {  	v8 =	vtrunc.f32 v4  }
0x1b5: {  	v10 =	vcvt.s32.f32 v7;
	v7 =	vmul.u32 $0x9E3779B1, v7;
	v9 =	vcvt.s32.f32 v6  }
0x1b6: {  	v8 =	vcvt.f32.s32 v8;
	v11 =	vadd.s32 $0x1, v6  }
0x1b7: {  	v3 =	vsub.f32 v3, v10;
	v10 =	vxor.u32 v6, v7;
	v12 =	vxor.u32 v11, v7  }
0x1b8: {  	v5 =	vsub.f32 v5, v9;
	v9 =	vcvt.s32.f32 v8;
	v8 =	vmul.u32 $0x30025795, v8  }
0x1b9: {  	v7 =	vadd.s32 $0x9E3779B1, v7;
	v13 =	vsub.f32 $1.000000000e+00, v3  }
0x1ba: {  	v4 =	vsub.f32 v4, v9;
	v9 =	vxor.u32 v8, v10;
	v14 =	vxor.u32 v8, v12  }
0x1bb: {  	s3 =	sadd.s32 $0xFFFFC800, s4;
	v15 =	vsub.f32 $1.000000000e+00, v5;
	v16 =	vmul.f32 v13, v5;
	v17 =	vshll.u32 v9, $0x1  }
0x1bc: {  	s3 =	sand.u32 $0x600, s3;
	v9 =	vshrl.u32 v9, $0x2;
	v18 =	vsub.f32 $1.000000000e+00, v4;
	v17 =	vand.u32 $0x6, v17  }
0x1bd: {  	s18 =	sand.u32 $0x70, s6;
	s6 =	smov.u32 s7;
	s3 =	sshrl.u32 s3, $0x2;
	v19 =	vshrl.u32 v14, $0x2;
	v13 =	vmul.f32 v13, v15;
	v9 =	vand.u32 $0x1FFFF, v9  }
0x1be: {  	s9 =	sadd.s32 $0xFFFFD000, s4;
	s3 =	sor.u32 s18, s3;
	v6 =	vxor.u32 v6, v7;
	v15 =	vmul.f32 v3, v15;
	v9 =	vadd.s32 v1, v9  }
0x1bf: {  	v20 =	vmul.f32 v18, v13;
	[tilespmem:s3+$0x640] =	vst v9;
	v9 =	vand.u32 $0x1FFFF, v19;
	s3 =	sand.u32 $0xE00, s9;
	v19 =	vxor.u32 v8, v6  }
0x1c0: {  	[tilespmem:s5+$0x840] =	vst v17;
	s3 =	sshrl.u32 s3, $0x2;
	v17 =	vmul.f32 v18, v15;
	v21 =	vshrl.u32 v19, $0x2;
	v19 =	vshll.u32 v19, $0x1  }
0x1c1: {  	v14 =	vshll.u32 v14, $0x1;
	s9 =	sadd.s32 $0xFFFFD800, s4;
	v9 =	vadd.s32 v1, v9;
	[tilespmem:s5+$0x1840] =	vst v20;
	s3 =	sor.u32 s18, s3;
	v20 =	vand.u32 $0x1FFFF, v21  }
0x1c2: {  	v7 =	vxor.u32 v11, v7;
	v21 =	vmul.f32 v18, v16;
	[tilespmem:s3+$0x640] =	vst v9;
	v9 =	vand.u32 $0x6, v14;
	s3 =	sand.u32 $0x1600, s9  }
0x1c3: {  	v3 =	vmul.f32 v3, v5;
	v5 =	vadd.s32 $0x30025795, v8;
	v8 =	vxor.u32 v8, v7;
	[tilespmem:s5+$0xA40] =	vst v9;
	s3 =	sshrl.u32 s3, $0x2  }
0x1c4: {  	v11 =	vshrl.u32 v8, $0x2;
	v8 =	vshll.u32 v8, $0x1;
	s9 =	sadd.s32 $0xFFFFE000, s4;
	v9 =	vadd.s32 v1, v20;
	[tilespmem:s5+$0x1A40] =	vst v21;
	s3 =	sor.u32 s18, s3  }
0x1c5: {  	v10 =	vxor.u32 v10, v5;
	v11 =	vand.u32 $0x1FFFF, v11;
	[tilespmem:s3+$0x640] =	vst v9;
	v9 =	vand.u32 $0x6, v19;
	s3 =	sand.u32 $0x1E00, s9  }
0x1c6: {  	v12 =	vxor.u32 v12, v5;
	[tilespmem:s5+$0xC40] =	vst v9;
	s3 =	sshrl.u32 s3, $0x2;
	v9 =	vshrl.u32 v10, $0x2;
	v10 =	vshll.u32 v10, $0x1  }
0x1c7: {  	v11 =	vadd.s32 v1, v11;
	v14 =	vshrl.u32 v12, $0x2;
	s9 =	sadd.s32 $0xFFFFE800, s4;
	[tilespmem:s5+$0x1C40] =	vst v17;
	s3 =	sor.u32 s18, s3;
	v9 =	vand.u32 $0x1FFFF, v9  }
0x1c8: {  	v8 =	vand.u32 $0x6, v8;
	v17 =	vmul.f32 v18, v3;
	[tilespmem:s3+$0x640] =	vst v11;
	s3 =	sand.u32 $0x2600, s9;
	v11 =	vand.u32 $0x1FFFF, v14  }
0x1c9: {  	v6 =	vxor.u32 v5, v6;
	v12 =	vshll.u32 v12, $0x1;
	[tilespmem:s5+$0xE40] =	vst v8;
	v8 =	vmul.f32 v13, v4;
	s3 =	sshrl.u32 s3, $0x2  }
0x1ca: {  	v9 =	vadd.s32 v1, v9;
	s9 =	sadd.s32 $0xFFFFF000, s4;
	v13 =	vshrl.u32 v6, $0x2;
	v6 =	vshll.u32 v6, $0x1;
	[tilespmem:s5+$0x1E40] =	vst v17;
	s3 =	sor.u32 s18, s3  }
0x1cb: {  	v5 =	vxor.u32 v5, v7;
	[tilespmem:s3+$0x640] =	vst v9;
	v9 =	vand.u32 $0x6, v10;
	s3 =	sand.u32 $0x2E00, s9;
	v10 =	vand.u32 $0x1FFFF, v13  }
0x1cc: {  	v7 =	vshrl.u32 v5, $0x2;
	v5 =	vshll.u32 v5, $0x1;
	v3 =	vmul.f32 v4, v3;
	[tilespmem:s5+$0x1040] =	vst v9;
	s3 =	sshrl.u32 s3, $0x2  }
0x1cd: {  	v7 =	vand.u32 $0x1FFFF, v7;
	s9 =	sadd.s32 $0xFFFFF800, s4;
	v9 =	vadd.s32 v1, v11;
	[tilespmem:s5+$0x2040] =	vst v8;
	v8 =	vmul.f32 v16, v4;
	s3 =	sor.u32 s18, s3  }
0x1ce: {  	v4 =	vmul.f32 v4, v15;
	[tilespmem:s3+$0x640] =	vst v9;
	v9 =	vand.u32 $0x6, v12;
	s3 =	sand.u32 $0x3600, s9  }
0x1cf: {  	[tilespmem:s5+$0x1240] =	vst v9;
	s3 =	sshrl.u32 s3, $0x2  }
0x1d0: {  	[tilespmem:s5+$0x2240] =	vst v8;
	v8 =	vadd.s32 v1, v10;
	s3 =	sor.u32 s18, s3  }
0x1d1: {  	v6 =	vand.u32 $0x6, v6;
	[tilespmem:s3+$0x640] =	vst v8;
	s3 =	sand.u32 $0x3E00, s4;
	s4 =	smov.u32 s8  }
0x1d2: {  	[tilespmem:s5+$0x1440] =	vst v6;
	s3 =	sshrl.u32 s3, $0x2  }
0x1d3: {  	[tilespmem:s5+$0x2440] =	vst v4;
	v4 =	vadd.s32 v1, v7;
	s3 =	sor.u32 s18, s3  }
0x1d4: {  	[tilespmem:s3+$0x640] =	vst v4;
	v4 =	vand.u32 $0x6, v5  }
0x1d5: {  	v5 =	vld [tilespmem:s11+$0xFFFFF440];
	[tilespmem:s5+$0x1640] =	vst v4  }
0x1d6: {  	v4 =	vld [tilespmem:s11+$0xFFFFF240];
	[tilespmem:s5+$0x2640] =	vst v3;
	s5 =	smov.u32 s11  }
0x1d7: {  	v6 =	vld [tilespmem:s5+$0xFFFFF640]  }
.Ltmp3:
0x1d8: {  	(pc) =	sbr.rel @p0 .LBB2_10-.Ltmp3, $4  }
0x1d9: {  	_ = 	snop  }
0x1da: {  	v3 =	vmul.f32 $5.000000000e-01, v5  }
0x1db: {  	v5 =	vmul.f32 $5.000000000e-01, v4  }
0x1dc: {  	v3 =	vadd.f32 $5.000000000e-01, v3;
	v4 =	vmul.f32 $5.000000000e-01, v6  }
0x1dd: {  	v5 =	vadd.f32 $5.000000000e-01, v5  }
0x1de: {  	v3 =	vmax.f32 v3, $0.0e+00  }
0x1df: {  	v4 =	vadd.f32 $5.000000000e-01, v4;
	v5 =	vmax.f32 v5, $0.0e+00;
	v3 =	vmin.f32 v3, $1.000000000e+00  }
0x1e0: {  	v5 =	vmin.f32 v5, $1.000000000e+00;
	v3 =	vmul.f32 v3, v2  }
0x1e1: {  	v4 =	vmax.f32 v4, $0.0e+00;
	v5 =	vmul.f32 v5, v2  }
0x1e2: {  	v4 =	vmin.f32 v4, $1.000000000e+00;
	v3 =	vadd.f32 $5.000000000e-01, v3  }
0x1e3: {  	v2 =	vmul.f32 v4, v2;
	v4 =	vadd.f32 $5.000000000e-01, v5  }
0x1e4: {  	v5 =	vtrunc.f32 v3  }
0x1e5: {  	v2 =	vadd.f32 $5.000000000e-01, v2;
	v6 =	vtrunc.f32 v4;
	v5 =	vcvt.f32.s32 v5  }
0x1e6: {  	v6 =	vcvt.f32.s32 v6  }
0x1e7: {  	v7 =	vtrunc.f32 v2;
	v8 =	vcvt.s32.f32 v5  }
0x1e8: {  	v7 =	vcvt.f32.s32 v7;
	v9 =	vcvt.s32.f32 v6  }
0x1e9: {  	v5 =	vmul.u32 $0x9E3779B1, v5;
	v3 =	vsub.f32 v3, v8  }
0x1ea: {  	v8 =	vcvt.s32.f32 v7;
	v7 =	vmul.u32 $0x30025795, v7;
	v4 =	vsub.f32 v4, v9  }
0x1eb: {  	v10 =	vxor.u32 v6, v5;
	v9 =	vadd.s32 $0x1, v6;
	v11 =	vsub.f32 $1.000000000e+00, v3  }
0x1ec: {  	s2 =	sadd.s32 $0xFFFFC800, s4;
	v2 =	vsub.f32 v2, v8;
	v8 =	vxor.u32 v7, v10;
	v12 =	vsub.f32 $1.000000000e+00, v4  }
0x1ed: {  	s3 =	sand.u32 $0x600, s2;
	v13 =	vxor.u32 v9, v5;
	v5 =	vadd.s32 $0x9E3779B1, v5;
	v14 =	vshrl.u32 v8, $0x2  }
0x1ee: {  	s2 =	sand.u32 $0x70, s6;
	s3 =	sshrl.u32 s3, $0x2;
	v15 =	vsub.f32 $1.000000000e+00, v2;
	v14 =	vand.u32 $0x1FFFF, v14;
	v16 =	vmul.f32 v11, v12  }
0x1ef: {  	s18 =	sadd.s32 $0xFFFFD000, s4;
	s3 =	sor.u32 s2, s3;
	v17 =	vxor.u32 v7, v13;
	v8 =	vshll.u32 v8, $0x1;
	v14 =	vadd.s32 v1, v14  }
0x1f0: {  	s6 =	sand.u32 $0xE00, s18;
	v8 =	vand.u32 $0x6, v8;
	v18 =	vshrl.u32 v17, $0x2;
	[tilespmem:s3+$0x640] =	vst v14;
	v19 =	vmul.f32 v15, v16  }
0x1f1: {  	v6 =	vxor.u32 v6, v5;
	v11 =	vmul.f32 v11, v4;
	v14 =	vand.u32 $0x1FFFF, v18;
	s3 =	sshrl.u32 s6, $0x2;
	[tilespmem:s5+$0x840] =	vst v8  }
0x1f2: {  	s7 =	sadd.s32 $0xFFFFD800, s4;
	v17 =	vshll.u32 v17, $0x1;
	v8 =	vxor.u32 v7, v6;
	v14 =	vadd.s32 v1, v14;
	s3 =	sor.u32 s2, s3;
	[tilespmem:s5+$0x1840] =	vst v19  }
0x1f3: {  	s8 =	sand.u32 $0x1600, s7;
	v18 =	vshrl.u32 v8, $0x2;
	v19 =	vmul.f32 v15, v11;
	[tilespmem:s3+$0x640] =	vst v14;
	v14 =	vand.u32 $0x6, v17  }
0x1f4: {  	v5 =	vxor.u32 v9, v5;
	v12 =	vmul.f32 v3, v12;
	v17 =	vand.u32 $0x1FFFF, v18;
	s3 =	sshrl.u32 s8, $0x2;
	[tilespmem:s5+$0xA40] =	vst v14  }
0x1f5: {  	s9 =	sadd.s32 $0xFFFFE000, s4;
	v9 =	vxor.u32 v7, v5;
	v8 =	vshll.u32 v8, $0x1;
	[tilespmem:s5+$0x1A40] =	vst v19;
	v14 =	vadd.s32 v1, v17;
	s3 =	sor.u32 s2, s3  }
0x1f6: {  	s11 =	sand.u32 $0x1E00, s9;
	v8 =	vand.u32 $0x6, v8;
	v18 =	vshrl.u32 v9, $0x2;
	v17 =	vmul.f32 v15, v12;
	[tilespmem:s3+$0x640] =	vst v14  }
0x1f7: {  	v3 =	vmul.f32 v3, v4;
	v4 =	vadd.s32 $0x30025795, v7;
	v7 =	vand.u32 $0x1FFFF, v18;
	s3 =	sshrl.u32 s11, $0x2;
	[tilespmem:s5+$0xC40] =	vst v8  }
0x1f8: {  	s18 =	sadd.s32 $0xFFFFE800, s4;
	v7 =	vadd.s32 v1, v7;
	v8 =	vshll.u32 v9, $0x1;
	v9 =	vxor.u32 v10, v4;
	[tilespmem:s5+$0x1C40] =	vst v17;
	s3 =	sor.u32 s2, s3  }
0x1f9: {  	s6 =	sand.u32 $0x2600, s18;
	v14 =	vmul.f32 v15, v3;
	v10 =	vshrl.u32 v9, $0x2;
	[tilespmem:s3+$0x640] =	vst v7;
	v7 =	vand.u32 $0x6, v8  }
0x1fa: {  	s3 =	sshrl.u32 s6, $0x2;
	v8 =	vand.u32 $0x1FFFF, v10;
	[tilespmem:s5+$0xE40] =	vst v7  }
0x1fb: {  	s7 =	sadd.s32 $0xFFFFF000, s4;
	v7 =	vshll.u32 v9, $0x1;
	v9 =	vxor.u32 v13, v4;
	[tilespmem:s5+$0x1E40] =	vst v14;
	s3 =	sor.u32 s2, s3;
	v8 =	vadd.s32 v1, v8  }
0x1fc: {  	s8 =	sand.u32 $0x2E00, s7;
	v13 =	vmul.f32 v16, v2;
	v10 =	vshrl.u32 v9, $0x2;
	v7 =	vand.u32 $0x6, v7;
	[tilespmem:s3+$0x640] =	vst v8  }
0x1fd: {  	v8 =	vand.u32 $0x1FFFF, v10;
	s3 =	sshrl.u32 s8, $0x2;
	[tilespmem:s5+$0x1040] =	vst v7  }
0x1fe: {  	s9 =	sadd.s32 $0xFFFFF800, s4;
	v6 =	vxor.u32 v4, v6;
	v7 =	vshll.u32 v9, $0x1;
	[tilespmem:s5+$0x2040] =	vst v13;
	v8 =	vadd.s32 v1, v8;
	s3 =	sor.u32 s2, s3  }
0x1ff: {  	s11 =	sand.u32 $0x3600, s9;
	v10 =	vmul.f32 v11, v2;
	v9 =	vshrl.u32 v6, $0x2;
	[tilespmem:s3+$0x640] =	vst v8;
	v7 =	vand.u32 $0x6, v7  }
0x200: {  	v8 =	vand.u32 $0x1FFFF, v9;
	s3 =	sshrl.u32 s11, $0x2;
	[tilespmem:s5+$0x1240] =	vst v7  }
0x201: {  	v4 =	vxor.u32 v4, v5;
	v6 =	vshll.u32 v6, $0x1;
	[tilespmem:s5+$0x2240] =	vst v10;
	v5 =	vadd.s32 v1, v8;
	s3 =	sor.u32 s2, s3  }
0x202: {  	s18 =	sand.u32 $0x3E00, s4;
	v7 =	vshrl.u32 v4, $0x2;
	v8 =	vmul.f32 v2, v12;
	[tilespmem:s3+$0x640] =	vst v5;
	v5 =	vand.u32 $0x6, v6  }
0x203: {  	v6 =	vand.u32 $0x1FFFF, v7;
	s3 =	sshrl.u32 s18, $0x2;
	[tilespmem:s5+$0x1440] =	vst v5  }
0x204: {  	v4 =	vshll.u32 v4, $0x1;
	[tilespmem:s5+$0x2440] =	vst v8;
	v1 =	vadd.s32 v1, v6;
	s2 =	sor.u32 s2, s3  }
0x205: {  	v2 =	vmul.f32 v2, v3;
	[tilespmem:s2+$0x640] =	vst v1;
	v1 =	vand.u32 $0x6, v4  }
0x206: {  	[tilespmem:s5+$0x1640] =	vst v1  }
0x207: {  	s3 =	simm.s32 $0x640;
	[tilespmem:s5+$0x2640] =	vst v2  }
0x208: {  	[tilespmem:s21], [sflag:$0x1] =	stream.indirect.gather [hbm4b:s1+s19], $0x8, s3, s19, $0xb8;
	[tilespmem:$0xF640] =	vst v63  }
0x209: {  	s4 =	simm.s32 $0x6C0;
	s5 =	simm.s32 $0x3A40  }
0x20a: {  	[tilespmem:s5], [sflag:$0x1] =	stream.indirect.gather [hbm4b:s1+s19], $0x8, s4, s19, $0xb8;
	[tilespmem:$0xF640] =	vst v63  }
0x20b: {  	s7 =	simm.s32 $0x3E40;
	s6 =	simm.s32 $0x740  }
0x20c: {  	[tilespmem:s7], [sflag:$0x1] =	stream.indirect.gather [hbm4b:s1+s19], $0x8, s6, s19, $0xb8;
	[tilespmem:$0xF640] =	vst v63  }
0x20d: {  	s9 =	simm.s32 $0x4240;
	s8 =	simm.s32 $0x7C0  }
0x20e: {  	[tilespmem:s9], [sflag:$0x1] =	stream.indirect.gather [hbm4b:s1+s19], $0x8, s8, s19, $0xb8;
	[tilespmem:$0xF640] =	vst v63  }
0x20f: {  	s11 =	simm.s32 $0x840;
	s18 =	simm.s32 $0x4640  }
0x210: {  	[tilespmem:s18], [sflag:$0x1] =	stream.indirect.gather [hbm4b:s1+s19], $0x8, s11, s19, $0xb8;
	[tilespmem:$0xF640] =	vst v63  }
0x211: {  	s4 =	simm.s32 $0x8C0;
	s5 =	simm.s32 $0x4A40  }
0x212: {  	[tilespmem:s5], [sflag:$0x1] =	stream.indirect.gather [hbm4b:s1+s19], $0x8, s4, s19, $0xb8;
	[tilespmem:$0xF640] =	vst v63  }
0x213: {  	s6 =	simm.s32 $0x940;
	s7 =	simm.s32 $0x4E40  }
0x214: {  	[tilespmem:s7], [sflag:$0x1] =	stream.indirect.gather [hbm4b:s1+s19], $0x8, s6, s19, $0xb8;
	[tilespmem:$0xF640] =	vst v63  }
0x215: {  	s8 =	simm.s32 $0x9C0;
	s9 =	simm.s32 $0x5240  }
0x216: {  	[tilespmem:s9], [sflag:$0x1] =	stream.indirect.gather [hbm4b:s1+s19], $0x8, s8, s19, $0xb8;
	[tilespmem:$0xF640] =	vst v63  }
0x217: {  	s11 =	simm.s32 $0xA40;
	s18 =	simm.s32 $0x5640  }
0x218: {  	[tilespmem:s18], [sflag:$0x1] =	stream.indirect.gather [hbm4b:s1+s19], $0x8, s11, s19, $0xb8;
	[tilespmem:$0xF640] =	vst v63  }
0x219: {  	s4 =	simm.s32 $0xAC0;
	s5 =	simm.s32 $0x5A40  }
0x21a: {  	[tilespmem:s5], [sflag:$0x1] =	stream.indirect.gather [hbm4b:s1+s19], $0x8, s4, s19, $0xb8;
	[tilespmem:$0xF640] =	vst v63  }
0x21b: {  	s6 =	simm.s32 $0xB40;
	s7 =	simm.s32 $0x5E40  }
0x21c: {  	[tilespmem:s7], [sflag:$0x1] =	stream.indirect.gather [hbm4b:s1+s19], $0x8, s6, s19, $0xb8;
	[tilespmem:$0xF640] =	vst v63  }
0x21d: {  	s8 =	simm.s32 $0xBC0;
	s9 =	simm.s32 $0x6240  }
0x21e: {  	[tilespmem:s9], [sflag:$0x1] =	stream.indirect.gather [hbm4b:s1+s19], $0x8, s8, s19, $0xb8;
	[tilespmem:$0xF640] =	vst v63  }
0x21f: {  	s11 =	simm.s32 $0xC40;
	s18 =	simm.s32 $0x6640  }
0x220: {  	[tilespmem:s18], [sflag:$0x1] =	stream.indirect.gather [hbm4b:s1+s19], $0x8, s11, s19, $0xb8;
	[tilespmem:$0xF640] =	vst v63  }
0x221: {  	s4 =	simm.s32 $0xCC0;
	s5 =	simm.s32 $0x6A40  }
0x222: {  	[tilespmem:s5], [sflag:$0x1] =	stream.indirect.gather [hbm4b:s1+s19], $0x8, s4, s19, $0xb8;
	[tilespmem:$0xF640] =	vst v63  }
0x223: {  	s6 =	simm.s32 $0xD40;
	s7 =	simm.s32 $0x6E40  }
0x224: {  	[tilespmem:s7], [sflag:$0x1] =	stream.indirect.gather [hbm4b:s1+s19], $0x8, s6, s19, $0xb8;
	[tilespmem:$0xF640] =	vst v63  }
0x225: {  	s8 =	simm.s32 $0xDC0;
	s9 =	simm.s32 $0x7240  }
0x226: {  	[tilespmem:s9], [sflag:$0x1] =	stream.indirect.gather [hbm4b:s1+s19], $0x8, s8, s19, $0xb8;
	[tilespmem:$0xF640] =	vst v63  }
0x227: {  	s11 =	simm.s32 $0xE40;
	s18 =	simm.s32 $0x7640  }
0x228: {  	[tilespmem:s18], [sflag:$0x1] =	stream.indirect.gather [hbm4b:s1+s19], $0x8, s11, s19, $0xb8;
	[tilespmem:$0xF640] =	vst v63  }
0x229: {  	s4 =	simm.s32 $0xEC0;
	s5 =	simm.s32 $0x7A40  }
0x22a: {  	[tilespmem:s5], [sflag:$0x1] =	stream.indirect.gather [hbm4b:s1+s19], $0x8, s4, s19, $0xb8;
	[tilespmem:$0xF640] =	vst v63  }
0x22b: {  	s6 =	simm.s32 $0xF40;
	s7 =	simm.s32 $0x7E40  }
0x22c: {  	[tilespmem:s7], [sflag:$0x1] =	stream.indirect.gather [hbm4b:s1+s19], $0x8, s6, s19, $0xb8;
	[tilespmem:$0xF640] =	vst v63  }
0x22d: {  	s8 =	simm.s32 $0xFC0;
	s9 =	simm.s32 $0x8240  }
0x22e: {  	[tilespmem:s9], [sflag:$0x1] =	stream.indirect.gather [hbm4b:s1+s19], $0x8, s8, s19, $0xb8;
	[tilespmem:$0xF640] =	vst v63  }
0x22f: {  	s11 =	simm.s32 $0x1040;
	s18 =	simm.s32 $0x8640  }
0x230: {  	[tilespmem:s18], [sflag:$0x1] =	stream.indirect.gather [hbm4b:s1+s19], $0x8, s11, s19, $0xb8;
	[tilespmem:$0xF640] =	vst v63  }
0x231: {  	s4 =	simm.s32 $0x10C0;
	s5 =	simm.s32 $0x8A40  }
0x232: {  	[tilespmem:s5], [sflag:$0x1] =	stream.indirect.gather [hbm4b:s1+s19], $0x8, s4, s19, $0xb8;
	[tilespmem:$0xF640] =	vst v63  }
0x233: {  	s6 =	simm.s32 $0x1140;
	s7 =	simm.s32 $0x8E40  }
0x234: {  	[tilespmem:s7], [sflag:$0x1] =	stream.indirect.gather [hbm4b:s1+s19], $0x8, s6, s19, $0xb8;
	[tilespmem:$0xF640] =	vst v63  }
0x235: {  	s8 =	simm.s32 $0x11C0;
	s9 =	simm.s32 $0x9240  }
0x236: {  	[tilespmem:s9], [sflag:$0x1] =	stream.indirect.gather [hbm4b:s1+s19], $0x8, s8, s19, $0xb8;
	[tilespmem:$0xF640] =	vst v63  }
0x237: {  	s11 =	simm.s32 $0x1240;
	s18 =	simm.s32 $0x9640  }
0x238: {  	[tilespmem:s18], [sflag:$0x1] =	stream.indirect.gather [hbm4b:s1+s19], $0x8, s11, s19, $0xb8;
	[tilespmem:$0xF640] =	vst v63  }
0x239: {  	_ = 	snop  }
0x23a: {  	[tilespmem:s16], [sflag:$0x1] =	stream.indirect.gather [hbm4b:s1+s19], $0x8, s10, s19, $0xb8;
	[tilespmem:$0xF640] =	vst v63  }
0x23b: {  	_ = 	snop  }
0x23c: {  	[tilespmem:s12], [sflag:$0x1] =	stream.indirect.gather [hbm4b:s1+s19], $0x8, s17, s19, $0xb8;
	[tilespmem:$0xF640] =	vst v63  }
0x23d: {  	_ = 	snop  }
0x23e: {  	[tilespmem:s14], [sflag:$0x1] =	stream.indirect.gather [hbm4b:s1+s19], $0x8, s13, s19, $0xb8;
	[tilespmem:$0xF640] =	vst v63  }
0x23f: {  	_ = 	snop  }
0x240: {  	[tilespmem:s20], [sflag:$0x1] =	stream.indirect.gather [hbm4b:s1+s19], $0x8, s15, s19, $0xb8;
	[tilespmem:$0xF640] =	vst v63  }
0x241: {  	_ = 	snop  }
0x242: {  	[tilespmem:s23], [sflag:$0x1] =	stream.indirect.gather [hbm4b:s1+s19], $0x8, s22, s19, $0xb8;
	[tilespmem:$0xF640] =	vst v63  }
0x243: {  	_ = 	snop  }
0x244: {  	[tilespmem:s25], [sflag:$0x1] =	stream.indirect.gather [hbm4b:s1+s19], $0x8, s24, s19, $0xb8;
	[tilespmem:$0xF640] =	vst v63  }
0x245: {  	_ = 	snop  }
0x246: {  	[tilespmem:s28], [sflag:$0x1] =	stream.indirect.gather [hbm4b:s1+s19], $0x8, s26, s19, $0xb8;
	[tilespmem:$0xF640] =	vst v63  }
0x247: {  	_ =	swait.ge [sflag:s29], $0x400  }
0x248: {  	[sflag:s29] =	ssyncset.done $0x0  }
0x249: {  	[sflag:s29] =	ssyncadd.s32 $0xFFFFFC00  }
0x24a: {  	_ =	swait.ge [sflag:s29], $0x400  }
0x24b: {  	[sflag:s29] =	ssyncset.done $0x0  }
0x24c: {  	[sflag:s29] =	ssyncadd.s32 $0xFFFFFC00  }
0x24d: {  	_ =	swait.ge [sflag:s29], $0x400  }
0x24e: {  	[sflag:s29] =	ssyncset.done $0x0  }
0x24f: {  	[sflag:s29] =	ssyncadd.s32 $0xFFFFFC00  }
0x250: {  	_ =	swait.ge [sflag:s29], $0x400  }
0x251: {  	[sflag:s29] =	ssyncset.done $0x0  }
0x252: {  	[sflag:s29] =	ssyncadd.s32 $0xFFFFFC00  }
0x253: {  	_ =	swait.ge [sflag:s29], $0x400  }
0x254: {  	[sflag:s29] =	ssyncset.done $0x0  }
0x255: {  	[sflag:s29] =	ssyncadd.s32 $0xFFFFFC00  }
0x256: {  	_ =	swait.ge [sflag:s29], $0x400  }
0x257: {  	[sflag:s29] =	ssyncset.done $0x0  }
0x258: {  	[sflag:s29] =	ssyncadd.s32 $0xFFFFFC00  }
0x259: {  	_ =	swait.ge [sflag:s29], $0x400  }
0x25a: {  	[sflag:s29] =	ssyncset.done $0x0  }
0x25b: {  	[sflag:s29] =	ssyncadd.s32 $0xFFFFFC00  }
0x25c: {  	_ =	swait.ge [sflag:s29], $0x400  }
0x25d: {  	[sflag:s29] =	ssyncset.done $0x0  }
0x25e: {  	[sflag:s29] =	ssyncadd.s32 $0xFFFFFC00  }
0x25f: {  	_ =	swait.ge [sflag:s29], $0x400  }
0x260: {  	[sflag:s29] =	ssyncset.done $0x0  }
0x261: {  	[sflag:s29] =	ssyncadd.s32 $0xFFFFFC00  }
0x262: {  	_ =	swait.ge [sflag:s29], $0x400  }
0x263: {  	[sflag:s29] =	ssyncset.done $0x0  }
0x264: {  	[sflag:s29] =	ssyncadd.s32 $0xFFFFFC00  }
0x265: {  	_ =	swait.ge [sflag:s29], $0x400  }
0x266: {  	[sflag:s29] =	ssyncset.done $0x0  }
0x267: {  	[sflag:s29] =	ssyncadd.s32 $0xFFFFFC00  }
0x268: {  	_ =	swait.ge [sflag:s29], $0x400  }
0x269: {  	[sflag:s29] =	ssyncset.done $0x0  }
0x26a: {  	[sflag:s29] =	ssyncadd.s32 $0xFFFFFC00  }
0x26b: {  	_ =	swait.ge [sflag:s29], $0x400  }
0x26c: {  	[sflag:s29] =	ssyncset.done $0x0  }
0x26d: {  	[sflag:s29] =	ssyncadd.s32 $0xFFFFFC00  }
0x26e: {  	_ =	swait.ge [sflag:s29], $0x400  }
0x26f: {  	[sflag:s29] =	ssyncset.done $0x0  }
0x270: {  	[sflag:s29] =	ssyncadd.s32 $0xFFFFFC00  }
0x271: {  	_ =	swait.ge [sflag:s29], $0x400  }
0x272: {  	[sflag:s29] =	ssyncset.done $0x0  }
0x273: {  	[sflag:s29] =	ssyncadd.s32 $0xFFFFFC00  }
0x274: {  	_ =	swait.ge [sflag:s29], $0x400  }
0x275: {  	[sflag:s29] =	ssyncset.done $0x0  }
0x276: {  	[sflag:s29] =	ssyncadd.s32 $0xFFFFFC00  }
0x277: {  	_ =	swait.ge [sflag:s29], $0x400  }
0x278: {  	[sflag:s29] =	ssyncset.done $0x0  }
0x279: {  	[sflag:s29] =	ssyncadd.s32 $0xFFFFFC00  }
0x27a: {  	_ =	swait.ge [sflag:s29], $0x400  }
0x27b: {  	[sflag:s29] =	ssyncset.done $0x0  }
0x27c: {  	[sflag:s29] =	ssyncadd.s32 $0xFFFFFC00  }
0x27d: {  	_ =	swait.ge [sflag:s29], $0x400  }
0x27e: {  	[sflag:s29] =	ssyncset.done $0x0  }
0x27f: {  	[sflag:s29] =	ssyncadd.s32 $0xFFFFFC00  }
0x280: {  	_ =	swait.ge [sflag:s29], $0x400  }
0x281: {  	[sflag:s29] =	ssyncset.done $0x0  }
0x282: {  	[sflag:s29] =	ssyncadd.s32 $0xFFFFFC00  }
0x283: {  	_ =	swait.ge [sflag:s29], $0x400  }
0x284: {  	[sflag:s29] =	ssyncset.done $0x0  }
0x285: {  	[sflag:s29] =	ssyncadd.s32 $0xFFFFFC00  }
0x286: {  	_ =	swait.ge [sflag:s29], $0x400  }
0x287: {  	[sflag:s29] =	ssyncset.done $0x0  }
0x288: {  	[sflag:s29] =	ssyncadd.s32 $0xFFFFFC00  }
0x289: {  	_ =	swait.ge [sflag:s29], $0x400  }
0x28a: {  	[sflag:s29] =	ssyncset.done $0x0  }
0x28b: {  	[sflag:s29] =	ssyncadd.s32 $0xFFFFFC00  }
0x28c: {  	_ =	swait.ge [sflag:s29], $0x400  }
0x28d: {  	[sflag:s29] =	ssyncset.done $0x0  }
0x28e: {  	[sflag:s29] =	ssyncadd.s32 $0xFFFFFC00  }
0x28f: {  	_ =	swait.ge [sflag:s29], $0x400  }
0x290: {  	[sflag:s29] =	ssyncset.done $0x0  }
0x291: {  	[sflag:s29] =	ssyncadd.s32 $0xFFFFFC00  }
0x292: {  	_ =	swait.ge [sflag:s29], $0x400  }
0x293: {  	[sflag:s29] =	ssyncset.done $0x0  }
0x294: {  	[sflag:s29] =	ssyncadd.s32 $0xFFFFFC00  }
0x295: {  	_ =	swait.ge [sflag:s29], $0x400  }
0x296: {  	[sflag:s29] =	ssyncset.done $0x0  }
0x297: {  	[sflag:s29] =	ssyncadd.s32 $0xFFFFFC00  }
0x298: {  	_ =	swait.ge [sflag:s29], $0x400  }
0x299: {  	[sflag:s29] =	ssyncset.done $0x0  }
0x29a: {  	[sflag:s29] =	ssyncadd.s32 $0xFFFFFC00  }
0x29b: {  	_ =	swait.ge [sflag:s29], $0x400  }
0x29c: {  	[sflag:s29] =	ssyncset.done $0x0  }
0x29d: {  	[sflag:s29] =	ssyncadd.s32 $0xFFFFFC00  }
0x29e: {  	_ =	swait.ge [sflag:s29], $0x400  }
0x29f: {  	[sflag:s29] =	ssyncset.done $0x0  }
0x2a0: {  	[sflag:s29] =	ssyncadd.s32 $0xFFFFFC00  }
0x2a1: {  	_ =	swait.ge [sflag:s29], $0x400  }
0x2a2: {  	[sflag:s29] =	ssyncset.done $0x0  }
0x2a3: {  	s4 =	simm.s32 $0x200;
	[sflag:s29] =	ssyncadd.s32 $0xFFFFFC00  }
0x2a4: {  	s5 =	simm.s32 $0x400;
	v2 =	vmov s4;
	_ =	swait.ge [sflag:s29], $0x400  }
0x2a5: {  	v3 =	vmov s5;
	v2 =	vshll.u32 v2, $0x3;
	s7 =	simm.s32 $0x600;
	[sflag:s29] =	ssyncset.done $0x0  }
0x2a6: {  	s6 =	simm.s32 $0x1E40;
	v4 =	vor.u32 v0, v2;
	v2 =	vshll.u32 v3, $0x3;
	v3 =	vmov s7;
	s8 =	simm.s32 $0x800;
	[sflag:s29] =	ssyncadd.s32 $0xFFFFFC00  }
0x2a7: {  	s9 =	simm.s32 $0xE00;
	v5 =	vor.u32 v0, v2;
	v2 =	vshll.u32 v3, $0x3;
	v3 =	vmov s8;
	v7 =	vld [tilespmem:s6+$0xFFFFFE00]  }
0x2a8: {  	s3 =	simm.s32 $0x0;
	v9 =	vmov s9;
	v3 =	vshll.u32 v3, $0x3;
	v8 =	vld [tilespmem:s6+$0xFFFFF800]  }
0x2a9: {  	v1 =	vmov s3;
	v6 =	vor.u32 v0, v3;
	v3 =	vshll.u32 v9, $0x3;
	v10 =	vld [tilespmem:s6+$0xFFFFFA00]  }
0x2aa: {  	v1 =	vshll.u32 v1, $0x3;
	s18 =	simm.s32 $0xC00;
	v17 =	vor.u32 v0, v3;
	v3 =	vld [tilespmem:s6+$0x600]  }
0x2ab: {  	v1 =	vor.u32 v0, v1;
	s11 =	simm.s32 $0xA00;
	v12 =	vmov s18  }
0x2ac: {  	v2 =	vor.u32 v0, v2;
	v11 =	vmov s11;
	v19 =	vshll.u32 v12, $0x3  }
0x2ad: {  	v16 =	vand.u32 $0x7, v7;
	v9 =	vand.u32 $0xFFFFFFF8, v8;
	v14 =	vadd.s32 $0x1, v8  }
0x2ae: {  	v18 =	vand.u32 $0xFFFFFFF8, v7;
	v8 =	vand.u32 $0x7, v8;
	v21 =	vadd.s32 $0x1, v10  }
0x2af: {  	v25 =	vand.u32 $0x7, v3;
	v23 =	vand.u32 $0xFFFFFFF8, v10;
	v13 =	vadd.s32 v1, v9  }
0x2b0: {  	v9 =	vadd.s32 $0x1, v7;
	v7 =	vshll.u32 v11, $0x3;
	v11 =	vand.u32 $0xFFFFFFF8, v14  }
0x2b1: {  	v20 =	vld [tilespmem:s6+$0x400];
	v12 =	vand.u32 $0x7, v21;
	v26 =	vand.u32 $0x7, v14;
	v14 =	vadd.s32 $0x1, v3  }
0x2b2: {  	s5 =	simm.s32 $0x2E40;
	v22 =	vadd.s32 v2, v18;
	v7 =	vor.u32 v0, v7;
	v15 =	vor.u32 v8, v13;
	v13 =	vld [tilespmem:s6+$0xFFFFFC00]  }
0x2b3: {  	v24 =	vadd.s32 v1, v11;
	v1 =	vand.u32 $0xFFFFFFF8, v9;
	v8 =	vand.u32 $0xFFFFFFF8, v3;
	v3 =	vld [tilespmem:s5+$0x0]  }
0x2b4: {  	s2 =	simm.s32 $0x2E40;
	s4 =	smov.u32 s30;
	v27 =	vand.u32 $0xFFFFFFF8, v14;
	v11 =	vadd.s32 v2, v1;
	v1 =	vld [tilespmem:s5+$0x200];
	v8 =	vadd.s32 v17, v8  }
0x2b5: {  	s7 =	simm.s32 $0x1E40;
	s8 =	simm.s32 $0xE10;
	s11 =	smov.u32 s30;
	v2 =	vld [tilespmem:s5+$0x600];
	v18 =	vor.u32 v26, v24;
	v17 =	vadd.s32 v17, v27;
	v8 =	vor.u32 v25, v8  }
.LBB2_12:
0x2b6: {  	v24 =	vand.u32 $0x7, v10;
	v23 =	vadd.s32 v4, v23;
	v21 =	vand.u32 $0xFFFFFFF8, v21;
	v10 =	vld [tilespmem:s5+$0x400];
	s11 =	sadd.s32 $0x10, s11;
	s6 =	sadd.s32 $0x10, s6;
	s2 =	sadd.s32 $0x10, s2  }
0x2b7: {  	p0 =	sne.s32 s8, $0xFF0;
	v16 =	vor.u32 v16, v22;
	v14 =	vand.u32 $0x7, v14;
	s18 =	smov.u32 s8;
	s8 =	sadd.s32 $0x10, s8;
	v25 =	vld [tilespmem:s5+$0xFFFFFC00];
	v22 =	vand.u32 $0x7, v20  }
0x2b8: {  	v19 =	vor.u32 v0, v19;
	v27 =	vand.u32 $0xFFFFFFF8, v20;
	v14 =	vor.u32 v14, v17;
	v26 =	vld [tilespmem:s5+$0xFFFFFA00]  }
0x2b9: {  	v17 =	vadd.s32 $0x1, v13;
	v20 =	vadd.s32 $0x1, v20;
	v27 =	vadd.s32 v19, v27;
	v28 =	vld [tilespmem:s7+$0x0]  }
0x2ba: {  	v23 =	vor.u32 v24, v23;
	v24 =	vand.u32 $0xFFFFFFF8, v20;
	v22 =	vor.u32 v22, v27;
	v15 =	vld.idx.msk [tilespmem:v15+s21+$0x0], $0xffff  }
0x2bb: {  	v29 =	vand.u32 $0x7, v13;
	v30 =	vand.u32 $0xFFFFFFF8, v17;
	v19 =	vadd.s32 v19, v24;
	v27 =	vld [tilespmem:s5+$0xFFFFF800]  }
0x2bc: {  	v17 =	vand.u32 $0x7, v17;
	v20 =	vand.u32 $0x7, v20;
	v24 =	vadd.s32 v5, v30;
	v18 =	vld.idx.msk [tilespmem:v18+s21+$0x0], $0xffff  }
0x2bd: {  	v4 =	vadd.s32 v4, v21;
	v13 =	vand.u32 $0xFFFFFFF8, v13;
	v17 =	vor.u32 v17, v24;
	v21 =	vld [tilespmem:s7+$0x200];
	s7 =	smov.u32 s6  }
0x2be: {  	v9 =	vand.u32 $0x7, v9;
	v5 =	vadd.s32 v5, v13;
	v13 =	vld.idx.msk [tilespmem:v16+s21+$0x0], $0xffff;
	v16 =	vand.u32 $0xFFFFFFF8, v28  }
0x2bf: {  	v9 =	vor.u32 v9, v11;
	v4 =	vor.u32 v12, v4;
	v11 =	vadd.s32 $0x1, v28;
	v12 =	vld [tilespmem:s5+$0xFFFFFE00];
	s5 =	smov.u32 s2  }
0x2c0: {  	v16 =	vadd.s32 v6, v16;
	v24 =	vand.u32 $0xFFFFFFF8, v11;
	v11 =	vand.u32 $0x7, v11  }
0x2c1: {  	v5 =	vor.u32 v29, v5;
	v28 =	vand.u32 $0x7, v28;
	v6 =	vadd.s32 v6, v24;
	v8 =	vld.idx.msk [tilespmem:v8+s21+$0x0], $0xffff  }
0x2c2: {  	v16 =	vor.u32 v28, v16;
	v6 =	vor.u32 v11, v6;
	v23 =	vld.idx.msk [tilespmem:v23+s21+$0x0], $0xffff;
	v11 =	vadd.s32 $0x1, v21  }
0x2c3: {  	v19 =	vor.u32 v20, v19;
	v18 =	vmul.f32 v18, v27;
	v17 =	vld.idx.msk [tilespmem:v17+s21+$0x0], $0xffff;
	v24 =	vand.u32 $0xFFFFFFF8, v11  }
0x2c4: {  	v11 =	vand.u32 $0x7, v11;
	v4 =	vld.idx.msk [tilespmem:v4+s21+$0x0], $0xffff;
	v13 =	vmul.f32 v13, v12;
	v20 =	vadd.s32 v7, v24  }
0x2c5: {  	v15 =	vmul.f32 v15, v27;
	v24 =	vand.u32 $0xFFFFFFF8, v21;
	v9 =	vld.idx.msk [tilespmem:v9+s21+$0x0], $0xffff;
	v11 =	vor.u32 v11, v20  }
0x2c6: {  	v7 =	vadd.s32 v7, v24;
	v5 =	vld.idx.msk [tilespmem:v5+s21+$0x0], $0xffff  }
0x2c7: {  	v20 =	vand.u32 $0x7, v21;
	v8 =	vmul.f32 v8, v2  }
0x2c8: {  	v7 =	vor.u32 v20, v7;
	v21 =	vmul.f32 v23, v26;
	v6 =	vld.idx.msk [tilespmem:v6+s21+$0x0], $0xffff  }
0x2c9: {  	s3 =	sadd.s32 $0xFFFFF200, s18;
	v15 =	vadd.f32 $0.0e+00, v15;
	v17 =	vmul.f32 v17, v25  }
0x2ca: {  	v18 =	vadd.f32 $0.0e+00, v18;
	v20 =	vmov s3;
	v4 =	vmul.f32 v4, v26;
	v16 =	vld.idx.msk [tilespmem:v16+s21+$0x0], $0xffff  }
0x2cb: {  	v20 =	vshll.u32 v20, $0x3;
	v15 =	vadd.f32 v21, v15;
	v9 =	vmul.f32 v9, v12;
	v11 =	vld.idx.msk [tilespmem:v11+s21+$0x0], $0xffff  }
0x2cc: {  	s3 =	sadd.s32 $0xFFFFF400, s18;
	v12 =	vor.u32 v0, v20;
	v4 =	vadd.f32 v4, v18;
	v5 =	vmul.f32 v5, v25;
	v14 =	vld.idx.msk [tilespmem:v14+s21+$0x0], $0xffff  }
0x2cd: {  	v7 =	vld.idx.msk [tilespmem:v7+s21+$0x0], $0xffff  }
0x2ce: {  	v18 =	vmov s3;
	v5 =	vadd.f32 v5, v15;
	v4 =	vadd.f32 v17, v4;
	v15 =	vld.idx.msk [tilespmem:v22+s21+$0x0], $0xffff  }
0x2cf: {  	s3 =	sadd.s32 $0xFFFFF600, s18;
	v17 =	vshll.u32 v18, $0x3;
	v6 =	vmul.f32 v6, v3;
	v18 =	vld.idx.msk [tilespmem:v19+s21+$0x0], $0xffff  }
0x2d0: {  	v5 =	vadd.f32 v13, v5;
	v4 =	vadd.f32 v9, v4;
	v3 =	vmul.f32 v16, v3;
	_ =	sdelay $0x1  }
0x2d1: {  	v3 =	vadd.f32 v3, v5;
	v5 =	vadd.f32 v6, v4;
	v2 =	vmul.f32 v14, v2  }
0x2d2: {  	s9 =	sadd.s32 $0xFFFFF800, s18;
	v6 =	vmul.f32 v7, v1;
	v1 =	vmul.f32 v11, v1  }
0x2d3: {  	v4 =	vor.u32 v0, v17;
	v7 =	vmov s3;
	v9 =	vmul.f32 v15, v10  }
0x2d4: {  	v7 =	vshll.u32 v7, $0x3;
	v3 =	vadd.f32 v6, v3;
	v1 =	vadd.f32 v1, v5  }
0x2d5: {  	v6 =	vmul.f32 v18, v10  }
0x2d6: {  	s3 =	sadd.s32 $0xFFFFFA00, s18;
	v5 =	vor.u32 v0, v7;
	v3 =	vadd.f32 v9, v3  }
0x2d7: {  	v7 =	vmov s9;
	v1 =	vadd.f32 v6, v1  }
0x2d8: {  	v7 =	vshll.u32 v7, $0x3;
	v3 =	vadd.f32 v8, v3  }
0x2d9: {  	v1 =	vadd.f32 v2, v1  }
0x2da: {  	v2 =	vmov s3;
	[tilespmem:s4+$0xFFFFFE00] =	vst v3  }
0x2db: {  	s3 =	sadd.s32 $0xFFFFFC00, s18;
	v2 =	vshll.u32 v2, $0x3;
	[tilespmem:s4+$0x0] =	vst v1;
	s4 =	smov.u32 s11  }
0x2dc: {  	v3 =	vmov s3;
	v1 =	vld [tilespmem:s6+$0xFFFFFE00]  }
0x2dd: {  	v6 =	vor.u32 v0, v2;
	v8 =	vld [tilespmem:s6+$0xFFFFF800]  }
0x2de: {  	v2 =	vmov s18;
	v10 =	vld [tilespmem:s6+$0xFFFFFA00]  }
0x2df: {  	v17 =	vor.u32 v0, v7;
	s3 =	sadd.s32 $0xFFFFFE00, s18;
	v14 =	vld [tilespmem:s6+$0x600]  }
0x2e0: {  	v2 =	vshll.u32 v2, $0x3;
	v11 =	vmov s3  }
0x2e1: {  	v24 =	vor.u32 v0, v2;
	v16 =	vand.u32 $0x7, v1  }
0x2e2: {  	v22 =	vand.u32 $0xFFFFFFF8, v1;
	v2 =	vand.u32 $0xFFFFFFF8, v8;
	v18 =	vadd.s32 $0x1, v8  }
0x2e3: {  	v9 =	vadd.s32 $0x1, v1;
	v1 =	vshll.u32 v3, $0x3;
	v2 =	vadd.s32 v12, v2  }
0x2e4: {  	v3 =	vand.u32 $0x7, v8;
	v7 =	vor.u32 v0, v1;
	v8 =	vand.u32 $0xFFFFFFF8, v18  }
0x2e5: {  	v19 =	vshll.u32 v11, $0x3;
	v1 =	vand.u32 $0xFFFFFFF8, v9;
	v8 =	vadd.s32 v12, v8  }
.Ltmp4:
0x2e6: {  	v21 =	vadd.s32 $0x1, v10;
	v11 =	vadd.s32 v17, v1;
	v15 =	vor.u32 v3, v2;
	v13 =	vld [tilespmem:s6+$0xFFFFFC00];
	(pc) =	sbr.rel @p0 .LBB2_12-.Ltmp4, $4  }
0x2e7: {  	v12 =	vand.u32 $0x7, v21;
	v3 =	vand.u32 $0xFFFFFFF8, v14;
	v25 =	vand.u32 $0x7, v14;
	v20 =	vld [tilespmem:s6+$0x400]  }
0x2e8: {  	v18 =	vand.u32 $0x7, v18;
	v23 =	vand.u32 $0xFFFFFFF8, v10;
	v14 =	vadd.s32 $0x1, v14;
	v1 =	vld [tilespmem:s2+$0x200]  }
0x2e9: {  	v22 =	vadd.s32 v17, v22;
	v17 =	vadd.s32 v24, v3;
	v26 =	vand.u32 $0xFFFFFFF8, v14;
	v2 =	vld [tilespmem:s2+$0x600]  }
0x2ea: {  	v18 =	vor.u32 v18, v8;
	v8 =	vor.u32 v25, v17;
	v17 =	vadd.s32 v24, v26;
	v3 =	vld [tilespmem:s2+$0x0]  }
0x2eb: {  	v10 =	vand.u32 $0x7, v10  }
0x2ec: {  	v23 =	vadd.s32 v4, v23;
	v21 =	vand.u32 $0xFFFFFFF8, v21;
	v16 =	vor.u32 v16, v22  }
0x2ed: {  	v63 =	vld [tilespmem:s5+$0x400];
	v19 =	vor.u32 v0, v19;
	v26 =	vadd.s32 $0x1, v13;
	v29 =	vand.u32 $0x7, v13  }
0x2ee: {  	v27 =	vld [tilespmem:s7+$0x0];
	v38 =	vand.u32 $0xFFFFFFF8, v13;
	v9 =	vand.u32 $0x7, v9;
	v24 =	vand.u32 $0x7, v20  }
0x2ef: {  	v39 =	vld [tilespmem:s7+$0x200];
	v25 =	vand.u32 $0xFFFFFFF8, v20;
	v33 =	vadd.s32 $0x1, v20;
	v10 =	vor.u32 v10, v23  }
0x2f0: {  	v15 =	vld.idx.msk [tilespmem:v15+s21+$0x0], $0xffff;
	v30 =	vand.u32 $0xFFFFFFF8, v26;
	v26 =	vand.u32 $0x7, v26;
	v37 =	vadd.s32 v4, v21  }
0x2f1: {  	v41 =	vld [tilespmem:s5+$0xFFFFF800];
	v40 =	vadd.s32 v5, v38;
	v9 =	vor.u32 v9, v11;
	v25 =	vadd.s32 v19, v25  }
0x2f2: {  	v28 =	vld [tilespmem:s5+$0xFFFFFC00];
	v35 =	vand.u32 $0xFFFFFFF8, v33;
	v30 =	vadd.s32 v5, v30;
	v4 =	vor.u32 v12, v37  }
0x2f3: {  	v36 =	vld [tilespmem:s5+$0xFFFFFA00];
	v5 =	vor.u32 v29, v40;
	v53 =	vand.u32 $0x7, v33;
	v26 =	vor.u32 v26, v30  }
0x2f4: {  	v18 =	vld.idx.msk [tilespmem:v18+s21+$0x0], $0xffff;
	v42 =	vand.u32 $0xFFFFFFF8, v27;
	v43 =	vadd.s32 $0x1, v27;
	v27 =	vand.u32 $0x7, v27  }
0x2f5: {  	v52 =	vld [tilespmem:s5+$0xFFFFFE00];
	v46 =	vadd.s32 $0x1, v39;
	v48 =	vand.u32 $0xFFFFFFF8, v39;
	v21 =	vand.u32 $0x7, v39  }
0x2f6: {  	v50 =	vmul.f32 v15, v41;
	v13 =	vadd.s32 v6, v42;
	v44 =	vand.u32 $0xFFFFFFF8, v43;
	v10 =	vld.idx.msk [tilespmem:v10+s21+$0x0], $0xffff  }
0x2f7: {  	v11 =	vand.u32 $0x7, v43;
	v45 =	vadd.s32 v6, v44;
	v13 =	vor.u32 v27, v13;
	v4 =	vld.idx.msk [tilespmem:v4+s21+$0x0], $0xffff  }
0x2f8: {  	v47 =	vand.u32 $0xFFFFFFF8, v46;
	v29 =	vadd.s32 v7, v48;
	v5 =	vld.idx.msk [tilespmem:v5+s21+$0x0], $0xffff;
	v6 =	vor.u32 v11, v45  }
0x2f9: {  	v27 =	vand.u32 $0x7, v46;
	v49 =	vadd.s32 v7, v47;
	v51 =	vor.u32 v21, v29;
	v26 =	vld.idx.msk [tilespmem:v26+s21+$0x0], $0xffff  }
0x2fa: {  	v34 =	vor.u32 v24, v25;
	v16 =	vld.idx.msk [tilespmem:v16+s21+$0x0], $0xffff;
	v12 =	vmul.f32 v18, v41;
	v7 =	vor.u32 v27, v49  }
0x2fb: {  	v19 =	vadd.s32 v19, v35;
	v9 =	vld.idx.msk [tilespmem:v9+s21+$0x0], $0xffff;
	v11 =	vadd.f32 $0.0e+00, v50;
	v10 =	vmul.f32 v10, v36  }
0x2fc: {  	v18 =	vor.u32 v53, v19;
	v12 =	vadd.f32 $0.0e+00, v12;
	v4 =	vmul.f32 v4, v36;
	v13 =	vld.idx.msk [tilespmem:v13+s21+$0x0], $0xffff  }
0x2fd: {  	v14 =	vand.u32 $0x7, v14;
	v5 =	vmul.f32 v5, v28;
	v6 =	vld.idx.msk [tilespmem:v6+s21+$0x0], $0xffff;
	v10 =	vadd.f32 v10, v11  }
0x2fe: {  	v54 =	vor.u32 v14, v17;
	v56 =	vld.idx.msk [tilespmem:v51+s21+$0x0], $0xffff;
	v55 =	vmul.f32 v26, v28;
	v4 =	vadd.f32 v4, v12  }
0x2ff: {  	v57 =	vmul.f32 v16, v52;
	v7 =	vld.idx.msk [tilespmem:v7+s21+$0x0], $0xffff;
	v5 =	vadd.f32 v5, v10  }
0x300: {  	v58 =	vld.idx.msk [tilespmem:v34+s21+$0x0], $0xffff;
	v9 =	vmul.f32 v9, v52;
	v4 =	vadd.f32 v55, v4  }
0x301: {  	v59 =	vld.idx.msk [tilespmem:v18+s21+$0x0], $0xffff;
	v5 =	vadd.f32 v57, v5;
	v13 =	vmul.f32 v13, v3  }
0x302: {  	v8 =	vld.idx.msk [tilespmem:v8+s21+$0x0], $0xffff;
	v3 =	vmul.f32 v6, v3;
	v4 =	vadd.f32 v9, v4  }
0x303: {  	v60 =	vld.idx.msk [tilespmem:v54+s21+$0x0], $0xffff;
	v61 =	vmul.f32 v56, v1;
	v5 =	vadd.f32 v13, v5  }
0x304: {  	v1 =	vmul.f32 v7, v1;
	v3 =	vadd.f32 v3, v4  }
0x305: {  	v62 =	vmul.f32 v58, v63;
	v5 =	vadd.f32 v61, v5  }
0x306: {  	s31 =	sadd.s32 $0x1, s31;
	v1 =	vadd.f32 v1, v3;
	v3 =	vmul.f32 v59, v63  }
0x307: {  	p0 =	sne.s32 s31, $0xB;
	v63 =	vmul.f32 v8, v2;
	v4 =	vadd.f32 v62, v5  }
.Ltmp5:
0x308: {  	v2 =	vmul.f32 v60, v2;
	v1 =	vadd.f32 v3, v1;
	(pc) =	sbr.rel @p0 .LBB2_9-.Ltmp5, $4  }
0x309: {  	v3 =	vadd.f32 v63, v4  }
0x30a: {  	v1 =	vadd.f32 v2, v1  }
0x30b: {  	[tilespmem:s4+$0xFFFFFE00] =	vst v3  }
0x30c: {  	s30 =	sadd.s32 $0x400, s30;
	[tilespmem:s4+$0x0] =	vst v1  }
0x30d: {  	s0 =	rddreg [dreg:$0x8]  }
0x30e: {  	s2 =	rddreg [dreg:$0xd];
	s5 =	simm.s32 $0x200;
	s6 =	simm.s32 $0x80000  }
0x30f: {  	s30 =	simm.s32 $0xB640;
	s3 =	simm.s32 $0x2;
	s0 =	sadd.s32 s0, s2  }
0x310: {  	[hbm4b:s0+s5] =	stream.strided.scatter [tilespmem:s30], [sflag:$0x2], $0x4000, s6, s5, $0x38;
	[tilespmem:$0xF640] =	vst v63  }
0x311: {  	_ =	swait.ge [sflag:s3], $0x4000  }
0x312: {  	s31 =	rddreg [dreg:$0xc]  }
0x313: {  	s0 =	sadd.s32 $0x1, s31  }
0x314: {  	p0 =	sne.s32 s0, $0x20  }
.Ltmp6:
0x315: {  	_ = 	snop;
	(pc) =	sbr.rel @p0 .LBB2_2-.Ltmp6, $3  }
0x316: {  	_ =	sdelay $0x1  }
0x317: {  	[sflag:s3] =	ssyncset.done $0x0  }
0x318: {  	[sflag:s3] =	ssyncadd.s32 $0xFFFFC000  }
0x319: {  	s2 =	rddreg [dreg:$0xb]  }
0x31a: {  	s0 =	rddreg [dreg:$0xa];
	s2 =	sadd.s32 $0x1, s2  }
0x31b: {  	p0 =	sne.s32 s2, s0  }
.Ltmp7:
0x31c: {  	_ = 	snop;
	(pc) =	sbr.rel @p0 .LBB2_1-.Ltmp7, $1  }
0x31d: {  	_ =	sdelay $0x3  }
0x31e: {  	_ =	sfence.sel $0x180000  }
0x31f: {  	[bflag:$0x0] =	sbarrier.arrive $0xFFFF  }
0x320: {  	_ =	strace $0x90000047  }
0x321: {  	s0 =	stileid.u32;
	[bflag:$0x2] =	sbarrier.arrive $0xFFFF  }
0x322: {  	p0 =	sne.s32 s0, $0x0;
	s0 =	rddreg [dreg:$0x2]  }
0x323: {  	s0 =	sadd.s32 @!p0 $0x100000, s0  }
0x324: {  	[sflag:s0] =	ssyncadd.tile.s32 @!p0 $0x1;
	_ =	shalt  }
.Lfunc_end2:
_tile_overlayer_lowered:
.L_overlay_start_2:
0x325: {  	(tag) =	ssettag $0x2  }
0x326: {  	s0 =	rddreg [dreg:$0x0];
	s2 =	stileid.u32  }
0x327: {  	s1 =	rddreg [dreg:$0x1];
	p0 =	sne.s32 s2, $0x0  }
0x328: {  	s3 =	rddreg [dreg:$0x2];
	[bflag:$0x3] =	sbarrier.arrive $0xFFFF;
	s2 =	simm.s32 @!p0 $0x1C02  }
0x329: {  	[timem:s3], [sflag:s2] =	dma.local @!p0 [hbm:s0], s1  }
0x32a: {  	s0 =	simm.s32 @!p0 $0x2  }
0x32b: {  	_ =	swait.ge @!p0 [sflag:s0], s1  }
0x32c: {  	s1 =	ssub.s32 @!p0 $0x0, s1;
	[sflag:s0] =	ssyncset.done @!p0 $0x0  }
0x32d: {  	[sflag:s0] =	ssyncadd.s32 @!p0 s1  }
0x32e: {  	[bflag:$0x3] =	sbarrier.arrive $0xFFFF  }
0x32f: {  	_ =	shalt  }

</sc_bundles>
